<compile_context>
chip_gen: v7x
topology: tpu7x:2x2x1
jax: 0.10.2.dev20260603
libtpu: 0.0.44.dev20260713+nightly
codegen_flags: <defaults>
</compile_context>

<pallas_src>
import functools

import jax
import jax.numpy as jnp
from jax import lax
from jax.experimental import pallas as pl
from jax.experimental.pallas import tpu as pltpu
from jax.experimental.pallas import tpu_sc as plsc

_S, _X, _N, _D, _E, _B = 6000, 4000, 10000, 128, 320000, 4096
_NC, _NS = 2, 16
_CHUNK = 128
_NCHUNK = 160
_EPAD = _NS * _NCHUNK * _CHUNK
_ACC_N = _N + 16
_RPT = 624
_BN = 2000
_BPT = _B // (_NC * _NS)

_sc_mesh = plsc.VectorSubcoreMesh(core_axis_name="c", subcore_axis_name="s")



def _mm0_body(aw_ref, wr_ref, ww_ref, cjr_ref, cjw_ref, hr_ref, hw_ref):
    aw = aw_ref[...]
    hr_ref[...] = jnp.dot(aw, wr_ref[...], preferred_element_type=jnp.float32,
                          precision=lax.Precision.HIGHEST) * cjr_ref[...]
    hw_ref[...] = jnp.dot(aw, ww_ref[...], preferred_element_type=jnp.float32,
                          precision=lax.Precision.HIGHEST) * cjw_ref[...]


def _mm_first(aw, wr, ww, cjr, cjw):
    grid = (_N // _BN,)
    row = pl.BlockSpec((_BN, _D), lambda i: (i, 0))
    col = pl.BlockSpec((_BN, 1), lambda i: (i, 0))
    full = pl.BlockSpec((_D, _D), lambda i: (0, 0))
    return pl.pallas_call(
        _mm0_body,
        grid=grid,
        in_specs=[row, full, full, col, col],
        out_specs=[row, row],
        out_shape=[jax.ShapeDtypeStruct((_N, _D), jnp.float32)] * 2,
    )(aw, wr, ww, cjr, cjw)


def _mml_body(pr_ref, pw_ref, cir_ref, ciw_ref, wr_ref, ww_ref, cjr_ref,
              cjw_ref, hr_ref, hw_ref):
    xr = pr_ref[...] * cir_ref[...]
    xw = pw_ref[...] * ciw_ref[...]
    hr_ref[...] = jnp.dot(xr, wr_ref[...], preferred_element_type=jnp.float32,
                          precision=lax.Precision.HIGHEST) * cjr_ref[...]
    hw_ref[...] = jnp.dot(xw, ww_ref[...], preferred_element_type=jnp.float32,
                          precision=lax.Precision.HIGHEST) * cjw_ref[...]


def _mm_layer(pr, pw, cir, ciw, wr, ww, cjr, cjw):
    grid = (_N // _BN,)
    row = pl.BlockSpec((_BN, _D), lambda i: (i, 0))
    col = pl.BlockSpec((_BN, 1), lambda i: (i, 0))
    full = pl.BlockSpec((_D, _D), lambda i: (0, 0))
    return pl.pallas_call(
        _mml_body,
        grid=grid,
        in_specs=[row, row, col, col, full, full, col, col],
        out_specs=[row, row],
        out_shape=[jax.ShapeDtypeStruct((_N, _D), jnp.float32)] * 2,
    )(pr, pw, cir, ciw, wr, ww, cjr, cjw)


def _comb_body(pr_ref, pw_ref, cir_ref, ciw_ref, d_ref, o_ref, d128_ref):
    o_ref[...] = pr_ref[...] * cir_ref[...] + pw_ref[...] * ciw_ref[...]
    d128_ref[...] = jnp.broadcast_to(d_ref[...], d128_ref.shape)


def _combine(pr, pw, cir, ciw, disc):
    grid = (_N // _BN,)
    bx = _X // (_N // _BN)
    row = pl.BlockSpec((_BN, _D), lambda i: (i, 0))
    col = pl.BlockSpec((_BN, 1), lambda i: (i, 0))
    drow = pl.BlockSpec((bx, _D), lambda i: (i, 0))
    dcol = pl.BlockSpec((bx, 1), lambda i: (i, 0))
    return pl.pallas_call(
        _comb_body,
        grid=grid,
        in_specs=[row, row, col, col, dcol],
        out_specs=[row, drow],
        out_shape=[jax.ShapeDtypeStruct((_N, _D), jnp.float32),
                   jax.ShapeDtypeStruct((_X, _D), jnp.float32)],
    )(pr, pw, cir, ciw, disc)



_NBUF = 2
_NIG = _NCHUNK // 16


def _agg_body(hr_hbm, hw_hbm, srcr_hbm, dstr_hbm, srcw_hbm, dstw_hbm,
              zeros_hbm, outr_hbm, outw_hbm, cidx_v, srcg_v, dstg_v,
              rows_v, acc_sh, isem, gsem):
    cid = lax.axis_index("c")
    sid = lax.axis_index("s")
    row0 = sid * _RPT

    pltpu.sync_copy(zeros_hbm.at[pl.ds(0, _RPT)], acc_sh.at[pl.ds(row0, _RPT)])

    @pl.when(sid == _NS - 1)
    def _():
        pltpu.sync_copy(zeros_hbm.at[pl.ds(0, _ACC_N - _NS * _RPT)],
                        acc_sh.at[pl.ds(_NS * _RPT, _ACC_N - _NS * _RPT)])

    plsc.subcore_barrier()

    def run_graph(h_hbm, src_hbm, dst_hbm):
        def cfill(t, c):
            cidx_v.at[t][...] = (sid * _NCHUNK + t * 16
                                 + lax.iota(jnp.int32, 16))
            return c

        lax.fori_loop(0, _NIG, cfill, 0)

        def ifetch(g):
            sl = lax.rem(g, 2)
            pltpu.async_copy(src_hbm.at[cidx_v.at[g]], srcg_v.at[sl], isem)
            pltpu.async_copy(dst_hbm.at[cidx_v.at[g]], dstg_v.at[sl], isem)

        def iwait(src_hbm2, dst_hbm2):
            pltpu.make_async_copy(src_hbm2.at[cidx_v.at[0]], srcg_v.at[0],
                                  isem).wait()
            pltpu.make_async_copy(dst_hbm2.at[cidx_v.at[0]], dstg_v.at[0],
                                  isem).wait()

        ifetch(0)
        iwait(src_hbm, dst_hbm)
        ifetch(1)

        pltpu.async_copy(h_hbm.at[srcg_v.at[0].at[0]], rows_v.at[0], gsem)
        pltpu.async_copy(h_hbm.at[srcg_v.at[0].at[1]], rows_v.at[1], gsem)

        def chunk(j, c):
            g = lax.div(j, 16)
            i = lax.rem(j, 16)
            sl = lax.rem(g, 2)
            b = lax.rem(j, 2)
            pltpu.make_async_copy(h_hbm.at[pl.ds(0, _CHUNK)],
                                  rows_v.at[0], gsem).wait()
            pltpu.sync_copy(rows_v.at[b], acc_sh.at[dstg_v.at[sl].at[i]],
                            add=True)

            @pl.when(jnp.logical_and(i == 14, g + 1 < _NIG))
            def _():
                iwait(src_hbm, dst_hbm)

            nj = j + 2

            @pl.when(nj < _NCHUNK)
            def _():
                g2 = lax.div(nj, 16)
                pltpu.async_copy(
                    h_hbm.at[srcg_v.at[lax.rem(g2, 2)].at[lax.rem(nj, 16)]],
                    rows_v.at[b], gsem)

            @pl.when(jnp.logical_and(i == 15, g + 2 < _NIG))
            def _():
                ifetch(g + 2)

            return c

        lax.fori_loop(0, _NCHUNK, chunk, 0)

    @pl.when(cid == 0)
    def _():
        run_graph(hr_hbm, srcr_hbm, dstr_hbm)

    @pl.when(cid == 1)
    def _():
        run_graph(hw_hbm, srcw_hbm, dstw_hbm)

    plsc.subcore_barrier()

    def writeback(out_hbm):
        pltpu.sync_copy(acc_sh.at[pl.ds(row0, _RPT)],
                        out_hbm.at[pl.ds(row0, _RPT)])

        @pl.when(sid == _NS - 1)
        def _():
            pltpu.sync_copy(acc_sh.at[pl.ds(_NS * _RPT, _N - _NS * _RPT)],
                            out_hbm.at[pl.ds(_NS * _RPT, _N - _NS * _RPT)])

    @pl.when(cid == 0)
    def _():
        writeback(outr_hbm)

    @pl.when(cid == 1)
    def _():
        writeback(outw_hbm)


_agg = pl.kernel(
    _agg_body,
    out_type=[jax.ShapeDtypeStruct((_N, _D), jnp.float32)] * 2,
    mesh=_sc_mesh,
    scratch_types=[
        pltpu.VMEM((_NIG, 16), jnp.int32),
        pltpu.VMEM((2, 16, _CHUNK), jnp.int32),
        pltpu.VMEM((2, 16, _CHUNK), jnp.int32),
        pltpu.VMEM((_NBUF, _CHUNK, _D), jnp.float32),
        pltpu.VMEM_SHARED((_ACC_N, _D), jnp.float32),
        pltpu.SemaphoreType.DMA,
        pltpu.SemaphoreType.DMA,
    ],
)


def _gather_body(final_hbm, disc128_hbm, sid_hbm, eid_hbm, ostu_hbm, oexe_hbm,
                 odisc_hbm, idx_v, eidx_v, rows_v, sem):
    wid = lax.axis_index("s") * _NC + lax.axis_index("c")
    base = wid * _BPT

    pltpu.sync_copy(sid_hbm.at[pl.ds(base, _BPT)], idx_v)
    pltpu.async_copy(final_hbm.at[idx_v], rows_v, sem).wait()
    pltpu.sync_copy(rows_v, ostu_hbm.at[pl.ds(base, _BPT)])

    pltpu.sync_copy(eid_hbm.at[pl.ds(base, _BPT)], eidx_v)
    pltpu.async_copy(disc128_hbm.at[eidx_v], rows_v, sem).wait()
    pltpu.sync_copy(rows_v, odisc_hbm.at[pl.ds(base, _BPT)])
    for k in range(_BPT // 16):
        sl = pl.ds(k * 16, 16)
        eidx_v[sl] = eidx_v[sl] + _S
    pltpu.async_copy(final_hbm.at[eidx_v], rows_v, sem).wait()
    pltpu.sync_copy(rows_v, oexe_hbm.at[pl.ds(base, _BPT)])


_gather = pl.kernel(
    _gather_body,
    out_type=[
        jax.ShapeDtypeStruct((_B, _D), jnp.float32),
        jax.ShapeDtypeStruct((_B, _D), jnp.float32),
        jax.ShapeDtypeStruct((_B, _D), jnp.float32),
    ],
    mesh=_sc_mesh,
    scratch_types=[
        pltpu.VMEM((_BPT,), jnp.int32),
        pltpu.VMEM((_BPT,), jnp.int32),
        pltpu.VMEM((_BPT, _D), jnp.float32),
        pltpu.SemaphoreType.DMA,
    ],
)



def kernel(stu_emb, exer_emb, kn_emb, disc_emb, W_right, W_wrong,
           cj_r, ci_r, cj_w, ci_w, q_mask,
           src_r, dst_r, src_w, dst_w, student_id, exercise_id):
    aw = jnp.concatenate([stu_emb, exer_emb], axis=0)

    def pad_edges(a, fill):
        a = a.astype(jnp.int32).reshape(_NS, _E // _NS)
        a = jnp.pad(a, ((0, 0), (0, _EPAD // _NS - _E // _NS)),
                    constant_values=fill)
        return a.reshape(_NS * _NCHUNK, _CHUNK)

    srcr = pad_edges(src_r, 0)
    dstr = pad_edges(dst_r, _N)
    srcw = pad_edges(src_w, 0)
    dstw = pad_edges(dst_w, _N)
    zeros = jnp.zeros((_RPT, _D), jnp.float32)

    hr, hw = _mm_first(aw, W_right[0], W_wrong[0], cj_r, cj_w)
    pr, pw = _agg(hr, hw, srcr, dstr, srcw, dstw, zeros)
    for l in (1, 2):
        hr, hw = _mm_layer(pr, pw, ci_r, ci_w, W_right[l], W_wrong[l],
                           cj_r, cj_w)
        pr, pw = _agg(hr, hw, srcr, dstr, srcw, dstw, zeros)

    final, disc128 = _combine(pr, pw, ci_r, ci_w, disc_emb)
    bstu, bexe, bdisc = _gather(final, disc128,
                                student_id.astype(jnp.int32),
                                exercise_id.astype(jnp.int32))
    return bstu, bexe, bdisc[:, :1], kn_emb

# --- scband reference (transcript-rebuilt; emitter-appended) ---
"""Pipeline reference for scband-gcmc-extractor-89635967468180 (READ-ONLY COPY).

The authoritative reference and input builder live on the scoring server;
editing this copy changes nothing except your own understanding.
"""

import jax, jax.numpy as jnp
import numpy as np

S = 6000
X = 4000
N = S + X
D = 128
E = 320000
L = 3
B = 4096

def _xavier(key, shape):
    fan_in, fan_out = shape[-2], shape[-1]
    limit = (6.0 / (fan_in + fan_out)) ** 0.5
    return jax.random.uniform(key, shape, minval=-limit, maxval=limit, dtype=jnp.float32)

def setup_inputs(seed: int = 0):
    key = jax.random.key(seed)
    ks = jax.random.split(key, 18)
    stu_emb = _xavier(ks[0], (S, D))
    exer_emb = _xavier(ks[1], (X, D))
    kn_emb = _xavier(ks[2], (D, D))
    disc_emb = _xavier(ks[3], (X, 1))
    W_right = _xavier(ks[4], (L, D, D))
    W_wrong = _xavier(ks[5], (L, D, D))
    src_r = jax.random.randint(ks[6], (E,), 0, N)
    dst_r = jax.random.randint(ks[7], (E,), 0, N)
    src_w = jax.random.randint(ks[8], (E,), 0, N)
    dst_w = jax.random.randint(ks[9], (E,), 0, N)
    cj_r = jax.random.uniform(ks[10], (N, 1), minval=0.01, maxval=1.0, dtype=jnp.float32)
    ci_r = jax.random.uniform(ks[11], (N, 1), minval=0.01, maxval=1.0, dtype=jnp.float32)
    cj_w = jax.random.uniform(ks[12], (N, 1), minval=0.01, maxval=1.0, dtype=jnp.float32)
    ci_w = jax.random.uniform(ks[13], (N, 1), minval=0.01, maxval=1.0, dtype=jnp.float32)
    student_id = jax.random.randint(ks[14], (B,), 0, S)
    exercise_id = jax.random.randint(ks[15], (B,), 0, X)
    q_mask = jax.random.uniform(ks[16], (B, D), dtype=jnp.float32)
    return {"stu_emb": stu_emb, "exer_emb": exer_emb, "kn_emb": kn_emb, "disc_emb": disc_emb,
            "W_right": W_right, "W_wrong": W_wrong,
            "cj_r": cj_r, "ci_r": ci_r, "cj_w": cj_w, "ci_w": ci_w,
            "q_mask": q_mask,
            "src_r": src_r, "dst_r": dst_r, "src_w": src_w, "dst_w": dst_w,
            "student_id": student_id, "exercise_id": exercise_id}

def _gcmc_stack(feat, W, src, dst, cj, ci):
    # L layers of GCMCGraphConv: feat @ W ; * cj ; copy_u + sum scatter ; * ci
    for l in range(L):
        h = feat @ W[l]
        h = h * cj
        agg = jnp.zeros_like(h).at[dst].add(h[src])
        feat = agg * ci
    return feat

def reference(stu_emb, exer_emb, kn_emb, disc_emb, W_right, W_wrong,
              cj_r, ci_r, cj_w, ci_w, q_mask,
              src_r, dst_r, src_w, dst_w, student_id, exercise_id):
    # __common_forward
    all_weight = jnp.concatenate([stu_emb, exer_emb], axis=0)
    w1 = _gcmc_stack(all_weight, W_right, src_r, dst_r, cj_r, ci_r)
    w2 = _gcmc_stack(all_weight, W_wrong, src_w, dst_w, cj_w, ci_w)
    stu_forward = w1[:S] + w2[:S]
    exer_forward = w1[S:] + w2[S:]
    knows_forward = kn_emb
    # extract (if_type == 'ncd')
    batch_stu_ts = stu_forward[student_id]
    batch_exer_ts = exer_forward[exercise_id]
    disc_ts = disc_emb[exercise_id]
    knowledge_ts = knows_forward
    return (batch_stu_ts, batch_exer_ts, disc_ts, knowledge_ts)

if __name__ == "__main__":
    import jax
    _d = setup_inputs()
    print(jax.jit(kernel)(*tuple(_d.values())))

</pallas_src>

<mosaic_0001>
#map = affine_map<(d0, d1) -> (0, 0)>
module attributes {stable_mosaic.version = 14 : i64} {
  func.func @_agg_body(%arg0: i32, %arg1: i32, %arg2: memref<10000x128xf32, #tpu.memory_space<hbm>>, %arg3: memref<10000x128xf32, #tpu.memory_space<hbm>>, %arg4: memref<2560x128xi32, #tpu.memory_space<hbm>>, %arg5: memref<2560x128xi32, #tpu.memory_space<hbm>>, %arg6: memref<2560x128xi32, #tpu.memory_space<hbm>>, %arg7: memref<2560x128xi32, #tpu.memory_space<hbm>>, %arg8: memref<624x128xf32, #tpu.memory_space<hbm>>, %arg9: memref<10000x128xf32, #tpu.memory_space<hbm>>, %arg10: memref<10000x128xf32, #tpu.memory_space<hbm>>, %arg11: memref<10x16xi32, #tpu.memory_space<vmem>>, %arg12: memref<2x16x128xi32, #tpu.memory_space<vmem>>, %arg13: memref<2x16x128xi32, #tpu.memory_space<vmem>>, %arg14: memref<2x128x128xf32, #tpu.memory_space<vmem>>, %arg15: memref<10016x128xf32, #tpu.memory_space<vmem_shared>>, %arg16: memref<!tpu.dma_semaphore, #tpu.memory_space<semaphore_mem>>, %arg17: memref<!tpu.dma_semaphore, #tpu.memory_space<semaphore_mem>>) attributes {dimension_semantics = [#tpu.dimension_semantics<core_parallel>, #tpu.dimension_semantics<subcore_parallel>], iteration_bounds = array<i64: 2, 16>, scalar_prefetch = 0 : i64, scratch_operands = 7 : i64, tpu.core_type = #tpu.core_type<sc_vector_subcore>, window_params = [{transform_indices = #map}, {transform_indices = #map}, {transform_indices = #map}, {transform_indices = #map}, {transform_indices = #map}, {transform_indices = #map}, {transform_indices = #map}, {transform_indices = #map}, {transform_indices = #map}]} {
    %mul3A = arith.constant 624 : i32
    %mul3A_0 = arith.muli %arg1, %mul3A : i32
    "tpu.region"() ({
      %run_scoped3A = tpu.sem_alloc : memref<!tpu.dma_semaphore, #tpu.memory_space<semaphore_mem>>
      %dma_start3A = arith.constant 0 : i32
      %dma_start3A_24 = tpu.memref_slice %arg15[%mul3A_0, %dma_start3A] : memref<10016x128xf32, #tpu.memory_space<vmem_shared>> -> memref<624x128xf32, #tpu.memory_space<vmem_shared>>
      %dma_start3A_25 = arith.constant 0 : i32
      %dma_start3A_26 = arith.constant 0 : i32
      %dma_start3A_27 = tpu.memref_slice %arg8[%dma_start3A_25, %dma_start3A_26] : memref<624x128xf32, #tpu.memory_space<hbm>> -> memref<624x128xf32, #tpu.memory_space<hbm>>
      tpu.enqueue_dma source(%dma_start3A_27 : memref<624x128xf32, #tpu.memory_space<hbm>>) target(%dma_start3A_24 : memref<624x128xf32, #tpu.memory_space<vmem_shared>>) target_semaphore(%run_scoped3A : memref<!tpu.dma_semaphore, #tpu.memory_space<semaphore_mem>>)
      %dma_wait3A = arith.constant 0 : i32
      %dma_wait3A_28 = tpu.memref_slice %arg15[%mul3A_0, %dma_wait3A] : memref<10016x128xf32, #tpu.memory_space<vmem_shared>> -> memref<624x128xf32, #tpu.memory_space<vmem_shared>>
      %dma_wait3A_29 = arith.constant 0 : i32
      %dma_wait3A_30 = arith.constant 0 : i32
      %dma_wait3A_31 = tpu.memref_slice %arg8[%dma_wait3A_29, %dma_wait3A_30] : memref<624x128xf32, #tpu.memory_space<hbm>> -> memref<624x128xf32, #tpu.memory_space<hbm>>
      tpu.wait_dma2 semaphore(%run_scoped3A : memref<!tpu.dma_semaphore, #tpu.memory_space<semaphore_mem>>) src(%dma_wait3A_31 : memref<624x128xf32, #tpu.memory_space<hbm>>) dst(%dma_wait3A_28 : memref<624x128xf32, #tpu.memory_space<vmem_shared>>)
      tpu.yield
    }) : () -> ()
    %eq3A = arith.constant 15 : i32
    %eq3A_1 = arith.cmpi eq, %arg1, %eq3A : i32
    %convert_element_type3A = arith.extui %eq3A_1 : i1 to i32
    %cond3A = arith.constant 0 : i32
    %cond3A_2 = arith.cmpi ne, %convert_element_type3A, %cond3A : i32
    scf.if %cond3A_2 {
      "tpu.region"() ({
        %run_scoped3A = tpu.sem_alloc : memref<!tpu.dma_semaphore, #tpu.memory_space<semaphore_mem>>
        %dma_start3A = arith.constant 9984 : i32
        %dma_start3A_24 = arith.constant 0 : i32
        %dma_start3A_25 = tpu.memref_slice %arg15[%dma_start3A, %dma_start3A_24] : memref<10016x128xf32, #tpu.memory_space<vmem_shared>> -> memref<32x128xf32, #tpu.memory_space<vmem_shared>>
        %dma_start3A_26 = arith.constant 0 : i32
        %dma_start3A_27 = arith.constant 0 : i32
        %dma_start3A_28 = tpu.memref_slice %arg8[%dma_start3A_26, %dma_start3A_27] : memref<624x128xf32, #tpu.memory_space<hbm>> -> memref<32x128xf32, #tpu.memory_space<hbm>>
        tpu.enqueue_dma source(%dma_start3A_28 : memref<32x128xf32, #tpu.memory_space<hbm>>) target(%dma_start3A_25 : memref<32x128xf32, #tpu.memory_space<vmem_shared>>) target_semaphore(%run_scoped3A : memref<!tpu.dma_semaphore, #tpu.memory_space<semaphore_mem>>)
        %dma_wait3A = arith.constant 9984 : i32
        %dma_wait3A_29 = arith.constant 0 : i32
        %dma_wait3A_30 = tpu.memref_slice %arg15[%dma_wait3A, %dma_wait3A_29] : memref<10016x128xf32, #tpu.memory_space<vmem_shared>> -> memref<32x128xf32, #tpu.memory_space<vmem_shared>>
        %dma_wait3A_31 = arith.constant 0 : i32
        %dma_wait3A_32 = arith.constant 0 : i32
        %dma_wait3A_33 = tpu.memref_slice %arg8[%dma_wait3A_31, %dma_wait3A_32] : memref<624x128xf32, #tpu.memory_space<hbm>> -> memref<32x128xf32, #tpu.memory_space<hbm>>
        tpu.wait_dma2 semaphore(%run_scoped3A : memref<!tpu.dma_semaphore, #tpu.memory_space<semaphore_mem>>) src(%dma_wait3A_33 : memref<32x128xf32, #tpu.memory_space<hbm>>) dst(%dma_wait3A_30 : memref<32x128xf32, #tpu.memory_space<vmem_shared>>)
        tpu.yield
      }) : () -> ()
    } else {
    }
    %barrier3A = arith.constant 0 : index
    tpu.barrier barrier_id(%barrier3A)
    %eq3A_3 = arith.constant 0 : i32
    %eq3A_4 = arith.cmpi eq, %arg0, %eq3A_3 : i32
    %convert_element_type3A_5 = arith.extui %eq3A_4 : i1 to i32
    %cond3A_6 = arith.constant 0 : i32
    %cond3A_7 = arith.cmpi ne, %convert_element_type3A_5, %cond3A_6 : i32
    scf.if %cond3A_7 {
      %scan3A = arith.constant 0 : i32
      %scan3A_24 = arith.constant 0 : i32
      %scan3A_25 = arith.constant 10 : i32
      %scan3A_26 = arith.addi %scan3A_24, %scan3A_25 : i32
      %scan3A_27 = arith.constant 1 : i32
      scf.for %scan3A_140 = %scan3A_24 to %scan3A_26 step %scan3A_27  : i32 {
        %mul3A_141 = arith.constant 160 : i32
        %mul3A_142 = arith.muli %arg1, %mul3A_141 : i32
        %mul3A_143 = arith.constant 16 : i32
        %mul3A_144 = arith.muli %scan3A_140, %mul3A_143 : i32
        %add3A = arith.addi %mul3A_142, %mul3A_144 : i32
        %iota3A = tpu.iota {dimensions = array<i32: 0>} : vector<16xi32>
        %add3A_145 = vector.broadcast %add3A : i32 to vector<16xi32>
        %add3A_146 = arith.addi %add3A_145, %iota3A : vector<16xi32>
        %swap3A = arith.index_cast %scan3A_140 : i32 to index
        %swap3A_147 = arith.constant 0 : index
        %swap3A_148 = tpu.vector_load %arg11[%swap3A, %swap3A_147] {strides = array<i32>} : memref<10x16xi32, #tpu.memory_space<vmem>>, vector<1x16xi32>,
        %swap3A_149 = vector.shape_cast %swap3A_148 : vector<1x16xi32> to vector<16xi32>
        %swap3A_150 = vector.shape_cast %add3A_146 : vector<16xi32> to vector<1x16xi32>
        tpu.vector_store %arg11[%swap3A, %swap3A_147], %swap3A_150 {strides = array<i32>} : memref<10x16xi32, #tpu.memory_space<vmem>>, vector<1x16xi32>,
      }
      %scan3A_28 = arith.constant 10 : i32
      %rem3A = arith.constant 0 : i32
      %rem3A_29 = arith.constant 2 : i32
      %rem3A_30 = arith.remsi %rem3A, %rem3A_29 : i32
      %dma_start3A = arith.constant 0 : i32
      %dma_start3A_31 = arith.constant 0 : i32
      %dma_start3A_32 = arith.constant 0 : i32
      %dma_start3A_33 = tpu.memref_slice %arg12[%rem3A_30, %dma_start3A_31, %dma_start3A_32] : memref<2x16x128xi32, #tpu.memory_space<vmem>> -> memref<1x16x128xi32, #tpu.memory_space<vmem>>
      %dma_start3A_34 = tpu.memref_squeeze %dma_start3A_33 : memref<1x16x128xi32, #tpu.memory_space<vmem>> -> memref<16x128xi32, #tpu.memory_space<vmem>>
      %dma_start3A_35 = arith.constant 0 : i32
      %dma_start3A_36 = tpu.memref_slice %arg11[%dma_start3A, %dma_start3A_35] : memref<10x16xi32, #tpu.memory_space<vmem>> -> memref<1x16xi32, #tpu.memory_space<vmem>>
      %dma_start3A_37 = tpu.memref_squeeze %dma_start3A_36 : memref<1x16xi32, #tpu.memory_space<vmem>> -> memref<16xi32, #tpu.memory_space<vmem>>
      %dma_start3A_38 = arith.constant 0 : i32
      %dma_start3A_39 = arith.constant 0 : i32
      %dma_start3A_40 = tpu.memref_slice %arg4[%dma_start3A_38, %dma_start3A_39] : memref<2560x128xi32, #tpu.memory_space<hbm>> -> memref<2560x128xi32, #tpu.memory_space<hbm>>
      tpu.enqueue_indirect_dma source(%dma_start3A_40 : memref<2560x128xi32, #tpu.memory_space<hbm>>) target(%dma_start3A_34 : memref<16x128xi32, #tpu.memory_space<vmem>>) offsets(%dma_start3A_37 : memref<16xi32, #tpu.memory_space<vmem>>) semaphore(%arg16 : memref<!tpu.dma_semaphore, #tpu.memory_space<semaphore_mem>>)
      %dma_start3A_41 = arith.constant 0 : i32
      %dma_start3A_42 = arith.constant 0 : i32
      %dma_start3A_43 = arith.constant 0 : i32
      %dma_start3A_44 = tpu.memref_slice %arg13[%rem3A_30, %dma_start3A_42, %dma_start3A_43] : memref<2x16x128xi32, #tpu.memory_space<vmem>> -> memref<1x16x128xi32, #tpu.memory_space<vmem>>
      %dma_start3A_45 = tpu.memref_squeeze %dma_start3A_44 : memref<1x16x128xi32, #tpu.memory_space<vmem>> -> memref<16x128xi32, #tpu.memory_space<vmem>>
      %dma_start3A_46 = arith.constant 0 : i32
      %dma_start3A_47 = tpu.memref_slice %arg11[%dma_start3A_41, %dma_start3A_46] : memref<10x16xi32, #tpu.memory_space<vmem>> -> memref<1x16xi32, #tpu.memory_space<vmem>>
      %dma_start3A_48 = tpu.memref_squeeze %dma_start3A_47 : memref<1x16xi32, #tpu.memory_space<vmem>> -> memref<16xi32, #tpu.memory_space<vmem>>
      %dma_start3A_49 = arith.constant 0 : i32
      %dma_start3A_50 = arith.constant 0 : i32
      %dma_start3A_51 = tpu.memref_slice %arg5[%dma_start3A_49, %dma_start3A_50] : memref<2560x128xi32, #tpu.memory_space<hbm>> -> memref<2560x128xi32, #tpu.memory_space<hbm>>
      tpu.enqueue_indirect_dma source(%dma_start3A_51 : memref<2560x128xi32, #tpu.memory_space<hbm>>) target(%dma_start3A_45 : memref<16x128xi32, #tpu.memory_space<vmem>>) offsets(%dma_start3A_48 : memref<16xi32, #tpu.memory_space<vmem>>) semaphore(%arg16 : memref<!tpu.dma_semaphore, #tpu.memory_space<semaphore_mem>>)
      %dma_wait3A = arith.constant 0 : i32
      %dma_wait3A_52 = arith.constant 0 : i32
      %dma_wait3A_53 = arith.constant 0 : i32
      %dma_wait3A_54 = arith.constant 0 : i32
      %dma_wait3A_55 = tpu.memref_slice %arg12[%dma_wait3A_52, %dma_wait3A_53, %dma_wait3A_54] : memref<2x16x128xi32, #tpu.memory_space<vmem>> -> memref<1x16x128xi32, #tpu.memory_space<vmem>>
      %dma_wait3A_56 = tpu.memref_squeeze %dma_wait3A_55 : memref<1x16x128xi32, #tpu.memory_space<vmem>> -> memref<16x128xi32, #tpu.memory_space<vmem>>
      %dma_wait3A_57 = arith.constant 0 : i32
      %dma_wait3A_58 = tpu.memref_slice %arg11[%dma_wait3A, %dma_wait3A_57] : memref<10x16xi32, #tpu.memory_space<vmem>> -> memref<1x16xi32, #tpu.memory_space<vmem>>
      %dma_wait3A_59 = tpu.memref_squeeze %dma_wait3A_58 : memref<1x16xi32, #tpu.memory_space<vmem>> -> memref<16xi32, #tpu.memory_space<vmem>>
      %dma_wait3A_60 = arith.constant 0 : i32
      %dma_wait3A_61 = arith.constant 0 : i32
      %dma_wait3A_62 = tpu.memref_slice %arg4[%dma_wait3A_60, %dma_wait3A_61] : memref<2560x128xi32, #tpu.memory_space<hbm>> -> memref<2560x128xi32, #tpu.memory_space<hbm>>
      tpu.wait_indirect_dma semaphore(%arg16 : memref<!tpu.dma_semaphore, #tpu.memory_space<semaphore_mem>>) src(%dma_wait3A_62 : memref<2560x128xi32, #tpu.memory_space<hbm>>) dst(%dma_wait3A_56 : memref<16x128xi32, #tpu.memory_space<vmem>>)
      %dma_wait3A_63 = arith.constant 0 : i32
      %dma_wait3A_64 = arith.constant 0 : i32
      %dma_wait3A_65 = arith.constant 0 : i32
      %dma_wait3A_66 = arith.constant 0 : i32
      %dma_wait3A_67 = tpu.memref_slice %arg13[%dma_wait3A_64, %dma_wait3A_65, %dma_wait3A_66] : memref<2x16x128xi32, #tpu.memory_space<vmem>> -> memref<1x16x128xi32, #tpu.memory_space<vmem>>
      %dma_wait3A_68 = tpu.memref_squeeze %dma_wait3A_67 : memref<1x16x128xi32, #tpu.memory_space<vmem>> -> memref<16x128xi32, #tpu.memory_space<vmem>>
      %dma_wait3A_69 = arith.constant 0 : i32
      %dma_wait3A_70 = tpu.memref_slice %arg11[%dma_wait3A_63, %dma_wait3A_69] : memref<10x16xi32, #tpu.memory_space<vmem>> -> memref<1x16xi32, #tpu.memory_space<vmem>>
      %dma_wait3A_71 = tpu.memref_squeeze %dma_wait3A_70 : memref<1x16xi32, #tpu.memory_space<vmem>> -> memref<16xi32, #tpu.memory_space<vmem>>
      %dma_wait3A_72 = arith.constant 0 : i32
      %dma_wait3A_73 = arith.constant 0 : i32
      %dma_wait3A_74 = tpu.memref_slice %arg5[%dma_wait3A_72, %dma_wait3A_73] : memref<2560x128xi32, #tpu.memory_space<hbm>> -> memref<2560x128xi32, #tpu.memory_space<hbm>>
      tpu.wait_indirect_dma semaphore(%arg16 : memref<!tpu.dma_semaphore, #tpu.memory_space<semaphore_mem>>) src(%dma_wait3A_74 : memref<2560x128xi32, #tpu.memory_space<hbm>>) dst(%dma_wait3A_68 : memref<16x128xi32, #tpu.memory_space<vmem>>)
      %rem3A_75 = arith.constant 1 : i32
      %rem3A_76 = arith.constant 2 : i32
      %rem3A_77 = arith.remsi %rem3A_75, %rem3A_76 : i32
      %dma_start3A_78 = arith.constant 1 : i32
      %dma_start3A_79 = arith.constant 0 : i32
      %dma_start3A_80 = arith.constant 0 : i32
      %dma_start3A_81 = tpu.memref_slice %arg12[%rem3A_77, %dma_start3A_79, %dma_start3A_80] : memref<2x16x128xi32, #tpu.memory_space<vmem>> -> memref<1x16x128xi32, #tpu.memory_space<vmem>>
      %dma_start3A_82 = tpu.memref_squeeze %dma_start3A_81 : memref<1x16x128xi32, #tpu.memory_space<vmem>> -> memref<16x128xi32, #tpu.memory_space<vmem>>
      %dma_start3A_83 = arith.constant 0 : i32
      %dma_start3A_84 = tpu.memref_slice %arg11[%dma_start3A_78, %dma_start3A_83] : memref<10x16xi32, #tpu.memory_space<vmem>> -> memref<1x16xi32, #tpu.memory_space<vmem>>
      %dma_start3A_85 = tpu.memref_squeeze %dma_start3A_84 : memref<1x16xi32, #tpu.memory_space<vmem>> -> memref<16xi32, #tpu.memory_space<vmem>>
      %dma_start3A_86 = arith.constant 0 : i32
      %dma_start3A_87 = arith.constant 0 : i32
      %dma_start3A_88 = tpu.memref_slice %arg4[%dma_start3A_86, %dma_start3A_87] : memref<2560x128xi32, #tpu.memory_space<hbm>> -> memref<2560x128xi32, #tpu.memory_space<hbm>>
      tpu.enqueue_indirect_dma source(%dma_start3A_88 : memref<2560x128xi32, #tpu.memory_space<hbm>>) target(%dma_start3A_82 : memref<16x128xi32, #tpu.memory_space<vmem>>) offsets(%dma_start3A_85 : memref<16xi32, #tpu.memory_space<vmem>>) semaphore(%arg16 : memref<!tpu.dma_semaphore, #tpu.memory_space<semaphore_mem>>)
      %dma_start3A_89 = arith.constant 1 : i32
      %dma_start3A_90 = arith.constant 0 : i32
      %dma_start3A_91 = arith.constant 0 : i32
      %dma_start3A_92 = tpu.memref_slice %arg13[%rem3A_77, %dma_start3A_90, %dma_start3A_91] : memref<2x16x128xi32, #tpu.memory_space<vmem>> -> memref<1x16x128xi32, #tpu.memory_space<vmem>>
      %dma_start3A_93 = tpu.memref_squeeze %dma_start3A_92 : memref<1x16x128xi32, #tpu.memory_space<vmem>> -> memref<16x128xi32, #tpu.memory_space<vmem>>
      %dma_start3A_94 = arith.constant 0 : i32
      %dma_start3A_95 = tpu.memref_slice %arg11[%dma_start3A_89, %dma_start3A_94] : memref<10x16xi32, #tpu.memory_space<vmem>> -> memref<1x16xi32, #tpu.memory_space<vmem>>
      %dma_start3A_96 = tpu.memref_squeeze %dma_start3A_95 : memref<1x16xi32, #tpu.memory_space<vmem>> -> memref<16xi32, #tpu.memory_space<vmem>>
      %dma_start3A_97 = arith.constant 0 : i32
      %dma_start3A_98 = arith.constant 0 : i32
      %dma_start3A_99 = tpu.memref_slice %arg5[%dma_start3A_97, %dma_start3A_98] : memref<2560x128xi32, #tpu.memory_space<hbm>> -> memref<2560x128xi32, #tpu.memory_space<hbm>>
      tpu.enqueue_indirect_dma source(%dma_start3A_99 : memref<2560x128xi32, #tpu.memory_space<hbm>>) target(%dma_start3A_93 : memref<16x128xi32, #tpu.memory_space<vmem>>) offsets(%dma_start3A_96 : memref<16xi32, #tpu.memory_space<vmem>>) semaphore(%arg16 : memref<!tpu.dma_semaphore, #tpu.memory_space<semaphore_mem>>)
      %dma_start3A_100 = arith.constant 0 : i32
      %dma_start3A_101 = arith.constant 0 : i32
      %dma_start3A_102 = arith.constant 0 : i32
      %dma_start3A_103 = arith.constant 0 : i32
      %dma_start3A_104 = arith.constant 0 : i32
      %dma_start3A_105 = tpu.memref_slice %arg14[%dma_start3A_102, %dma_start3A_103, %dma_start3A_104] : memref<2x128x128xf32, #tpu.memory_space<vmem>> -> memref<1x128x128xf32, #tpu.memory_space<vmem>>
      %dma_start3A_106 = tpu.memref_squeeze %dma_start3A_105 : memref<1x128x128xf32, #tpu.memory_space<vmem>> -> memref<128x128xf32, #tpu.memory_space<vmem>>
      %dma_start3A_107 = arith.constant 0 : i32
      %dma_start3A_108 = arith.constant 0 : i32
      %dma_start3A_109 = tpu.memref_slice %arg12[%dma_start3A_100, %dma_start3A_107, %dma_start3A_108] : memref<2x16x128xi32, #tpu.memory_space<vmem>> -> memref<1x16x128xi32, #tpu.memory_space<vmem>>
      %dma_start3A_110 = tpu.memref_squeeze %dma_start3A_109 : memref<1x16x128xi32, #tpu.memory_space<vmem>> -> memref<16x128xi32, #tpu.memory_space<vmem>>
      %dma_start3A_111 = arith.constant 0 : i32
      %dma_start3A_112 = tpu.memref_slice %dma_start3A_110[%dma_start3A_101, %dma_start3A_111] : memref<16x128xi32, #tpu.memory_space<vmem>> -> memref<1x128xi32, #tpu.memory_space<vmem>>
      %dma_start3A_113 = tpu.memref_squeeze %dma_start3A_112 : memref<1x128xi32, #tpu.memory_space<vmem>> -> memref<128xi32, #tpu.memory_space<vmem>>
      %dma_start3A_114 = arith.constant 0 : i32
      %dma_start3A_115 = arith.constant 0 : i32
      %dma_start3A_116 = tpu.memref_slice %arg2[%dma_start3A_114, %dma_start3A_115] : memref<10000x128xf32, #tpu.memory_space<hbm>> -> memref<10000x128xf32, #tpu.memory_space<hbm>>
      tpu.enqueue_indirect_dma source(%dma_start3A_116 : memref<10000x128xf32, #tpu.memory_space<hbm>>) target(%dma_start3A_106 : memref<128x128xf32, #tpu.memory_space<vmem>>) offsets(%dma_start3A_113 : memref<128xi32, #tpu.memory_space<vmem>>) semaphore(%arg17 : memref<!tpu.dma_semaphore, #tpu.memory_space<semaphore_mem>>)
      %dma_start3A_117 = arith.constant 0 : i32
      %dma_start3A_118 = arith.constant 1 : i32
      %dma_start3A_119 = arith.constant 1 : i32
      %dma_start3A_120 = arith.constant 0 : i32
      %dma_start3A_121 = arith.constant 0 : i32
      %dma_start3A_122 = tpu.memref_slice %arg14[%dma_start3A_119, %dma_start3A_120, %dma_start3A_121] : memref<2x128x128xf32, #tpu.memory_space<vmem>> -> memref<1x128x128xf32, #tpu.memory_space<vmem>>
      %dma_start3A_123 = tpu.memref_squeeze %dma_start3A_122 : memref<1x128x128xf32, #tpu.memory_space<vmem>> -> memref<128x128xf32, #tpu.memory_space<vmem>>
      %dma_start3A_124 = arith.constant 0 : i32
      %dma_start3A_125 = arith.constant 0 : i32
      %dma_start3A_126 = tpu.memref_slice %arg12[%dma_start3A_117, %dma_start3A_124, %dma_start3A_125] : memref<2x16x128xi32, #tpu.memory_space<vmem>> -> memref<1x16x128xi32, #tpu.memory_space<vmem>>
      %dma_start3A_127 = tpu.memref_squeeze %dma_start3A_126 : memref<1x16x128xi32, #tpu.memory_space<vmem>> -> memref<16x128xi32, #tpu.memory_space<vmem>>
      %dma_start3A_128 = arith.constant 0 : i32
      %dma_start3A_129 = tpu.memref_slice %dma_start3A_127[%dma_start3A_118, %dma_start3A_128] : memref<16x128xi32, #tpu.memory_space<vmem>> -> memref<1x128xi32, #tpu.memory_space<vmem>>
      %dma_start3A_130 = tpu.memref_squeeze %dma_start3A_129 : memref<1x128xi32, #tpu.memory_space<vmem>> -> memref<128xi32, #tpu.memory_space<vmem>>
      %dma_start3A_131 = arith.constant 0 : i32
      %dma_start3A_132 = arith.constant 0 : i32
      %dma_start3A_133 = tpu.memref_slice %arg2[%dma_start3A_131, %dma_start3A_132] : memref<10000x128xf32, #tpu.memory_space<hbm>> -> memref<10000x128xf32, #tpu.memory_space<hbm>>
      tpu.enqueue_indirect_dma source(%dma_start3A_133 : memref<10000x128xf32, #tpu.memory_space<hbm>>) target(%dma_start3A_123 : memref<128x128xf32, #tpu.memory_space<vmem>>) offsets(%dma_start3A_130 : memref<128xi32, #tpu.memory_space<vmem>>) semaphore(%arg17 : memref<!tpu.dma_semaphore, #tpu.memory_space<semaphore_mem>>)
      %scan3A_134 = arith.constant 0 : i32
      %scan3A_135 = arith.constant 0 : i32
      %scan3A_136 = arith.constant 160 : i32
      %scan3A_137 = arith.addi %scan3A_135, %scan3A_136 : i32
      %scan3A_138 = arith.constant 1 : i32
      scf.for %scan3A_140 = %scan3A_135 to %scan3A_137 step %scan3A_138  : i32 {
        %div3A = arith.constant 16 : i32
        %div3A_141 = arith.divsi %scan3A_140, %div3A : i32
        %rem3A_142 = arith.constant 16 : i32
        %rem3A_143 = arith.remsi %scan3A_140, %rem3A_142 : i32
        %rem3A_144 = arith.constant 2 : i32
        %rem3A_145 = arith.remsi %div3A_141, %rem3A_144 : i32
        %rem3A_146 = arith.constant 2 : i32
        %rem3A_147 = arith.remsi %scan3A_140, %rem3A_146 : i32
        %dma_wait3A_148 = arith.constant 0 : i32
        %dma_wait3A_149 = arith.constant 0 : i32
        %dma_wait3A_150 = arith.constant 0 : i32
        %dma_wait3A_151 = tpu.memref_slice %arg14[%dma_wait3A_148, %dma_wait3A_149, %dma_wait3A_150] : memref<2x128x128xf32, #tpu.memory_space<vmem>> -> memref<1x128x128xf32, #tpu.memory_space<vmem>>
        %dma_wait3A_152 = tpu.memref_squeeze %dma_wait3A_151 : memref<1x128x128xf32, #tpu.memory_space<vmem>> -> memref<128x128xf32, #tpu.memory_space<vmem>>
        %dma_wait3A_153 = arith.constant 0 : i32
        %dma_wait3A_154 = arith.constant 0 : i32
        %dma_wait3A_155 = tpu.memref_slice %arg2[%dma_wait3A_153, %dma_wait3A_154] : memref<10000x128xf32, #tpu.memory_space<hbm>> -> memref<128x128xf32, #tpu.memory_space<hbm>>
        %dma_wait3A_156 = arith.constant 0 : i32
        %dma_wait3A_157 = arith.constant 0 : i32
        %dma_wait3A_158 = tpu.memref_slice %arg14[%dma_wait3A_148, %dma_wait3A_156, %dma_wait3A_157] : memref<2x128x128xf32, #tpu.memory_space<vmem>> -> memref<1x128x128xf32, #tpu.memory_space<vmem>>
        %dma_wait3A_159 = tpu.memref_squeeze %dma_wait3A_158 : memref<1x128x128xf32, #tpu.memory_space<vmem>> -> memref<128x128xf32, #tpu.memory_space<vmem>>
        %dma_wait3A_160 = arith.constant 0 : i32
        %dma_wait3A_161 = arith.constant 0 : i32
        %dma_wait3A_162 = tpu.memref_slice %arg2[%dma_wait3A_160, %dma_wait3A_161] : memref<10000x128xf32, #tpu.memory_space<hbm>> -> memref<128x128xf32, #tpu.memory_space<hbm>>
        tpu.wait_dma2 semaphore(%arg17 : memref<!tpu.dma_semaphore, #tpu.memory_space<semaphore_mem>>) src(%dma_wait3A_162 : memref<128x128xf32, #tpu.memory_space<hbm>>) dst(%dma_wait3A_159 : memref<128x128xf32, #tpu.memory_space<vmem>>)
        "tpu.region"() ({
          %run_scoped3A = tpu.sem_alloc : memref<!tpu.dma_semaphore, #tpu.memory_space<semaphore_mem>>
          %dma_start3A_187 = arith.constant 0 : i32
          %dma_start3A_188 = arith.constant 0 : i32
          %dma_start3A_189 = tpu.memref_slice %arg14[%rem3A_147, %dma_start3A_187, %dma_start3A_188] : memref<2x128x128xf32, #tpu.memory_space<vmem>> -> memref<1x128x128xf32, #tpu.memory_space<vmem>>
          %dma_start3A_190 = tpu.memref_squeeze %dma_start3A_189 : memref<1x128x128xf32, #tpu.memory_space<vmem>> -> memref<128x128xf32, #tpu.memory_space<vmem>>
          %dma_start3A_191 = arith.constant 0 : i32
          %dma_start3A_192 = arith.constant 0 : i32
          %dma_start3A_193 = tpu.memref_slice %arg13[%rem3A_145, %dma_start3A_191, %dma_start3A_192] : memref<2x16x128xi32, #tpu.memory_space<vmem>> -> memref<1x16x128xi32, #tpu.memory_space<vmem>>
          %dma_start3A_194 = tpu.memref_squeeze %dma_start3A_193 : memref<1x16x128xi32, #tpu.memory_space<vmem>> -> memref<16x128xi32, #tpu.memory_space<vmem>>
          %dma_start3A_195 = arith.constant 0 : i32
          %dma_start3A_196 = tpu.memref_slice %dma_start3A_194[%rem3A_143, %dma_start3A_195] : memref<16x128xi32, #tpu.memory_space<vmem>> -> memref<1x128xi32, #tpu.memory_space<vmem>>
          %dma_start3A_197 = tpu.memref_squeeze %dma_start3A_196 : memref<1x128xi32, #tpu.memory_space<vmem>> -> memref<128xi32, #tpu.memory_space<vmem>>
          %dma_start3A_198 = arith.constant 0 : i32
          %dma_start3A_199 = arith.constant 0 : i32
          %dma_start3A_200 = tpu.memref_slice %arg15[%dma_start3A_198, %dma_start3A_199] : memref<10016x128xf32, #tpu.memory_space<vmem_shared>> -> memref<10016x128xf32, #tpu.memory_space<vmem_shared>>
          tpu.enqueue_indirect_dma source(%dma_start3A_190 : memref<128x128xf32, #tpu.memory_space<vmem>>) target(%dma_start3A_200 : memref<10016x128xf32, #tpu.memory_space<vmem_shared>>) offsets(%dma_start3A_197 : memref<128xi32, #tpu.memory_space<vmem>>) semaphore(%run_scoped3A : memref<!tpu.dma_semaphore, #tpu.memory_space<semaphore_mem>>) {add = true}
          %dma_wait3A_201 = arith.constant 0 : i32
          %dma_wait3A_202 = arith.constant 0 : i32
          %dma_wait3A_203 = tpu.memref_slice %arg14[%rem3A_147, %dma_wait3A_201, %dma_wait3A_202] : memref<2x128x128xf32, #tpu.memory_space<vmem>> -> memref<1x128x128xf32, #tpu.memory_space<vmem>>
          %dma_wait3A_204 = tpu.memref_squeeze %dma_wait3A_203 : memref<1x128x128xf32, #tpu.memory_space<vmem>> -> memref<128x128xf32, #tpu.memory_space<vmem>>
          %dma_wait3A_205 = arith.constant 0 : i32
          %dma_wait3A_206 = arith.constant 0 : i32
          %dma_wait3A_207 = tpu.memref_slice %arg13[%rem3A_145, %dma_wait3A_205, %dma_wait3A_206] : memref<2x16x128xi32, #tpu.memory_space<vmem>> -> memref<1x16x128xi32, #tpu.memory_space<vmem>>
          %dma_wait3A_208 = tpu.memref_squeeze %dma_wait3A_207 : memref<1x16x128xi32, #tpu.memory_space<vmem>> -> memref<16x128xi32, #tpu.memory_space<vmem>>
          %dma_wait3A_209 = arith.constant 0 : i32
          %dma_wait3A_210 = tpu.memref_slice %dma_wait3A_208[%rem3A_143, %dma_wait3A_209] : memref<16x128xi32, #tpu.memory_space<vmem>> -> memref<1x128xi32, #tpu.memory_space<vmem>>
          %dma_wait3A_211 = tpu.memref_squeeze %dma_wait3A_210 : memref<1x128xi32, #tpu.memory_space<vmem>> -> memref<128xi32, #tpu.memory_space<vmem>>
          %dma_wait3A_212 = arith.constant 0 : i32
          %dma_wait3A_213 = arith.constant 0 : i32
          %dma_wait3A_214 = tpu.memref_slice %arg15[%dma_wait3A_212, %dma_wait3A_213] : memref<10016x128xf32, #tpu.memory_space<vmem_shared>> -> memref<10016x128xf32, #tpu.memory_space<vmem_shared>>
          tpu.wait_indirect_dma semaphore(%run_scoped3A : memref<!tpu.dma_semaphore, #tpu.memory_space<semaphore_mem>>) src(%dma_wait3A_204 : memref<128x128xf32, #tpu.memory_space<vmem>>) dst(%dma_wait3A_214 : memref<10016x128xf32, #tpu.memory_space<vmem_shared>>)
          tpu.yield
        }) : () -> ()
        %eq3A_163 = arith.constant 14 : i32
        %eq3A_164 = arith.cmpi eq, %rem3A_143, %eq3A_163 : i32
        %add3A = arith.constant 1 : i32
        %add3A_165 = arith.addi %div3A_141, %add3A : i32
        %lt3A = arith.constant 10 : i32
        %lt3A_166 = arith.cmpi slt, %add3A_165, %lt3A : i32
        %and3A = arith.andi %eq3A_164, %lt3A_166 : i1
        %convert_element_type3A_167 = arith.extui %and3A : i1 to i32
        %cond3A_168 = arith.constant 0 : i32
        %cond3A_169 = arith.cmpi ne, %convert_element_type3A_167, %cond3A_168 : i32
        scf.if %cond3A_169 {
          %dma_wait3A_187 = arith.constant 0 : i32
          %dma_wait3A_188 = arith.constant 0 : i32
          %dma_wait3A_189 = arith.constant 0 : i32
          %dma_wait3A_190 = arith.constant 0 : i32
          %dma_wait3A_191 = tpu.memref_slice %arg12[%dma_wait3A_188, %dma_wait3A_189, %dma_wait3A_190] : memref<2x16x128xi32, #tpu.memory_space<vmem>> -> memref<1x16x128xi32, #tpu.memory_space<vmem>>
          %dma_wait3A_192 = tpu.memref_squeeze %dma_wait3A_191 : memref<1x16x128xi32, #tpu.memory_space<vmem>> -> memref<16x128xi32, #tpu.memory_space<vmem>>
          %dma_wait3A_193 = arith.constant 0 : i32
          %dma_wait3A_194 = tpu.memref_slice %arg11[%dma_wait3A_187, %dma_wait3A_193] : memref<10x16xi32, #tpu.memory_space<vmem>> -> memref<1x16xi32, #tpu.memory_space<vmem>>
          %dma_wait3A_195 = tpu.memref_squeeze %dma_wait3A_194 : memref<1x16xi32, #tpu.memory_space<vmem>> -> memref<16xi32, #tpu.memory_space<vmem>>
          %dma_wait3A_196 = arith.constant 0 : i32
          %dma_wait3A_197 = arith.constant 0 : i32
          %dma_wait3A_198 = tpu.memref_slice %arg4[%dma_wait3A_196, %dma_wait3A_197] : memref<2560x128xi32, #tpu.memory_space<hbm>> -> memref<2560x128xi32, #tpu.memory_space<hbm>>
          tpu.wait_indirect_dma semaphore(%arg16 : memref<!tpu.dma_semaphore, #tpu.memory_space<semaphore_mem>>) src(%dma_wait3A_198 : memref<2560x128xi32, #tpu.memory_space<hbm>>) dst(%dma_wait3A_192 : memref<16x128xi32, #tpu.memory_space<vmem>>)
          %dma_wait3A_199 = arith.constant 0 : i32
          %dma_wait3A_200 = arith.constant 0 : i32
          %dma_wait3A_201 = arith.constant 0 : i32
          %dma_wait3A_202 = arith.constant 0 : i32
          %dma_wait3A_203 = tpu.memref_slice %arg13[%dma_wait3A_200, %dma_wait3A_201, %dma_wait3A_202] : memref<2x16x128xi32, #tpu.memory_space<vmem>> -> memref<1x16x128xi32, #tpu.memory_space<vmem>>
          %dma_wait3A_204 = tpu.memref_squeeze %dma_wait3A_203 : memref<1x16x128xi32, #tpu.memory_space<vmem>> -> memref<16x128xi32, #tpu.memory_space<vmem>>
          %dma_wait3A_205 = arith.constant 0 : i32
          %dma_wait3A_206 = tpu.memref_slice %arg11[%dma_wait3A_199, %dma_wait3A_205] : memref<10x16xi32, #tpu.memory_space<vmem>> -> memref<1x16xi32, #tpu.memory_space<vmem>>
          %dma_wait3A_207 = tpu.memref_squeeze %dma_wait3A_206 : memref<1x16xi32, #tpu.memory_space<vmem>> -> memref<16xi32, #tpu.memory_space<vmem>>
          %dma_wait3A_208 = arith.constant 0 : i32
          %dma_wait3A_209 = arith.constant 0 : i32
          %dma_wait3A_210 = tpu.memref_slice %arg5[%dma_wait3A_208, %dma_wait3A_209] : memref<2560x128xi32, #tpu.memory_space<hbm>> -> memref<2560x128xi32, #tpu.memory_space<hbm>>
          tpu.wait_indirect_dma semaphore(%arg16 : memref<!tpu.dma_semaphore, #tpu.memory_space<semaphore_mem>>) src(%dma_wait3A_210 : memref<2560x128xi32, #tpu.memory_space<hbm>>) dst(%dma_wait3A_204 : memref<16x128xi32, #tpu.memory_space<vmem>>)
        } else {
        }
        %add3A_170 = arith.constant 2 : i32
        %add3A_171 = arith.addi %scan3A_140, %add3A_170 : i32
        %lt3A_172 = arith.constant 160 : i32
        %lt3A_173 = arith.cmpi slt, %add3A_171, %lt3A_172 : i32
        %convert_element_type3A_174 = arith.extui %lt3A_173 : i1 to i32
        %cond3A_175 = arith.constant 0 : i32
        %cond3A_176 = arith.cmpi ne, %convert_element_type3A_174, %cond3A_175 : i32
        scf.if %cond3A_176 {
          %div3A_187 = arith.constant 16 : i32
          %div3A_188 = arith.divsi %add3A_171, %div3A_187 : i32
          %rem3A_189 = arith.constant 2 : i32
          %rem3A_190 = arith.remsi %div3A_188, %rem3A_189 : i32
          %rem3A_191 = arith.constant 16 : i32
          %rem3A_192 = arith.remsi %add3A_171, %rem3A_191 : i32
          %dma_start3A_193 = arith.constant 0 : i32
          %dma_start3A_194 = arith.constant 0 : i32
          %dma_start3A_195 = tpu.memref_slice %arg14[%rem3A_147, %dma_start3A_193, %dma_start3A_194] : memref<2x128x128xf32, #tpu.memory_space<vmem>> -> memref<1x128x128xf32, #tpu.memory_space<vmem>>
          %dma_start3A_196 = tpu.memref_squeeze %dma_start3A_195 : memref<1x128x128xf32, #tpu.memory_space<vmem>> -> memref<128x128xf32, #tpu.memory_space<vmem>>
          %dma_start3A_197 = arith.constant 0 : i32
          %dma_start3A_198 = arith.constant 0 : i32
          %dma_start3A_199 = tpu.memref_slice %arg12[%rem3A_190, %dma_start3A_197, %dma_start3A_198] : memref<2x16x128xi32, #tpu.memory_space<vmem>> -> memref<1x16x128xi32, #tpu.memory_space<vmem>>
          %dma_start3A_200 = tpu.memref_squeeze %dma_start3A_199 : memref<1x16x128xi32, #tpu.memory_space<vmem>> -> memref<16x128xi32, #tpu.memory_space<vmem>>
          %dma_start3A_201 = arith.constant 0 : i32
          %dma_start3A_202 = tpu.memref_slice %dma_start3A_200[%rem3A_192, %dma_start3A_201] : memref<16x128xi32, #tpu.memory_space<vmem>> -> memref<1x128xi32, #tpu.memory_space<vmem>>
          %dma_start3A_203 = tpu.memref_squeeze %dma_start3A_202 : memref<1x128xi32, #tpu.memory_space<vmem>> -> memref<128xi32, #tpu.memory_space<vmem>>
          %dma_start3A_204 = arith.constant 0 : i32
          %dma_start3A_205 = arith.constant 0 : i32
          %dma_start3A_206 = tpu.memref_slice %arg2[%dma_start3A_204, %dma_start3A_205] : memref<10000x128xf32, #tpu.memory_space<hbm>> -> memref<10000x128xf32, #tpu.memory_space<hbm>>
          tpu.enqueue_indirect_dma source(%dma_start3A_206 : memref<10000x128xf32, #tpu.memory_space<hbm>>) target(%dma_start3A_196 : memref<128x128xf32, #tpu.memory_space<vmem>>) offsets(%dma_start3A_203 : memref<128xi32, #tpu.memory_space<vmem>>) semaphore(%arg17 : memref<!tpu.dma_semaphore, #tpu.memory_space<semaphore_mem>>)
        } else {
        }
        %eq3A_177 = arith.constant 15 : i32
        %eq3A_178 = arith.cmpi eq, %rem3A_143, %eq3A_177 : i32
        %add3A_179 = arith.constant 2 : i32
        %add3A_180 = arith.addi %div3A_141, %add3A_179 : i32
        %lt3A_181 = arith.constant 10 : i32
        %lt3A_182 = arith.cmpi slt, %add3A_180, %lt3A_181 : i32
        %and3A_183 = arith.andi %eq3A_178, %lt3A_182 : i1
        %convert_element_type3A_184 = arith.extui %and3A_183 : i1 to i32
        %cond3A_185 = arith.constant 0 : i32
        %cond3A_186 = arith.cmpi ne, %convert_element_type3A_184, %cond3A_185 : i32
        scf.if %cond3A_186 {
          %add3A_187 = arith.constant 2 : i32
          %add3A_188 = arith.addi %div3A_141, %add3A_187 : i32
          %rem3A_189 = arith.constant 2 : i32
          %rem3A_190 = arith.remsi %add3A_188, %rem3A_189 : i32
          %dma_start3A_191 = arith.constant 0 : i32
          %dma_start3A_192 = arith.constant 0 : i32
          %dma_start3A_193 = tpu.memref_slice %arg12[%rem3A_190, %dma_start3A_191, %dma_start3A_192] : memref<2x16x128xi32, #tpu.memory_space<vmem>> -> memref<1x16x128xi32, #tpu.memory_space<vmem>>
          %dma_start3A_194 = tpu.memref_squeeze %dma_start3A_193 : memref<1x16x128xi32, #tpu.memory_space<vmem>> -> memref<16x128xi32, #tpu.memory_space<vmem>>
          %dma_start3A_195 = arith.constant 0 : i32
          %dma_start3A_196 = tpu.memref_slice %arg11[%add3A_188, %dma_start3A_195] : memref<10x16xi32, #tpu.memory_space<vmem>> -> memref<1x16xi32, #tpu.memory_space<vmem>>
          %dma_start3A_197 = tpu.memref_squeeze %dma_start3A_196 : memref<1x16xi32, #tpu.memory_space<vmem>> -> memref<16xi32, #tpu.memory_space<vmem>>
          %dma_start3A_198 = arith.constant 0 : i32
          %dma_start3A_199 = arith.constant 0 : i32
          %dma_start3A_200 = tpu.memref_slice %arg4[%dma_start3A_198, %dma_start3A_199] : memref<2560x128xi32, #tpu.memory_space<hbm>> -> memref<2560x128xi32, #tpu.memory_space<hbm>>
          tpu.enqueue_indirect_dma source(%dma_start3A_200 : memref<2560x128xi32, #tpu.memory_space<hbm>>) target(%dma_start3A_194 : memref<16x128xi32, #tpu.memory_space<vmem>>) offsets(%dma_start3A_197 : memref<16xi32, #tpu.memory_space<vmem>>) semaphore(%arg16 : memref<!tpu.dma_semaphore, #tpu.memory_space<semaphore_mem>>)
          %dma_start3A_201 = arith.constant 0 : i32
          %dma_start3A_202 = arith.constant 0 : i32
          %dma_start3A_203 = tpu.memref_slice %arg13[%rem3A_190, %dma_start3A_201, %dma_start3A_202] : memref<2x16x128xi32, #tpu.memory_space<vmem>> -> memref<1x16x128xi32, #tpu.memory_space<vmem>>
          %dma_start3A_204 = tpu.memref_squeeze %dma_start3A_203 : memref<1x16x128xi32, #tpu.memory_space<vmem>> -> memref<16x128xi32, #tpu.memory_space<vmem>>
          %dma_start3A_205 = arith.constant 0 : i32
          %dma_start3A_206 = tpu.memref_slice %arg11[%add3A_188, %dma_start3A_205] : memref<10x16xi32, #tpu.memory_space<vmem>> -> memref<1x16xi32, #tpu.memory_space<vmem>>
          %dma_start3A_207 = tpu.memref_squeeze %dma_start3A_206 : memref<1x16xi32, #tpu.memory_space<vmem>> -> memref<16xi32, #tpu.memory_space<vmem>>
          %dma_start3A_208 = arith.constant 0 : i32
          %dma_start3A_209 = arith.constant 0 : i32
          %dma_start3A_210 = tpu.memref_slice %arg5[%dma_start3A_208, %dma_start3A_209] : memref<2560x128xi32, #tpu.memory_space<hbm>> -> memref<2560x128xi32, #tpu.memory_space<hbm>>
          tpu.enqueue_indirect_dma source(%dma_start3A_210 : memref<2560x128xi32, #tpu.memory_space<hbm>>) target(%dma_start3A_204 : memref<16x128xi32, #tpu.memory_space<vmem>>) offsets(%dma_start3A_207 : memref<16xi32, #tpu.memory_space<vmem>>) semaphore(%arg16 : memref<!tpu.dma_semaphore, #tpu.memory_space<semaphore_mem>>)
        } else {
        }
      }
      %scan3A_139 = arith.constant 160 : i32
    } else {
    }
    %eq3A_8 = arith.constant 1 : i32
    %eq3A_9 = arith.cmpi eq, %arg0, %eq3A_8 : i32
    %convert_element_type3A_10 = arith.extui %eq3A_9 : i1 to i32
    %cond3A_11 = arith.constant 0 : i32
    %cond3A_12 = arith.cmpi ne, %convert_element_type3A_10, %cond3A_11 : i32
    scf.if %cond3A_12 {
      %scan3A = arith.constant 0 : i32
      %scan3A_24 = arith.constant 0 : i32
      %scan3A_25 = arith.constant 10 : i32
      %scan3A_26 = arith.addi %scan3A_24, %scan3A_25 : i32
      %scan3A_27 = arith.constant 1 : i32
      scf.for %scan3A_140 = %scan3A_24 to %scan3A_26 step %scan3A_27  : i32 {
        %mul3A_141 = arith.constant 160 : i32
        %mul3A_142 = arith.muli %arg1, %mul3A_141 : i32
        %mul3A_143 = arith.constant 16 : i32
        %mul3A_144 = arith.muli %scan3A_140, %mul3A_143 : i32
        %add3A = arith.addi %mul3A_142, %mul3A_144 : i32
        %iota3A = tpu.iota {dimensions = array<i32: 0>} : vector<16xi32>
        %add3A_145 = vector.broadcast %add3A : i32 to vector<16xi32>
        %add3A_146 = arith.addi %add3A_145, %iota3A : vector<16xi32>
        %swap3A = arith.index_cast %scan3A_140 : i32 to index
        %swap3A_147 = arith.constant 0 : index
        %swap3A_148 = tpu.vector_load %arg11[%swap3A, %swap3A_147] {strides = array<i32>} : memref<10x16xi32, #tpu.memory_space<vmem>>, vector<1x16xi32>,
        %swap3A_149 = vector.shape_cast %swap3A_148 : vector<1x16xi32> to vector<16xi32>
        %swap3A_150 = vector.shape_cast %add3A_146 : vector<16xi32> to vector<1x16xi32>
        tpu.vector_store %arg11[%swap3A, %swap3A_147], %swap3A_150 {strides = array<i32>} : memref<10x16xi32, #tpu.memory_space<vmem>>, vector<1x16xi32>,
      }
      %scan3A_28 = arith.constant 10 : i32
      %rem3A = arith.constant 0 : i32
      %rem3A_29 = arith.constant 2 : i32
      %rem3A_30 = arith.remsi %rem3A, %rem3A_29 : i32
      %dma_start3A = arith.constant 0 : i32
      %dma_start3A_31 = arith.constant 0 : i32
      %dma_start3A_32 = arith.constant 0 : i32
      %dma_start3A_33 = tpu.memref_slice %arg12[%rem3A_30, %dma_start3A_31, %dma_start3A_32] : memref<2x16x128xi32, #tpu.memory_space<vmem>> -> memref<1x16x128xi32, #tpu.memory_space<vmem>>
      %dma_start3A_34 = tpu.memref_squeeze %dma_start3A_33 : memref<1x16x128xi32, #tpu.memory_space<vmem>> -> memref<16x128xi32, #tpu.memory_space<vmem>>
      %dma_start3A_35 = arith.constant 0 : i32
      %dma_start3A_36 = tpu.memref_slice %arg11[%dma_start3A, %dma_start3A_35] : memref<10x16xi32, #tpu.memory_space<vmem>> -> memref<1x16xi32, #tpu.memory_space<vmem>>
      %dma_start3A_37 = tpu.memref_squeeze %dma_start3A_36 : memref<1x16xi32, #tpu.memory_space<vmem>> -> memref<16xi32, #tpu.memory_space<vmem>>
      %dma_start3A_38 = arith.constant 0 : i32
      %dma_start3A_39 = arith.constant 0 : i32
      %dma_start3A_40 = tpu.memref_slice %arg6[%dma_start3A_38, %dma_start3A_39] : memref<2560x128xi32, #tpu.memory_space<hbm>> -> memref<2560x128xi32, #tpu.memory_space<hbm>>
      tpu.enqueue_indirect_dma source(%dma_start3A_40 : memref<2560x128xi32, #tpu.memory_space<hbm>>) target(%dma_start3A_34 : memref<16x128xi32, #tpu.memory_space<vmem>>) offsets(%dma_start3A_37 : memref<16xi32, #tpu.memory_space<vmem>>) semaphore(%arg16 : memref<!tpu.dma_semaphore, #tpu.memory_space<semaphore_mem>>)
      %dma_start3A_41 = arith.constant 0 : i32
      %dma_start3A_42 = arith.constant 0 : i32
      %dma_start3A_43 = arith.constant 0 : i32
      %dma_start3A_44 = tpu.memref_slice %arg13[%rem3A_30, %dma_start3A_42, %dma_start3A_43] : memref<2x16x128xi32, #tpu.memory_space<vmem>> -> memref<1x16x128xi32, #tpu.memory_space<vmem>>
      %dma_start3A_45 = tpu.memref_squeeze %dma_start3A_44 : memref<1x16x128xi32, #tpu.memory_space<vmem>> -> memref<16x128xi32, #tpu.memory_space<vmem>>
      %dma_start3A_46 = arith.constant 0 : i32
      %dma_start3A_47 = tpu.memref_slice %arg11[%dma_start3A_41, %dma_start3A_46] : memref<10x16xi32, #tpu.memory_space<vmem>> -> memref<1x16xi32, #tpu.memory_space<vmem>>
      %dma_start3A_48 = tpu.memref_squeeze %dma_start3A_47 : memref<1x16xi32, #tpu.memory_space<vmem>> -> memref<16xi32, #tpu.memory_space<vmem>>
      %dma_start3A_49 = arith.constant 0 : i32
      %dma_start3A_50 = arith.constant 0 : i32
      %dma_start3A_51 = tpu.memref_slice %arg7[%dma_start3A_49, %dma_start3A_50] : memref<2560x128xi32, #tpu.memory_space<hbm>> -> memref<2560x128xi32, #tpu.memory_space<hbm>>
      tpu.enqueue_indirect_dma source(%dma_start3A_51 : memref<2560x128xi32, #tpu.memory_space<hbm>>) target(%dma_start3A_45 : memref<16x128xi32, #tpu.memory_space<vmem>>) offsets(%dma_start3A_48 : memref<16xi32, #tpu.memory_space<vmem>>) semaphore(%arg16 : memref<!tpu.dma_semaphore, #tpu.memory_space<semaphore_mem>>)
      %dma_wait3A = arith.constant 0 : i32
      %dma_wait3A_52 = arith.constant 0 : i32
      %dma_wait3A_53 = arith.constant 0 : i32
      %dma_wait3A_54 = arith.constant 0 : i32
      %dma_wait3A_55 = tpu.memref_slice %arg12[%dma_wait3A_52, %dma_wait3A_53, %dma_wait3A_54] : memref<2x16x128xi32, #tpu.memory_space<vmem>> -> memref<1x16x128xi32, #tpu.memory_space<vmem>>
      %dma_wait3A_56 = tpu.memref_squeeze %dma_wait3A_55 : memref<1x16x128xi32, #tpu.memory_space<vmem>> -> memref<16x128xi32, #tpu.memory_space<vmem>>
      %dma_wait3A_57 = arith.constant 0 : i32
      %dma_wait3A_58 = tpu.memref_slice %arg11[%dma_wait3A, %dma_wait3A_57] : memref<10x16xi32, #tpu.memory_space<vmem>> -> memref<1x16xi32, #tpu.memory_space<vmem>>
      %dma_wait3A_59 = tpu.memref_squeeze %dma_wait3A_58 : memref<1x16xi32, #tpu.memory_space<vmem>> -> memref<16xi32, #tpu.memory_space<vmem>>
      %dma_wait3A_60 = arith.constant 0 : i32
      %dma_wait3A_61 = arith.constant 0 : i32
      %dma_wait3A_62 = tpu.memref_slice %arg6[%dma_wait3A_60, %dma_wait3A_61] : memref<2560x128xi32, #tpu.memory_space<hbm>> -> memref<2560x128xi32, #tpu.memory_space<hbm>>
      tpu.wait_indirect_dma semaphore(%arg16 : memref<!tpu.dma_semaphore, #tpu.memory_space<semaphore_mem>>) src(%dma_wait3A_62 : memref<2560x128xi32, #tpu.memory_space<hbm>>) dst(%dma_wait3A_56 : memref<16x128xi32, #tpu.memory_space<vmem>>)
      %dma_wait3A_63 = arith.constant 0 : i32
      %dma_wait3A_64 = arith.constant 0 : i32
      %dma_wait3A_65 = arith.constant 0 : i32
      %dma_wait3A_66 = arith.constant 0 : i32
      %dma_wait3A_67 = tpu.memref_slice %arg13[%dma_wait3A_64, %dma_wait3A_65, %dma_wait3A_66] : memref<2x16x128xi32, #tpu.memory_space<vmem>> -> memref<1x16x128xi32, #tpu.memory_space<vmem>>
      %dma_wait3A_68 = tpu.memref_squeeze %dma_wait3A_67 : memref<1x16x128xi32, #tpu.memory_space<vmem>> -> memref<16x128xi32, #tpu.memory_space<vmem>>
      %dma_wait3A_69 = arith.constant 0 : i32
      %dma_wait3A_70 = tpu.memref_slice %arg11[%dma_wait3A_63, %dma_wait3A_69] : memref<10x16xi32, #tpu.memory_space<vmem>> -> memref<1x16xi32, #tpu.memory_space<vmem>>
      %dma_wait3A_71 = tpu.memref_squeeze %dma_wait3A_70 : memref<1x16xi32, #tpu.memory_space<vmem>> -> memref<16xi32, #tpu.memory_space<vmem>>
      %dma_wait3A_72 = arith.constant 0 : i32
      %dma_wait3A_73 = arith.constant 0 : i32
      %dma_wait3A_74 = tpu.memref_slice %arg7[%dma_wait3A_72, %dma_wait3A_73] : memref<2560x128xi32, #tpu.memory_space<hbm>> -> memref<2560x128xi32, #tpu.memory_space<hbm>>
      tpu.wait_indirect_dma semaphore(%arg16 : memref<!tpu.dma_semaphore, #tpu.memory_space<semaphore_mem>>) src(%dma_wait3A_74 : memref<2560x128xi32, #tpu.memory_space<hbm>>) dst(%dma_wait3A_68 : memref<16x128xi32, #tpu.memory_space<vmem>>)
      %rem3A_75 = arith.constant 1 : i32
      %rem3A_76 = arith.constant 2 : i32
      %rem3A_77 = arith.remsi %rem3A_75, %rem3A_76 : i32
      %dma_start3A_78 = arith.constant 1 : i32
      %dma_start3A_79 = arith.constant 0 : i32
      %dma_start3A_80 = arith.constant 0 : i32
      %dma_start3A_81 = tpu.memref_slice %arg12[%rem3A_77, %dma_start3A_79, %dma_start3A_80] : memref<2x16x128xi32, #tpu.memory_space<vmem>> -> memref<1x16x128xi32, #tpu.memory_space<vmem>>
      %dma_start3A_82 = tpu.memref_squeeze %dma_start3A_81 : memref<1x16x128xi32, #tpu.memory_space<vmem>> -> memref<16x128xi32, #tpu.memory_space<vmem>>
      %dma_start3A_83 = arith.constant 0 : i32
      %dma_start3A_84 = tpu.memref_slice %arg11[%dma_start3A_78, %dma_start3A_83] : memref<10x16xi32, #tpu.memory_space<vmem>> -> memref<1x16xi32, #tpu.memory_space<vmem>>
      %dma_start3A_85 = tpu.memref_squeeze %dma_start3A_84 : memref<1x16xi32, #tpu.memory_space<vmem>> -> memref<16xi32, #tpu.memory_space<vmem>>
      %dma_start3A_86 = arith.constant 0 : i32
      %dma_start3A_87 = arith.constant 0 : i32
      %dma_start3A_88 = tpu.memref_slice %arg6[%dma_start3A_86, %dma_start3A_87] : memref<2560x128xi32, #tpu.memory_space<hbm>> -> memref<2560x128xi32, #tpu.memory_space<hbm>>
      tpu.enqueue_indirect_dma source(%dma_start3A_88 : memref<2560x128xi32, #tpu.memory_space<hbm>>) target(%dma_start3A_82 : memref<16x128xi32, #tpu.memory_space<vmem>>) offsets(%dma_start3A_85 : memref<16xi32, #tpu.memory_space<vmem>>) semaphore(%arg16 : memref<!tpu.dma_semaphore, #tpu.memory_space<semaphore_mem>>)
      %dma_start3A_89 = arith.constant 1 : i32
      %dma_start3A_90 = arith.constant 0 : i32
      %dma_start3A_91 = arith.constant 0 : i32
      %dma_start3A_92 = tpu.memref_slice %arg13[%rem3A_77, %dma_start3A_90, %dma_start3A_91] : memref<2x16x128xi32, #tpu.memory_space<vmem>> -> memref<1x16x128xi32, #tpu.memory_space<vmem>>
      %dma_start3A_93 = tpu.memref_squeeze %dma_start3A_92 : memref<1x16x128xi32, #tpu.memory_space<vmem>> -> memref<16x128xi32, #tpu.memory_space<vmem>>
      %dma_start3A_94 = arith.constant 0 : i32
      %dma_start3A_95 = tpu.memref_slice %arg11[%dma_start3A_89, %dma_start3A_94] : memref<10x16xi32, #tpu.memory_space<vmem>> -> memref<1x16xi32, #tpu.memory_space<vmem>>
      %dma_start3A_96 = tpu.memref_squeeze %dma_start3A_95 : memref<1x16xi32, #tpu.memory_space<vmem>> -> memref<16xi32, #tpu.memory_space<vmem>>
      %dma_start3A_97 = arith.constant 0 : i32
      %dma_start3A_98 = arith.constant 0 : i32
      %dma_start3A_99 = tpu.memref_slice %arg7[%dma_start3A_97, %dma_start3A_98] : memref<2560x128xi32, #tpu.memory_space<hbm>> -> memref<2560x128xi32, #tpu.memory_space<hbm>>
      tpu.enqueue_indirect_dma source(%dma_start3A_99 : memref<2560x128xi32, #tpu.memory_space<hbm>>) target(%dma_start3A_93 : memref<16x128xi32, #tpu.memory_space<vmem>>) offsets(%dma_start3A_96 : memref<16xi32, #tpu.memory_space<vmem>>) semaphore(%arg16 : memref<!tpu.dma_semaphore, #tpu.memory_space<semaphore_mem>>)
      %dma_start3A_100 = arith.constant 0 : i32
      %dma_start3A_101 = arith.constant 0 : i32
      %dma_start3A_102 = arith.constant 0 : i32
      %dma_start3A_103 = arith.constant 0 : i32
      %dma_start3A_104 = arith.constant 0 : i32
      %dma_start3A_105 = tpu.memref_slice %arg14[%dma_start3A_102, %dma_start3A_103, %dma_start3A_104] : memref<2x128x128xf32, #tpu.memory_space<vmem>> -> memref<1x128x128xf32, #tpu.memory_space<vmem>>
      %dma_start3A_106 = tpu.memref_squeeze %dma_start3A_105 : memref<1x128x128xf32, #tpu.memory_space<vmem>> -> memref<128x128xf32, #tpu.memory_space<vmem>>
      %dma_start3A_107 = arith.constant 0 : i32
      %dma_start3A_108 = arith.constant 0 : i32
      %dma_start3A_109 = tpu.memref_slice %arg12[%dma_start3A_100, %dma_start3A_107, %dma_start3A_108] : memref<2x16x128xi32, #tpu.memory_space<vmem>> -> memref<1x16x128xi32, #tpu.memory_space<vmem>>
      %dma_start3A_110 = tpu.memref_squeeze %dma_start3A_109 : memref<1x16x128xi32, #tpu.memory_space<vmem>> -> memref<16x128xi32, #tpu.memory_space<vmem>>
      %dma_start3A_111 = arith.constant 0 : i32
      %dma_start3A_112 = tpu.memref_slice %dma_start3A_110[%dma_start3A_101, %dma_start3A_111] : memref<16x128xi32, #tpu.memory_space<vmem>> -> memref<1x128xi32, #tpu.memory_space<vmem>>
      %dma_start3A_113 = tpu.memref_squeeze %dma_start3A_112 : memref<1x128xi32, #tpu.memory_space<vmem>> -> memref<128xi32, #tpu.memory_space<vmem>>
      %dma_start3A_114 = arith.constant 0 : i32
      %dma_start3A_115 = arith.constant 0 : i32
      %dma_start3A_116 = tpu.memref_slice %arg3[%dma_start3A_114, %dma_start3A_115] : memref<10000x128xf32, #tpu.memory_space<hbm>> -> memref<10000x128xf32, #tpu.memory_space<hbm>>
      tpu.enqueue_indirect_dma source(%dma_start3A_116 : memref<10000x128xf32, #tpu.memory_space<hbm>>) target(%dma_start3A_106 : memref<128x128xf32, #tpu.memory_space<vmem>>) offsets(%dma_start3A_113 : memref<128xi32, #tpu.memory_space<vmem>>) semaphore(%arg17 : memref<!tpu.dma_semaphore, #tpu.memory_space<semaphore_mem>>)
      %dma_start3A_117 = arith.constant 0 : i32
      %dma_start3A_118 = arith.constant 1 : i32
      %dma_start3A_119 = arith.constant 1 : i32
      %dma_start3A_120 = arith.constant 0 : i32
      %dma_start3A_121 = arith.constant 0 : i32
      %dma_start3A_122 = tpu.memref_slice %arg14[%dma_start3A_119, %dma_start3A_120, %dma_start3A_121] : memref<2x128x128xf32, #tpu.memory_space<vmem>> -> memref<1x128x128xf32, #tpu.memory_space<vmem>>
      %dma_start3A_123 = tpu.memref_squeeze %dma_start3A_122 : memref<1x128x128xf32, #tpu.memory_space<vmem>> -> memref<128x128xf32, #tpu.memory_space<vmem>>
      %dma_start3A_124 = arith.constant 0 : i32
      %dma_start3A_125 = arith.constant 0 : i32
      %dma_start3A_126 = tpu.memref_slice %arg12[%dma_start3A_117, %dma_start3A_124, %dma_start3A_125] : memref<2x16x128xi32, #tpu.memory_space<vmem>> -> memref<1x16x128xi32, #tpu.memory_space<vmem>>
      %dma_start3A_127 = tpu.memref_squeeze %dma_start3A_126 : memref<1x16x128xi32, #tpu.memory_space<vmem>> -> memref<16x128xi32, #tpu.memory_space<vmem>>
      %dma_start3A_128 = arith.constant 0 : i32
      %dma_start3A_129 = tpu.memref_slice %dma_start3A_127[%dma_start3A_118, %dma_start3A_128] : memref<16x128xi32, #tpu.memory_space<vmem>> -> memref<1x128xi32, #tpu.memory_space<vmem>>
      %dma_start3A_130 = tpu.memref_squeeze %dma_start3A_129 : memref<1x128xi32, #tpu.memory_space<vmem>> -> memref<128xi32, #tpu.memory_space<vmem>>
      %dma_start3A_131 = arith.constant 0 : i32
      %dma_start3A_132 = arith.constant 0 : i32
      %dma_start3A_133 = tpu.memref_slice %arg3[%dma_start3A_131, %dma_start3A_132] : memref<10000x128xf32, #tpu.memory_space<hbm>> -> memref<10000x128xf32, #tpu.memory_space<hbm>>
      tpu.enqueue_indirect_dma source(%dma_start3A_133 : memref<10000x128xf32, #tpu.memory_space<hbm>>) target(%dma_start3A_123 : memref<128x128xf32, #tpu.memory_space<vmem>>) offsets(%dma_start3A_130 : memref<128xi32, #tpu.memory_space<vmem>>) semaphore(%arg17 : memref<!tpu.dma_semaphore, #tpu.memory_space<semaphore_mem>>)
      %scan3A_134 = arith.constant 0 : i32
      %scan3A_135 = arith.constant 0 : i32
      %scan3A_136 = arith.constant 160 : i32
      %scan3A_137 = arith.addi %scan3A_135, %scan3A_136 : i32
      %scan3A_138 = arith.constant 1 : i32
      scf.for %scan3A_140 = %scan3A_135 to %scan3A_137 step %scan3A_138  : i32 {
        %div3A = arith.constant 16 : i32
        %div3A_141 = arith.divsi %scan3A_140, %div3A : i32
        %rem3A_142 = arith.constant 16 : i32
        %rem3A_143 = arith.remsi %scan3A_140, %rem3A_142 : i32
        %rem3A_144 = arith.constant 2 : i32
        %rem3A_145 = arith.remsi %div3A_141, %rem3A_144 : i32
        %rem3A_146 = arith.constant 2 : i32
        %rem3A_147 = arith.remsi %scan3A_140, %rem3A_146 : i32
        %dma_wait3A_148 = arith.constant 0 : i32
        %dma_wait3A_149 = arith.constant 0 : i32
        %dma_wait3A_150 = arith.constant 0 : i32
        %dma_wait3A_151 = tpu.memref_slice %arg14[%dma_wait3A_148, %dma_wait3A_149, %dma_wait3A_150] : memref<2x128x128xf32, #tpu.memory_space<vmem>> -> memref<1x128x128xf32, #tpu.memory_space<vmem>>
        %dma_wait3A_152 = tpu.memref_squeeze %dma_wait3A_151 : memref<1x128x128xf32, #tpu.memory_space<vmem>> -> memref<128x128xf32, #tpu.memory_space<vmem>>
        %dma_wait3A_153 = arith.constant 0 : i32
        %dma_wait3A_154 = arith.constant 0 : i32
        %dma_wait3A_155 = tpu.memref_slice %arg3[%dma_wait3A_153, %dma_wait3A_154] : memref<10000x128xf32, #tpu.memory_space<hbm>> -> memref<128x128xf32, #tpu.memory_space<hbm>>
        %dma_wait3A_156 = arith.constant 0 : i32
        %dma_wait3A_157 = arith.constant 0 : i32
        %dma_wait3A_158 = tpu.memref_slice %arg14[%dma_wait3A_148, %dma_wait3A_156, %dma_wait3A_157] : memref<2x128x128xf32, #tpu.memory_space<vmem>> -> memref<1x128x128xf32, #tpu.memory_space<vmem>>
        %dma_wait3A_159 = tpu.memref_squeeze %dma_wait3A_158 : memref<1x128x128xf32, #tpu.memory_space<vmem>> -> memref<128x128xf32, #tpu.memory_space<vmem>>
        %dma_wait3A_160 = arith.constant 0 : i32
        %dma_wait3A_161 = arith.constant 0 : i32
        %dma_wait3A_162 = tpu.memref_slice %arg3[%dma_wait3A_160, %dma_wait3A_161] : memref<10000x128xf32, #tpu.memory_space<hbm>> -> memref<128x128xf32, #tpu.memory_space<hbm>>
        tpu.wait_dma2 semaphore(%arg17 : memref<!tpu.dma_semaphore, #tpu.memory_space<semaphore_mem>>) src(%dma_wait3A_162 : memref<128x128xf32, #tpu.memory_space<hbm>>) dst(%dma_wait3A_159 : memref<128x128xf32, #tpu.memory_space<vmem>>)
        "tpu.region"() ({
          %run_scoped3A = tpu.sem_alloc : memref<!tpu.dma_semaphore, #tpu.memory_space<semaphore_mem>>
          %dma_start3A_187 = arith.constant 0 : i32
          %dma_start3A_188 = arith.constant 0 : i32
          %dma_start3A_189 = tpu.memref_slice %arg14[%rem3A_147, %dma_start3A_187, %dma_start3A_188] : memref<2x128x128xf32, #tpu.memory_space<vmem>> -> memref<1x128x128xf32, #tpu.memory_space<vmem>>
          %dma_start3A_190 = tpu.memref_squeeze %dma_start3A_189 : memref<1x128x128xf32, #tpu.memory_space<vmem>> -> memref<128x128xf32, #tpu.memory_space<vmem>>
          %dma_start3A_191 = arith.constant 0 : i32
          %dma_start3A_192 = arith.constant 0 : i32
          %dma_start3A_193 = tpu.memref_slice %arg13[%rem3A_145, %dma_start3A_191, %dma_start3A_192] : memref<2x16x128xi32, #tpu.memory_space<vmem>> -> memref<1x16x128xi32, #tpu.memory_space<vmem>>
          %dma_start3A_194 = tpu.memref_squeeze %dma_start3A_193 : memref<1x16x128xi32, #tpu.memory_space<vmem>> -> memref<16x128xi32, #tpu.memory_space<vmem>>
          %dma_start3A_195 = arith.constant 0 : i32
          %dma_start3A_196 = tpu.memref_slice %dma_start3A_194[%rem3A_143, %dma_start3A_195] : memref<16x128xi32, #tpu.memory_space<vmem>> -> memref<1x128xi32, #tpu.memory_space<vmem>>
          %dma_start3A_197 = tpu.memref_squeeze %dma_start3A_196 : memref<1x128xi32, #tpu.memory_space<vmem>> -> memref<128xi32, #tpu.memory_space<vmem>>
          %dma_start3A_198 = arith.constant 0 : i32
          %dma_start3A_199 = arith.constant 0 : i32
          %dma_start3A_200 = tpu.memref_slice %arg15[%dma_start3A_198, %dma_start3A_199] : memref<10016x128xf32, #tpu.memory_space<vmem_shared>> -> memref<10016x128xf32, #tpu.memory_space<vmem_shared>>
          tpu.enqueue_indirect_dma source(%dma_start3A_190 : memref<128x128xf32, #tpu.memory_space<vmem>>) target(%dma_start3A_200 : memref<10016x128xf32, #tpu.memory_space<vmem_shared>>) offsets(%dma_start3A_197 : memref<128xi32, #tpu.memory_space<vmem>>) semaphore(%run_scoped3A : memref<!tpu.dma_semaphore, #tpu.memory_space<semaphore_mem>>) {add = true}
          %dma_wait3A_201 = arith.constant 0 : i32
          %dma_wait3A_202 = arith.constant 0 : i32
          %dma_wait3A_203 = tpu.memref_slice %arg14[%rem3A_147, %dma_wait3A_201, %dma_wait3A_202] : memref<2x128x128xf32, #tpu.memory_space<vmem>> -> memref<1x128x128xf32, #tpu.memory_space<vmem>>
          %dma_wait3A_204 = tpu.memref_squeeze %dma_wait3A_203 : memref<1x128x128xf32, #tpu.memory_space<vmem>> -> memref<128x128xf32, #tpu.memory_space<vmem>>
          %dma_wait3A_205 = arith.constant 0 : i32
          %dma_wait3A_206 = arith.constant 0 : i32
          %dma_wait3A_207 = tpu.memref_slice %arg13[%rem3A_145, %dma_wait3A_205, %dma_wait3A_206] : memref<2x16x128xi32, #tpu.memory_space<vmem>> -> memref<1x16x128xi32, #tpu.memory_space<vmem>>
          %dma_wait3A_208 = tpu.memref_squeeze %dma_wait3A_207 : memref<1x16x128xi32, #tpu.memory_space<vmem>> -> memref<16x128xi32, #tpu.memory_space<vmem>>
          %dma_wait3A_209 = arith.constant 0 : i32
          %dma_wait3A_210 = tpu.memref_slice %dma_wait3A_208[%rem3A_143, %dma_wait3A_209] : memref<16x128xi32, #tpu.memory_space<vmem>> -> memref<1x128xi32, #tpu.memory_space<vmem>>
          %dma_wait3A_211 = tpu.memref_squeeze %dma_wait3A_210 : memref<1x128xi32, #tpu.memory_space<vmem>> -> memref<128xi32, #tpu.memory_space<vmem>>
          %dma_wait3A_212 = arith.constant 0 : i32
          %dma_wait3A_213 = arith.constant 0 : i32
          %dma_wait3A_214 = tpu.memref_slice %arg15[%dma_wait3A_212, %dma_wait3A_213] : memref<10016x128xf32, #tpu.memory_space<vmem_shared>> -> memref<10016x128xf32, #tpu.memory_space<vmem_shared>>
          tpu.wait_indirect_dma semaphore(%run_scoped3A : memref<!tpu.dma_semaphore, #tpu.memory_space<semaphore_mem>>) src(%dma_wait3A_204 : memref<128x128xf32, #tpu.memory_space<vmem>>) dst(%dma_wait3A_214 : memref<10016x128xf32, #tpu.memory_space<vmem_shared>>)
          tpu.yield
        }) : () -> ()
        %eq3A_163 = arith.constant 14 : i32
        %eq3A_164 = arith.cmpi eq, %rem3A_143, %eq3A_163 : i32
        %add3A = arith.constant 1 : i32
        %add3A_165 = arith.addi %div3A_141, %add3A : i32
        %lt3A = arith.constant 10 : i32
        %lt3A_166 = arith.cmpi slt, %add3A_165, %lt3A : i32
        %and3A = arith.andi %eq3A_164, %lt3A_166 : i1
        %convert_element_type3A_167 = arith.extui %and3A : i1 to i32
        %cond3A_168 = arith.constant 0 : i32
        %cond3A_169 = arith.cmpi ne, %convert_element_type3A_167, %cond3A_168 : i32
        scf.if %cond3A_169 {
          %dma_wait3A_187 = arith.constant 0 : i32
          %dma_wait3A_188 = arith.constant 0 : i32
          %dma_wait3A_189 = arith.constant 0 : i32
          %dma_wait3A_190 = arith.constant 0 : i32
          %dma_wait3A_191 = tpu.memref_slice %arg12[%dma_wait3A_188, %dma_wait3A_189, %dma_wait3A_190] : memref<2x16x128xi32, #tpu.memory_space<vmem>> -> memref<1x16x128xi32, #tpu.memory_space<vmem>>
          %dma_wait3A_192 = tpu.memref_squeeze %dma_wait3A_191 : memref<1x16x128xi32, #tpu.memory_space<vmem>> -> memref<16x128xi32, #tpu.memory_space<vmem>>
          %dma_wait3A_193 = arith.constant 0 : i32
          %dma_wait3A_194 = tpu.memref_slice %arg11[%dma_wait3A_187, %dma_wait3A_193] : memref<10x16xi32, #tpu.memory_space<vmem>> -> memref<1x16xi32, #tpu.memory_space<vmem>>
          %dma_wait3A_195 = tpu.memref_squeeze %dma_wait3A_194 : memref<1x16xi32, #tpu.memory_space<vmem>> -> memref<16xi32, #tpu.memory_space<vmem>>
          %dma_wait3A_196 = arith.constant 0 : i32
          %dma_wait3A_197 = arith.constant 0 : i32
          %dma_wait3A_198 = tpu.memref_slice %arg6[%dma_wait3A_196, %dma_wait3A_197] : memref<2560x128xi32, #tpu.memory_space<hbm>> -> memref<2560x128xi32, #tpu.memory_space<hbm>>
          tpu.wait_indirect_dma semaphore(%arg16 : memref<!tpu.dma_semaphore, #tpu.memory_space<semaphore_mem>>) src(%dma_wait3A_198 : memref<2560x128xi32, #tpu.memory_space<hbm>>) dst(%dma_wait3A_192 : memref<16x128xi32, #tpu.memory_space<vmem>>)
          %dma_wait3A_199 = arith.constant 0 : i32
          %dma_wait3A_200 = arith.constant 0 : i32
          %dma_wait3A_201 = arith.constant 0 : i32
          %dma_wait3A_202 = arith.constant 0 : i32
          %dma_wait3A_203 = tpu.memref_slice %arg13[%dma_wait3A_200, %dma_wait3A_201, %dma_wait3A_202] : memref<2x16x128xi32, #tpu.memory_space<vmem>> -> memref<1x16x128xi32, #tpu.memory_space<vmem>>
          %dma_wait3A_204 = tpu.memref_squeeze %dma_wait3A_203 : memref<1x16x128xi32, #tpu.memory_space<vmem>> -> memref<16x128xi32, #tpu.memory_space<vmem>>
          %dma_wait3A_205 = arith.constant 0 : i32
          %dma_wait3A_206 = tpu.memref_slice %arg11[%dma_wait3A_199, %dma_wait3A_205] : memref<10x16xi32, #tpu.memory_space<vmem>> -> memref<1x16xi32, #tpu.memory_space<vmem>>
          %dma_wait3A_207 = tpu.memref_squeeze %dma_wait3A_206 : memref<1x16xi32, #tpu.memory_space<vmem>> -> memref<16xi32, #tpu.memory_space<vmem>>
          %dma_wait3A_208 = arith.constant 0 : i32
          %dma_wait3A_209 = arith.constant 0 : i32
          %dma_wait3A_210 = tpu.memref_slice %arg7[%dma_wait3A_208, %dma_wait3A_209] : memref<2560x128xi32, #tpu.memory_space<hbm>> -> memref<2560x128xi32, #tpu.memory_space<hbm>>
          tpu.wait_indirect_dma semaphore(%arg16 : memref<!tpu.dma_semaphore, #tpu.memory_space<semaphore_mem>>) src(%dma_wait3A_210 : memref<2560x128xi32, #tpu.memory_space<hbm>>) dst(%dma_wait3A_204 : memref<16x128xi32, #tpu.memory_space<vmem>>)
        } else {
        }
        %add3A_170 = arith.constant 2 : i32
        %add3A_171 = arith.addi %scan3A_140, %add3A_170 : i32
        %lt3A_172 = arith.constant 160 : i32
        %lt3A_173 = arith.cmpi slt, %add3A_171, %lt3A_172 : i32
        %convert_element_type3A_174 = arith.extui %lt3A_173 : i1 to i32
        %cond3A_175 = arith.constant 0 : i32
        %cond3A_176 = arith.cmpi ne, %convert_element_type3A_174, %cond3A_175 : i32
        scf.if %cond3A_176 {
          %div3A_187 = arith.constant 16 : i32
          %div3A_188 = arith.divsi %add3A_171, %div3A_187 : i32
          %rem3A_189 = arith.constant 2 : i32
          %rem3A_190 = arith.remsi %div3A_188, %rem3A_189 : i32
          %rem3A_191 = arith.constant 16 : i32
          %rem3A_192 = arith.remsi %add3A_171, %rem3A_191 : i32
          %dma_start3A_193 = arith.constant 0 : i32
          %dma_start3A_194 = arith.constant 0 : i32
          %dma_start3A_195 = tpu.memref_slice %arg14[%rem3A_147, %dma_start3A_193, %dma_start3A_194] : memref<2x128x128xf32, #tpu.memory_space<vmem>> -> memref<1x128x128xf32, #tpu.memory_space<vmem>>
          %dma_start3A_196 = tpu.memref_squeeze %dma_start3A_195 : memref<1x128x128xf32, #tpu.memory_space<vmem>> -> memref<128x128xf32, #tpu.memory_space<vmem>>
          %dma_start3A_197 = arith.constant 0 : i32
          %dma_start3A_198 = arith.constant 0 : i32
          %dma_start3A_199 = tpu.memref_slice %arg12[%rem3A_190, %dma_start3A_197, %dma_start3A_198] : memref<2x16x128xi32, #tpu.memory_space<vmem>> -> memref<1x16x128xi32, #tpu.memory_space<vmem>>
          %dma_start3A_200 = tpu.memref_squeeze %dma_start3A_199 : memref<1x16x128xi32, #tpu.memory_space<vmem>> -> memref<16x128xi32, #tpu.memory_space<vmem>>
          %dma_start3A_201 = arith.constant 0 : i32
          %dma_start3A_202 = tpu.memref_slice %dma_start3A_200[%rem3A_192, %dma_start3A_201] : memref<16x128xi32, #tpu.memory_space<vmem>> -> memref<1x128xi32, #tpu.memory_space<vmem>>
          %dma_start3A_203 = tpu.memref_squeeze %dma_start3A_202 : memref<1x128xi32, #tpu.memory_space<vmem>> -> memref<128xi32, #tpu.memory_space<vmem>>
          %dma_start3A_204 = arith.constant 0 : i32
          %dma_start3A_205 = arith.constant 0 : i32
          %dma_start3A_206 = tpu.memref_slice %arg3[%dma_start3A_204, %dma_start3A_205] : memref<10000x128xf32, #tpu.memory_space<hbm>> -> memref<10000x128xf32, #tpu.memory_space<hbm>>
          tpu.enqueue_indirect_dma source(%dma_start3A_206 : memref<10000x128xf32, #tpu.memory_space<hbm>>) target(%dma_start3A_196 : memref<128x128xf32, #tpu.memory_space<vmem>>) offsets(%dma_start3A_203 : memref<128xi32, #tpu.memory_space<vmem>>) semaphore(%arg17 : memref<!tpu.dma_semaphore, #tpu.memory_space<semaphore_mem>>)
        } else {
        }
        %eq3A_177 = arith.constant 15 : i32
        %eq3A_178 = arith.cmpi eq, %rem3A_143, %eq3A_177 : i32
        %add3A_179 = arith.constant 2 : i32
        %add3A_180 = arith.addi %div3A_141, %add3A_179 : i32
        %lt3A_181 = arith.constant 10 : i32
        %lt3A_182 = arith.cmpi slt, %add3A_180, %lt3A_181 : i32
        %and3A_183 = arith.andi %eq3A_178, %lt3A_182 : i1
        %convert_element_type3A_184 = arith.extui %and3A_183 : i1 to i32
        %cond3A_185 = arith.constant 0 : i32
        %cond3A_186 = arith.cmpi ne, %convert_element_type3A_184, %cond3A_185 : i32
        scf.if %cond3A_186 {
          %add3A_187 = arith.constant 2 : i32
          %add3A_188 = arith.addi %div3A_141, %add3A_187 : i32
          %rem3A_189 = arith.constant 2 : i32
          %rem3A_190 = arith.remsi %add3A_188, %rem3A_189 : i32
          %dma_start3A_191 = arith.constant 0 : i32
          %dma_start3A_192 = arith.constant 0 : i32
          %dma_start3A_193 = tpu.memref_slice %arg12[%rem3A_190, %dma_start3A_191, %dma_start3A_192] : memref<2x16x128xi32, #tpu.memory_space<vmem>> -> memref<1x16x128xi32, #tpu.memory_space<vmem>>
          %dma_start3A_194 = tpu.memref_squeeze %dma_start3A_193 : memref<1x16x128xi32, #tpu.memory_space<vmem>> -> memref<16x128xi32, #tpu.memory_space<vmem>>
          %dma_start3A_195 = arith.constant 0 : i32
          %dma_start3A_196 = tpu.memref_slice %arg11[%add3A_188, %dma_start3A_195] : memref<10x16xi32, #tpu.memory_space<vmem>> -> memref<1x16xi32, #tpu.memory_space<vmem>>
          %dma_start3A_197 = tpu.memref_squeeze %dma_start3A_196 : memref<1x16xi32, #tpu.memory_space<vmem>> -> memref<16xi32, #tpu.memory_space<vmem>>
          %dma_start3A_198 = arith.constant 0 : i32
          %dma_start3A_199 = arith.constant 0 : i32
          %dma_start3A_200 = tpu.memref_slice %arg6[%dma_start3A_198, %dma_start3A_199] : memref<2560x128xi32, #tpu.memory_space<hbm>> -> memref<2560x128xi32, #tpu.memory_space<hbm>>
          tpu.enqueue_indirect_dma source(%dma_start3A_200 : memref<2560x128xi32, #tpu.memory_space<hbm>>) target(%dma_start3A_194 : memref<16x128xi32, #tpu.memory_space<vmem>>) offsets(%dma_start3A_197 : memref<16xi32, #tpu.memory_space<vmem>>) semaphore(%arg16 : memref<!tpu.dma_semaphore, #tpu.memory_space<semaphore_mem>>)
          %dma_start3A_201 = arith.constant 0 : i32
          %dma_start3A_202 = arith.constant 0 : i32
          %dma_start3A_203 = tpu.memref_slice %arg13[%rem3A_190, %dma_start3A_201, %dma_start3A_202] : memref<2x16x128xi32, #tpu.memory_space<vmem>> -> memref<1x16x128xi32, #tpu.memory_space<vmem>>
          %dma_start3A_204 = tpu.memref_squeeze %dma_start3A_203 : memref<1x16x128xi32, #tpu.memory_space<vmem>> -> memref<16x128xi32, #tpu.memory_space<vmem>>
          %dma_start3A_205 = arith.constant 0 : i32
          %dma_start3A_206 = tpu.memref_slice %arg11[%add3A_188, %dma_start3A_205] : memref<10x16xi32, #tpu.memory_space<vmem>> -> memref<1x16xi32, #tpu.memory_space<vmem>>
          %dma_start3A_207 = tpu.memref_squeeze %dma_start3A_206 : memref<1x16xi32, #tpu.memory_space<vmem>> -> memref<16xi32, #tpu.memory_space<vmem>>
          %dma_start3A_208 = arith.constant 0 : i32
          %dma_start3A_209 = arith.constant 0 : i32
          %dma_start3A_210 = tpu.memref_slice %arg7[%dma_start3A_208, %dma_start3A_209] : memref<2560x128xi32, #tpu.memory_space<hbm>> -> memref<2560x128xi32, #tpu.memory_space<hbm>>
          tpu.enqueue_indirect_dma source(%dma_start3A_210 : memref<2560x128xi32, #tpu.memory_space<hbm>>) target(%dma_start3A_204 : memref<16x128xi32, #tpu.memory_space<vmem>>) offsets(%dma_start3A_207 : memref<16xi32, #tpu.memory_space<vmem>>) semaphore(%arg16 : memref<!tpu.dma_semaphore, #tpu.memory_space<semaphore_mem>>)
        } else {
        }
      }
      %scan3A_139 = arith.constant 160 : i32
    } else {
    }
    %barrier3A_13 = arith.constant 0 : index
    tpu.barrier barrier_id(%barrier3A_13)
    %eq3A_14 = arith.constant 0 : i32
    %eq3A_15 = arith.cmpi eq, %arg0, %eq3A_14 : i32
    %convert_element_type3A_16 = arith.extui %eq3A_15 : i1 to i32
    %cond3A_17 = arith.constant 0 : i32
    %cond3A_18 = arith.cmpi ne, %convert_element_type3A_16, %cond3A_17 : i32
    scf.if %cond3A_18 {
      "tpu.region"() ({
        %run_scoped3A = tpu.sem_alloc : memref<!tpu.dma_semaphore, #tpu.memory_space<semaphore_mem>>
        %dma_start3A = arith.constant 0 : i32
        %dma_start3A_29 = tpu.memref_slice %arg9[%mul3A_0, %dma_start3A] : memref<10000x128xf32, #tpu.memory_space<hbm>> -> memref<624x128xf32, #tpu.memory_space<hbm>>
        %dma_start3A_30 = arith.constant 0 : i32
        %dma_start3A_31 = tpu.memref_slice %arg15[%mul3A_0, %dma_start3A_30] : memref<10016x128xf32, #tpu.memory_space<vmem_shared>> -> memref<624x128xf32, #tpu.memory_space<vmem_shared>>
        tpu.enqueue_dma source(%dma_start3A_31 : memref<624x128xf32, #tpu.memory_space<vmem_shared>>) target(%dma_start3A_29 : memref<624x128xf32, #tpu.memory_space<hbm>>) target_semaphore(%run_scoped3A : memref<!tpu.dma_semaphore, #tpu.memory_space<semaphore_mem>>)
        %dma_wait3A = arith.constant 0 : i32
        %dma_wait3A_32 = tpu.memref_slice %arg9[%mul3A_0, %dma_wait3A] : memref<10000x128xf32, #tpu.memory_space<hbm>> -> memref<624x128xf32, #tpu.memory_space<hbm>>
        %dma_wait3A_33 = arith.constant 0 : i32
        %dma_wait3A_34 = tpu.memref_slice %arg15[%mul3A_0, %dma_wait3A_33] : memref<10016x128xf32, #tpu.memory_space<vmem_shared>> -> memref<624x128xf32, #tpu.memory_space<vmem_shared>>
        tpu.wait_dma2 semaphore(%run_scoped3A : memref<!tpu.dma_semaphore, #tpu.memory_space<semaphore_mem>>) src(%dma_wait3A_34 : memref<624x128xf32, #tpu.memory_space<vmem_shared>>) dst(%dma_wait3A_32 : memref<624x128xf32, #tpu.memory_space<hbm>>)
        tpu.yield
      }) : () -> ()
      %eq3A_24 = arith.constant 15 : i32
      %eq3A_25 = arith.cmpi eq, %arg1, %eq3A_24 : i32
      %convert_element_type3A_26 = arith.extui %eq3A_25 : i1 to i32
      %cond3A_27 = arith.constant 0 : i32
      %cond3A_28 = arith.cmpi ne, %convert_element_type3A_26, %cond3A_27 : i32
      scf.if %cond3A_28 {
        "tpu.region"() ({
          %run_scoped3A = tpu.sem_alloc : memref<!tpu.dma_semaphore, #tpu.memory_space<semaphore_mem>>
          %dma_start3A = arith.constant 9984 : i32
          %dma_start3A_29 = arith.constant 0 : i32
          %dma_start3A_30 = tpu.memref_slice %arg9[%dma_start3A, %dma_start3A_29] : memref<10000x128xf32, #tpu.memory_space<hbm>> -> memref<16x128xf32, #tpu.memory_space<hbm>>
          %dma_start3A_31 = arith.constant 9984 : i32
          %dma_start3A_32 = arith.constant 0 : i32
          %dma_start3A_33 = tpu.memref_slice %arg15[%dma_start3A_31, %dma_start3A_32] : memref<10016x128xf32, #tpu.memory_space<vmem_shared>> -> memref<16x128xf32, #tpu.memory_space<vmem_shared>>
          tpu.enqueue_dma source(%dma_start3A_33 : memref<16x128xf32, #tpu.memory_space<vmem_shared>>) target(%dma_start3A_30 : memref<16x128xf32, #tpu.memory_space<hbm>>) target_semaphore(%run_scoped3A : memref<!tpu.dma_semaphore, #tpu.memory_space<semaphore_mem>>)
          %dma_wait3A = arith.constant 9984 : i32
          %dma_wait3A_34 = arith.constant 0 : i32
          %dma_wait3A_35 = tpu.memref_slice %arg9[%dma_wait3A, %dma_wait3A_34] : memref<10000x128xf32, #tpu.memory_space<hbm>> -> memref<16x128xf32, #tpu.memory_space<hbm>>
          %dma_wait3A_36 = arith.constant 9984 : i32
          %dma_wait3A_37 = arith.constant 0 : i32
          %dma_wait3A_38 = tpu.memref_slice %arg15[%dma_wait3A_36, %dma_wait3A_37] : memref<10016x128xf32, #tpu.memory_space<vmem_shared>> -> memref<16x128xf32, #tpu.memory_space<vmem_shared>>
          tpu.wait_dma2 semaphore(%run_scoped3A : memref<!tpu.dma_semaphore, #tpu.memory_space<semaphore_mem>>) src(%dma_wait3A_38 : memref<16x128xf32, #tpu.memory_space<vmem_shared>>) dst(%dma_wait3A_35 : memref<16x128xf32, #tpu.memory_space<hbm>>)
          tpu.yield
        }) : () -> ()
      } else {
      }
    } else {
    }
    %eq3A_19 = arith.constant 1 : i32
    %eq3A_20 = arith.cmpi eq, %arg0, %eq3A_19 : i32
    %convert_element_type3A_21 = arith.extui %eq3A_20 : i1 to i32
    %cond3A_22 = arith.constant 0 : i32
    %cond3A_23 = arith.cmpi ne, %convert_element_type3A_21, %cond3A_22 : i32
    scf.if %cond3A_23 {
      "tpu.region"() ({
        %run_scoped3A = tpu.sem_alloc : memref<!tpu.dma_semaphore, #tpu.memory_space<semaphore_mem>>
        %dma_start3A = arith.constant 0 : i32
        %dma_start3A_29 = tpu.memref_slice %arg10[%mul3A_0, %dma_start3A] : memref<10000x128xf32, #tpu.memory_space<hbm>> -> memref<624x128xf32, #tpu.memory_space<hbm>>
        %dma_start3A_30 = arith.constant 0 : i32
        %dma_start3A_31 = tpu.memref_slice %arg15[%mul3A_0, %dma_start3A_30] : memref<10016x128xf32, #tpu.memory_space<vmem_shared>> -> memref<624x128xf32, #tpu.memory_space<vmem_shared>>
        tpu.enqueue_dma source(%dma_start3A_31 : memref<624x128xf32, #tpu.memory_space<vmem_shared>>) target(%dma_start3A_29 : memref<624x128xf32, #tpu.memory_space<hbm>>) target_semaphore(%run_scoped3A : memref<!tpu.dma_semaphore, #tpu.memory_space<semaphore_mem>>)
        %dma_wait3A = arith.constant 0 : i32
        %dma_wait3A_32 = tpu.memref_slice %arg10[%mul3A_0, %dma_wait3A] : memref<10000x128xf32, #tpu.memory_space<hbm>> -> memref<624x128xf32, #tpu.memory_space<hbm>>
        %dma_wait3A_33 = arith.constant 0 : i32
        %dma_wait3A_34 = tpu.memref_slice %arg15[%mul3A_0, %dma_wait3A_33] : memref<10016x128xf32, #tpu.memory_space<vmem_shared>> -> memref<624x128xf32, #tpu.memory_space<vmem_shared>>
        tpu.wait_dma2 semaphore(%run_scoped3A : memref<!tpu.dma_semaphore, #tpu.memory_space<semaphore_mem>>) src(%dma_wait3A_34 : memref<624x128xf32, #tpu.memory_space<vmem_shared>>) dst(%dma_wait3A_32 : memref<624x128xf32, #tpu.memory_space<hbm>>)
        tpu.yield
      }) : () -> ()
      %eq3A_24 = arith.constant 15 : i32
      %eq3A_25 = arith.cmpi eq, %arg1, %eq3A_24 : i32
      %convert_element_type3A_26 = arith.extui %eq3A_25 : i1 to i32
      %cond3A_27 = arith.constant 0 : i32
      %cond3A_28 = arith.cmpi ne, %convert_element_type3A_26, %cond3A_27 : i32
      scf.if %cond3A_28 {
        "tpu.region"() ({
          %run_scoped3A = tpu.sem_alloc : memref<!tpu.dma_semaphore, #tpu.memory_space<semaphore_mem>>
          %dma_start3A = arith.constant 9984 : i32
          %dma_start3A_29 = arith.constant 0 : i32
          %dma_start3A_30 = tpu.memref_slice %arg10[%dma_start3A, %dma_start3A_29] : memref<10000x128xf32, #tpu.memory_space<hbm>> -> memref<16x128xf32, #tpu.memory_space<hbm>>
          %dma_start3A_31 = arith.constant 9984 : i32
          %dma_start3A_32 = arith.constant 0 : i32
          %dma_start3A_33 = tpu.memref_slice %arg15[%dma_start3A_31, %dma_start3A_32] : memref<10016x128xf32, #tpu.memory_space<vmem_shared>> -> memref<16x128xf32, #tpu.memory_space<vmem_shared>>
          tpu.enqueue_dma source(%dma_start3A_33 : memref<16x128xf32, #tpu.memory_space<vmem_shared>>) target(%dma_start3A_30 : memref<16x128xf32, #tpu.memory_space<hbm>>) target_semaphore(%run_scoped3A : memref<!tpu.dma_semaphore, #tpu.memory_space<semaphore_mem>>)
          %dma_wait3A = arith.constant 9984 : i32
          %dma_wait3A_34 = arith.constant 0 : i32
          %dma_wait3A_35 = tpu.memref_slice %arg10[%dma_wait3A, %dma_wait3A_34] : memref<10000x128xf32, #tpu.memory_space<hbm>> -> memref<16x128xf32, #tpu.memory_space<hbm>>
          %dma_wait3A_36 = arith.constant 9984 : i32
          %dma_wait3A_37 = arith.constant 0 : i32
          %dma_wait3A_38 = tpu.memref_slice %arg15[%dma_wait3A_36, %dma_wait3A_37] : memref<10016x128xf32, #tpu.memory_space<vmem_shared>> -> memref<16x128xf32, #tpu.memory_space<vmem_shared>>
          tpu.wait_dma2 semaphore(%run_scoped3A : memref<!tpu.dma_semaphore, #tpu.memory_space<semaphore_mem>>) src(%dma_wait3A_38 : memref<16x128xf32, #tpu.memory_space<vmem_shared>>) dst(%dma_wait3A_35 : memref<16x128xf32, #tpu.memory_space<hbm>>)
          tpu.yield
        }) : () -> ()
      } else {
      }
    } else {
    }
    return
  }
}

#map = affine_map<(d0, d1) -> (0, 0)>
module attributes {stable_mosaic.version = 14 : i64} {
  func.func @_agg_body(%arg0: i32, %arg1: i32, %arg2: memref<10000x128xf32, #tpu.memory_space<hbm>>, %arg3: memref<10000x128xf32, #tpu.memory_space<hbm>>, %arg4: memref<2560x128xi32, #tpu.memory_space<hbm>>, %arg5: memref<2560x128xi32, #tpu.memory_space<hbm>>, %arg6: memref<2560x128xi32, #tpu.memory_space<hbm>>, %arg7: memref<2560x128xi32, #tpu.memory_space<hbm>>, %arg8: memref<624x128xf32, #tpu.memory_space<hbm>>, %arg9: memref<10000x128xf32, #tpu.memory_space<hbm>>, %arg10: memref<10000x128xf32, #tpu.memory_space<hbm>>, %arg11: memref<10x16xi32, #tpu.memory_space<vmem>>, %arg12: memref<2x16x128xi32, #tpu.memory_space<vmem>>, %arg13: memref<2x16x128xi32, #tpu.memory_space<vmem>>, %arg14: memref<2x128x128xf32, #tpu.memory_space<vmem>>, %arg15: memref<10016x128xf32, #tpu.memory_space<vmem_shared>>, %arg16: memref<!tpu.dma_semaphore, #tpu.memory_space<semaphore_mem>>, %arg17: memref<!tpu.dma_semaphore, #tpu.memory_space<semaphore_mem>>) attributes {dimension_semantics = [#tpu.dimension_semantics<core_parallel>, #tpu.dimension_semantics<subcore_parallel>], iteration_bounds = array<i64: 2, 16>, scalar_prefetch = 0 : i64, scratch_operands = 7 : i64, tpu.core_type = #tpu.core_type<sc_vector_subcore>, window_params = [{transform_indices = #map}, {transform_indices = #map}, {transform_indices = #map}, {transform_indices = #map}, {transform_indices = #map}, {transform_indices = #map}, {transform_indices = #map}, {transform_indices = #map}, {transform_indices = #map}]} {
    %mul3A = arith.constant 624 : i32
    %mul3A_0 = arith.muli %arg1, %mul3A : i32
    "tpu.region"() ({
      %run_scoped3A = tpu.sem_alloc : memref<!tpu.dma_semaphore, #tpu.memory_space<semaphore_mem>>
      %dma_start3A = arith.constant 0 : i32
      %dma_start3A_24 = tpu.memref_slice %arg15[%mul3A_0, %dma_start3A] : memref<10016x128xf32, #tpu.memory_space<vmem_shared>> -> memref<624x128xf32, #tpu.memory_space<vmem_shared>>
      %dma_start3A_25 = arith.constant 0 : i32
      %dma_start3A_26 = arith.constant 0 : i32
      %dma_start3A_27 = tpu.memref_slice %arg8[%dma_start3A_25, %dma_start3A_26] : memref<624x128xf32, #tpu.memory_space<hbm>> -> memref<624x128xf32, #tpu.memory_space<hbm>>
      tpu.enqueue_dma source(%dma_start3A_27 : memref<624x128xf32, #tpu.memory_space<hbm>>) target(%dma_start3A_24 : memref<624x128xf32, #tpu.memory_space<vmem_shared>>) target_semaphore(%run_scoped3A : memref<!tpu.dma_semaphore, #tpu.memory_space<semaphore_mem>>)
      %dma_wait3A = arith.constant 0 : i32
      %dma_wait3A_28 = tpu.memref_slice %arg15[%mul3A_0, %dma_wait3A] : memref<10016x128xf32, #tpu.memory_space<vmem_shared>> -> memref<624x128xf32, #tpu.memory_space<vmem_shared>>
      %dma_wait3A_29 = arith.constant 0 : i32
      %dma_wait3A_30 = arith.constant 0 : i32
      %dma_wait3A_31 = tpu.memref_slice %arg8[%dma_wait3A_29, %dma_wait3A_30] : memref<624x128xf32, #tpu.memory_space<hbm>> -> memref<624x128xf32, #tpu.memory_space<hbm>>
      tpu.wait_dma2 semaphore(%run_scoped3A : memref<!tpu.dma_semaphore, #tpu.memory_space<semaphore_mem>>) src(%dma_wait3A_31 : memref<624x128xf32, #tpu.memory_space<hbm>>) dst(%dma_wait3A_28 : memref<624x128xf32, #tpu.memory_space<vmem_shared>>)
      tpu.yield
    }) : () -> ()
    %eq3A = arith.constant 15 : i32
    %eq3A_1 = arith.cmpi eq, %arg1, %eq3A : i32
    %convert_element_type3A = arith.extui %eq3A_1 : i1 to i32
    %cond3A = arith.constant 0 : i32
    %cond3A_2 = arith.cmpi ne, %convert_element_type3A, %cond3A : i32
    scf.if %cond3A_2 {
      "tpu.region"() ({
        %run_scoped3A = tpu.sem_alloc : memref<!tpu.dma_semaphore, #tpu.memory_space<semaphore_mem>>
        %dma_start3A = arith.constant 9984 : i32
        %dma_start3A_24 = arith.constant 0 : i32
        %dma_start3A_25 = tpu.memref_slice %arg15[%dma_start3A, %dma_start3A_24] : memref<10016x128xf32, #tpu.memory_space<vmem_shared>> -> memref<32x128xf32, #tpu.memory_space<vmem_shared>>
        %dma_start3A_26 = arith.constant 0 : i32
        %dma_start3A_27 = arith.constant 0 : i32
        %dma_start3A_28 = tpu.memref_slice %arg8[%dma_start3A_26, %dma_start3A_27] : memref<624x128xf32, #tpu.memory_space<hbm>> -> memref<32x128xf32, #tpu.memory_space<hbm>>
        tpu.enqueue_dma source(%dma_start3A_28 : memref<32x128xf32, #tpu.memory_space<hbm>>) target(%dma_start3A_25 : memref<32x128xf32, #tpu.memory_space<vmem_shared>>) target_semaphore(%run_scoped3A : memref<!tpu.dma_semaphore, #tpu.memory_space<semaphore_mem>>)
        %dma_wait3A = arith.constant 9984 : i32
        %dma_wait3A_29 = arith.constant 0 : i32
        %dma_wait3A_30 = tpu.memref_slice %arg15[%dma_wait3A, %dma_wait3A_29] : memref<10016x128xf32, #tpu.memory_space<vmem_shared>> -> memref<32x128xf32, #tpu.memory_space<vmem_shared>>
        %dma_wait3A_31 = arith.constant 0 : i32
        %dma_wait3A_32 = arith.constant 0 : i32
        %dma_wait3A_33 = tpu.memref_slice %arg8[%dma_wait3A_31, %dma_wait3A_32] : memref<624x128xf32, #tpu.memory_space<hbm>> -> memref<32x128xf32, #tpu.memory_space<hbm>>
        tpu.wait_dma2 semaphore(%run_scoped3A : memref<!tpu.dma_semaphore, #tpu.memory_space<semaphore_mem>>) src(%dma_wait3A_33 : memref<32x128xf32, #tpu.memory_space<hbm>>) dst(%dma_wait3A_30 : memref<32x128xf32, #tpu.memory_space<vmem_shared>>)
        tpu.yield
      }) : () -> ()
    } else {
    }
    %barrier3A = arith.constant 0 : index
    tpu.barrier barrier_id(%barrier3A)
    %eq3A_3 = arith.constant 0 : i32
    %eq3A_4 = arith.cmpi eq, %arg0, %eq3A_3 : i32
    %convert_element_type3A_5 = arith.extui %eq3A_4 : i1 to i32
    %cond3A_6 = arith.constant 0 : i32
    %cond3A_7 = arith.cmpi ne, %convert_element_type3A_5, %cond3A_6 : i32
    scf.if %cond3A_7 {
      %scan3A = arith.constant 0 : i32
      %scan3A_24 = arith.constant 0 : i32
      %scan3A_25 = arith.constant 10 : i32
      %scan3A_26 = arith.addi %scan3A_24, %scan3A_25 : i32
      %scan3A_27 = arith.constant 1 : i32
      scf.for %scan3A_140 = %scan3A_24 to %scan3A_26 step %scan3A_27  : i32 {
        %mul3A_141 = arith.constant 160 : i32
        %mul3A_142 = arith.muli %arg1, %mul3A_141 : i32
        %mul3A_143 = arith.constant 16 : i32
        %mul3A_144 = arith.muli %scan3A_140, %mul3A_143 : i32
        %add3A = arith.addi %mul3A_142, %mul3A_144 : i32
        %iota3A = tpu.iota {dimensions = array<i32: 0>} : vector<16xi32>
        %add3A_145 = vector.broadcast %add3A : i32 to vector<16xi32>
        %add3A_146 = arith.addi %add3A_145, %iota3A : vector<16xi32>
        %swap3A = arith.index_cast %scan3A_140 : i32 to index
        %swap3A_147 = arith.constant 0 : index
        %swap3A_148 = tpu.vector_load %arg11[%swap3A, %swap3A_147] {strides = array<i32>} : memref<10x16xi32, #tpu.memory_space<vmem>>, vector<1x16xi32>,
        %swap3A_149 = vector.shape_cast %swap3A_148 : vector<1x16xi32> to vector<16xi32>
        %swap3A_150 = vector.shape_cast %add3A_146 : vector<16xi32> to vector<1x16xi32>
        tpu.vector_store %arg11[%swap3A, %swap3A_147], %swap3A_150 {strides = array<i32>} : memref<10x16xi32, #tpu.memory_space<vmem>>, vector<1x16xi32>,
      }
      %scan3A_28 = arith.constant 10 : i32
      %rem3A = arith.constant 0 : i32
      %rem3A_29 = arith.constant 2 : i32
      %rem3A_30 = arith.remsi %rem3A, %rem3A_29 : i32
      %dma_start3A = arith.constant 0 : i32
      %dma_start3A_31 = arith.constant 0 : i32
      %dma_start3A_32 = arith.constant 0 : i32
      %dma_start3A_33 = tpu.memref_slice %arg12[%rem3A_30, %dma_start3A_31, %dma_start3A_32] : memref<2x16x128xi32, #tpu.memory_space<vmem>> -> memref<1x16x128xi32, #tpu.memory_space<vmem>>
      %dma_start3A_34 = tpu.memref_squeeze %dma_start3A_33 : memref<1x16x128xi32, #tpu.memory_space<vmem>> -> memref<16x128xi32, #tpu.memory_space<vmem>>
      %dma_start3A_35 = arith.constant 0 : i32
      %dma_start3A_36 = tpu.memref_slice %arg11[%dma_start3A, %dma_start3A_35] : memref<10x16xi32, #tpu.memory_space<vmem>> -> memref<1x16xi32, #tpu.memory_space<vmem>>
      %dma_start3A_37 = tpu.memref_squeeze %dma_start3A_36 : memref<1x16xi32, #tpu.memory_space<vmem>> -> memref<16xi32, #tpu.memory_space<vmem>>
      %dma_start3A_38 = arith.constant 0 : i32
      %dma_start3A_39 = arith.constant 0 : i32
      %dma_start3A_40 = tpu.memref_slice %arg4[%dma_start3A_38, %dma_start3A_39] : memref<2560x128xi32, #tpu.memory_space<hbm>> -> memref<2560x128xi32, #tpu.memory_space<hbm>>
      tpu.enqueue_indirect_dma source(%dma_start3A_40 : memref<2560x128xi32, #tpu.memory_space<hbm>>) target(%dma_start3A_34 : memref<16x128xi32, #tpu.memory_space<vmem>>) offsets(%dma_start3A_37 : memref<16xi32, #tpu.memory_space<vmem>>) semaphore(%arg16 : memref<!tpu.dma_semaphore, #tpu.memory_space<semaphore_mem>>)
      %dma_start3A_41 = arith.constant 0 : i32
      %dma_start3A_42 = arith.constant 0 : i32
      %dma_start3A_43 = arith.constant 0 : i32
      %dma_start3A_44 = tpu.memref_slice %arg13[%rem3A_30, %dma_start3A_42, %dma_start3A_43] : memref<2x16x128xi32, #tpu.memory_space<vmem>> -> memref<1x16x128xi32, #tpu.memory_space<vmem>>
      %dma_start3A_45 = tpu.memref_squeeze %dma_start3A_44 : memref<1x16x128xi32, #tpu.memory_space<vmem>> -> memref<16x128xi32, #tpu.memory_space<vmem>>
      %dma_start3A_46 = arith.constant 0 : i32
      %dma_start3A_47 = tpu.memref_slice %arg11[%dma_start3A_41, %dma_start3A_46] : memref<10x16xi32, #tpu.memory_space<vmem>> -> memref<1x16xi32, #tpu.memory_space<vmem>>
      %dma_start3A_48 = tpu.memref_squeeze %dma_start3A_47 : memref<1x16xi32, #tpu.memory_space<vmem>> -> memref<16xi32, #tpu.memory_space<vmem>>
      %dma_start3A_49 = arith.constant 0 : i32
      %dma_start3A_50 = arith.constant 0 : i32
      %dma_start3A_51 = tpu.memref_slice %arg5[%dma_start3A_49, %dma_start3A_50] : memref<2560x128xi32, #tpu.memory_space<hbm>> -> memref<2560x128xi32, #tpu.memory_space<hbm>>
      tpu.enqueue_indirect_dma source(%dma_start3A_51 : memref<2560x128xi32, #tpu.memory_space<hbm>>) target(%dma_start3A_45 : memref<16x128xi32, #tpu.memory_space<vmem>>) offsets(%dma_start3A_48 : memref<16xi32, #tpu.memory_space<vmem>>) semaphore(%arg16 : memref<!tpu.dma_semaphore, #tpu.memory_space<semaphore_mem>>)
      %dma_wait3A = arith.constant 0 : i32
      %dma_wait3A_52 = arith.constant 0 : i32
      %dma_wait3A_53 = arith.constant 0 : i32
      %dma_wait3A_54 = arith.constant 0 : i32
      %dma_wait3A_55 = tpu.memref_slice %arg12[%dma_wait3A_52, %dma_wait3A_53, %dma_wait3A_54] : memref<2x16x128xi32, #tpu.memory_space<vmem>> -> memref<1x16x128xi32, #tpu.memory_space<vmem>>
      %dma_wait3A_56 = tpu.memref_squeeze %dma_wait3A_55 : memref<1x16x128xi32, #tpu.memory_space<vmem>> -> memref<16x128xi32, #tpu.memory_space<vmem>>
      %dma_wait3A_57 = arith.constant 0 : i32
      %dma_wait3A_58 = tpu.memref_slice %arg11[%dma_wait3A, %dma_wait3A_57] : memref<10x16xi32, #tpu.memory_space<vmem>> -> memref<1x16xi32, #tpu.memory_space<vmem>>
      %dma_wait3A_59 = tpu.memref_squeeze %dma_wait3A_58 : memref<1x16xi32, #tpu.memory_space<vmem>> -> memref<16xi32, #tpu.memory_space<vmem>>
      %dma_wait3A_60 = arith.constant 0 : i32
      %dma_wait3A_61 = arith.constant 0 : i32
      %dma_wait3A_62 = tpu.memref_slice %arg4[%dma_wait3A_60, %dma_wait3A_61] : memref<2560x128xi32, #tpu.memory_space<hbm>> -> memref<2560x128xi32, #tpu.memory_space<hbm>>
      tpu.wait_indirect_dma semaphore(%arg16 : memref<!tpu.dma_semaphore, #tpu.memory_space<semaphore_mem>>) src(%dma_wait3A_62 : memref<2560x128xi32, #tpu.memory_space<hbm>>) dst(%dma_wait3A_56 : memref<16x128xi32, #tpu.memory_space<vmem>>)
      %dma_wait3A_63 = arith.constant 0 : i32
      %dma_wait3A_64 = arith.constant 0 : i32
      %dma_wait3A_65 = arith.constant 0 : i32
      %dma_wait3A_66 = arith.constant 0 : i32
      %dma_wait3A_67 = tpu.memref_slice %arg13[%dma_wait3A_64, %dma_wait3A_65, %dma_wait3A_66] : memref<2x16x128xi32, #tpu.memory_space<vmem>> -> memref<1x16x128xi32, #tpu.memory_space<vmem>>
      %dma_wait3A_68 = tpu.memref_squeeze %dma_wait3A_67 : memref<1x16x128xi32, #tpu.memory_space<vmem>> -> memref<16x128xi32, #tpu.memory_space<vmem>>
      %dma_wait3A_69 = arith.constant 0 : i32
      %dma_wait3A_70 = tpu.memref_slice %arg11[%dma_wait3A_63, %dma_wait3A_69] : memref<10x16xi32, #tpu.memory_space<vmem>> -> memref<1x16xi32, #tpu.memory_space<vmem>>
      %dma_wait3A_71 = tpu.memref_squeeze %dma_wait3A_70 : memref<1x16xi32, #tpu.memory_space<vmem>> -> memref<16xi32, #tpu.memory_space<vmem>>
      %dma_wait3A_72 = arith.constant 0 : i32
      %dma_wait3A_73 = arith.constant 0 : i32
      %dma_wait3A_74 = tpu.memref_slice %arg5[%dma_wait3A_72, %dma_wait3A_73] : memref<2560x128xi32, #tpu.memory_space<hbm>> -> memref<2560x128xi32, #tpu.memory_space<hbm>>
      tpu.wait_indirect_dma semaphore(%arg16 : memref<!tpu.dma_semaphore, #tpu.memory_space<semaphore_mem>>) src(%dma_wait3A_74 : memref<2560x128xi32, #tpu.memory_space<hbm>>) dst(%dma_wait3A_68 : memref<16x128xi32, #tpu.memory_space<vmem>>)
      %rem3A_75 = arith.constant 1 : i32
      %rem3A_76 = arith.constant 2 : i32
      %rem3A_77 = arith.remsi %rem3A_75, %rem3A_76 : i32
      %dma_start3A_78 = arith.constant 1 : i32
      %dma_start3A_79 = arith.constant 0 : i32
      %dma_start3A_80 = arith.constant 0 : i32
      %dma_start3A_81 = tpu.memref_slice %arg12[%rem3A_77, %dma_start3A_79, %dma_start3A_80] : memref<2x16x128xi32, #tpu.memory_space<vmem>> -> memref<1x16x128xi32, #tpu.memory_space<vmem>>
      %dma_start3A_82 = tpu.memref_squeeze %dma_start3A_81 : memref<1x16x128xi32, #tpu.memory_space<vmem>> -> memref<16x128xi32, #tpu.memory_space<vmem>>
      %dma_start3A_83 = arith.constant 0 : i32
      %dma_start3A_84 = tpu.memref_slice %arg11[%dma_start3A_78, %dma_start3A_83] : memref<10x16xi32, #tpu.memory_space<vmem>> -> memref<1x16xi32, #tpu.memory_space<vmem>>
      %dma_start3A_85 = tpu.memref_squeeze %dma_start3A_84 : memref<1x16xi32, #tpu.memory_space<vmem>> -> memref<16xi32, #tpu.memory_space<vmem>>
      %dma_start3A_86 = arith.constant 0 : i32
      %dma_start3A_87 = arith.constant 0 : i32
      %dma_start3A_88 = tpu.memref_slice %arg4[%dma_start3A_86, %dma_start3A_87] : memref<2560x128xi32, #tpu.memory_space<hbm>> -> memref<2560x128xi32, #tpu.memory_space<hbm>>
      tpu.enqueue_indirect_dma source(%dma_start3A_88 : memref<2560x128xi32, #tpu.memory_space<hbm>>) target(%dma_start3A_82 : memref<16x128xi32, #tpu.memory_space<vmem>>) offsets(%dma_start3A_85 : memref<16xi32, #tpu.memory_space<vmem>>) semaphore(%arg16 : memref<!tpu.dma_semaphore, #tpu.memory_space<semaphore_mem>>)
      %dma_start3A_89 = arith.constant 1 : i32
      %dma_start3A_90 = arith.constant 0 : i32
      %dma_start3A_91 = arith.constant 0 : i32
      %dma_start3A_92 = tpu.memref_slice %arg13[%rem3A_77, %dma_start3A_90, %dma_start3A_91] : memref<2x16x128xi32, #tpu.memory_space<vmem>> -> memref<1x16x128xi32, #tpu.memory_space<vmem>>
      %dma_start3A_93 = tpu.memref_squeeze %dma_start3A_92 : memref<1x16x128xi32, #tpu.memory_space<vmem>> -> memref<16x128xi32, #tpu.memory_space<vmem>>
      %dma_start3A_94 = arith.constant 0 : i32
      %dma_start3A_95 = tpu.memref_slice %arg11[%dma_start3A_89, %dma_start3A_94] : memref<10x16xi32, #tpu.memory_space<vmem>> -> memref<1x16xi32, #tpu.memory_space<vmem>>
      %dma_start3A_96 = tpu.memref_squeeze %dma_start3A_95 : memref<1x16xi32, #tpu.memory_space<vmem>> -> memref<16xi32, #tpu.memory_space<vmem>>
      %dma_start3A_97 = arith.constant 0 : i32
      %dma_start3A_98 = arith.constant 0 : i32
      %dma_start3A_99 = tpu.memref_slice %arg5[%dma_start3A_97, %dma_start3A_98] : memref<2560x128xi32, #tpu.memory_space<hbm>> -> memref<2560x128xi32, #tpu.memory_space<hbm>>
      tpu.enqueue_indirect_dma source(%dma_start3A_99 : memref<2560x128xi32, #tpu.memory_space<hbm>>) target(%dma_start3A_93 : memref<16x128xi32, #tpu.memory_space<vmem>>) offsets(%dma_start3A_96 : memref<16xi32, #tpu.memory_space<vmem>>) semaphore(%arg16 : memref<!tpu.dma_semaphore, #tpu.memory_space<semaphore_mem>>)
      %dma_start3A_100 = arith.constant 0 : i32
      %dma_start3A_101 = arith.constant 0 : i32
      %dma_start3A_102 = arith.constant 0 : i32
      %dma_start3A_103 = arith.constant 0 : i32
      %dma_start3A_104 = arith.constant 0 : i32
      %dma_start3A_105 = tpu.memref_slice %arg14[%dma_start3A_102, %dma_start3A_103, %dma_start3A_104] : memref<2x128x128xf32, #tpu.memory_space<vmem>> -> memref<1x128x128xf32, #tpu.memory_space<vmem>>
      %dma_start3A_106 = tpu.memref_squeeze %dma_start3A_105 : memref<1x128x128xf32, #tpu.memory_space<vmem>> -> memref<128x128xf32, #tpu.memory_space<vmem>>
      %dma_start3A_107 = arith.constant 0 : i32
      %dma_start3A_108 = arith.constant 0 : i32
      %dma_start3A_109 = tpu.memref_slice %arg12[%dma_start3A_100, %dma_start3A_107, %dma_start3A_108] : memref<2x16x128xi32, #tpu.memory_space<vmem>> -> memref<1x16x128xi32, #tpu.memory_space<vmem>>
      %dma_start3A_110 = tpu.memref_squeeze %dma_start3A_109 : memref<1x16x128xi32, #tpu.memory_space<vmem>> -> memref<16x128xi32, #tpu.memory_space<vmem>>
      %dma_start3A_111 = arith.constant 0 : i32
      %dma_start3A_112 = tpu.memref_slice %dma_start3A_110[%dma_start3A_101, %dma_start3A_111] : memref<16x128xi32, #tpu.memory_space<vmem>> -> memref<1x128xi32, #tpu.memory_space<vmem>>
      %dma_start3A_113 = tpu.memref_squeeze %dma_start3A_112 : memref<1x128xi32, #tpu.memory_space<vmem>> -> memref<128xi32, #tpu.memory_space<vmem>>
      %dma_start3A_114 = arith.constant 0 : i32
      %dma_start3A_115 = arith.constant 0 : i32
      %dma_start3A_116 = tpu.memref_slice %arg2[%dma_start3A_114, %dma_start3A_115] : memref<10000x128xf32, #tpu.memory_space<hbm>> -> memref<10000x128xf32, #tpu.memory_space<hbm>>
      tpu.enqueue_indirect_dma source(%dma_start3A_116 : memref<10000x128xf32, #tpu.memory_space<hbm>>) target(%dma_start3A_106 : memref<128x128xf32, #tpu.memory_space<vmem>>) offsets(%dma_start3A_113 : memref<128xi32, #tpu.memory_space<vmem>>) semaphore(%arg17 : memref<!tpu.dma_semaphore, #tpu.memory_space<semaphore_mem>>)
      %dma_start3A_117 = arith.constant 0 : i32
      %dma_start3A_118 = arith.constant 1 : i32
      %dma_start3A_119 = arith.constant 1 : i32
      %dma_start3A_120 = arith.constant 0 : i32
      %dma_start3A_121 = arith.constant 0 : i32
      %dma_start3A_122 = tpu.memref_slice %arg14[%dma_start3A_119, %dma_start3A_120, %dma_start3A_121] : memref<2x128x128xf32, #tpu.memory_space<vmem>> -> memref<1x128x128xf32, #tpu.memory_space<vmem>>
      %dma_start3A_123 = tpu.memref_squeeze %dma_start3A_122 : memref<1x128x128xf32, #tpu.memory_space<vmem>> -> memref<128x128xf32, #tpu.memory_space<vmem>>
      %dma_start3A_124 = arith.constant 0 : i32
      %dma_start3A_125 = arith.constant 0 : i32
      %dma_start3A_126 = tpu.memref_slice %arg12[%dma_start3A_117, %dma_start3A_124, %dma_start3A_125] : memref<2x16x128xi32, #tpu.memory_space<vmem>> -> memref<1x16x128xi32, #tpu.memory_space<vmem>>
      %dma_start3A_127 = tpu.memref_squeeze %dma_start3A_126 : memref<1x16x128xi32, #tpu.memory_space<vmem>> -> memref<16x128xi32, #tpu.memory_space<vmem>>
      %dma_start3A_128 = arith.constant 0 : i32
      %dma_start3A_129 = tpu.memref_slice %dma_start3A_127[%dma_start3A_118, %dma_start3A_128] : memref<16x128xi32, #tpu.memory_space<vmem>> -> memref<1x128xi32, #tpu.memory_space<vmem>>
      %dma_start3A_130 = tpu.memref_squeeze %dma_start3A_129 : memref<1x128xi32, #tpu.memory_space<vmem>> -> memref<128xi32, #tpu.memory_space<vmem>>
      %dma_start3A_131 = arith.constant 0 : i32
      %dma_start3A_132 = arith.constant 0 : i32
      %dma_start3A_133 = tpu.memref_slice %arg2[%dma_start3A_131, %dma_start3A_132] : memref<10000x128xf32, #tpu.memory_space<hbm>> -> memref<10000x128xf32, #tpu.memory_space<hbm>>
      tpu.enqueue_indirect_dma source(%dma_start3A_133 : memref<10000x128xf32, #tpu.memory_space<hbm>>) target(%dma_start3A_123 : memref<128x128xf32, #tpu.memory_space<vmem>>) offsets(%dma_start3A_130 : memref<128xi32, #tpu.memory_space<vmem>>) semaphore(%arg17 : memref<!tpu.dma_semaphore, #tpu.memory_space<semaphore_mem>>)
      %scan3A_134 = arith.constant 0 : i32
      %scan3A_135 = arith.constant 0 : i32
      %scan3A_136 = arith.constant 160 : i32
      %scan3A_137 = arith.addi %scan3A_135, %scan3A_136 : i32
      %scan3A_138 = arith.constant 1 : i32
      scf.for %scan3A_140 = %scan3A_135 to %scan3A_137 step %scan3A_138  : i32 {
        %div3A = arith.constant 16 : i32
        %div3A_141 = arith.divsi %scan3A_140, %div3A : i32
        %rem3A_142 = arith.constant 16 : i32
        %rem3A_143 = arith.remsi %scan3A_140, %rem3A_142 : i32
        %rem3A_144 = arith.constant 2 : i32
        %rem3A_145 = arith.remsi %div3A_141, %rem3A_144 : i32
        %rem3A_146 = arith.constant 2 : i32
        %rem3A_147 = arith.remsi %scan3A_140, %rem3A_146 : i32
        %dma_wait3A_148 = arith.constant 0 : i32
        %dma_wait3A_149 = arith.constant 0 : i32
        %dma_wait3A_150 = arith.constant 0 : i32
        %dma_wait3A_151 = tpu.memref_slice %arg14[%dma_wait3A_148, %dma_wait3A_149, %dma_wait3A_150] : memref<2x128x128xf32, #tpu.memory_space<vmem>> -> memref<1x128x128xf32, #tpu.memory_space<vmem>>
        %dma_wait3A_152 = tpu.memref_squeeze %dma_wait3A_151 : memref<1x128x128xf32, #tpu.memory_space<vmem>> -> memref<128x128xf32, #tpu.memory_space<vmem>>
        %dma_wait3A_153 = arith.constant 0 : i32
        %dma_wait3A_154 = arith.constant 0 : i32
        %dma_wait3A_155 = tpu.memref_slice %arg2[%dma_wait3A_153, %dma_wait3A_154] : memref<10000x128xf32, #tpu.memory_space<hbm>> -> memref<128x128xf32, #tpu.memory_space<hbm>>
        %dma_wait3A_156 = arith.constant 0 : i32
        %dma_wait3A_157 = arith.constant 0 : i32
        %dma_wait3A_158 = tpu.memref_slice %arg14[%dma_wait3A_148, %dma_wait3A_156, %dma_wait3A_157] : memref<2x128x128xf32, #tpu.memory_space<vmem>> -> memref<1x128x128xf32, #tpu.memory_space<vmem>>
        %dma_wait3A_159 = tpu.memref_squeeze %dma_wait3A_158 : memref<1x128x128xf32, #tpu.memory_space<vmem>> -> memref<128x128xf32, #tpu.memory_space<vmem>>
        %dma_wait3A_160 = arith.constant 0 : i32
        %dma_wait3A_161 = arith.constant 0 : i32
        %dma_wait3A_162 = tpu.memref_slice %arg2[%dma_wait3A_160, %dma_wait3A_161] : memref<10000x128xf32, #tpu.memory_space<hbm>> -> memref<128x128xf32, #tpu.memory_space<hbm>>
        tpu.wait_dma2 semaphore(%arg17 : memref<!tpu.dma_semaphore, #tpu.memory_space<semaphore_mem>>) src(%dma_wait3A_162 : memref<128x128xf32, #tpu.memory_space<hbm>>) dst(%dma_wait3A_159 : memref<128x128xf32, #tpu.memory_space<vmem>>)
        "tpu.region"() ({
          %run_scoped3A = tpu.sem_alloc : memref<!tpu.dma_semaphore, #tpu.memory_space<semaphore_mem>>
          %dma_start3A_187 = arith.constant 0 : i32
          %dma_start3A_188 = arith.constant 0 : i32
          %dma_start3A_189 = tpu.memref_slice %arg14[%rem3A_147, %dma_start3A_187, %dma_start3A_188] : memref<2x128x128xf32, #tpu.memory_space<vmem>> -> memref<1x128x128xf32, #tpu.memory_space<vmem>>
          %dma_start3A_190 = tpu.memref_squeeze %dma_start3A_189 : memref<1x128x128xf32, #tpu.memory_space<vmem>> -> memref<128x128xf32, #tpu.memory_space<vmem>>
          %dma_start3A_191 = arith.constant 0 : i32
          %dma_start3A_192 = arith.constant 0 : i32
          %dma_start3A_193 = tpu.memref_slice %arg13[%rem3A_145, %dma_start3A_191, %dma_start3A_192] : memref<2x16x128xi32, #tpu.memory_space<vmem>> -> memref<1x16x128xi32, #tpu.memory_space<vmem>>
          %dma_start3A_194 = tpu.memref_squeeze %dma_start3A_193 : memref<1x16x128xi32, #tpu.memory_space<vmem>> -> memref<16x128xi32, #tpu.memory_space<vmem>>
          %dma_start3A_195 = arith.constant 0 : i32
          %dma_start3A_196 = tpu.memref_slice %dma_start3A_194[%rem3A_143, %dma_start3A_195] : memref<16x128xi32, #tpu.memory_space<vmem>> -> memref<1x128xi32, #tpu.memory_space<vmem>>
          %dma_start3A_197 = tpu.memref_squeeze %dma_start3A_196 : memref<1x128xi32, #tpu.memory_space<vmem>> -> memref<128xi32, #tpu.memory_space<vmem>>
          %dma_start3A_198 = arith.constant 0 : i32
          %dma_start3A_199 = arith.constant 0 : i32
          %dma_start3A_200 = tpu.memref_slice %arg15[%dma_start3A_198, %dma_start3A_199] : memref<10016x128xf32, #tpu.memory_space<vmem_shared>> -> memref<10016x128xf32, #tpu.memory_space<vmem_shared>>
          tpu.enqueue_indirect_dma source(%dma_start3A_190 : memref<128x128xf32, #tpu.memory_space<vmem>>) target(%dma_start3A_200 : memref<10016x128xf32, #tpu.memory_space<vmem_shared>>) offsets(%dma_start3A_197 : memref<128xi32, #tpu.memory_space<vmem>>) semaphore(%run_scoped3A : memref<!tpu.dma_semaphore, #tpu.memory_space<semaphore_mem>>) {add = true}
          %dma_wait3A_201 = arith.constant 0 : i32
          %dma_wait3A_202 = arith.constant 0 : i32
          %dma_wait3A_203 = tpu.memref_slice %arg14[%rem3A_147, %dma_wait3A_201, %dma_wait3A_202] : memref<2x128x128xf32, #tpu.memory_space<vmem>> -> memref<1x128x128xf32, #tpu.memory_space<vmem>>
          %dma_wait3A_204 = tpu.memref_squeeze %dma_wait3A_203 : memref<1x128x128xf32, #tpu.memory_space<vmem>> -> memref<128x128xf32, #tpu.memory_space<vmem>>
          %dma_wait3A_205 = arith.constant 0 : i32
          %dma_wait3A_206 = arith.constant 0 : i32
          %dma_wait3A_207 = tpu.memref_slice %arg13[%rem3A_145, %dma_wait3A_205, %dma_wait3A_206] : memref<2x16x128xi32, #tpu.memory_space<vmem>> -> memref<1x16x128xi32, #tpu.memory_space<vmem>>
          %dma_wait3A_208 = tpu.memref_squeeze %dma_wait3A_207 : memref<1x16x128xi32, #tpu.memory_space<vmem>> -> memref<16x128xi32, #tpu.memory_space<vmem>>
          %dma_wait3A_209 = arith.constant 0 : i32
          %dma_wait3A_210 = tpu.memref_slice %dma_wait3A_208[%rem3A_143, %dma_wait3A_209] : memref<16x128xi32, #tpu.memory_space<vmem>> -> memref<1x128xi32, #tpu.memory_space<vmem>>
          %dma_wait3A_211 = tpu.memref_squeeze %dma_wait3A_210 : memref<1x128xi32, #tpu.memory_space<vmem>> -> memref<128xi32, #tpu.memory_space<vmem>>
          %dma_wait3A_212 = arith.constant 0 : i32
          %dma_wait3A_213 = arith.constant 0 : i32
          %dma_wait3A_214 = tpu.memref_slice %arg15[%dma_wait3A_212, %dma_wait3A_213] : memref<10016x128xf32, #tpu.memory_space<vmem_shared>> -> memref<10016x128xf32, #tpu.memory_space<vmem_shared>>
          tpu.wait_indirect_dma semaphore(%run_scoped3A : memref<!tpu.dma_semaphore, #tpu.memory_space<semaphore_mem>>) src(%dma_wait3A_204 : memref<128x128xf32, #tpu.memory_space<vmem>>) dst(%dma_wait3A_214 : memref<10016x128xf32, #tpu.memory_space<vmem_shared>>)
          tpu.yield
        }) : () -> ()
        %eq3A_163 = arith.constant 14 : i32
        %eq3A_164 = arith.cmpi eq, %rem3A_143, %eq3A_163 : i32
        %add3A = arith.constant 1 : i32
        %add3A_165 = arith.addi %div3A_141, %add3A : i32
        %lt3A = arith.constant 10 : i32
        %lt3A_166 = arith.cmpi slt, %add3A_165, %lt3A : i32
        %and3A = arith.andi %eq3A_164, %lt3A_166 : i1
        %convert_element_type3A_167 = arith.extui %and3A : i1 to i32
        %cond3A_168 = arith.constant 0 : i32
        %cond3A_169 = arith.cmpi ne, %convert_element_type3A_167, %cond3A_168 : i32
        scf.if %cond3A_169 {
          %dma_wait3A_187 = arith.constant 0 : i32
          %dma_wait3A_188 = arith.constant 0 : i32
          %dma_wait3A_189 = arith.constant 0 : i32
          %dma_wait3A_190 = arith.constant 0 : i32
          %dma_wait3A_191 = tpu.memref_slice %arg12[%dma_wait3A_188, %dma_wait3A_189, %dma_wait3A_190] : memref<2x16x128xi32, #tpu.memory_space<vmem>> -> memref<1x16x128xi32, #tpu.memory_space<vmem>>
          %dma_wait3A_192 = tpu.memref_squeeze %dma_wait3A_191 : memref<1x16x128xi32, #tpu.memory_space<vmem>> -> memref<16x128xi32, #tpu.memory_space<vmem>>
          %dma_wait3A_193 = arith.constant 0 : i32
          %dma_wait3A_194 = tpu.memref_slice %arg11[%dma_wait3A_187, %dma_wait3A_193] : memref<10x16xi32, #tpu.memory_space<vmem>> -> memref<1x16xi32, #tpu.memory_space<vmem>>
          %dma_wait3A_195 = tpu.memref_squeeze %dma_wait3A_194 : memref<1x16xi32, #tpu.memory_space<vmem>> -> memref<16xi32, #tpu.memory_space<vmem>>
          %dma_wait3A_196 = arith.constant 0 : i32
          %dma_wait3A_197 = arith.constant 0 : i32
          %dma_wait3A_198 = tpu.memref_slice %arg4[%dma_wait3A_196, %dma_wait3A_197] : memref<2560x128xi32, #tpu.memory_space<hbm>> -> memref<2560x128xi32, #tpu.memory_space<hbm>>
          tpu.wait_indirect_dma semaphore(%arg16 : memref<!tpu.dma_semaphore, #tpu.memory_space<semaphore_mem>>) src(%dma_wait3A_198 : memref<2560x128xi32, #tpu.memory_space<hbm>>) dst(%dma_wait3A_192 : memref<16x128xi32, #tpu.memory_space<vmem>>)
          %dma_wait3A_199 = arith.constant 0 : i32
          %dma_wait3A_200 = arith.constant 0 : i32
          %dma_wait3A_201 = arith.constant 0 : i32
          %dma_wait3A_202 = arith.constant 0 : i32
          %dma_wait3A_203 = tpu.memref_slice %arg13[%dma_wait3A_200, %dma_wait3A_201, %dma_wait3A_202] : memref<2x16x128xi32, #tpu.memory_space<vmem>> -> memref<1x16x128xi32, #tpu.memory_space<vmem>>
          %dma_wait3A_204 = tpu.memref_squeeze %dma_wait3A_203 : memref<1x16x128xi32, #tpu.memory_space<vmem>> -> memref<16x128xi32, #tpu.memory_space<vmem>>
          %dma_wait3A_205 = arith.constant 0 : i32
          %dma_wait3A_206 = tpu.memref_slice %arg11[%dma_wait3A_199, %dma_wait3A_205] : memref<10x16xi32, #tpu.memory_space<vmem>> -> memref<1x16xi32, #tpu.memory_space<vmem>>
          %dma_wait3A_207 = tpu.memref_squeeze %dma_wait3A_206 : memref<1x16xi32, #tpu.memory_space<vmem>> -> memref<16xi32, #tpu.memory_space<vmem>>
          %dma_wait3A_208 = arith.constant 0 : i32
          %dma_wait3A_209 = arith.constant 0 : i32
          %dma_wait3A_210 = tpu.memref_slice %arg5[%dma_wait3A_208, %dma_wait3A_209] : memref<2560x128xi32, #tpu.memory_space<hbm>> -> memref<2560x128xi32, #tpu.memory_space<hbm>>
          tpu.wait_indirect_dma semaphore(%arg16 : memref<!tpu.dma_semaphore, #tpu.memory_space<semaphore_mem>>) src(%dma_wait3A_210 : memref<2560x128xi32, #tpu.memory_space<hbm>>) dst(%dma_wait3A_204 : memref<16x128xi32, #tpu.memory_space<vmem>>)
        } else {
        }
        %add3A_170 = arith.constant 2 : i32
        %add3A_171 = arith.addi %scan3A_140, %add3A_170 : i32
        %lt3A_172 = arith.constant 160 : i32
        %lt3A_173 = arith.cmpi slt, %add3A_171, %lt3A_172 : i32
        %convert_element_type3A_174 = arith.extui %lt3A_173 : i1 to i32
        %cond3A_175 = arith.constant 0 : i32
        %cond3A_176 = arith.cmpi ne, %convert_element_type3A_174, %cond3A_175 : i32
        scf.if %cond3A_176 {
          %div3A_187 = arith.constant 16 : i32
          %div3A_188 = arith.divsi %add3A_171, %div3A_187 : i32
          %rem3A_189 = arith.constant 2 : i32
          %rem3A_190 = arith.remsi %div3A_188, %rem3A_189 : i32
          %rem3A_191 = arith.constant 16 : i32
          %rem3A_192 = arith.remsi %add3A_171, %rem3A_191 : i32
          %dma_start3A_193 = arith.constant 0 : i32
          %dma_start3A_194 = arith.constant 0 : i32
          %dma_start3A_195 = tpu.memref_slice %arg14[%rem3A_147, %dma_start3A_193, %dma_start3A_194] : memref<2x128x128xf32, #tpu.memory_space<vmem>> -> memref<1x128x128xf32, #tpu.memory_space<vmem>>
          %dma_start3A_196 = tpu.memref_squeeze %dma_start3A_195 : memref<1x128x128xf32, #tpu.memory_space<vmem>> -> memref<128x128xf32, #tpu.memory_space<vmem>>
          %dma_start3A_197 = arith.constant 0 : i32
          %dma_start3A_198 = arith.constant 0 : i32
          %dma_start3A_199 = tpu.memref_slice %arg12[%rem3A_190, %dma_start3A_197, %dma_start3A_198] : memref<2x16x128xi32, #tpu.memory_space<vmem>> -> memref<1x16x128xi32, #tpu.memory_space<vmem>>
          %dma_start3A_200 = tpu.memref_squeeze %dma_start3A_199 : memref<1x16x128xi32, #tpu.memory_space<vmem>> -> memref<16x128xi32, #tpu.memory_space<vmem>>
          %dma_start3A_201 = arith.constant 0 : i32
          %dma_start3A_202 = tpu.memref_slice %dma_start3A_200[%rem3A_192, %dma_start3A_201] : memref<16x128xi32, #tpu.memory_space<vmem>> -> memref<1x128xi32, #tpu.memory_space<vmem>>
          %dma_start3A_203 = tpu.memref_squeeze %dma_start3A_202 : memref<1x128xi32, #tpu.memory_space<vmem>> -> memref<128xi32, #tpu.memory_space<vmem>>
          %dma_start3A_204 = arith.constant 0 : i32
          %dma_start3A_205 = arith.constant 0 : i32
          %dma_start3A_206 = tpu.memref_slice %arg2[%dma_start3A_204, %dma_start3A_205] : memref<10000x128xf32, #tpu.memory_space<hbm>> -> memref<10000x128xf32, #tpu.memory_space<hbm>>
          tpu.enqueue_indirect_dma source(%dma_start3A_206 : memref<10000x128xf32, #tpu.memory_space<hbm>>) target(%dma_start3A_196 : memref<128x128xf32, #tpu.memory_space<vmem>>) offsets(%dma_start3A_203 : memref<128xi32, #tpu.memory_space<vmem>>) semaphore(%arg17 : memref<!tpu.dma_semaphore, #tpu.memory_space<semaphore_mem>>)
        } else {
        }
        %eq3A_177 = arith.constant 15 : i32
        %eq3A_178 = arith.cmpi eq, %rem3A_143, %eq3A_177 : i32
        %add3A_179 = arith.constant 2 : i32
        %add3A_180 = arith.addi %div3A_141, %add3A_179 : i32
        %lt3A_181 = arith.constant 10 : i32
        %lt3A_182 = arith.cmpi slt, %add3A_180, %lt3A_181 : i32
        %and3A_183 = arith.andi %eq3A_178, %lt3A_182 : i1
        %convert_element_type3A_184 = arith.extui %and3A_183 : i1 to i32
        %cond3A_185 = arith.constant 0 : i32
        %cond3A_186 = arith.cmpi ne, %convert_element_type3A_184, %cond3A_185 : i32
        scf.if %cond3A_186 {
          %add3A_187 = arith.constant 2 : i32
          %add3A_188 = arith.addi %div3A_141, %add3A_187 : i32
          %rem3A_189 = arith.constant 2 : i32
          %rem3A_190 = arith.remsi %add3A_188, %rem3A_189 : i32
          %dma_start3A_191 = arith.constant 0 : i32
          %dma_start3A_192 = arith.constant 0 : i32
          %dma_start3A_193 = tpu.memref_slice %arg12[%rem3A_190, %dma_start3A_191, %dma_start3A_192] : memref<2x16x128xi32, #tpu.memory_space<vmem>> -> memref<1x16x128xi32, #tpu.memory_space<vmem>>
          %dma_start3A_194 = tpu.memref_squeeze %dma_start3A_193 : memref<1x16x128xi32, #tpu.memory_space<vmem>> -> memref<16x128xi32, #tpu.memory_space<vmem>>
          %dma_start3A_195 = arith.constant 0 : i32
          %dma_start3A_196 = tpu.memref_slice %arg11[%add3A_188, %dma_start3A_195] : memref<10x16xi32, #tpu.memory_space<vmem>> -> memref<1x16xi32, #tpu.memory_space<vmem>>
          %dma_start3A_197 = tpu.memref_squeeze %dma_start3A_196 : memref<1x16xi32, #tpu.memory_space<vmem>> -> memref<16xi32, #tpu.memory_space<vmem>>
          %dma_start3A_198 = arith.constant 0 : i32
          %dma_start3A_199 = arith.constant 0 : i32
          %dma_start3A_200 = tpu.memref_slice %arg4[%dma_start3A_198, %dma_start3A_199] : memref<2560x128xi32, #tpu.memory_space<hbm>> -> memref<2560x128xi32, #tpu.memory_space<hbm>>
          tpu.enqueue_indirect_dma source(%dma_start3A_200 : memref<2560x128xi32, #tpu.memory_space<hbm>>) target(%dma_start3A_194 : memref<16x128xi32, #tpu.memory_space<vmem>>) offsets(%dma_start3A_197 : memref<16xi32, #tpu.memory_space<vmem>>) semaphore(%arg16 : memref<!tpu.dma_semaphore, #tpu.memory_space<semaphore_mem>>)
          %dma_start3A_201 = arith.constant 0 : i32
          %dma_start3A_202 = arith.constant 0 : i32
          %dma_start3A_203 = tpu.memref_slice %arg13[%rem3A_190, %dma_start3A_201, %dma_start3A_202] : memref<2x16x128xi32, #tpu.memory_space<vmem>> -> memref<1x16x128xi32, #tpu.memory_space<vmem>>
          %dma_start3A_204 = tpu.memref_squeeze %dma_start3A_203 : memref<1x16x128xi32, #tpu.memory_space<vmem>> -> memref<16x128xi32, #tpu.memory_space<vmem>>
          %dma_start3A_205 = arith.constant 0 : i32
          %dma_start3A_206 = tpu.memref_slice %arg11[%add3A_188, %dma_start3A_205] : memref<10x16xi32, #tpu.memory_space<vmem>> -> memref<1x16xi32, #tpu.memory_space<vmem>>
          %dma_start3A_207 = tpu.memref_squeeze %dma_start3A_206 : memref<1x16xi32, #tpu.memory_space<vmem>> -> memref<16xi32, #tpu.memory_space<vmem>>
          %dma_start3A_208 = arith.constant 0 : i32
          %dma_start3A_209 = arith.constant 0 : i32
          %dma_start3A_210 = tpu.memref_slice %arg5[%dma_start3A_208, %dma_start3A_209] : memref<2560x128xi32, #tpu.memory_space<hbm>> -> memref<2560x128xi32, #tpu.memory_space<hbm>>
          tpu.enqueue_indirect_dma source(%dma_start3A_210 : memref<2560x128xi32, #tpu.memory_space<hbm>>) target(%dma_start3A_204 : memref<16x128xi32, #tpu.memory_space<vmem>>) offsets(%dma_start3A_207 : memref<16xi32, #tpu.memory_space<vmem>>) semaphore(%arg16 : memref<!tpu.dma_semaphore, #tpu.memory_space<semaphore_mem>>)
        } else {
        }
      }
      %scan3A_139 = arith.constant 160 : i32
    } else {
    }
    %eq3A_8 = arith.constant 1 : i32
    %eq3A_9 = arith.cmpi eq, %arg0, %eq3A_8 : i32
    %convert_element_type3A_10 = arith.extui %eq3A_9 : i1 to i32
    %cond3A_11 = arith.constant 0 : i32
    %cond3A_12 = arith.cmpi ne, %convert_element_type3A_10, %cond3A_11 : i32
    scf.if %cond3A_12 {
      %scan3A = arith.constant 0 : i32
      %scan3A_24 = arith.constant 0 : i32
      %scan3A_25 = arith.constant 10 : i32
      %scan3A_26 = arith.addi %scan3A_24, %scan3A_25 : i32
      %scan3A_27 = arith.constant 1 : i32
      scf.for %scan3A_140 = %scan3A_24 to %scan3A_26 step %scan3A_27  : i32 {
        %mul3A_141 = arith.constant 160 : i32
        %mul3A_142 = arith.muli %arg1, %mul3A_141 : i32
        %mul3A_143 = arith.constant 16 : i32
        %mul3A_144 = arith.muli %scan3A_140, %mul3A_143 : i32
        %add3A = arith.addi %mul3A_142, %mul3A_144 : i32
        %iota3A = tpu.iota {dimensions = array<i32: 0>} : vector<16xi32>
        %add3A_145 = vector.broadcast %add3A : i32 to vector<16xi32>
        %add3A_146 = arith.addi %add3A_145, %iota3A : vector<16xi32>
        %swap3A = arith.index_cast %scan3A_140 : i32 to index
        %swap3A_147 = arith.constant 0 : index
        %swap3A_148 = tpu.vector_load %arg11[%swap3A, %swap3A_147] {strides = array<i32>} : memref<10x16xi32, #tpu.memory_space<vmem>>, vector<1x16xi32>,
        %swap3A_149 = vector.shape_cast %swap3A_148 : vector<1x16xi32> to vector<16xi32>
        %swap3A_150 = vector.shape_cast %add3A_146 : vector<16xi32> to vector<1x16xi32>
        tpu.vector_store %arg11[%swap3A, %swap3A_147], %swap3A_150 {strides = array<i32>} : memref<10x16xi32, #tpu.memory_space<vmem>>, vector<1x16xi32>,
      }
      %scan3A_28 = arith.constant 10 : i32
      %rem3A = arith.constant 0 : i32
      %rem3A_29 = arith.constant 2 : i32
      %rem3A_30 = arith.remsi %rem3A, %rem3A_29 : i32
      %dma_start3A = arith.constant 0 : i32
      %dma_start3A_31 = arith.constant 0 : i32
      %dma_start3A_32 = arith.constant 0 : i32
      %dma_start3A_33 = tpu.memref_slice %arg12[%rem3A_30, %dma_start3A_31, %dma_start3A_32] : memref<2x16x128xi32, #tpu.memory_space<vmem>> -> memref<1x16x128xi32, #tpu.memory_space<vmem>>
      %dma_start3A_34 = tpu.memref_squeeze %dma_start3A_33 : memref<1x16x128xi32, #tpu.memory_space<vmem>> -> memref<16x128xi32, #tpu.memory_space<vmem>>
      %dma_start3A_35 = arith.constant 0 : i32
      %dma_start3A_36 = tpu.memref_slice %arg11[%dma_start3A, %dma_start3A_35] : memref<10x16xi32, #tpu.memory_space<vmem>> -> memref<1x16xi32, #tpu.memory_space<vmem>>
      %dma_start3A_37 = tpu.memref_squeeze %dma_start3A_36 : memref<1x16xi32, #tpu.memory_space<vmem>> -> memref<16xi32, #tpu.memory_space<vmem>>
      %dma_start3A_38 = arith.constant 0 : i32
      %dma_start3A_39 = arith.constant 0 : i32
      %dma_start3A_40 = tpu.memref_slice %arg6[%dma_start3A_38, %dma_start3A_39] : memref<2560x128xi32, #tpu.memory_space<hbm>> -> memref<2560x128xi32, #tpu.memory_space<hbm>>
      tpu.enqueue_indirect_dma source(%dma_start3A_40 : memref<2560x128xi32, #tpu.memory_space<hbm>>) target(%dma_start3A_34 : memref<16x128xi32, #tpu.memory_space<vmem>>) offsets(%dma_start3A_37 : memref<16xi32, #tpu.memory_space<vmem>>) semaphore(%arg16 : memref<!tpu.dma_semaphore, #tpu.memory_space<semaphore_mem>>)
      %dma_start3A_41 = arith.constant 0 : i32
      %dma_start3A_42 = arith.constant 0 : i32
      %dma_start3A_43 = arith.constant 0 : i32
      %dma_start3A_44 = tpu.memref_slice %arg13[%rem3A_30, %dma_start3A_42, %dma_start3A_43] : memref<2x16x128xi32, #tpu.memory_space<vmem>> -> memref<1x16x128xi32, #tpu.memory_space<vmem>>
      %dma_start3A_45 = tpu.memref_squeeze %dma_start3A_44 : memref<1x16x128xi32, #tpu.memory_space<vmem>> -> memref<16x128xi32, #tpu.memory_space<vmem>>
      %dma_start3A_46 = arith.constant 0 : i32
      %dma_start3A_47 = tpu.memref_slice %arg11[%dma_start3A_41, %dma_start3A_46] : memref<10x16xi32, #tpu.memory_space<vmem>> -> memref<1x16xi32, #tpu.memory_space<vmem>>
      %dma_start3A_48 = tpu.memref_squeeze %dma_start3A_47 : memref<1x16xi32, #tpu.memory_space<vmem>> -> memref<16xi32, #tpu.memory_space<vmem>>
      %dma_start3A_49 = arith.constant 0 : i32
      %dma_start3A_50 = arith.constant 0 : i32
      %dma_start3A_51 = tpu.memref_slice %arg7[%dma_start3A_49, %dma_start3A_50] : memref<2560x128xi32, #tpu.memory_space<hbm>> -> memref<2560x128xi32, #tpu.memory_space<hbm>>
      tpu.enqueue_indirect_dma source(%dma_start3A_51 : memref<2560x128xi32, #tpu.memory_space<hbm>>) target(%dma_start3A_45 : memref<16x128xi32, #tpu.memory_space<vmem>>) offsets(%dma_start3A_48 : memref<16xi32, #tpu.memory_space<vmem>>) semaphore(%arg16 : memref<!tpu.dma_semaphore, #tpu.memory_space<semaphore_mem>>)
      %dma_wait3A = arith.constant 0 : i32
      %dma_wait3A_52 = arith.constant 0 : i32
      %dma_wait3A_53 = arith.constant 0 : i32
      %dma_wait3A_54 = arith.constant 0 : i32
      %dma_wait3A_55 = tpu.memref_slice %arg12[%dma_wait3A_52, %dma_wait3A_53, %dma_wait3A_54] : memref<2x16x128xi32, #tpu.memory_space<vmem>> -> memref<1x16x128xi32, #tpu.memory_space<vmem>>
      %dma_wait3A_56 = tpu.memref_squeeze %dma_wait3A_55 : memref<1x16x128xi32, #tpu.memory_space<vmem>> -> memref<16x128xi32, #tpu.memory_space<vmem>>
      %dma_wait3A_57 = arith.constant 0 : i32
      %dma_wait3A_58 = tpu.memref_slice %arg11[%dma_wait3A, %dma_wait3A_57] : memref<10x16xi32, #tpu.memory_space<vmem>> -> memref<1x16xi32, #tpu.memory_space<vmem>>
      %dma_wait3A_59 = tpu.memref_squeeze %dma_wait3A_58 : memref<1x16xi32, #tpu.memory_space<vmem>> -> memref<16xi32, #tpu.memory_space<vmem>>
      %dma_wait3A_60 = arith.constant 0 : i32
      %dma_wait3A_61 = arith.constant 0 : i32
      %dma_wait3A_62 = tpu.memref_slice %arg6[%dma_wait3A_60, %dma_wait3A_61] : memref<2560x128xi32, #tpu.memory_space<hbm>> -> memref<2560x128xi32, #tpu.memory_space<hbm>>
      tpu.wait_indirect_dma semaphore(%arg16 : memref<!tpu.dma_semaphore, #tpu.memory_space<semaphore_mem>>) src(%dma_wait3A_62 : memref<2560x128xi32, #tpu.memory_space<hbm>>) dst(%dma_wait3A_56 : memref<16x128xi32, #tpu.memory_space<vmem>>)
      %dma_wait3A_63 = arith.constant 0 : i32
      %dma_wait3A_64 = arith.constant 0 : i32
      %dma_wait3A_65 = arith.constant 0 : i32
      %dma_wait3A_66 = arith.constant 0 : i32
      %dma_wait3A_67 = tpu.memref_slice %arg13[%dma_wait3A_64, %dma_wait3A_65, %dma_wait3A_66] : memref<2x16x128xi32, #tpu.memory_space<vmem>> -> memref<1x16x128xi32, #tpu.memory_space<vmem>>
      %dma_wait3A_68 = tpu.memref_squeeze %dma_wait3A_67 : memref<1x16x128xi32, #tpu.memory_space<vmem>> -> memref<16x128xi32, #tpu.memory_space<vmem>>
      %dma_wait3A_69 = arith.constant 0 : i32
      %dma_wait3A_70 = tpu.memref_slice %arg11[%dma_wait3A_63, %dma_wait3A_69] : memref<10x16xi32, #tpu.memory_space<vmem>> -> memref<1x16xi32, #tpu.memory_space<vmem>>
      %dma_wait3A_71 = tpu.memref_squeeze %dma_wait3A_70 : memref<1x16xi32, #tpu.memory_space<vmem>> -> memref<16xi32, #tpu.memory_space<vmem>>
      %dma_wait3A_72 = arith.constant 0 : i32
      %dma_wait3A_73 = arith.constant 0 : i32
      %dma_wait3A_74 = tpu.memref_slice %arg7[%dma_wait3A_72, %dma_wait3A_73] : memref<2560x128xi32, #tpu.memory_space<hbm>> -> memref<2560x128xi32, #tpu.memory_space<hbm>>
      tpu.wait_indirect_dma semaphore(%arg16 : memref<!tpu.dma_semaphore, #tpu.memory_space<semaphore_mem>>) src(%dma_wait3A_74 : memref<2560x128xi32, #tpu.memory_space<hbm>>) dst(%dma_wait3A_68 : memref<16x128xi32, #tpu.memory_space<vmem>>)
      %rem3A_75 = arith.constant 1 : i32
      %rem3A_76 = arith.constant 2 : i32
      %rem3A_77 = arith.remsi %rem3A_75, %rem3A_76 : i32
      %dma_start3A_78 = arith.constant 1 : i32
      %dma_start3A_79 = arith.constant 0 : i32
      %dma_start3A_80 = arith.constant 0 : i32
      %dma_start3A_81 = tpu.memref_slice %arg12[%rem3A_77, %dma_start3A_79, %dma_start3A_80] : memref<2x16x128xi32, #tpu.memory_space<vmem>> -> memref<1x16x128xi32, #tpu.memory_space<vmem>>
      %dma_start3A_82 = tpu.memref_squeeze %dma_start3A_81 : memref<1x16x128xi32, #tpu.memory_space<vmem>> -> memref<16x128xi32, #tpu.memory_space<vmem>>
      %dma_start3A_83 = arith.constant 0 : i32
      %dma_start3A_84 = tpu.memref_slice %arg11[%dma_start3A_78, %dma_start3A_83] : memref<10x16xi32, #tpu.memory_space<vmem>> -> memref<1x16xi32, #tpu.memory_space<vmem>>
      %dma_start3A_85 = tpu.memref_squeeze %dma_start3A_84 : memref<1x16xi32, #tpu.memory_space<vmem>> -> memref<16xi32, #tpu.memory_space<vmem>>
      %dma_start3A_86 = arith.constant 0 : i32
      %dma_start3A_87 = arith.constant 0 : i32
      %dma_start3A_88 = tpu.memref_slice %arg6[%dma_start3A_86, %dma_start3A_87] : memref<2560x128xi32, #tpu.memory_space<hbm>> -> memref<2560x128xi32, #tpu.memory_space<hbm>>
      tpu.enqueue_indirect_dma source(%dma_start3A_88 : memref<2560x128xi32, #tpu.memory_space<hbm>>) target(%dma_start3A_82 : memref<16x128xi32, #tpu.memory_space<vmem>>) offsets(%dma_start3A_85 : memref<16xi32, #tpu.memory_space<vmem>>) semaphore(%arg16 : memref<!tpu.dma_semaphore, #tpu.memory_space<semaphore_mem>>)
      %dma_start3A_89 = arith.constant 1 : i32
      %dma_start3A_90 = arith.constant 0 : i32
      %dma_start3A_91 = arith.constant 0 : i32
      %dma_start3A_92 = tpu.memref_slice %arg13[%rem3A_77, %dma_start3A_90, %dma_start3A_91] : memref<2x16x128xi32, #tpu.memory_space<vmem>> -> memref<1x16x128xi32, #tpu.memory_space<vmem>>
      %dma_start3A_93 = tpu.memref_squeeze %dma_start3A_92 : memref<1x16x128xi32, #tpu.memory_space<vmem>> -> memref<16x128xi32, #tpu.memory_space<vmem>>
      %dma_start3A_94 = arith.constant 0 : i32
      %dma_start3A_95 = tpu.memref_slice %arg11[%dma_start3A_89, %dma_start3A_94] : memref<10x16xi32, #tpu.memory_space<vmem>> -> memref<1x16xi32, #tpu.memory_space<vmem>>
      %dma_start3A_96 = tpu.memref_squeeze %dma_start3A_95 : memref<1x16xi32, #tpu.memory_space<vmem>> -> memref<16xi32, #tpu.memory_space<vmem>>
      %dma_start3A_97 = arith.constant 0 : i32
      %dma_start3A_98 = arith.constant 0 : i32
      %dma_start3A_99 = tpu.memref_slice %arg7[%dma_start3A_97, %dma_start3A_98] : memref<2560x128xi32, #tpu.memory_space<hbm>> -> memref<2560x128xi32, #tpu.memory_space<hbm>>
      tpu.enqueue_indirect_dma source(%dma_start3A_99 : memref<2560x128xi32, #tpu.memory_space<hbm>>) target(%dma_start3A_93 : memref<16x128xi32, #tpu.memory_space<vmem>>) offsets(%dma_start3A_96 : memref<16xi32, #tpu.memory_space<vmem>>) semaphore(%arg16 : memref<!tpu.dma_semaphore, #tpu.memory_space<semaphore_mem>>)
      %dma_start3A_100 = arith.constant 0 : i32
      %dma_start3A_101 = arith.constant 0 : i32
      %dma_start3A_102 = arith.constant 0 : i32
      %dma_start3A_103 = arith.constant 0 : i32
      %dma_start3A_104 = arith.constant 0 : i32
      %dma_start3A_105 = tpu.memref_slice %arg14[%dma_start3A_102, %dma_start3A_103, %dma_start3A_104] : memref<2x128x128xf32, #tpu.memory_space<vmem>> -> memref<1x128x128xf32, #tpu.memory_space<vmem>>
      %dma_start3A_106 = tpu.memref_squeeze %dma_start3A_105 : memref<1x128x128xf32, #tpu.memory_space<vmem>> -> memref<128x128xf32, #tpu.memory_space<vmem>>
      %dma_start3A_107 = arith.constant 0 : i32
      %dma_start3A_108 = arith.constant 0 : i32
      %dma_start3A_109 = tpu.memref_slice %arg12[%dma_start3A_100, %dma_start3A_107, %dma_start3A_108] : memref<2x16x128xi32, #tpu.memory_space<vmem>> -> memref<1x16x128xi32, #tpu.memory_space<vmem>>
      %dma_start3A_110 = tpu.memref_squeeze %dma_start3A_109 : memref<1x16x128xi32, #tpu.memory_space<vmem>> -> memref<16x128xi32, #tpu.memory_space<vmem>>
      %dma_start3A_111 = arith.constant 0 : i32
      %dma_start3A_112 = tpu.memref_slice %dma_start3A_110[%dma_start3A_101, %dma_start3A_111] : memref<16x128xi32, #tpu.memory_space<vmem>> -> memref<1x128xi32, #tpu.memory_space<vmem>>
      %dma_start3A_113 = tpu.memref_squeeze %dma_start3A_112 : memref<1x128xi32, #tpu.memory_space<vmem>> -> memref<128xi32, #tpu.memory_space<vmem>>
      %dma_start3A_114 = arith.constant 0 : i32
      %dma_start3A_115 = arith.constant 0 : i32
      %dma_start3A_116 = tpu.memref_slice %arg3[%dma_start3A_114, %dma_start3A_115] : memref<10000x128xf32, #tpu.memory_space<hbm>> -> memref<10000x128xf32, #tpu.memory_space<hbm>>
      tpu.enqueue_indirect_dma source(%dma_start3A_116 : memref<10000x128xf32, #tpu.memory_space<hbm>>) target(%dma_start3A_106 : memref<128x128xf32, #tpu.memory_space<vmem>>) offsets(%dma_start3A_113 : memref<128xi32, #tpu.memory_space<vmem>>) semaphore(%arg17 : memref<!tpu.dma_semaphore, #tpu.memory_space<semaphore_mem>>)
      %dma_start3A_117 = arith.constant 0 : i32
      %dma_start3A_118 = arith.constant 1 : i32
      %dma_start3A_119 = arith.constant 1 : i32
      %dma_start3A_120 = arith.constant 0 : i32
      %dma_start3A_121 = arith.constant 0 : i32
      %dma_start3A_122 = tpu.memref_slice %arg14[%dma_start3A_119, %dma_start3A_120, %dma_start3A_121] : memref<2x128x128xf32, #tpu.memory_space<vmem>> -> memref<1x128x128xf32, #tpu.memory_space<vmem>>
      %dma_start3A_123 = tpu.memref_squeeze %dma_start3A_122 : memref<1x128x128xf32, #tpu.memory_space<vmem>> -> memref<128x128xf32, #tpu.memory_space<vmem>>
      %dma_start3A_124 = arith.constant 0 : i32
      %dma_start3A_125 = arith.constant 0 : i32
      %dma_start3A_126 = tpu.memref_slice %arg12[%dma_start3A_117, %dma_start3A_124, %dma_start3A_125] : memref<2x16x128xi32, #tpu.memory_space<vmem>> -> memref<1x16x128xi32, #tpu.memory_space<vmem>>
      %dma_start3A_127 = tpu.memref_squeeze %dma_start3A_126 : memref<1x16x128xi32, #tpu.memory_space<vmem>> -> memref<16x128xi32, #tpu.memory_space<vmem>>
      %dma_start3A_128 = arith.constant 0 : i32
      %dma_start3A_129 = tpu.memref_slice %dma_start3A_127[%dma_start3A_118, %dma_start3A_128] : memref<16x128xi32, #tpu.memory_space<vmem>> -> memref<1x128xi32, #tpu.memory_space<vmem>>
      %dma_start3A_130 = tpu.memref_squeeze %dma_start3A_129 : memref<1x128xi32, #tpu.memory_space<vmem>> -> memref<128xi32, #tpu.memory_space<vmem>>
      %dma_start3A_131 = arith.constant 0 : i32
      %dma_start3A_132 = arith.constant 0 : i32
      %dma_start3A_133 = tpu.memref_slice %arg3[%dma_start3A_131, %dma_start3A_132] : memref<10000x128xf32, #tpu.memory_space<hbm>> -> memref<10000x128xf32, #tpu.memory_space<hbm>>
      tpu.enqueue_indirect_dma source(%dma_start3A_133 : memref<10000x128xf32, #tpu.memory_space<hbm>>) target(%dma_start3A_123 : memref<128x128xf32, #tpu.memory_space<vmem>>) offsets(%dma_start3A_130 : memref<128xi32, #tpu.memory_space<vmem>>) semaphore(%arg17 : memref<!tpu.dma_semaphore, #tpu.memory_space<semaphore_mem>>)
      %scan3A_134 = arith.constant 0 : i32
      %scan3A_135 = arith.constant 0 : i32
      %scan3A_136 = arith.constant 160 : i32
      %scan3A_137 = arith.addi %scan3A_135, %scan3A_136 : i32
      %scan3A_138 = arith.constant 1 : i32
      scf.for %scan3A_140 = %scan3A_135 to %scan3A_137 step %scan3A_138  : i32 {
        %div3A = arith.constant 16 : i32
        %div3A_141 = arith.divsi %scan3A_140, %div3A : i32
        %rem3A_142 = arith.constant 16 : i32
        %rem3A_143 = arith.remsi %scan3A_140, %rem3A_142 : i32
        %rem3A_144 = arith.constant 2 : i32
        %rem3A_145 = arith.remsi %div3A_141, %rem3A_144 : i32
        %rem3A_146 = arith.constant 2 : i32
        %rem3A_147 = arith.remsi %scan3A_140, %rem3A_146 : i32
        %dma_wait3A_148 = arith.constant 0 : i32
        %dma_wait3A_149 = arith.constant 0 : i32
        %dma_wait3A_150 = arith.constant 0 : i32
        %dma_wait3A_151 = tpu.memref_slice %arg14[%dma_wait3A_148, %dma_wait3A_149, %dma_wait3A_150] : memref<2x128x128xf32, #tpu.memory_space<vmem>> -> memref<1x128x128xf32, #tpu.memory_space<vmem>>
        %dma_wait3A_152 = tpu.memref_squeeze %dma_wait3A_151 : memref<1x128x128xf32, #tpu.memory_space<vmem>> -> memref<128x128xf32, #tpu.memory_space<vmem>>
        %dma_wait3A_153 = arith.constant 0 : i32
        %dma_wait3A_154 = arith.constant 0 : i32
        %dma_wait3A_155 = tpu.memref_slice %arg3[%dma_wait3A_153, %dma_wait3A_154] : memref<10000x128xf32, #tpu.memory_space<hbm>> -> memref<128x128xf32, #tpu.memory_space<hbm>>
        %dma_wait3A_156 = arith.constant 0 : i32
        %dma_wait3A_157 = arith.constant 0 : i32
        %dma_wait3A_158 = tpu.memref_slice %arg14[%dma_wait3A_148, %dma_wait3A_156, %dma_wait3A_157] : memref<2x128x128xf32, #tpu.memory_space<vmem>> -> memref<1x128x128xf32, #tpu.memory_space<vmem>>
        %dma_wait3A_159 = tpu.memref_squeeze %dma_wait3A_158 : memref<1x128x128xf32, #tpu.memory_space<vmem>> -> memref<128x128xf32, #tpu.memory_space<vmem>>
        %dma_wait3A_160 = arith.constant 0 : i32
        %dma_wait3A_161 = arith.constant 0 : i32
        %dma_wait3A_162 = tpu.memref_slice %arg3[%dma_wait3A_160, %dma_wait3A_161] : memref<10000x128xf32, #tpu.memory_space<hbm>> -> memref<128x128xf32, #tpu.memory_space<hbm>>
        tpu.wait_dma2 semaphore(%arg17 : memref<!tpu.dma_semaphore, #tpu.memory_space<semaphore_mem>>) src(%dma_wait3A_162 : memref<128x128xf32, #tpu.memory_space<hbm>>) dst(%dma_wait3A_159 : memref<128x128xf32, #tpu.memory_space<vmem>>)
        "tpu.region"() ({
          %run_scoped3A = tpu.sem_alloc : memref<!tpu.dma_semaphore, #tpu.memory_space<semaphore_mem>>
          %dma_start3A_187 = arith.constant 0 : i32
          %dma_start3A_188 = arith.constant 0 : i32
          %dma_start3A_189 = tpu.memref_slice %arg14[%rem3A_147, %dma_start3A_187, %dma_start3A_188] : memref<2x128x128xf32, #tpu.memory_space<vmem>> -> memref<1x128x128xf32, #tpu.memory_space<vmem>>
          %dma_start3A_190 = tpu.memref_squeeze %dma_start3A_189 : memref<1x128x128xf32, #tpu.memory_space<vmem>> -> memref<128x128xf32, #tpu.memory_space<vmem>>
          %dma_start3A_191 = arith.constant 0 : i32
          %dma_start3A_192 = arith.constant 0 : i32
          %dma_start3A_193 = tpu.memref_slice %arg13[%rem3A_145, %dma_start3A_191, %dma_start3A_192] : memref<2x16x128xi32, #tpu.memory_space<vmem>> -> memref<1x16x128xi32, #tpu.memory_space<vmem>>
          %dma_start3A_194 = tpu.memref_squeeze %dma_start3A_193 : memref<1x16x128xi32, #tpu.memory_space<vmem>> -> memref<16x128xi32, #tpu.memory_space<vmem>>
          %dma_start3A_195 = arith.constant 0 : i32
          %dma_start3A_196 = tpu.memref_slice %dma_start3A_194[%rem3A_143, %dma_start3A_195] : memref<16x128xi32, #tpu.memory_space<vmem>> -> memref<1x128xi32, #tpu.memory_space<vmem>>
          %dma_start3A_197 = tpu.memref_squeeze %dma_start3A_196 : memref<1x128xi32, #tpu.memory_space<vmem>> -> memref<128xi32, #tpu.memory_space<vmem>>
          %dma_start3A_198 = arith.constant 0 : i32
          %dma_start3A_199 = arith.constant 0 : i32
          %dma_start3A_200 = tpu.memref_slice %arg15[%dma_start3A_198, %dma_start3A_199] : memref<10016x128xf32, #tpu.memory_space<vmem_shared>> -> memref<10016x128xf32, #tpu.memory_space<vmem_shared>>
          tpu.enqueue_indirect_dma source(%dma_start3A_190 : memref<128x128xf32, #tpu.memory_space<vmem>>) target(%dma_start3A_200 : memref<10016x128xf32, #tpu.memory_space<vmem_shared>>) offsets(%dma_start3A_197 : memref<128xi32, #tpu.memory_space<vmem>>) semaphore(%run_scoped3A : memref<!tpu.dma_semaphore, #tpu.memory_space<semaphore_mem>>) {add = true}
          %dma_wait3A_201 = arith.constant 0 : i32
          %dma_wait3A_202 = arith.constant 0 : i32
          %dma_wait3A_203 = tpu.memref_slice %arg14[%rem3A_147, %dma_wait3A_201, %dma_wait3A_202] : memref<2x128x128xf32, #tpu.memory_space<vmem>> -> memref<1x128x128xf32, #tpu.memory_space<vmem>>
          %dma_wait3A_204 = tpu.memref_squeeze %dma_wait3A_203 : memref<1x128x128xf32, #tpu.memory_space<vmem>> -> memref<128x128xf32, #tpu.memory_space<vmem>>
          %dma_wait3A_205 = arith.constant 0 : i32
          %dma_wait3A_206 = arith.constant 0 : i32
          %dma_wait3A_207 = tpu.memref_slice %arg13[%rem3A_145, %dma_wait3A_205, %dma_wait3A_206] : memref<2x16x128xi32, #tpu.memory_space<vmem>> -> memref<1x16x128xi32, #tpu.memory_space<vmem>>
          %dma_wait3A_208 = tpu.memref_squeeze %dma_wait3A_207 : memref<1x16x128xi32, #tpu.memory_space<vmem>> -> memref<16x128xi32, #tpu.memory_space<vmem>>
          %dma_wait3A_209 = arith.constant 0 : i32
          %dma_wait3A_210 = tpu.memref_slice %dma_wait3A_208[%rem3A_143, %dma_wait3A_209] : memref<16x128xi32, #tpu.memory_space<vmem>> -> memref<1x128xi32, #tpu.memory_space<vmem>>
          %dma_wait3A_211 = tpu.memref_squeeze %dma_wait3A_210 : memref<1x128xi32, #tpu.memory_space<vmem>> -> memref<128xi32, #tpu.memory_space<vmem>>
          %dma_wait3A_212 = arith.constant 0 : i32
          %dma_wait3A_213 = arith.constant 0 : i32
          %dma_wait3A_214 = tpu.memref_slice %arg15[%dma_wait3A_212, %dma_wait3A_213] : memref<10016x128xf32, #tpu.memory_space<vmem_shared>> -> memref<10016x128xf32, #tpu.memory_space<vmem_shared>>
          tpu.wait_indirect_dma semaphore(%run_scoped3A : memref<!tpu.dma_semaphore, #tpu.memory_space<semaphore_mem>>) src(%dma_wait3A_204 : memref<128x128xf32, #tpu.memory_space<vmem>>) dst(%dma_wait3A_214 : memref<10016x128xf32, #tpu.memory_space<vmem_shared>>)
          tpu.yield
        }) : () -> ()
        %eq3A_163 = arith.constant 14 : i32
        %eq3A_164 = arith.cmpi eq, %rem3A_143, %eq3A_163 : i32
        %add3A = arith.constant 1 : i32
        %add3A_165 = arith.addi %div3A_141, %add3A : i32
        %lt3A = arith.constant 10 : i32
        %lt3A_166 = arith.cmpi slt, %add3A_165, %lt3A : i32
        %and3A = arith.andi %eq3A_164, %lt3A_166 : i1
        %convert_element_type3A_167 = arith.extui %and3A : i1 to i32
        %cond3A_168 = arith.constant 0 : i32
        %cond3A_169 = arith.cmpi ne, %convert_element_type3A_167, %cond3A_168 : i32
        scf.if %cond3A_169 {
          %dma_wait3A_187 = arith.constant 0 : i32
          %dma_wait3A_188 = arith.constant 0 : i32
          %dma_wait3A_189 = arith.constant 0 : i32
          %dma_wait3A_190 = arith.constant 0 : i32
          %dma_wait3A_191 = tpu.memref_slice %arg12[%dma_wait3A_188, %dma_wait3A_189, %dma_wait3A_190] : memref<2x16x128xi32, #tpu.memory_space<vmem>> -> memref<1x16x128xi32, #tpu.memory_space<vmem>>
          %dma_wait3A_192 = tpu.memref_squeeze %dma_wait3A_191 : memref<1x16x128xi32, #tpu.memory_space<vmem>> -> memref<16x128xi32, #tpu.memory_space<vmem>>
          %dma_wait3A_193 = arith.constant 0 : i32
          %dma_wait3A_194 = tpu.memref_slice %arg11[%dma_wait3A_187, %dma_wait3A_193] : memref<10x16xi32, #tpu.memory_space<vmem>> -> memref<1x16xi32, #tpu.memory_space<vmem>>
          %dma_wait3A_195 = tpu.memref_squeeze %dma_wait3A_194 : memref<1x16xi32, #tpu.memory_space<vmem>> -> memref<16xi32, #tpu.memory_space<vmem>>
          %dma_wait3A_196 = arith.constant 0 : i32
          %dma_wait3A_197 = arith.constant 0 : i32
          %dma_wait3A_198 = tpu.memref_slice %arg6[%dma_wait3A_196, %dma_wait3A_197] : memref<2560x128xi32, #tpu.memory_space<hbm>> -> memref<2560x128xi32, #tpu.memory_space<hbm>>
          tpu.wait_indirect_dma semaphore(%arg16 : memref<!tpu.dma_semaphore, #tpu.memory_space<semaphore_mem>>) src(%dma_wait3A_198 : memref<2560x128xi32, #tpu.memory_space<hbm>>) dst(%dma_wait3A_192 : memref<16x128xi32, #tpu.memory_space<vmem>>)
          %dma_wait3A_199 = arith.constant 0 : i32
          %dma_wait3A_200 = arith.constant 0 : i32
          %dma_wait3A_201 = arith.constant 0 : i32
          %dma_wait3A_202 = arith.constant 0 : i32
          %dma_wait3A_203 = tpu.memref_slice %arg13[%dma_wait3A_200, %dma_wait3A_201, %dma_wait3A_202] : memref<2x16x128xi32, #tpu.memory_space<vmem>> -> memref<1x16x128xi32, #tpu.memory_space<vmem>>
          %dma_wait3A_204 = tpu.memref_squeeze %dma_wait3A_203 : memref<1x16x128xi32, #tpu.memory_space<vmem>> -> memref<16x128xi32, #tpu.memory_space<vmem>>
          %dma_wait3A_205 = arith.constant 0 : i32
          %dma_wait3A_206 = tpu.memref_slice %arg11[%dma_wait3A_199, %dma_wait3A_205] : memref<10x16xi32, #tpu.memory_space<vmem>> -> memref<1x16xi32, #tpu.memory_space<vmem>>
          %dma_wait3A_207 = tpu.memref_squeeze %dma_wait3A_206 : memref<1x16xi32, #tpu.memory_space<vmem>> -> memref<16xi32, #tpu.memory_space<vmem>>
          %dma_wait3A_208 = arith.constant 0 : i32
          %dma_wait3A_209 = arith.constant 0 : i32
          %dma_wait3A_210 = tpu.memref_slice %arg7[%dma_wait3A_208, %dma_wait3A_209] : memref<2560x128xi32, #tpu.memory_space<hbm>> -> memref<2560x128xi32, #tpu.memory_space<hbm>>
          tpu.wait_indirect_dma semaphore(%arg16 : memref<!tpu.dma_semaphore, #tpu.memory_space<semaphore_mem>>) src(%dma_wait3A_210 : memref<2560x128xi32, #tpu.memory_space<hbm>>) dst(%dma_wait3A_204 : memref<16x128xi32, #tpu.memory_space<vmem>>)
        } else {
        }
        %add3A_170 = arith.constant 2 : i32
        %add3A_171 = arith.addi %scan3A_140, %add3A_170 : i32
        %lt3A_172 = arith.constant 160 : i32
        %lt3A_173 = arith.cmpi slt, %add3A_171, %lt3A_172 : i32
        %convert_element_type3A_174 = arith.extui %lt3A_173 : i1 to i32
        %cond3A_175 = arith.constant 0 : i32
        %cond3A_176 = arith.cmpi ne, %convert_element_type3A_174, %cond3A_175 : i32
        scf.if %cond3A_176 {
          %div3A_187 = arith.constant 16 : i32
          %div3A_188 = arith.divsi %add3A_171, %div3A_187 : i32
          %rem3A_189 = arith.constant 2 : i32
          %rem3A_190 = arith.remsi %div3A_188, %rem3A_189 : i32
          %rem3A_191 = arith.constant 16 : i32
          %rem3A_192 = arith.remsi %add3A_171, %rem3A_191 : i32
          %dma_start3A_193 = arith.constant 0 : i32
          %dma_start3A_194 = arith.constant 0 : i32
          %dma_start3A_195 = tpu.memref_slice %arg14[%rem3A_147, %dma_start3A_193, %dma_start3A_194] : memref<2x128x128xf32, #tpu.memory_space<vmem>> -> memref<1x128x128xf32, #tpu.memory_space<vmem>>
          %dma_start3A_196 = tpu.memref_squeeze %dma_start3A_195 : memref<1x128x128xf32, #tpu.memory_space<vmem>> -> memref<128x128xf32, #tpu.memory_space<vmem>>
          %dma_start3A_197 = arith.constant 0 : i32
          %dma_start3A_198 = arith.constant 0 : i32
          %dma_start3A_199 = tpu.memref_slice %arg12[%rem3A_190, %dma_start3A_197, %dma_start3A_198] : memref<2x16x128xi32, #tpu.memory_space<vmem>> -> memref<1x16x128xi32, #tpu.memory_space<vmem>>
          %dma_start3A_200 = tpu.memref_squeeze %dma_start3A_199 : memref<1x16x128xi32, #tpu.memory_space<vmem>> -> memref<16x128xi32, #tpu.memory_space<vmem>>
          %dma_start3A_201 = arith.constant 0 : i32
          %dma_start3A_202 = tpu.memref_slice %dma_start3A_200[%rem3A_192, %dma_start3A_201] : memref<16x128xi32, #tpu.memory_space<vmem>> -> memref<1x128xi32, #tpu.memory_space<vmem>>
          %dma_start3A_203 = tpu.memref_squeeze %dma_start3A_202 : memref<1x128xi32, #tpu.memory_space<vmem>> -> memref<128xi32, #tpu.memory_space<vmem>>
          %dma_start3A_204 = arith.constant 0 : i32
          %dma_start3A_205 = arith.constant 0 : i32
          %dma_start3A_206 = tpu.memref_slice %arg3[%dma_start3A_204, %dma_start3A_205] : memref<10000x128xf32, #tpu.memory_space<hbm>> -> memref<10000x128xf32, #tpu.memory_space<hbm>>
          tpu.enqueue_indirect_dma source(%dma_start3A_206 : memref<10000x128xf32, #tpu.memory_space<hbm>>) target(%dma_start3A_196 : memref<128x128xf32, #tpu.memory_space<vmem>>) offsets(%dma_start3A_203 : memref<128xi32, #tpu.memory_space<vmem>>) semaphore(%arg17 : memref<!tpu.dma_semaphore, #tpu.memory_space<semaphore_mem>>)
        } else {
        }
        %eq3A_177 = arith.constant 15 : i32
        %eq3A_178 = arith.cmpi eq, %rem3A_143, %eq3A_177 : i32
        %add3A_179 = arith.constant 2 : i32
        %add3A_180 = arith.addi %div3A_141, %add3A_179 : i32
        %lt3A_181 = arith.constant 10 : i32
        %lt3A_182 = arith.cmpi slt, %add3A_180, %lt3A_181 : i32
        %and3A_183 = arith.andi %eq3A_178, %lt3A_182 : i1
        %convert_element_type3A_184 = arith.extui %and3A_183 : i1 to i32
        %cond3A_185 = arith.constant 0 : i32
        %cond3A_186 = arith.cmpi ne, %convert_element_type3A_184, %cond3A_185 : i32
        scf.if %cond3A_186 {
          %add3A_187 = arith.constant 2 : i32
          %add3A_188 = arith.addi %div3A_141, %add3A_187 : i32
          %rem3A_189 = arith.constant 2 : i32
          %rem3A_190 = arith.remsi %add3A_188, %rem3A_189 : i32
          %dma_start3A_191 = arith.constant 0 : i32
          %dma_start3A_192 = arith.constant 0 : i32
          %dma_start3A_193 = tpu.memref_slice %arg12[%rem3A_190, %dma_start3A_191, %dma_start3A_192] : memref<2x16x128xi32, #tpu.memory_space<vmem>> -> memref<1x16x128xi32, #tpu.memory_space<vmem>>
          %dma_start3A_194 = tpu.memref_squeeze %dma_start3A_193 : memref<1x16x128xi32, #tpu.memory_space<vmem>> -> memref<16x128xi32, #tpu.memory_space<vmem>>
          %dma_start3A_195 = arith.constant 0 : i32
          %dma_start3A_196 = tpu.memref_slice %arg11[%add3A_188, %dma_start3A_195] : memref<10x16xi32, #tpu.memory_space<vmem>> -> memref<1x16xi32, #tpu.memory_space<vmem>>
          %dma_start3A_197 = tpu.memref_squeeze %dma_start3A_196 : memref<1x16xi32, #tpu.memory_space<vmem>> -> memref<16xi32, #tpu.memory_space<vmem>>
          %dma_start3A_198 = arith.constant 0 : i32
          %dma_start3A_199 = arith.constant 0 : i32
          %dma_start3A_200 = tpu.memref_slice %arg6[%dma_start3A_198, %dma_start3A_199] : memref<2560x128xi32, #tpu.memory_space<hbm>> -> memref<2560x128xi32, #tpu.memory_space<hbm>>
          tpu.enqueue_indirect_dma source(%dma_start3A_200 : memref<2560x128xi32, #tpu.memory_space<hbm>>) target(%dma_start3A_194 : memref<16x128xi32, #tpu.memory_space<vmem>>) offsets(%dma_start3A_197 : memref<16xi32, #tpu.memory_space<vmem>>) semaphore(%arg16 : memref<!tpu.dma_semaphore, #tpu.memory_space<semaphore_mem>>)
          %dma_start3A_201 = arith.constant 0 : i32
          %dma_start3A_202 = arith.constant 0 : i32
          %dma_start3A_203 = tpu.memref_slice %arg13[%rem3A_190, %dma_start3A_201, %dma_start3A_202] : memref<2x16x128xi32, #tpu.memory_space<vmem>> -> memref<1x16x128xi32, #tpu.memory_space<vmem>>
          %dma_start3A_204 = tpu.memref_squeeze %dma_start3A_203 : memref<1x16x128xi32, #tpu.memory_space<vmem>> -> memref<16x128xi32, #tpu.memory_space<vmem>>
          %dma_start3A_205 = arith.constant 0 : i32
          %dma_start3A_206 = tpu.memref_slice %arg11[%add3A_188, %dma_start3A_205] : memref<10x16xi32, #tpu.memory_space<vmem>> -> memref<1x16xi32, #tpu.memory_space<vmem>>
          %dma_start3A_207 = tpu.memref_squeeze %dma_start3A_206 : memref<1x16xi32, #tpu.memory_space<vmem>> -> memref<16xi32, #tpu.memory_space<vmem>>
          %dma_start3A_208 = arith.constant 0 : i32
          %dma_start3A_209 = arith.constant 0 : i32
          %dma_start3A_210 = tpu.memref_slice %arg7[%dma_start3A_208, %dma_start3A_209] : memref<2560x128xi32, #tpu.memory_space<hbm>> -> memref<2560x128xi32, #tpu.memory_space<hbm>>
          tpu.enqueue_indirect_dma source(%dma_start3A_210 : memref<2560x128xi32, #tpu.memory_space<hbm>>) target(%dma_start3A_204 : memref<16x128xi32, #tpu.memory_space<vmem>>) offsets(%dma_start3A_207 : memref<16xi32, #tpu.memory_space<vmem>>) semaphore(%arg16 : memref<!tpu.dma_semaphore, #tpu.memory_space<semaphore_mem>>)
        } else {
        }
      }
      %scan3A_139 = arith.constant 160 : i32
    } else {
    }
    %barrier3A_13 = arith.constant 0 : index
    tpu.barrier barrier_id(%barrier3A_13)
    %eq3A_14 = arith.constant 0 : i32
    %eq3A_15 = arith.cmpi eq, %arg0, %eq3A_14 : i32
    %convert_element_type3A_16 = arith.extui %eq3A_15 : i1 to i32
    %cond3A_17 = arith.constant 0 : i32
    %cond3A_18 = arith.cmpi ne, %convert_element_type3A_16, %cond3A_17 : i32
    scf.if %cond3A_18 {
      "tpu.region"() ({
        %run_scoped3A = tpu.sem_alloc : memref<!tpu.dma_semaphore, #tpu.memory_space<semaphore_mem>>
        %dma_start3A = arith.constant 0 : i32
        %dma_start3A_29 = tpu.memref_slice %arg9[%mul3A_0, %dma_start3A] : memref<10000x128xf32, #tpu.memory_space<hbm>> -> memref<624x128xf32, #tpu.memory_space<hbm>>
        %dma_start3A_30 = arith.constant 0 : i32
        %dma_start3A_31 = tpu.memref_slice %arg15[%mul3A_0, %dma_start3A_30] : memref<10016x128xf32, #tpu.memory_space<vmem_shared>> -> memref<624x128xf32, #tpu.memory_space<vmem_shared>>
        tpu.enqueue_dma source(%dma_start3A_31 : memref<624x128xf32, #tpu.memory_space<vmem_shared>>) target(%dma_start3A_29 : memref<624x128xf32, #tpu.memory_space<hbm>>) target_semaphore(%run_scoped3A : memref<!tpu.dma_semaphore, #tpu.memory_space<semaphore_mem>>)
        %dma_wait3A = arith.constant 0 : i32
        %dma_wait3A_32 = tpu.memref_slice %arg9[%mul3A_0, %dma_wait3A] : memref<10000x128xf32, #tpu.memory_space<hbm>> -> memref<624x128xf32, #tpu.memory_space<hbm>>
        %dma_wait3A_33 = arith.constant 0 : i32
        %dma_wait3A_34 = tpu.memref_slice %arg15[%mul3A_0, %dma_wait3A_33] : memref<10016x128xf32, #tpu.memory_space<vmem_shared>> -> memref<624x128xf32, #tpu.memory_space<vmem_shared>>
        tpu.wait_dma2 semaphore(%run_scoped3A : memref<!tpu.dma_semaphore, #tpu.memory_space<semaphore_mem>>) src(%dma_wait3A_34 : memref<624x128xf32, #tpu.memory_space<vmem_shared>>) dst(%dma_wait3A_32 : memref<624x128xf32, #tpu.memory_space<hbm>>)
        tpu.yield
      }) : () -> ()
      %eq3A_24 = arith.constant 15 : i32
      %eq3A_25 = arith.cmpi eq, %arg1, %eq3A_24 : i32
      %convert_element_type3A_26 = arith.extui %eq3A_25 : i1 to i32
      %cond3A_27 = arith.constant 0 : i32
      %cond3A_28 = arith.cmpi ne, %convert_element_type3A_26, %cond3A_27 : i32
      scf.if %cond3A_28 {
        "tpu.region"() ({
          %run_scoped3A = tpu.sem_alloc : memref<!tpu.dma_semaphore, #tpu.memory_space<semaphore_mem>>
          %dma_start3A = arith.constant 9984 : i32
          %dma_start3A_29 = arith.constant 0 : i32
          %dma_start3A_30 = tpu.memref_slice %arg9[%dma_start3A, %dma_start3A_29] : memref<10000x128xf32, #tpu.memory_space<hbm>> -> memref<16x128xf32, #tpu.memory_space<hbm>>
          %dma_start3A_31 = arith.constant 9984 : i32
          %dma_start3A_32 = arith.constant 0 : i32
          %dma_start3A_33 = tpu.memref_slice %arg15[%dma_start3A_31, %dma_start3A_32] : memref<10016x128xf32, #tpu.memory_space<vmem_shared>> -> memref<16x128xf32, #tpu.memory_space<vmem_shared>>
          tpu.enqueue_dma source(%dma_start3A_33 : memref<16x128xf32, #tpu.memory_space<vmem_shared>>) target(%dma_start3A_30 : memref<16x128xf32, #tpu.memory_space<hbm>>) target_semaphore(%run_scoped3A : memref<!tpu.dma_semaphore, #tpu.memory_space<semaphore_mem>>)
          %dma_wait3A = arith.constant 9984 : i32
          %dma_wait3A_34 = arith.constant 0 : i32
          %dma_wait3A_35 = tpu.memref_slice %arg9[%dma_wait3A, %dma_wait3A_34] : memref<10000x128xf32, #tpu.memory_space<hbm>> -> memref<16x128xf32, #tpu.memory_space<hbm>>
          %dma_wait3A_36 = arith.constant 9984 : i32
          %dma_wait3A_37 = arith.constant 0 : i32
          %dma_wait3A_38 = tpu.memref_slice %arg15[%dma_wait3A_36, %dma_wait3A_37] : memref<10016x128xf32, #tpu.memory_space<vmem_shared>> -> memref<16x128xf32, #tpu.memory_space<vmem_shared>>
          tpu.wait_dma2 semaphore(%run_scoped3A : memref<!tpu.dma_semaphore, #tpu.memory_space<semaphore_mem>>) src(%dma_wait3A_38 : memref<16x128xf32, #tpu.memory_space<vmem_shared>>) dst(%dma_wait3A_35 : memref<16x128xf32, #tpu.memory_space<hbm>>)
          tpu.yield
        }) : () -> ()
      } else {
      }
    } else {
    }
    %eq3A_19 = arith.constant 1 : i32
    %eq3A_20 = arith.cmpi eq, %arg0, %eq3A_19 : i32
    %convert_element_type3A_21 = arith.extui %eq3A_20 : i1 to i32
    %cond3A_22 = arith.constant 0 : i32
    %cond3A_23 = arith.cmpi ne, %convert_element_type3A_21, %cond3A_22 : i32
    scf.if %cond3A_23 {
      "tpu.region"() ({
        %run_scoped3A = tpu.sem_alloc : memref<!tpu.dma_semaphore, #tpu.memory_space<semaphore_mem>>
        %dma_start3A = arith.constant 0 : i32
        %dma_start3A_29 = tpu.memref_slice %arg10[%mul3A_0, %dma_start3A] : memref<10000x128xf32, #tpu.memory_space<hbm>> -> memref<624x128xf32, #tpu.memory_space<hbm>>
        %dma_start3A_30 = arith.constant 0 : i32
        %dma_start3A_31 = tpu.memref_slice %arg15[%mul3A_0, %dma_start3A_30] : memref<10016x128xf32, #tpu.memory_space<vmem_shared>> -> memref<624x128xf32, #tpu.memory_space<vmem_shared>>
        tpu.enqueue_dma source(%dma_start3A_31 : memref<624x128xf32, #tpu.memory_space<vmem_shared>>) target(%dma_start3A_29 : memref<624x128xf32, #tpu.memory_space<hbm>>) target_semaphore(%run_scoped3A : memref<!tpu.dma_semaphore, #tpu.memory_space<semaphore_mem>>)
        %dma_wait3A = arith.constant 0 : i32
        %dma_wait3A_32 = tpu.memref_slice %arg10[%mul3A_0, %dma_wait3A] : memref<10000x128xf32, #tpu.memory_space<hbm>> -> memref<624x128xf32, #tpu.memory_space<hbm>>
        %dma_wait3A_33 = arith.constant 0 : i32
        %dma_wait3A_34 = tpu.memref_slice %arg15[%mul3A_0, %dma_wait3A_33] : memref<10016x128xf32, #tpu.memory_space<vmem_shared>> -> memref<624x128xf32, #tpu.memory_space<vmem_shared>>
        tpu.wait_dma2 semaphore(%run_scoped3A : memref<!tpu.dma_semaphore, #tpu.memory_space<semaphore_mem>>) src(%dma_wait3A_34 : memref<624x128xf32, #tpu.memory_space<vmem_shared>>) dst(%dma_wait3A_32 : memref<624x128xf32, #tpu.memory_space<hbm>>)
        tpu.yield
      }) : () -> ()
      %eq3A_24 = arith.constant 15 : i32
      %eq3A_25 = arith.cmpi eq, %arg1, %eq3A_24 : i32
      %convert_element_type3A_26 = arith.extui %eq3A_25 : i1 to i32
      %cond3A_27 = arith.constant 0 : i32
      %cond3A_28 = arith.cmpi ne, %convert_element_type3A_26, %cond3A_27 : i32
      scf.if %cond3A_28 {
        "tpu.region"() ({
          %run_scoped3A = tpu.sem_alloc : memref<!tpu.dma_semaphore, #tpu.memory_space<semaphore_mem>>
          %dma_start3A = arith.constant 9984 : i32
          %dma_start3A_29 = arith.constant 0 : i32
          %dma_start3A_30 = tpu.memref_slice %arg10[%dma_start3A, %dma_start3A_29] : memref<10000x128xf32, #tpu.memory_space<hbm>> -> memref<16x128xf32, #tpu.memory_space<hbm>>
          %dma_start3A_31 = arith.constant 9984 : i32
          %dma_start3A_32 = arith.constant 0 : i32
          %dma_start3A_33 = tpu.memref_slice %arg15[%dma_start3A_31, %dma_start3A_32] : memref<10016x128xf32, #tpu.memory_space<vmem_shared>> -> memref<16x128xf32, #tpu.memory_space<vmem_shared>>
          tpu.enqueue_dma source(%dma_start3A_33 : memref<16x128xf32, #tpu.memory_space<vmem_shared>>) target(%dma_start3A_30 : memref<16x128xf32, #tpu.memory_space<hbm>>) target_semaphore(%run_scoped3A : memref<!tpu.dma_semaphore, #tpu.memory_space<semaphore_mem>>)
          %dma_wait3A = arith.constant 9984 : i32
          %dma_wait3A_34 = arith.constant 0 : i32
          %dma_wait3A_35 = tpu.memref_slice %arg10[%dma_wait3A, %dma_wait3A_34] : memref<10000x128xf32, #tpu.memory_space<hbm>> -> memref<16x128xf32, #tpu.memory_space<hbm>>
          %dma_wait3A_36 = arith.constant 9984 : i32
          %dma_wait3A_37 = arith.constant 0 : i32
          %dma_wait3A_38 = tpu.memref_slice %arg15[%dma_wait3A_36, %dma_wait3A_37] : memref<10016x128xf32, #tpu.memory_space<vmem_shared>> -> memref<16x128xf32, #tpu.memory_space<vmem_shared>>
          tpu.wait_dma2 semaphore(%run_scoped3A : memref<!tpu.dma_semaphore, #tpu.memory_space<semaphore_mem>>) src(%dma_wait3A_38 : memref<16x128xf32, #tpu.memory_space<vmem_shared>>) dst(%dma_wait3A_35 : memref<16x128xf32, #tpu.memory_space<hbm>>)
          tpu.yield
        }) : () -> ()
      } else {
      }
    } else {
    }
    return
  }
}

#map = affine_map<(d0, d1) -> (0, 0)>
#map1 = affine_map<(d0, d1) -> (0)>
module attributes {stable_mosaic.version = 14 : i64} {
  func.func @_gather_body(%arg0: i32, %arg1: i32, %arg2: memref<10000x128xf32, #tpu.memory_space<hbm>>, %arg3: memref<4000x128xf32, #tpu.memory_space<hbm>>, %arg4: memref<4096xi32, #tpu.memory_space<hbm>>, %arg5: memref<4096xi32, #tpu.memory_space<hbm>>, %arg6: memref<4096x128xf32, #tpu.memory_space<hbm>>, %arg7: memref<4096x128xf32, #tpu.memory_space<hbm>>, %arg8: memref<4096x128xf32, #tpu.memory_space<hbm>>, %arg9: memref<128xi32, #tpu.memory_space<vmem>>, %arg10: memref<128xi32, #tpu.memory_space<vmem>>, %arg11: memref<128x128xf32, #tpu.memory_space<vmem>>, %arg12: memref<!tpu.dma_semaphore, #tpu.memory_space<semaphore_mem>>) attributes {dimension_semantics = [#tpu.dimension_semantics<core_parallel>, #tpu.dimension_semantics<subcore_parallel>], iteration_bounds = array<i64: 2, 16>, scalar_prefetch = 0 : i64, scratch_operands = 4 : i64, tpu.core_type = #tpu.core_type<sc_vector_subcore>, window_params = [{transform_indices = #map}, {transform_indices = #map}, {transform_indices = #map1}, {transform_indices = #map1}, {transform_indices = #map}, {transform_indices = #map}, {transform_indices = #map}]} {
    %mul3A = arith.constant 2 : i32
    %mul3A_0 = arith.muli %arg1, %mul3A : i32
    %add3A = arith.addi %mul3A_0, %arg0 : i32
    %mul3A_1 = arith.constant 128 : i32
    %mul3A_2 = arith.muli %add3A, %mul3A_1 : i32
    "tpu.region"() ({
      %run_scoped3A = tpu.sem_alloc : memref<!tpu.dma_semaphore, #tpu.memory_space<semaphore_mem>>
      %dma_start3A_97 = tpu.memref_slice %arg4[%mul3A_2] : memref<4096xi32, #tpu.memory_space<hbm>> -> memref<128xi32, #tpu.memory_space<hbm>>
      %dma_start3A_98 = tpu.memref_slice %arg4[%mul3A_2] : memref<4096xi32, #tpu.memory_space<hbm>> -> memref<128xi32, #tpu.memory_space<hbm>>
      tpu.enqueue_dma source(%dma_start3A_98 : memref<128xi32, #tpu.memory_space<hbm>>) target(%arg9 : memref<128xi32, #tpu.memory_space<vmem>>) target_semaphore(%run_scoped3A : memref<!tpu.dma_semaphore, #tpu.memory_space<semaphore_mem>>)
      %dma_wait3A_99 = tpu.memref_slice %arg4[%mul3A_2] : memref<4096xi32, #tpu.memory_space<hbm>> -> memref<128xi32, #tpu.memory_space<hbm>>
      %dma_wait3A_100 = tpu.memref_slice %arg4[%mul3A_2] : memref<4096xi32, #tpu.memory_space<hbm>> -> memref<128xi32, #tpu.memory_space<hbm>>
      tpu.wait_dma2 semaphore(%run_scoped3A : memref<!tpu.dma_semaphore, #tpu.memory_space<semaphore_mem>>) src(%dma_wait3A_100 : memref<128xi32, #tpu.memory_space<hbm>>) dst(%arg9 : memref<128xi32, #tpu.memory_space<vmem>>)
      tpu.yield
    }) : () -> ()
    %dma_start3A = arith.constant 0 : i32
    %dma_start3A_3 = arith.constant 0 : i32
    %dma_start3A_4 = tpu.memref_slice %arg2[%dma_start3A, %dma_start3A_3] : memref<10000x128xf32, #tpu.memory_space<hbm>> -> memref<10000x128xf32, #tpu.memory_space<hbm>>
    tpu.enqueue_indirect_dma source(%dma_start3A_4 : memref<10000x128xf32, #tpu.memory_space<hbm>>) target(%arg11 : memref<128x128xf32, #tpu.memory_space<vmem>>) offsets(%arg9 : memref<128xi32, #tpu.memory_space<vmem>>) semaphore(%arg12 : memref<!tpu.dma_semaphore, #tpu.memory_space<semaphore_mem>>)
    %dma_wait3A = arith.constant 0 : i32
    %dma_wait3A_5 = arith.constant 0 : i32
    %dma_wait3A_6 = tpu.memref_slice %arg2[%dma_wait3A, %dma_wait3A_5] : memref<10000x128xf32, #tpu.memory_space<hbm>> -> memref<10000x128xf32, #tpu.memory_space<hbm>>
    tpu.wait_indirect_dma semaphore(%arg12 : memref<!tpu.dma_semaphore, #tpu.memory_space<semaphore_mem>>) src(%dma_wait3A_6 : memref<10000x128xf32, #tpu.memory_space<hbm>>) dst(%arg11 : memref<128x128xf32, #tpu.memory_space<vmem>>)
    "tpu.region"() ({
      %run_scoped3A = tpu.sem_alloc : memref<!tpu.dma_semaphore, #tpu.memory_space<semaphore_mem>>
      %dma_start3A_97 = arith.constant 0 : i32
      %dma_start3A_98 = tpu.memref_slice %arg6[%mul3A_2, %dma_start3A_97] : memref<4096x128xf32, #tpu.memory_space<hbm>> -> memref<128x128xf32, #tpu.memory_space<hbm>>
      %dma_start3A_99 = arith.constant 0 : i32
      %dma_start3A_100 = tpu.memref_slice %arg6[%mul3A_2, %dma_start3A_99] : memref<4096x128xf32, #tpu.memory_space<hbm>> -> memref<128x128xf32, #tpu.memory_space<hbm>>
      tpu.enqueue_dma source(%arg11 : memref<128x128xf32, #tpu.memory_space<vmem>>) target(%dma_start3A_100 : memref<128x128xf32, #tpu.memory_space<hbm>>) target_semaphore(%run_scoped3A : memref<!tpu.dma_semaphore, #tpu.memory_space<semaphore_mem>>)
      %dma_wait3A_101 = arith.constant 0 : i32
      %dma_wait3A_102 = tpu.memref_slice %arg6[%mul3A_2, %dma_wait3A_101] : memref<4096x128xf32, #tpu.memory_space<hbm>> -> memref<128x128xf32, #tpu.memory_space<hbm>>
      %dma_wait3A_103 = arith.constant 0 : i32
      %dma_wait3A_104 = tpu.memref_slice %arg6[%mul3A_2, %dma_wait3A_103] : memref<4096x128xf32, #tpu.memory_space<hbm>> -> memref<128x128xf32, #tpu.memory_space<hbm>>
      tpu.wait_dma2 semaphore(%run_scoped3A : memref<!tpu.dma_semaphore, #tpu.memory_space<semaphore_mem>>) src(%arg11 : memref<128x128xf32, #tpu.memory_space<vmem>>) dst(%dma_wait3A_104 : memref<128x128xf32, #tpu.memory_space<hbm>>)
      tpu.yield
    }) : () -> ()
    "tpu.region"() ({
      %run_scoped3A = tpu.sem_alloc : memref<!tpu.dma_semaphore, #tpu.memory_space<semaphore_mem>>
      %dma_start3A_97 = tpu.memref_slice %arg5[%mul3A_2] : memref<4096xi32, #tpu.memory_space<hbm>> -> memref<128xi32, #tpu.memory_space<hbm>>
      %dma_start3A_98 = tpu.memref_slice %arg5[%mul3A_2] : memref<4096xi32, #tpu.memory_space<hbm>> -> memref<128xi32, #tpu.memory_space<hbm>>
      tpu.enqueue_dma source(%dma_start3A_98 : memref<128xi32, #tpu.memory_space<hbm>>) target(%arg10 : memref<128xi32, #tpu.memory_space<vmem>>) target_semaphore(%run_scoped3A : memref<!tpu.dma_semaphore, #tpu.memory_space<semaphore_mem>>)
      %dma_wait3A_99 = tpu.memref_slice %arg5[%mul3A_2] : memref<4096xi32, #tpu.memory_space<hbm>> -> memref<128xi32, #tpu.memory_space<hbm>>
      %dma_wait3A_100 = tpu.memref_slice %arg5[%mul3A_2] : memref<4096xi32, #tpu.memory_space<hbm>> -> memref<128xi32, #tpu.memory_space<hbm>>
      tpu.wait_dma2 semaphore(%run_scoped3A : memref<!tpu.dma_semaphore, #tpu.memory_space<semaphore_mem>>) src(%dma_wait3A_100 : memref<128xi32, #tpu.memory_space<hbm>>) dst(%arg10 : memref<128xi32, #tpu.memory_space<vmem>>)
      tpu.yield
    }) : () -> ()
    %dma_start3A_7 = arith.constant 0 : i32
    %dma_start3A_8 = arith.constant 0 : i32
    %dma_start3A_9 = tpu.memref_slice %arg3[%dma_start3A_7, %dma_start3A_8] : memref<4000x128xf32, #tpu.memory_space<hbm>> -> memref<4000x128xf32, #tpu.memory_space<hbm>>
    tpu.enqueue_indirect_dma source(%dma_start3A_9 : memref<4000x128xf32, #tpu.memory_space<hbm>>) target(%arg11 : memref<128x128xf32, #tpu.memory_space<vmem>>) offsets(%arg10 : memref<128xi32, #tpu.memory_space<vmem>>) semaphore(%arg12 : memref<!tpu.dma_semaphore, #tpu.memory_space<semaphore_mem>>)
    %dma_wait3A_10 = arith.constant 0 : i32
    %dma_wait3A_11 = arith.constant 0 : i32
    %dma_wait3A_12 = tpu.memref_slice %arg3[%dma_wait3A_10, %dma_wait3A_11] : memref<4000x128xf32, #tpu.memory_space<hbm>> -> memref<4000x128xf32, #tpu.memory_space<hbm>>
    tpu.wait_indirect_dma semaphore(%arg12 : memref<!tpu.dma_semaphore, #tpu.memory_space<semaphore_mem>>) src(%dma_wait3A_12 : memref<4000x128xf32, #tpu.memory_space<hbm>>) dst(%arg11 : memref<128x128xf32, #tpu.memory_space<vmem>>)
    "tpu.region"() ({
      %run_scoped3A = tpu.sem_alloc : memref<!tpu.dma_semaphore, #tpu.memory_space<semaphore_mem>>
      %dma_start3A_97 = arith.constant 0 : i32
      %dma_start3A_98 = tpu.memref_slice %arg8[%mul3A_2, %dma_start3A_97] : memref<4096x128xf32, #tpu.memory_space<hbm>> -> memref<128x128xf32, #tpu.memory_space<hbm>>
      %dma_start3A_99 = arith.constant 0 : i32
      %dma_start3A_100 = tpu.memref_slice %arg8[%mul3A_2, %dma_start3A_99] : memref<4096x128xf32, #tpu.memory_space<hbm>> -> memref<128x128xf32, #tpu.memory_space<hbm>>
      tpu.enqueue_dma source(%arg11 : memref<128x128xf32, #tpu.memory_space<vmem>>) target(%dma_start3A_100 : memref<128x128xf32, #tpu.memory_space<hbm>>) target_semaphore(%run_scoped3A : memref<!tpu.dma_semaphore, #tpu.memory_space<semaphore_mem>>)
      %dma_wait3A_101 = arith.constant 0 : i32
      %dma_wait3A_102 = tpu.memref_slice %arg8[%mul3A_2, %dma_wait3A_101] : memref<4096x128xf32, #tpu.memory_space<hbm>> -> memref<128x128xf32, #tpu.memory_space<hbm>>
      %dma_wait3A_103 = arith.constant 0 : i32
      %dma_wait3A_104 = tpu.memref_slice %arg8[%mul3A_2, %dma_wait3A_103] : memref<4096x128xf32, #tpu.memory_space<hbm>> -> memref<128x128xf32, #tpu.memory_space<hbm>>
      tpu.wait_dma2 semaphore(%run_scoped3A : memref<!tpu.dma_semaphore, #tpu.memory_space<semaphore_mem>>) src(%arg11 : memref<128x128xf32, #tpu.memory_space<vmem>>) dst(%dma_wait3A_104 : memref<128x128xf32, #tpu.memory_space<hbm>>)
      tpu.yield
    }) : () -> ()
    %get3A = arith.constant 0 : index
    %get3A_13 = tpu.vector_load %arg10[%get3A] {strides = array<i32>} : memref<128xi32, #tpu.memory_space<vmem>>, vector<16xi32>,
    %get3A_14 = vector.shape_cast %get3A_13 : vector<16xi32> to vector<16xi32>
    %add3A_15 = arith.constant 6000 : i32
    %add3A_16 = vector.broadcast %add3A_15 : i32 to vector<16xi32>
    %add3A_17 = arith.addi %get3A_14, %add3A_16 : vector<16xi32>
    %swap3A = arith.constant 0 : index
    %swap3A_18 = tpu.vector_load %arg10[%swap3A] {strides = array<i32>} : memref<128xi32, #tpu.memory_space<vmem>>, vector<16xi32>,
    %swap3A_19 = vector.shape_cast %swap3A_18 : vector<16xi32> to vector<16xi32>
    %swap3A_20 = vector.shape_cast %add3A_17 : vector<16xi32> to vector<16xi32>
    tpu.vector_store %arg10[%swap3A], %swap3A_20 {strides = array<i32>} : memref<128xi32, #tpu.memory_space<vmem>>, vector<16xi32>,
    %get3A_21 = arith.constant 16 : index
    %get3A_22 = tpu.vector_load %arg10[%get3A_21] {strides = array<i32>} : memref<128xi32, #tpu.memory_space<vmem>>, vector<16xi32>,
    %get3A_23 = vector.shape_cast %get3A_22 : vector<16xi32> to vector<16xi32>
    %add3A_24 = arith.constant 6000 : i32
    %add3A_25 = vector.broadcast %add3A_24 : i32 to vector<16xi32>
    %add3A_26 = arith.addi %get3A_23, %add3A_25 : vector<16xi32>
    %swap3A_27 = arith.constant 16 : index
    %swap3A_28 = tpu.vector_load %arg10[%swap3A_27] {strides = array<i32>} : memref<128xi32, #tpu.memory_space<vmem>>, vector<16xi32>,
    %swap3A_29 = vector.shape_cast %swap3A_28 : vector<16xi32> to vector<16xi32>
    %swap3A_30 = vector.shape_cast %add3A_26 : vector<16xi32> to vector<16xi32>
    tpu.vector_store %arg10[%swap3A_27], %swap3A_30 {strides = array<i32>} : memref<128xi32, #tpu.memory_space<vmem>>, vector<16xi32>,
    %get3A_31 = arith.constant 32 : index
    %get3A_32 = tpu.vector_load %arg10[%get3A_31] {strides = array<i32>} : memref<128xi32, #tpu.memory_space<vmem>>, vector<16xi32>,
    %get3A_33 = vector.shape_cast %get3A_32 : vector<16xi32> to vector<16xi32>
    %add3A_34 = arith.constant 6000 : i32
    %add3A_35 = vector.broadcast %add3A_34 : i32 to vector<16xi32>
    %add3A_36 = arith.addi %get3A_33, %add3A_35 : vector<16xi32>
    %swap3A_37 = arith.constant 32 : index
    %swap3A_38 = tpu.vector_load %arg10[%swap3A_37] {strides = array<i32>} : memref<128xi32, #tpu.memory_space<vmem>>, vector<16xi32>,
    %swap3A_39 = vector.shape_cast %swap3A_38 : vector<16xi32> to vector<16xi32>
    %swap3A_40 = vector.shape_cast %add3A_36 : vector<16xi32> to vector<16xi32>
    tpu.vector_store %arg10[%swap3A_37], %swap3A_40 {strides = array<i32>} : memref<128xi32, #tpu.memory_space<vmem>>, vector<16xi32>,
    %get3A_41 = arith.constant 48 : index
    %get3A_42 = tpu.vector_load %arg10[%get3A_41] {strides = array<i32>} : memref<128xi32, #tpu.memory_space<vmem>>, vector<16xi32>,
    %get3A_43 = vector.shape_cast %get3A_42 : vector<16xi32> to vector<16xi32>
    %add3A_44 = arith.constant 6000 : i32
    %add3A_45 = vector.broadcast %add3A_44 : i32 to vector<16xi32>
    %add3A_46 = arith.addi %get3A_43, %add3A_45 : vector<16xi32>
    %swap3A_47 = arith.constant 48 : index
    %swap3A_48 = tpu.vector_load %arg10[%swap3A_47] {strides = array<i32>} : memref<128xi32, #tpu.memory_space<vmem>>, vector<16xi32>,
    %swap3A_49 = vector.shape_cast %swap3A_48 : vector<16xi32> to vector<16xi32>
    %swap3A_50 = vector.shape_cast %add3A_46 : vector<16xi32> to vector<16xi32>
    tpu.vector_store %arg10[%swap3A_47], %swap3A_50 {strides = array<i32>} : memref<128xi32, #tpu.memory_space<vmem>>, vector<16xi32>,
    %get3A_51 = arith.constant 64 : index
    %get3A_52 = tpu.vector_load %arg10[%get3A_51] {strides = array<i32>} : memref<128xi32, #tpu.memory_space<vmem>>, vector<16xi32>,
    %get3A_53 = vector.shape_cast %get3A_52 : vector<16xi32> to vector<16xi32>
    %add3A_54 = arith.constant 6000 : i32
    %add3A_55 = vector.broadcast %add3A_54 : i32 to vector<16xi32>
    %add3A_56 = arith.addi %get3A_53, %add3A_55 : vector<16xi32>
    %swap3A_57 = arith.constant 64 : index
    %swap3A_58 = tpu.vector_load %arg10[%swap3A_57] {strides = array<i32>} : memref<128xi32, #tpu.memory_space<vmem>>, vector<16xi32>,
    %swap3A_59 = vector.shape_cast %swap3A_58 : vector<16xi32> to vector<16xi32>
    %swap3A_60 = vector.shape_cast %add3A_56 : vector<16xi32> to vector<16xi32>
    tpu.vector_store %arg10[%swap3A_57], %swap3A_60 {strides = array<i32>} : memref<128xi32, #tpu.memory_space<vmem>>, vector<16xi32>,
    %get3A_61 = arith.constant 80 : index
    %get3A_62 = tpu.vector_load %arg10[%get3A_61] {strides = array<i32>} : memref<128xi32, #tpu.memory_space<vmem>>, vector<16xi32>,
    %get3A_63 = vector.shape_cast %get3A_62 : vector<16xi32> to vector<16xi32>
    %add3A_64 = arith.constant 6000 : i32
    %add3A_65 = vector.broadcast %add3A_64 : i32 to vector<16xi32>
    %add3A_66 = arith.addi %get3A_63, %add3A_65 : vector<16xi32>
    %swap3A_67 = arith.constant 80 : index
    %swap3A_68 = tpu.vector_load %arg10[%swap3A_67] {strides = array<i32>} : memref<128xi32, #tpu.memory_space<vmem>>, vector<16xi32>,
    %swap3A_69 = vector.shape_cast %swap3A_68 : vector<16xi32> to vector<16xi32>
    %swap3A_70 = vector.shape_cast %add3A_66 : vector<16xi32> to vector<16xi32>
    tpu.vector_store %arg10[%swap3A_67], %swap3A_70 {strides = array<i32>} : memref<128xi32, #tpu.memory_space<vmem>>, vector<16xi32>,
    %get3A_71 = arith.constant 96 : index
    %get3A_72 = tpu.vector_load %arg10[%get3A_71] {strides = array<i32>} : memref<128xi32, #tpu.memory_space<vmem>>, vector<16xi32>,
    %get3A_73 = vector.shape_cast %get3A_72 : vector<16xi32> to vector<16xi32>
    %add3A_74 = arith.constant 6000 : i32
    %add3A_75 = vector.broadcast %add3A_74 : i32 to vector<16xi32>
    %add3A_76 = arith.addi %get3A_73, %add3A_75 : vector<16xi32>
    %swap3A_77 = arith.constant 96 : index
    %swap3A_78 = tpu.vector_load %arg10[%swap3A_77] {strides = array<i32>} : memref<128xi32, #tpu.memory_space<vmem>>, vector<16xi32>,
    %swap3A_79 = vector.shape_cast %swap3A_78 : vector<16xi32> to vector<16xi32>
    %swap3A_80 = vector.shape_cast %add3A_76 : vector<16xi32> to vector<16xi32>
    tpu.vector_store %arg10[%swap3A_77], %swap3A_80 {strides = array<i32>} : memref<128xi32, #tpu.memory_space<vmem>>, vector<16xi32>,
    %get3A_81 = arith.constant 112 : index
    %get3A_82 = tpu.vector_load %arg10[%get3A_81] {strides = array<i32>} : memref<128xi32, #tpu.memory_space<vmem>>, vector<16xi32>,
    %get3A_83 = vector.shape_cast %get3A_82 : vector<16xi32> to vector<16xi32>
    %add3A_84 = arith.constant 6000 : i32
    %add3A_85 = vector.broadcast %add3A_84 : i32 to vector<16xi32>
    %add3A_86 = arith.addi %get3A_83, %add3A_85 : vector<16xi32>
    %swap3A_87 = arith.constant 112 : index
    %swap3A_88 = tpu.vector_load %arg10[%swap3A_87] {strides = array<i32>} : memref<128xi32, #tpu.memory_space<vmem>>, vector<16xi32>,
    %swap3A_89 = vector.shape_cast %swap3A_88 : vector<16xi32> to vector<16xi32>
    %swap3A_90 = vector.shape_cast %add3A_86 : vector<16xi32> to vector<16xi32>
    tpu.vector_store %arg10[%swap3A_87], %swap3A_90 {strides = array<i32>} : memref<128xi32, #tpu.memory_space<vmem>>, vector<16xi32>,
    %dma_start3A_91 = arith.constant 0 : i32
    %dma_start3A_92 = arith.constant 0 : i32
    %dma_start3A_93 = tpu.memref_slice %arg2[%dma_start3A_91, %dma_start3A_92] : memref<10000x128xf32, #tpu.memory_space<hbm>> -> memref<10000x128xf32, #tpu.memory_space<hbm>>
    tpu.enqueue_indirect_dma source(%dma_start3A_93 : memref<10000x128xf32, #tpu.memory_space<hbm>>) target(%arg11 : memref<128x128xf32, #tpu.memory_space<vmem>>) offsets(%arg10 : memref<128xi32, #tpu.memory_space<vmem>>) semaphore(%arg12 : memref<!tpu.dma_semaphore, #tpu.memory_space<semaphore_mem>>)
    %dma_wait3A_94 = arith.constant 0 : i32
    %dma_wait3A_95 = arith.constant 0 : i32
    %dma_wait3A_96 = tpu.memref_slice %arg2[%dma_wait3A_94, %dma_wait3A_95] : memref<10000x128xf32, #tpu.memory_space<hbm>> -> memref<10000x128xf32, #tpu.memory_space<hbm>>
    tpu.wait_indirect_dma semaphore(%arg12 : memref<!tpu.dma_semaphore, #tpu.memory_space<semaphore_mem>>) src(%dma_wait3A_96 : memref<10000x128xf32, #tpu.memory_space<hbm>>) dst(%arg11 : memref<128x128xf32, #tpu.memory_space<vmem>>)
    "tpu.region"() ({
      %run_scoped3A = tpu.sem_alloc : memref<!tpu.dma_semaphore, #tpu.memory_space<semaphore_mem>>
      %dma_start3A_97 = arith.constant 0 : i32
      %dma_start3A_98 = tpu.memref_slice %arg7[%mul3A_2, %dma_start3A_97] : memref<4096x128xf32, #tpu.memory_space<hbm>> -> memref<128x128xf32, #tpu.memory_space<hbm>>
      %dma_start3A_99 = arith.constant 0 : i32
      %dma_start3A_100 = tpu.memref_slice %arg7[%mul3A_2, %dma_start3A_99] : memref<4096x128xf32, #tpu.memory_space<hbm>> -> memref<128x128xf32, #tpu.memory_space<hbm>>
      tpu.enqueue_dma source(%arg11 : memref<128x128xf32, #tpu.memory_space<vmem>>) target(%dma_start3A_100 : memref<128x128xf32, #tpu.memory_space<hbm>>) target_semaphore(%run_scoped3A : memref<!tpu.dma_semaphore, #tpu.memory_space<semaphore_mem>>)
      %dma_wait3A_101 = arith.constant 0 : i32
      %dma_wait3A_102 = tpu.memref_slice %arg7[%mul3A_2, %dma_wait3A_101] : memref<4096x128xf32, #tpu.memory_space<hbm>> -> memref<128x128xf32, #tpu.memory_space<hbm>>
      %dma_wait3A_103 = arith.constant 0 : i32
      %dma_wait3A_104 = tpu.memref_slice %arg7[%mul3A_2, %dma_wait3A_103] : memref<4096x128xf32, #tpu.memory_space<hbm>> -> memref<128x128xf32, #tpu.memory_space<hbm>>
      tpu.wait_dma2 semaphore(%run_scoped3A : memref<!tpu.dma_semaphore, #tpu.memory_space<semaphore_mem>>) src(%arg11 : memref<128x128xf32, #tpu.memory_space<vmem>>) dst(%dma_wait3A_104 : memref<128x128xf32, #tpu.memory_space<hbm>>)
      tpu.yield
    }) : () -> ()
    return
  }
}

#map = affine_map<(d0, d1) -> (0, 0)>
module attributes {stable_mosaic.version = 14 : i64} {
  func.func @_agg_body(%arg0: i32, %arg1: i32, %arg2: memref<10000x128xf32, #tpu.memory_space<hbm>>, %arg3: memref<10000x128xf32, #tpu.memory_space<hbm>>, %arg4: memref<2560x128xi32, #tpu.memory_space<hbm>>, %arg5: memref<2560x128xi32, #tpu.memory_space<hbm>>, %arg6: memref<2560x128xi32, #tpu.memory_space<hbm>>, %arg7: memref<2560x128xi32, #tpu.memory_space<hbm>>, %arg8: memref<624x128xf32, #tpu.memory_space<hbm>>, %arg9: memref<10000x128xf32, #tpu.memory_space<hbm>>, %arg10: memref<10000x128xf32, #tpu.memory_space<hbm>>, %arg11: memref<10x16xi32, #tpu.memory_space<vmem>>, %arg12: memref<2x16x128xi32, #tpu.memory_space<vmem>>, %arg13: memref<2x16x128xi32, #tpu.memory_space<vmem>>, %arg14: memref<2x128x128xf32, #tpu.memory_space<vmem>>, %arg15: memref<10016x128xf32, #tpu.memory_space<vmem_shared>>, %arg16: memref<!tpu.dma_semaphore, #tpu.memory_space<semaphore_mem>>, %arg17: memref<!tpu.dma_semaphore, #tpu.memory_space<semaphore_mem>>) attributes {dimension_semantics = [#tpu.dimension_semantics<core_parallel>, #tpu.dimension_semantics<subcore_parallel>], iteration_bounds = array<i64: 2, 16>, scalar_prefetch = 0 : i64, scratch_operands = 7 : i64, tpu.core_type = #tpu.core_type<sc_vector_subcore>, window_params = [{transform_indices = #map}, {transform_indices = #map}, {transform_indices = #map}, {transform_indices = #map}, {transform_indices = #map}, {transform_indices = #map}, {transform_indices = #map}, {transform_indices = #map}, {transform_indices = #map}]} {
    %mul3A = arith.constant 624 : i32
    %mul3A_0 = arith.muli %arg1, %mul3A : i32
    "tpu.region"() ({
      %run_scoped3A = tpu.sem_alloc : memref<!tpu.dma_semaphore, #tpu.memory_space<semaphore_mem>>
      %dma_start3A = arith.constant 0 : i32
      %dma_start3A_24 = tpu.memref_slice %arg15[%mul3A_0, %dma_start3A] : memref<10016x128xf32, #tpu.memory_space<vmem_shared>> -> memref<624x128xf32, #tpu.memory_space<vmem_shared>>
      %dma_start3A_25 = arith.constant 0 : i32
      %dma_start3A_26 = arith.constant 0 : i32
      %dma_start3A_27 = tpu.memref_slice %arg8[%dma_start3A_25, %dma_start3A_26] : memref<624x128xf32, #tpu.memory_space<hbm>> -> memref<624x128xf32, #tpu.memory_space<hbm>>
      tpu.enqueue_dma source(%dma_start3A_27 : memref<624x128xf32, #tpu.memory_space<hbm>>) target(%dma_start3A_24 : memref<624x128xf32, #tpu.memory_space<vmem_shared>>) target_semaphore(%run_scoped3A : memref<!tpu.dma_semaphore, #tpu.memory_space<semaphore_mem>>)
      %dma_wait3A = arith.constant 0 : i32
      %dma_wait3A_28 = tpu.memref_slice %arg15[%mul3A_0, %dma_wait3A] : memref<10016x128xf32, #tpu.memory_space<vmem_shared>> -> memref<624x128xf32, #tpu.memory_space<vmem_shared>>
      %dma_wait3A_29 = arith.constant 0 : i32
      %dma_wait3A_30 = arith.constant 0 : i32
      %dma_wait3A_31 = tpu.memref_slice %arg8[%dma_wait3A_29, %dma_wait3A_30] : memref<624x128xf32, #tpu.memory_space<hbm>> -> memref<624x128xf32, #tpu.memory_space<hbm>>
      tpu.wait_dma2 semaphore(%run_scoped3A : memref<!tpu.dma_semaphore, #tpu.memory_space<semaphore_mem>>) src(%dma_wait3A_31 : memref<624x128xf32, #tpu.memory_space<hbm>>) dst(%dma_wait3A_28 : memref<624x128xf32, #tpu.memory_space<vmem_shared>>)
      tpu.yield
    }) : () -> ()
    %eq3A = arith.constant 15 : i32
    %eq3A_1 = arith.cmpi eq, %arg1, %eq3A : i32
    %convert_element_type3A = arith.extui %eq3A_1 : i1 to i32
    %cond3A = arith.constant 0 : i32
    %cond3A_2 = arith.cmpi ne, %convert_element_type3A, %cond3A : i32
    scf.if %cond3A_2 {
      "tpu.region"() ({
        %run_scoped3A = tpu.sem_alloc : memref<!tpu.dma_semaphore, #tpu.memory_space<semaphore_mem>>
        %dma_start3A = arith.constant 9984 : i32
        %dma_start3A_24 = arith.constant 0 : i32
        %dma_start3A_25 = tpu.memref_slice %arg15[%dma_start3A, %dma_start3A_24] : memref<10016x128xf32, #tpu.memory_space<vmem_shared>> -> memref<32x128xf32, #tpu.memory_space<vmem_shared>>
        %dma_start3A_26 = arith.constant 0 : i32
        %dma_start3A_27 = arith.constant 0 : i32
        %dma_start3A_28 = tpu.memref_slice %arg8[%dma_start3A_26, %dma_start3A_27] : memref<624x128xf32, #tpu.memory_space<hbm>> -> memref<32x128xf32, #tpu.memory_space<hbm>>
        tpu.enqueue_dma source(%dma_start3A_28 : memref<32x128xf32, #tpu.memory_space<hbm>>) target(%dma_start3A_25 : memref<32x128xf32, #tpu.memory_space<vmem_shared>>) target_semaphore(%run_scoped3A : memref<!tpu.dma_semaphore, #tpu.memory_space<semaphore_mem>>)
        %dma_wait3A = arith.constant 9984 : i32
        %dma_wait3A_29 = arith.constant 0 : i32
        %dma_wait3A_30 = tpu.memref_slice %arg15[%dma_wait3A, %dma_wait3A_29] : memref<10016x128xf32, #tpu.memory_space<vmem_shared>> -> memref<32x128xf32, #tpu.memory_space<vmem_shared>>
        %dma_wait3A_31 = arith.constant 0 : i32
        %dma_wait3A_32 = arith.constant 0 : i32
        %dma_wait3A_33 = tpu.memref_slice %arg8[%dma_wait3A_31, %dma_wait3A_32] : memref<624x128xf32, #tpu.memory_space<hbm>> -> memref<32x128xf32, #tpu.memory_space<hbm>>
        tpu.wait_dma2 semaphore(%run_scoped3A : memref<!tpu.dma_semaphore, #tpu.memory_space<semaphore_mem>>) src(%dma_wait3A_33 : memref<32x128xf32, #tpu.memory_space<hbm>>) dst(%dma_wait3A_30 : memref<32x128xf32, #tpu.memory_space<vmem_shared>>)
        tpu.yield
      }) : () -> ()
    } else {
    }
    %barrier3A = arith.constant 0 : index
    tpu.barrier barrier_id(%barrier3A)
    %eq3A_3 = arith.constant 0 : i32
    %eq3A_4 = arith.cmpi eq, %arg0, %eq3A_3 : i32
    %convert_element_type3A_5 = arith.extui %eq3A_4 : i1 to i32
    %cond3A_6 = arith.constant 0 : i32
    %cond3A_7 = arith.cmpi ne, %convert_element_type3A_5, %cond3A_6 : i32
    scf.if %cond3A_7 {
      %scan3A = arith.constant 0 : i32
      %scan3A_24 = arith.constant 0 : i32
      %scan3A_25 = arith.constant 10 : i32
      %scan3A_26 = arith.addi %scan3A_24, %scan3A_25 : i32
      %scan3A_27 = arith.constant 1 : i32
      scf.for %scan3A_140 = %scan3A_24 to %scan3A_26 step %scan3A_27  : i32 {
        %mul3A_141 = arith.constant 160 : i32
        %mul3A_142 = arith.muli %arg1, %mul3A_141 : i32
        %mul3A_143 = arith.constant 16 : i32
        %mul3A_144 = arith.muli %scan3A_140, %mul3A_143 : i32
        %add3A = arith.addi %mul3A_142, %mul3A_144 : i32
        %iota3A = tpu.iota {dimensions = array<i32: 0>} : vector<16xi32>
        %add3A_145 = vector.broadcast %add3A : i32 to vector<16xi32>
        %add3A_146 = arith.addi %add3A_145, %iota3A : vector<16xi32>
        %swap3A = arith.index_cast %scan3A_140 : i32 to index
        %swap3A_147 = arith.constant 0 : index
        %swap3A_148 = tpu.vector_load %arg11[%swap3A, %swap3A_147] {strides = array<i32>} : memref<10x16xi32, #tpu.memory_space<vmem>>, vector<1x16xi32>,
        %swap3A_149 = vector.shape_cast %swap3A_148 : vector<1x16xi32> to vector<16xi32>
        %swap3A_150 = vector.shape_cast %add3A_146 : vector<16xi32> to vector<1x16xi32>
        tpu.vector_store %arg11[%swap3A, %swap3A_147], %swap3A_150 {strides = array<i32>} : memref<10x16xi32, #tpu.memory_space<vmem>>, vector<1x16xi32>,
      }
      %scan3A_28 = arith.constant 10 : i32
      %rem3A = arith.constant 0 : i32
      %rem3A_29 = arith.constant 2 : i32
      %rem3A_30 = arith.remsi %rem3A, %rem3A_29 : i32
      %dma_start3A = arith.constant 0 : i32
      %dma_start3A_31 = arith.constant 0 : i32
      %dma_start3A_32 = arith.constant 0 : i32
      %dma_start3A_33 = tpu.memref_slice %arg12[%rem3A_30, %dma_start3A_31, %dma_start3A_32] : memref<2x16x128xi32, #tpu.memory_space<vmem>> -> memref<1x16x128xi32, #tpu.memory_space<vmem>>
      %dma_start3A_34 = tpu.memref_squeeze %dma_start3A_33 : memref<1x16x128xi32, #tpu.memory_space<vmem>> -> memref<16x128xi32, #tpu.memory_space<vmem>>
      %dma_start3A_35 = arith.constant 0 : i32
      %dma_start3A_36 = tpu.memref_slice %arg11[%dma_start3A, %dma_start3A_35] : memref<10x16xi32, #tpu.memory_space<vmem>> -> memref<1x16xi32, #tpu.memory_space<vmem>>
      %dma_start3A_37 = tpu.memref_squeeze %dma_start3A_36 : memref<1x16xi32, #tpu.memory_space<vmem>> -> memref<16xi32, #tpu.memory_space<vmem>>
      %dma_start3A_38 = arith.constant 0 : i32
      %dma_start3A_39 = arith.constant 0 : i32
      %dma_start3A_40 = tpu.memref_slice %arg4[%dma_start3A_38, %dma_start3A_39] : memref<2560x128xi32, #tpu.memory_space<hbm>> -> memref<2560x128xi32, #tpu.memory_space<hbm>>
      tpu.enqueue_indirect_dma source(%dma_start3A_40 : memref<2560x128xi32, #tpu.memory_space<hbm>>) target(%dma_start3A_34 : memref<16x128xi32, #tpu.memory_space<vmem>>) offsets(%dma_start3A_37 : memref<16xi32, #tpu.memory_space<vmem>>) semaphore(%arg16 : memref<!tpu.dma_semaphore, #tpu.memory_space<semaphore_mem>>)
      %dma_start3A_41 = arith.constant 0 : i32
      %dma_start3A_42 = arith.constant 0 : i32
      %dma_start3A_43 = arith.constant 0 : i32
      %dma_start3A_44 = tpu.memref_slice %arg13[%rem3A_30, %dma_start3A_42, %dma_start3A_43] : memref<2x16x128xi32, #tpu.memory_space<vmem>> -> memref<1x16x128xi32, #tpu.memory_space<vmem>>
      %dma_start3A_45 = tpu.memref_squeeze %dma_start3A_44 : memref<1x16x128xi32, #tpu.memory_space<vmem>> -> memref<16x128xi32, #tpu.memory_space<vmem>>
      %dma_start3A_46 = arith.constant 0 : i32
      %dma_start3A_47 = tpu.memref_slice %arg11[%dma_start3A_41, %dma_start3A_46] : memref<10x16xi32, #tpu.memory_space<vmem>> -> memref<1x16xi32, #tpu.memory_space<vmem>>
      %dma_start3A_48 = tpu.memref_squeeze %dma_start3A_47 : memref<1x16xi32, #tpu.memory_space<vmem>> -> memref<16xi32, #tpu.memory_space<vmem>>
      %dma_start3A_49 = arith.constant 0 : i32
      %dma_start3A_50 = arith.constant 0 : i32
      %dma_start3A_51 = tpu.memref_slice %arg5[%dma_start3A_49, %dma_start3A_50] : memref<2560x128xi32, #tpu.memory_space<hbm>> -> memref<2560x128xi32, #tpu.memory_space<hbm>>
      tpu.enqueue_indirect_dma source(%dma_start3A_51 : memref<2560x128xi32, #tpu.memory_space<hbm>>) target(%dma_start3A_45 : memref<16x128xi32, #tpu.memory_space<vmem>>) offsets(%dma_start3A_48 : memref<16xi32, #tpu.memory_space<vmem>>) semaphore(%arg16 : memref<!tpu.dma_semaphore, #tpu.memory_space<semaphore_mem>>)
      %dma_wait3A = arith.constant 0 : i32
      %dma_wait3A_52 = arith.constant 0 : i32
      %dma_wait3A_53 = arith.constant 0 : i32
      %dma_wait3A_54 = arith.constant 0 : i32
      %dma_wait3A_55 = tpu.memref_slice %arg12[%dma_wait3A_52, %dma_wait3A_53, %dma_wait3A_54] : memref<2x16x128xi32, #tpu.memory_space<vmem>> -> memref<1x16x128xi32, #tpu.memory_space<vmem>>
      %dma_wait3A_56 = tpu.memref_squeeze %dma_wait3A_55 : memref<1x16x128xi32, #tpu.memory_space<vmem>> -> memref<16x128xi32, #tpu.memory_space<vmem>>
      %dma_wait3A_57 = arith.constant 0 : i32
      %dma_wait3A_58 = tpu.memref_slice %arg11[%dma_wait3A, %dma_wait3A_57] : memref<10x16xi32, #tpu.memory_space<vmem>> -> memref<1x16xi32, #tpu.memory_space<vmem>>
      %dma_wait3A_59 = tpu.memref_squeeze %dma_wait3A_58 : memref<1x16xi32, #tpu.memory_space<vmem>> -> memref<16xi32, #tpu.memory_space<vmem>>
      %dma_wait3A_60 = arith.constant 0 : i32
      %dma_wait3A_61 = arith.constant 0 : i32
      %dma_wait3A_62 = tpu.memref_slice %arg4[%dma_wait3A_60, %dma_wait3A_61] : memref<2560x128xi32, #tpu.memory_space<hbm>> -> memref<2560x128xi32, #tpu.memory_space<hbm>>
      tpu.wait_indirect_dma semaphore(%arg16 : memref<!tpu.dma_semaphore, #tpu.memory_space<semaphore_mem>>) src(%dma_wait3A_62 : memref<2560x128xi32, #tpu.memory_space<hbm>>) dst(%dma_wait3A_56 : memref<16x128xi32, #tpu.memory_space<vmem>>)
      %dma_wait3A_63 = arith.constant 0 : i32
      %dma_wait3A_64 = arith.constant 0 : i32
      %dma_wait3A_65 = arith.constant 0 : i32
      %dma_wait3A_66 = arith.constant 0 : i32
      %dma_wait3A_67 = tpu.memref_slice %arg13[%dma_wait3A_64, %dma_wait3A_65, %dma_wait3A_66] : memref<2x16x128xi32, #tpu.memory_space<vmem>> -> memref<1x16x128xi32, #tpu.memory_space<vmem>>
      %dma_wait3A_68 = tpu.memref_squeeze %dma_wait3A_67 : memref<1x16x128xi32, #tpu.memory_space<vmem>> -> memref<16x128xi32, #tpu.memory_space<vmem>>
      %dma_wait3A_69 = arith.constant 0 : i32
      %dma_wait3A_70 = tpu.memref_slice %arg11[%dma_wait3A_63, %dma_wait3A_69] : memref<10x16xi32, #tpu.memory_space<vmem>> -> memref<1x16xi32, #tpu.memory_space<vmem>>
      %dma_wait3A_71 = tpu.memref_squeeze %dma_wait3A_70 : memref<1x16xi32, #tpu.memory_space<vmem>> -> memref<16xi32, #tpu.memory_space<vmem>>
      %dma_wait3A_72 = arith.constant 0 : i32
      %dma_wait3A_73 = arith.constant 0 : i32
      %dma_wait3A_74 = tpu.memref_slice %arg5[%dma_wait3A_72, %dma_wait3A_73] : memref<2560x128xi32, #tpu.memory_space<hbm>> -> memref<2560x128xi32, #tpu.memory_space<hbm>>
      tpu.wait_indirect_dma semaphore(%arg16 : memref<!tpu.dma_semaphore, #tpu.memory_space<semaphore_mem>>) src(%dma_wait3A_74 : memref<2560x128xi32, #tpu.memory_space<hbm>>) dst(%dma_wait3A_68 : memref<16x128xi32, #tpu.memory_space<vmem>>)
      %rem3A_75 = arith.constant 1 : i32
      %rem3A_76 = arith.constant 2 : i32
      %rem3A_77 = arith.remsi %rem3A_75, %rem3A_76 : i32
      %dma_start3A_78 = arith.constant 1 : i32
      %dma_start3A_79 = arith.constant 0 : i32
      %dma_start3A_80 = arith.constant 0 : i32
      %dma_start3A_81 = tpu.memref_slice %arg12[%rem3A_77, %dma_start3A_79, %dma_start3A_80] : memref<2x16x128xi32, #tpu.memory_space<vmem>> -> memref<1x16x128xi32, #tpu.memory_space<vmem>>
      %dma_start3A_82 = tpu.memref_squeeze %dma_start3A_81 : memref<1x16x128xi32, #tpu.memory_space<vmem>> -> memref<16x128xi32, #tpu.memory_space<vmem>>
      %dma_start3A_83 = arith.constant 0 : i32
      %dma_start3A_84 = tpu.memref_slice %arg11[%dma_start3A_78, %dma_start3A_83] : memref<10x16xi32, #tpu.memory_space<vmem>> -> memref<1x16xi32, #tpu.memory_space<vmem>>
      %dma_start3A_85 = tpu.memref_squeeze %dma_start3A_84 : memref<1x16xi32, #tpu.memory_space<vmem>> -> memref<16xi32, #tpu.memory_space<vmem>>
      %dma_start3A_86 = arith.constant 0 : i32
      %dma_start3A_87 = arith.constant 0 : i32
      %dma_start3A_88 = tpu.memref_slice %arg4[%dma_start3A_86, %dma_start3A_87] : memref<2560x128xi32, #tpu.memory_space<hbm>> -> memref<2560x128xi32, #tpu.memory_space<hbm>>
      tpu.enqueue_indirect_dma source(%dma_start3A_88 : memref<2560x128xi32, #tpu.memory_space<hbm>>) target(%dma_start3A_82 : memref<16x128xi32, #tpu.memory_space<vmem>>) offsets(%dma_start3A_85 : memref<16xi32, #tpu.memory_space<vmem>>) semaphore(%arg16 : memref<!tpu.dma_semaphore, #tpu.memory_space<semaphore_mem>>)
      %dma_start3A_89 = arith.constant 1 : i32
      %dma_start3A_90 = arith.constant 0 : i32
      %dma_start3A_91 = arith.constant 0 : i32
      %dma_start3A_92 = tpu.memref_slice %arg13[%rem3A_77, %dma_start3A_90, %dma_start3A_91] : memref<2x16x128xi32, #tpu.memory_space<vmem>> -> memref<1x16x128xi32, #tpu.memory_space<vmem>>
      %dma_start3A_93 = tpu.memref_squeeze %dma_start3A_92 : memref<1x16x128xi32, #tpu.memory_space<vmem>> -> memref<16x128xi32, #tpu.memory_space<vmem>>
      %dma_start3A_94 = arith.constant 0 : i32
      %dma_start3A_95 = tpu.memref_slice %arg11[%dma_start3A_89, %dma_start3A_94] : memref<10x16xi32, #tpu.memory_space<vmem>> -> memref<1x16xi32, #tpu.memory_space<vmem>>
      %dma_start3A_96 = tpu.memref_squeeze %dma_start3A_95 : memref<1x16xi32, #tpu.memory_space<vmem>> -> memref<16xi32, #tpu.memory_space<vmem>>
      %dma_start3A_97 = arith.constant 0 : i32
      %dma_start3A_98 = arith.constant 0 : i32
      %dma_start3A_99 = tpu.memref_slice %arg5[%dma_start3A_97, %dma_start3A_98] : memref<2560x128xi32, #tpu.memory_space<hbm>> -> memref<2560x128xi32, #tpu.memory_space<hbm>>
      tpu.enqueue_indirect_dma source(%dma_start3A_99 : memref<2560x128xi32, #tpu.memory_space<hbm>>) target(%dma_start3A_93 : memref<16x128xi32, #tpu.memory_space<vmem>>) offsets(%dma_start3A_96 : memref<16xi32, #tpu.memory_space<vmem>>) semaphore(%arg16 : memref<!tpu.dma_semaphore, #tpu.memory_space<semaphore_mem>>)
      %dma_start3A_100 = arith.constant 0 : i32
      %dma_start3A_101 = arith.constant 0 : i32
      %dma_start3A_102 = arith.constant 0 : i32
      %dma_start3A_103 = arith.constant 0 : i32
      %dma_start3A_104 = arith.constant 0 : i32
      %dma_start3A_105 = tpu.memref_slice %arg14[%dma_start3A_102, %dma_start3A_103, %dma_start3A_104] : memref<2x128x128xf32, #tpu.memory_space<vmem>> -> memref<1x128x128xf32, #tpu.memory_space<vmem>>
      %dma_start3A_106 = tpu.memref_squeeze %dma_start3A_105 : memref<1x128x128xf32, #tpu.memory_space<vmem>> -> memref<128x128xf32, #tpu.memory_space<vmem>>
      %dma_start3A_107 = arith.constant 0 : i32
      %dma_start3A_108 = arith.constant 0 : i32
      %dma_start3A_109 = tpu.memref_slice %arg12[%dma_start3A_100, %dma_start3A_107, %dma_start3A_108] : memref<2x16x128xi32, #tpu.memory_space<vmem>> -> memref<1x16x128xi32, #tpu.memory_space<vmem>>
      %dma_start3A_110 = tpu.memref_squeeze %dma_start3A_109 : memref<1x16x128xi32, #tpu.memory_space<vmem>> -> memref<16x128xi32, #tpu.memory_space<vmem>>
      %dma_start3A_111 = arith.constant 0 : i32
      %dma_start3A_112 = tpu.memref_slice %dma_start3A_110[%dma_start3A_101, %dma_start3A_111] : memref<16x128xi32, #tpu.memory_space<vmem>> -> memref<1x128xi32, #tpu.memory_space<vmem>>
      %dma_start3A_113 = tpu.memref_squeeze %dma_start3A_112 : memref<1x128xi32, #tpu.memory_space<vmem>> -> memref<128xi32, #tpu.memory_space<vmem>>
      %dma_start3A_114 = arith.constant 0 : i32
      %dma_start3A_115 = arith.constant 0 : i32
      %dma_start3A_116 = tpu.memref_slice %arg2[%dma_start3A_114, %dma_start3A_115] : memref<10000x128xf32, #tpu.memory_space<hbm>> -> memref<10000x128xf32, #tpu.memory_space<hbm>>
      tpu.enqueue_indirect_dma source(%dma_start3A_116 : memref<10000x128xf32, #tpu.memory_space<hbm>>) target(%dma_start3A_106 : memref<128x128xf32, #tpu.memory_space<vmem>>) offsets(%dma_start3A_113 : memref<128xi32, #tpu.memory_space<vmem>>) semaphore(%arg17 : memref<!tpu.dma_semaphore, #tpu.memory_space<semaphore_mem>>)
      %dma_start3A_117 = arith.constant 0 : i32
      %dma_start3A_118 = arith.constant 1 : i32
      %dma_start3A_119 = arith.constant 1 : i32
      %dma_start3A_120 = arith.constant 0 : i32
      %dma_start3A_121 = arith.constant 0 : i32
      %dma_start3A_122 = tpu.memref_slice %arg14[%dma_start3A_119, %dma_start3A_120, %dma_start3A_121] : memref<2x128x128xf32, #tpu.memory_space<vmem>> -> memref<1x128x128xf32, #tpu.memory_space<vmem>>
      %dma_start3A_123 = tpu.memref_squeeze %dma_start3A_122 : memref<1x128x128xf32, #tpu.memory_space<vmem>> -> memref<128x128xf32, #tpu.memory_space<vmem>>
      %dma_start3A_124 = arith.constant 0 : i32
      %dma_start3A_125 = arith.constant 0 : i32
      %dma_start3A_126 = tpu.memref_slice %arg12[%dma_start3A_117, %dma_start3A_124, %dma_start3A_125] : memref<2x16x128xi32, #tpu.memory_space<vmem>> -> memref<1x16x128xi32, #tpu.memory_space<vmem>>
      %dma_start3A_127 = tpu.memref_squeeze %dma_start3A_126 : memref<1x16x128xi32, #tpu.memory_space<vmem>> -> memref<16x128xi32, #tpu.memory_space<vmem>>
      %dma_start3A_128 = arith.constant 0 : i32
      %dma_start3A_129 = tpu.memref_slice %dma_start3A_127[%dma_start3A_118, %dma_start3A_128] : memref<16x128xi32, #tpu.memory_space<vmem>> -> memref<1x128xi32, #tpu.memory_space<vmem>>
      %dma_start3A_130 = tpu.memref_squeeze %dma_start3A_129 : memref<1x128xi32, #tpu.memory_space<vmem>> -> memref<128xi32, #tpu.memory_space<vmem>>
      %dma_start3A_131 = arith.constant 0 : i32
      %dma_start3A_132 = arith.constant 0 : i32
      %dma_start3A_133 = tpu.memref_slice %arg2[%dma_start3A_131, %dma_start3A_132] : memref<10000x128xf32, #tpu.memory_space<hbm>> -> memref<10000x128xf32, #tpu.memory_space<hbm>>
      tpu.enqueue_indirect_dma source(%dma_start3A_133 : memref<10000x128xf32, #tpu.memory_space<hbm>>) target(%dma_start3A_123 : memref<128x128xf32, #tpu.memory_space<vmem>>) offsets(%dma_start3A_130 : memref<128xi32, #tpu.memory_space<vmem>>) semaphore(%arg17 : memref<!tpu.dma_semaphore, #tpu.memory_space<semaphore_mem>>)
      %scan3A_134 = arith.constant 0 : i32
      %scan3A_135 = arith.constant 0 : i32
      %scan3A_136 = arith.constant 160 : i32
      %scan3A_137 = arith.addi %scan3A_135, %scan3A_136 : i32
      %scan3A_138 = arith.constant 1 : i32
      scf.for %scan3A_140 = %scan3A_135 to %scan3A_137 step %scan3A_138  : i32 {
        %div3A = arith.constant 16 : i32
        %div3A_141 = arith.divsi %scan3A_140, %div3A : i32
        %rem3A_142 = arith.constant 16 : i32
        %rem3A_143 = arith.remsi %scan3A_140, %rem3A_142 : i32
        %rem3A_144 = arith.constant 2 : i32
        %rem3A_145 = arith.remsi %div3A_141, %rem3A_144 : i32
        %rem3A_146 = arith.constant 2 : i32
        %rem3A_147 = arith.remsi %scan3A_140, %rem3A_146 : i32
        %dma_wait3A_148 = arith.constant 0 : i32
        %dma_wait3A_149 = arith.constant 0 : i32
        %dma_wait3A_150 = arith.constant 0 : i32
        %dma_wait3A_151 = tpu.memref_slice %arg14[%dma_wait3A_148, %dma_wait3A_149, %dma_wait3A_150] : memref<2x128x128xf32, #tpu.memory_space<vmem>> -> memref<1x128x128xf32, #tpu.memory_space<vmem>>
        %dma_wait3A_152 = tpu.memref_squeeze %dma_wait3A_151 : memref<1x128x128xf32, #tpu.memory_space<vmem>> -> memref<128x128xf32, #tpu.memory_space<vmem>>
        %dma_wait3A_153 = arith.constant 0 : i32
        %dma_wait3A_154 = arith.constant 0 : i32
        %dma_wait3A_155 = tpu.memref_slice %arg2[%dma_wait3A_153, %dma_wait3A_154] : memref<10000x128xf32, #tpu.memory_space<hbm>> -> memref<128x128xf32, #tpu.memory_space<hbm>>
        %dma_wait3A_156 = arith.constant 0 : i32
        %dma_wait3A_157 = arith.constant 0 : i32
        %dma_wait3A_158 = tpu.memref_slice %arg14[%dma_wait3A_148, %dma_wait3A_156, %dma_wait3A_157] : memref<2x128x128xf32, #tpu.memory_space<vmem>> -> memref<1x128x128xf32, #tpu.memory_space<vmem>>
        %dma_wait3A_159 = tpu.memref_squeeze %dma_wait3A_158 : memref<1x128x128xf32, #tpu.memory_space<vmem>> -> memref<128x128xf32, #tpu.memory_space<vmem>>
        %dma_wait3A_160 = arith.constant 0 : i32
        %dma_wait3A_161 = arith.constant 0 : i32
        %dma_wait3A_162 = tpu.memref_slice %arg2[%dma_wait3A_160, %dma_wait3A_161] : memref<10000x128xf32, #tpu.memory_space<hbm>> -> memref<128x128xf32, #tpu.memory_space<hbm>>
        tpu.wait_dma2 semaphore(%arg17 : memref<!tpu.dma_semaphore, #tpu.memory_space<semaphore_mem>>) src(%dma_wait3A_162 : memref<128x128xf32, #tpu.memory_space<hbm>>) dst(%dma_wait3A_159 : memref<128x128xf32, #tpu.memory_space<vmem>>)
        "tpu.region"() ({
          %run_scoped3A = tpu.sem_alloc : memref<!tpu.dma_semaphore, #tpu.memory_space<semaphore_mem>>
          %dma_start3A_187 = arith.constant 0 : i32
          %dma_start3A_188 = arith.constant 0 : i32
          %dma_start3A_189 = tpu.memref_slice %arg14[%rem3A_147, %dma_start3A_187, %dma_start3A_188] : memref<2x128x128xf32, #tpu.memory_space<vmem>> -> memref<1x128x128xf32, #tpu.memory_space<vmem>>
          %dma_start3A_190 = tpu.memref_squeeze %dma_start3A_189 : memref<1x128x128xf32, #tpu.memory_space<vmem>> -> memref<128x128xf32, #tpu.memory_space<vmem>>
          %dma_start3A_191 = arith.constant 0 : i32
          %dma_start3A_192 = arith.constant 0 : i32
          %dma_start3A_193 = tpu.memref_slice %arg13[%rem3A_145, %dma_start3A_191, %dma_start3A_192] : memref<2x16x128xi32, #tpu.memory_space<vmem>> -> memref<1x16x128xi32, #tpu.memory_space<vmem>>
          %dma_start3A_194 = tpu.memref_squeeze %dma_start3A_193 : memref<1x16x128xi32, #tpu.memory_space<vmem>> -> memref<16x128xi32, #tpu.memory_space<vmem>>
          %dma_start3A_195 = arith.constant 0 : i32
          %dma_start3A_196 = tpu.memref_slice %dma_start3A_194[%rem3A_143, %dma_start3A_195] : memref<16x128xi32, #tpu.memory_space<vmem>> -> memref<1x128xi32, #tpu.memory_space<vmem>>
          %dma_start3A_197 = tpu.memref_squeeze %dma_start3A_196 : memref<1x128xi32, #tpu.memory_space<vmem>> -> memref<128xi32, #tpu.memory_space<vmem>>
          %dma_start3A_198 = arith.constant 0 : i32
          %dma_start3A_199 = arith.constant 0 : i32
          %dma_start3A_200 = tpu.memref_slice %arg15[%dma_start3A_198, %dma_start3A_199] : memref<10016x128xf32, #tpu.memory_space<vmem_shared>> -> memref<10016x128xf32, #tpu.memory_space<vmem_shared>>
          tpu.enqueue_indirect_dma source(%dma_start3A_190 : memref<128x128xf32, #tpu.memory_space<vmem>>) target(%dma_start3A_200 : memref<10016x128xf32, #tpu.memory_space<vmem_shared>>) offsets(%dma_start3A_197 : memref<128xi32, #tpu.memory_space<vmem>>) semaphore(%run_scoped3A : memref<!tpu.dma_semaphore, #tpu.memory_space<semaphore_mem>>) {add = true}
          %dma_wait3A_201 = arith.constant 0 : i32
          %dma_wait3A_202 = arith.constant 0 : i32
          %dma_wait3A_203 = tpu.memref_slice %arg14[%rem3A_147, %dma_wait3A_201, %dma_wait3A_202] : memref<2x128x128xf32, #tpu.memory_space<vmem>> -> memref<1x128x128xf32, #tpu.memory_space<vmem>>
          %dma_wait3A_204 = tpu.memref_squeeze %dma_wait3A_203 : memref<1x128x128xf32, #tpu.memory_space<vmem>> -> memref<128x128xf32, #tpu.memory_space<vmem>>
          %dma_wait3A_205 = arith.constant 0 : i32
          %dma_wait3A_206 = arith.constant 0 : i32
          %dma_wait3A_207 = tpu.memref_slice %arg13[%rem3A_145, %dma_wait3A_205, %dma_wait3A_206] : memref<2x16x128xi32, #tpu.memory_space<vmem>> -> memref<1x16x128xi32, #tpu.memory_space<vmem>>
          %dma_wait3A_208 = tpu.memref_squeeze %dma_wait3A_207 : memref<1x16x128xi32, #tpu.memory_space<vmem>> -> memref<16x128xi32, #tpu.memory_space<vmem>>
          %dma_wait3A_209 = arith.constant 0 : i32
          %dma_wait3A_210 = tpu.memref_slice %dma_wait3A_208[%rem3A_143, %dma_wait3A_209] : memref<16x128xi32, #tpu.memory_space<vmem>> -> memref<1x128xi32, #tpu.memory_space<vmem>>
          %dma_wait3A_211 = tpu.memref_squeeze %dma_wait3A_210 : memref<1x128xi32, #tpu.memory_space<vmem>> -> memref<128xi32, #tpu.memory_space<vmem>>
          %dma_wait3A_212 = arith.constant 0 : i32
          %dma_wait3A_213 = arith.constant 0 : i32
          %dma_wait3A_214 = tpu.memref_slice %arg15[%dma_wait3A_212, %dma_wait3A_213] : memref<10016x128xf32, #tpu.memory_space<vmem_shared>> -> memref<10016x128xf32, #tpu.memory_space<vmem_shared>>
          tpu.wait_indirect_dma semaphore(%run_scoped3A : memref<!tpu.dma_semaphore, #tpu.memory_space<semaphore_mem>>) src(%dma_wait3A_204 : memref<128x128xf32, #tpu.memory_space<vmem>>) dst(%dma_wait3A_214 : memref<10016x128xf32, #tpu.memory_space<vmem_shared>>)
          tpu.yield
        }) : () -> ()
        %eq3A_163 = arith.constant 14 : i32
        %eq3A_164 = arith.cmpi eq, %rem3A_143, %eq3A_163 : i32
        %add3A = arith.constant 1 : i32
        %add3A_165 = arith.addi %div3A_141, %add3A : i32
        %lt3A = arith.constant 10 : i32
        %lt3A_166 = arith.cmpi slt, %add3A_165, %lt3A : i32
        %and3A = arith.andi %eq3A_164, %lt3A_166 : i1
        %convert_element_type3A_167 = arith.extui %and3A : i1 to i32
        %cond3A_168 = arith.constant 0 : i32
        %cond3A_169 = arith.cmpi ne, %convert_element_type3A_167, %cond3A_168 : i32
        scf.if %cond3A_169 {
          %dma_wait3A_187 = arith.constant 0 : i32
          %dma_wait3A_188 = arith.constant 0 : i32
          %dma_wait3A_189 = arith.constant 0 : i32
          %dma_wait3A_190 = arith.constant 0 : i32
          %dma_wait3A_191 = tpu.memref_slice %arg12[%dma_wait3A_188, %dma_wait3A_189, %dma_wait3A_190] : memref<2x16x128xi32, #tpu.memory_space<vmem>> -> memref<1x16x128xi32, #tpu.memory_space<vmem>>
          %dma_wait3A_192 = tpu.memref_squeeze %dma_wait3A_191 : memref<1x16x128xi32, #tpu.memory_space<vmem>> -> memref<16x128xi32, #tpu.memory_space<vmem>>
          %dma_wait3A_193 = arith.constant 0 : i32
          %dma_wait3A_194 = tpu.memref_slice %arg11[%dma_wait3A_187, %dma_wait3A_193] : memref<10x16xi32, #tpu.memory_space<vmem>> -> memref<1x16xi32, #tpu.memory_space<vmem>>
          %dma_wait3A_195 = tpu.memref_squeeze %dma_wait3A_194 : memref<1x16xi32, #tpu.memory_space<vmem>> -> memref<16xi32, #tpu.memory_space<vmem>>
          %dma_wait3A_196 = arith.constant 0 : i32
          %dma_wait3A_197 = arith.constant 0 : i32
          %dma_wait3A_198 = tpu.memref_slice %arg4[%dma_wait3A_196, %dma_wait3A_197] : memref<2560x128xi32, #tpu.memory_space<hbm>> -> memref<2560x128xi32, #tpu.memory_space<hbm>>
          tpu.wait_indirect_dma semaphore(%arg16 : memref<!tpu.dma_semaphore, #tpu.memory_space<semaphore_mem>>) src(%dma_wait3A_198 : memref<2560x128xi32, #tpu.memory_space<hbm>>) dst(%dma_wait3A_192 : memref<16x128xi32, #tpu.memory_space<vmem>>)
          %dma_wait3A_199 = arith.constant 0 : i32
          %dma_wait3A_200 = arith.constant 0 : i32
          %dma_wait3A_201 = arith.constant 0 : i32
          %dma_wait3A_202 = arith.constant 0 : i32
          %dma_wait3A_203 = tpu.memref_slice %arg13[%dma_wait3A_200, %dma_wait3A_201, %dma_wait3A_202] : memref<2x16x128xi32, #tpu.memory_space<vmem>> -> memref<1x16x128xi32, #tpu.memory_space<vmem>>
          %dma_wait3A_204 = tpu.memref_squeeze %dma_wait3A_203 : memref<1x16x128xi32, #tpu.memory_space<vmem>> -> memref<16x128xi32, #tpu.memory_space<vmem>>
          %dma_wait3A_205 = arith.constant 0 : i32
          %dma_wait3A_206 = tpu.memref_slice %arg11[%dma_wait3A_199, %dma_wait3A_205] : memref<10x16xi32, #tpu.memory_space<vmem>> -> memref<1x16xi32, #tpu.memory_space<vmem>>
          %dma_wait3A_207 = tpu.memref_squeeze %dma_wait3A_206 : memref<1x16xi32, #tpu.memory_space<vmem>> -> memref<16xi32, #tpu.memory_space<vmem>>
          %dma_wait3A_208 = arith.constant 0 : i32
          %dma_wait3A_209 = arith.constant 0 : i32
          %dma_wait3A_210 = tpu.memref_slice %arg5[%dma_wait3A_208, %dma_wait3A_209] : memref<2560x128xi32, #tpu.memory_space<hbm>> -> memref<2560x128xi32, #tpu.memory_space<hbm>>
          tpu.wait_indirect_dma semaphore(%arg16 : memref<!tpu.dma_semaphore, #tpu.memory_space<semaphore_mem>>) src(%dma_wait3A_210 : memref<2560x128xi32, #tpu.memory_space<hbm>>) dst(%dma_wait3A_204 : memref<16x128xi32, #tpu.memory_space<vmem>>)
        } else {
        }
        %add3A_170 = arith.constant 2 : i32
        %add3A_171 = arith.addi %scan3A_140, %add3A_170 : i32
        %lt3A_172 = arith.constant 160 : i32
        %lt3A_173 = arith.cmpi slt, %add3A_171, %lt3A_172 : i32
        %convert_element_type3A_174 = arith.extui %lt3A_173 : i1 to i32
        %cond3A_175 = arith.constant 0 : i32
        %cond3A_176 = arith.cmpi ne, %convert_element_type3A_174, %cond3A_175 : i32
        scf.if %cond3A_176 {
          %div3A_187 = arith.constant 16 : i32
          %div3A_188 = arith.divsi %add3A_171, %div3A_187 : i32
          %rem3A_189 = arith.constant 2 : i32
          %rem3A_190 = arith.remsi %div3A_188, %rem3A_189 : i32
          %rem3A_191 = arith.constant 16 : i32
          %rem3A_192 = arith.remsi %add3A_171, %rem3A_191 : i32
          %dma_start3A_193 = arith.constant 0 : i32
          %dma_start3A_194 = arith.constant 0 : i32
          %dma_start3A_195 = tpu.memref_slice %arg14[%rem3A_147, %dma_start3A_193, %dma_start3A_194] : memref<2x128x128xf32, #tpu.memory_space<vmem>> -> memref<1x128x128xf32, #tpu.memory_space<vmem>>
          %dma_start3A_196 = tpu.memref_squeeze %dma_start3A_195 : memref<1x128x128xf32, #tpu.memory_space<vmem>> -> memref<128x128xf32, #tpu.memory_space<vmem>>
          %dma_start3A_197 = arith.constant 0 : i32
          %dma_start3A_198 = arith.constant 0 : i32
          %dma_start3A_199 = tpu.memref_slice %arg12[%rem3A_190, %dma_start3A_197, %dma_start3A_198] : memref<2x16x128xi32, #tpu.memory_space<vmem>> -> memref<1x16x128xi32, #tpu.memory_space<vmem>>
          %dma_start3A_200 = tpu.memref_squeeze %dma_start3A_199 : memref<1x16x128xi32, #tpu.memory_space<vmem>> -> memref<16x128xi32, #tpu.memory_space<vmem>>
          %dma_start3A_201 = arith.constant 0 : i32
          %dma_start3A_202 = tpu.memref_slice %dma_start3A_200[%rem3A_192, %dma_start3A_201] : memref<16x128xi32, #tpu.memory_space<vmem>> -> memref<1x128xi32, #tpu.memory_space<vmem>>
          %dma_start3A_203 = tpu.memref_squeeze %dma_start3A_202 : memref<1x128xi32, #tpu.memory_space<vmem>> -> memref<128xi32, #tpu.memory_space<vmem>>
          %dma_start3A_204 = arith.constant 0 : i32
          %dma_start3A_205 = arith.constant 0 : i32
          %dma_start3A_206 = tpu.memref_slice %arg2[%dma_start3A_204, %dma_start3A_205] : memref<10000x128xf32, #tpu.memory_space<hbm>> -> memref<10000x128xf32, #tpu.memory_space<hbm>>
          tpu.enqueue_indirect_dma source(%dma_start3A_206 : memref<10000x128xf32, #tpu.memory_space<hbm>>) target(%dma_start3A_196 : memref<128x128xf32, #tpu.memory_space<vmem>>) offsets(%dma_start3A_203 : memref<128xi32, #tpu.memory_space<vmem>>) semaphore(%arg17 : memref<!tpu.dma_semaphore, #tpu.memory_space<semaphore_mem>>)
        } else {
        }
        %eq3A_177 = arith.constant 15 : i32
        %eq3A_178 = arith.cmpi eq, %rem3A_143, %eq3A_177 : i32
        %add3A_179 = arith.constant 2 : i32
        %add3A_180 = arith.addi %div3A_141, %add3A_179 : i32
        %lt3A_181 = arith.constant 10 : i32
        %lt3A_182 = arith.cmpi slt, %add3A_180, %lt3A_181 : i32
        %and3A_183 = arith.andi %eq3A_178, %lt3A_182 : i1
        %convert_element_type3A_184 = arith.extui %and3A_183 : i1 to i32
        %cond3A_185 = arith.constant 0 : i32
        %cond3A_186 = arith.cmpi ne, %convert_element_type3A_184, %cond3A_185 : i32
        scf.if %cond3A_186 {
          %add3A_187 = arith.constant 2 : i32
          %add3A_188 = arith.addi %div3A_141, %add3A_187 : i32
          %rem3A_189 = arith.constant 2 : i32
          %rem3A_190 = arith.remsi %add3A_188, %rem3A_189 : i32
          %dma_start3A_191 = arith.constant 0 : i32
          %dma_start3A_192 = arith.constant 0 : i32
          %dma_start3A_193 = tpu.memref_slice %arg12[%rem3A_190, %dma_start3A_191, %dma_start3A_192] : memref<2x16x128xi32, #tpu.memory_space<vmem>> -> memref<1x16x128xi32, #tpu.memory_space<vmem>>
          %dma_start3A_194 = tpu.memref_squeeze %dma_start3A_193 : memref<1x16x128xi32, #tpu.memory_space<vmem>> -> memref<16x128xi32, #tpu.memory_space<vmem>>
          %dma_start3A_195 = arith.constant 0 : i32
          %dma_start3A_196 = tpu.memref_slice %arg11[%add3A_188, %dma_start3A_195] : memref<10x16xi32, #tpu.memory_space<vmem>> -> memref<1x16xi32, #tpu.memory_space<vmem>>
          %dma_start3A_197 = tpu.memref_squeeze %dma_start3A_196 : memref<1x16xi32, #tpu.memory_space<vmem>> -> memref<16xi32, #tpu.memory_space<vmem>>
          %dma_start3A_198 = arith.constant 0 : i32
          %dma_start3A_199 = arith.constant 0 : i32
          %dma_start3A_200 = tpu.memref_slice %arg4[%dma_start3A_198, %dma_start3A_199] : memref<2560x128xi32, #tpu.memory_space<hbm>> -> memref<2560x128xi32, #tpu.memory_space<hbm>>
          tpu.enqueue_indirect_dma source(%dma_start3A_200 : memref<2560x128xi32, #tpu.memory_space<hbm>>) target(%dma_start3A_194 : memref<16x128xi32, #tpu.memory_space<vmem>>) offsets(%dma_start3A_197 : memref<16xi32, #tpu.memory_space<vmem>>) semaphore(%arg16 : memref<!tpu.dma_semaphore, #tpu.memory_space<semaphore_mem>>)
          %dma_start3A_201 = arith.constant 0 : i32
          %dma_start3A_202 = arith.constant 0 : i32
          %dma_start3A_203 = tpu.memref_slice %arg13[%rem3A_190, %dma_start3A_201, %dma_start3A_202] : memref<2x16x128xi32, #tpu.memory_space<vmem>> -> memref<1x16x128xi32, #tpu.memory_space<vmem>>
          %dma_start3A_204 = tpu.memref_squeeze %dma_start3A_203 : memref<1x16x128xi32, #tpu.memory_space<vmem>> -> memref<16x128xi32, #tpu.memory_space<vmem>>
          %dma_start3A_205 = arith.constant 0 : i32
          %dma_start3A_206 = tpu.memref_slice %arg11[%add3A_188, %dma_start3A_205] : memref<10x16xi32, #tpu.memory_space<vmem>> -> memref<1x16xi32, #tpu.memory_space<vmem>>
          %dma_start3A_207 = tpu.memref_squeeze %dma_start3A_206 : memref<1x16xi32, #tpu.memory_space<vmem>> -> memref<16xi32, #tpu.memory_space<vmem>>
          %dma_start3A_208 = arith.constant 0 : i32
          %dma_start3A_209 = arith.constant 0 : i32
          %dma_start3A_210 = tpu.memref_slice %arg5[%dma_start3A_208, %dma_start3A_209] : memref<2560x128xi32, #tpu.memory_space<hbm>> -> memref<2560x128xi32, #tpu.memory_space<hbm>>
          tpu.enqueue_indirect_dma source(%dma_start3A_210 : memref<2560x128xi32, #tpu.memory_space<hbm>>) target(%dma_start3A_204 : memref<16x128xi32, #tpu.memory_space<vmem>>) offsets(%dma_start3A_207 : memref<16xi32, #tpu.memory_space<vmem>>) semaphore(%arg16 : memref<!tpu.dma_semaphore, #tpu.memory_space<semaphore_mem>>)
        } else {
        }
      }
      %scan3A_139 = arith.constant 160 : i32
    } else {
    }
    %eq3A_8 = arith.constant 1 : i32
    %eq3A_9 = arith.cmpi eq, %arg0, %eq3A_8 : i32
    %convert_element_type3A_10 = arith.extui %eq3A_9 : i1 to i32
    %cond3A_11 = arith.constant 0 : i32
    %cond3A_12 = arith.cmpi ne, %convert_element_type3A_10, %cond3A_11 : i32
    scf.if %cond3A_12 {
      %scan3A = arith.constant 0 : i32
      %scan3A_24 = arith.constant 0 : i32
      %scan3A_25 = arith.constant 10 : i32
      %scan3A_26 = arith.addi %scan3A_24, %scan3A_25 : i32
      %scan3A_27 = arith.constant 1 : i32
      scf.for %scan3A_140 = %scan3A_24 to %scan3A_26 step %scan3A_27  : i32 {
        %mul3A_141 = arith.constant 160 : i32
        %mul3A_142 = arith.muli %arg1, %mul3A_141 : i32
        %mul3A_143 = arith.constant 16 : i32
        %mul3A_144 = arith.muli %scan3A_140, %mul3A_143 : i32
        %add3A = arith.addi %mul3A_142, %mul3A_144 : i32
        %iota3A = tpu.iota {dimensions = array<i32: 0>} : vector<16xi32>
        %add3A_145 = vector.broadcast %add3A : i32 to vector<16xi32>
        %add3A_146 = arith.addi %add3A_145, %iota3A : vector<16xi32>
        %swap3A = arith.index_cast %scan3A_140 : i32 to index
        %swap3A_147 = arith.constant 0 : index
        %swap3A_148 = tpu.vector_load %arg11[%swap3A, %swap3A_147] {strides = array<i32>} : memref<10x16xi32, #tpu.memory_space<vmem>>, vector<1x16xi32>,
        %swap3A_149 = vector.shape_cast %swap3A_148 : vector<1x16xi32> to vector<16xi32>
        %swap3A_150 = vector.shape_cast %add3A_146 : vector<16xi32> to vector<1x16xi32>
        tpu.vector_store %arg11[%swap3A, %swap3A_147], %swap3A_150 {strides = array<i32>} : memref<10x16xi32, #tpu.memory_space<vmem>>, vector<1x16xi32>,
      }
      %scan3A_28 = arith.constant 10 : i32
      %rem3A = arith.constant 0 : i32
      %rem3A_29 = arith.constant 2 : i32
      %rem3A_30 = arith.remsi %rem3A, %rem3A_29 : i32
      %dma_start3A = arith.constant 0 : i32
      %dma_start3A_31 = arith.constant 0 : i32
      %dma_start3A_32 = arith.constant 0 : i32
      %dma_start3A_33 = tpu.memref_slice %arg12[%rem3A_30, %dma_start3A_31, %dma_start3A_32] : memref<2x16x128xi32, #tpu.memory_space<vmem>> -> memref<1x16x128xi32, #tpu.memory_space<vmem>>
      %dma_start3A_34 = tpu.memref_squeeze %dma_start3A_33 : memref<1x16x128xi32, #tpu.memory_space<vmem>> -> memref<16x128xi32, #tpu.memory_space<vmem>>
      %dma_start3A_35 = arith.constant 0 : i32
      %dma_start3A_36 = tpu.memref_slice %arg11[%dma_start3A, %dma_start3A_35] : memref<10x16xi32, #tpu.memory_space<vmem>> -> memref<1x16xi32, #tpu.memory_space<vmem>>
      %dma_start3A_37 = tpu.memref_squeeze %dma_start3A_36 : memref<1x16xi32, #tpu.memory_space<vmem>> -> memref<16xi32, #tpu.memory_space<vmem>>
      %dma_start3A_38 = arith.constant 0 : i32
      %dma_start3A_39 = arith.constant 0 : i32
      %dma_start3A_40 = tpu.memref_slice %arg6[%dma_start3A_38, %dma_start3A_39] : memref<2560x128xi32, #tpu.memory_space<hbm>> -> memref<2560x128xi32, #tpu.memory_space<hbm>>
      tpu.enqueue_indirect_dma source(%dma_start3A_40 : memref<2560x128xi32, #tpu.memory_space<hbm>>) target(%dma_start3A_34 : memref<16x128xi32, #tpu.memory_space<vmem>>) offsets(%dma_start3A_37 : memref<16xi32, #tpu.memory_space<vmem>>) semaphore(%arg16 : memref<!tpu.dma_semaphore, #tpu.memory_space<semaphore_mem>>)
      %dma_start3A_41 = arith.constant 0 : i32
      %dma_start3A_42 = arith.constant 0 : i32
      %dma_start3A_43 = arith.constant 0 : i32
      %dma_start3A_44 = tpu.memref_slice %arg13[%rem3A_30, %dma_start3A_42, %dma_start3A_43] : memref<2x16x128xi32, #tpu.memory_space<vmem>> -> memref<1x16x128xi32, #tpu.memory_space<vmem>>
      %dma_start3A_45 = tpu.memref_squeeze %dma_start3A_44 : memref<1x16x128xi32, #tpu.memory_space<vmem>> -> memref<16x128xi32, #tpu.memory_space<vmem>>
      %dma_start3A_46 = arith.constant 0 : i32
      %dma_start3A_47 = tpu.memref_slice %arg11[%dma_start3A_41, %dma_start3A_46] : memref<10x16xi32, #tpu.memory_space<vmem>> -> memref<1x16xi32, #tpu.memory_space<vmem>>
      %dma_start3A_48 = tpu.memref_squeeze %dma_start3A_47 : memref<1x16xi32, #tpu.memory_space<vmem>> -> memref<16xi32, #tpu.memory_space<vmem>>
      %dma_start3A_49 = arith.constant 0 : i32
      %dma_start3A_50 = arith.constant 0 : i32
      %dma_start3A_51 = tpu.memref_slice %arg7[%dma_start3A_49, %dma_start3A_50] : memref<2560x128xi32, #tpu.memory_space<hbm>> -> memref<2560x128xi32, #tpu.memory_space<hbm>>
      tpu.enqueue_indirect_dma source(%dma_start3A_51 : memref<2560x128xi32, #tpu.memory_space<hbm>>) target(%dma_start3A_45 : memref<16x128xi32, #tpu.memory_space<vmem>>) offsets(%dma_start3A_48 : memref<16xi32, #tpu.memory_space<vmem>>) semaphore(%arg16 : memref<!tpu.dma_semaphore, #tpu.memory_space<semaphore_mem>>)
      %dma_wait3A = arith.constant 0 : i32
      %dma_wait3A_52 = arith.constant 0 : i32
      %dma_wait3A_53 = arith.constant 0 : i32
      %dma_wait3A_54 = arith.constant 0 : i32
      %dma_wait3A_55 = tpu.memref_slice %arg12[%dma_wait3A_52, %dma_wait3A_53, %dma_wait3A_54] : memref<2x16x128xi32, #tpu.memory_space<vmem>> -> memref<1x16x128xi32, #tpu.memory_space<vmem>>
      %dma_wait3A_56 = tpu.memref_squeeze %dma_wait3A_55 : memref<1x16x128xi32, #tpu.memory_space<vmem>> -> memref<16x128xi32, #tpu.memory_space<vmem>>
      %dma_wait3A_57 = arith.constant 0 : i32
      %dma_wait3A_58 = tpu.memref_slice %arg11[%dma_wait3A, %dma_wait3A_57] : memref<10x16xi32, #tpu.memory_space<vmem>> -> memref<1x16xi32, #tpu.memory_space<vmem>>
      %dma_wait3A_59 = tpu.memref_squeeze %dma_wait3A_58 : memref<1x16xi32, #tpu.memory_space<vmem>> -> memref<16xi32, #tpu.memory_space<vmem>>
      %dma_wait3A_60 = arith.constant 0 : i32
      %dma_wait3A_61 = arith.constant 0 : i32
      %dma_wait3A_62 = tpu.memref_slice %arg6[%dma_wait3A_60, %dma_wait3A_61] : memref<2560x128xi32, #tpu.memory_space<hbm>> -> memref<2560x128xi32, #tpu.memory_space<hbm>>
      tpu.wait_indirect_dma semaphore(%arg16 : memref<!tpu.dma_semaphore, #tpu.memory_space<semaphore_mem>>) src(%dma_wait3A_62 : memref<2560x128xi32, #tpu.memory_space<hbm>>) dst(%dma_wait3A_56 : memref<16x128xi32, #tpu.memory_space<vmem>>)
      %dma_wait3A_63 = arith.constant 0 : i32
      %dma_wait3A_64 = arith.constant 0 : i32
      %dma_wait3A_65 = arith.constant 0 : i32
      %dma_wait3A_66 = arith.constant 0 : i32
      %dma_wait3A_67 = tpu.memref_slice %arg13[%dma_wait3A_64, %dma_wait3A_65, %dma_wait3A_66] : memref<2x16x128xi32, #tpu.memory_space<vmem>> -> memref<1x16x128xi32, #tpu.memory_space<vmem>>
      %dma_wait3A_68 = tpu.memref_squeeze %dma_wait3A_67 : memref<1x16x128xi32, #tpu.memory_space<vmem>> -> memref<16x128xi32, #tpu.memory_space<vmem>>
      %dma_wait3A_69 = arith.constant 0 : i32
      %dma_wait3A_70 = tpu.memref_slice %arg11[%dma_wait3A_63, %dma_wait3A_69] : memref<10x16xi32, #tpu.memory_space<vmem>> -> memref<1x16xi32, #tpu.memory_space<vmem>>
      %dma_wait3A_71 = tpu.memref_squeeze %dma_wait3A_70 : memref<1x16xi32, #tpu.memory_space<vmem>> -> memref<16xi32, #tpu.memory_space<vmem>>
      %dma_wait3A_72 = arith.constant 0 : i32
      %dma_wait3A_73 = arith.constant 0 : i32
      %dma_wait3A_74 = tpu.memref_slice %arg7[%dma_wait3A_72, %dma_wait3A_73] : memref<2560x128xi32, #tpu.memory_space<hbm>> -> memref<2560x128xi32, #tpu.memory_space<hbm>>
      tpu.wait_indirect_dma semaphore(%arg16 : memref<!tpu.dma_semaphore, #tpu.memory_space<semaphore_mem>>) src(%dma_wait3A_74 : memref<2560x128xi32, #tpu.memory_space<hbm>>) dst(%dma_wait3A_68 : memref<16x128xi32, #tpu.memory_space<vmem>>)
      %rem3A_75 = arith.constant 1 : i32
      %rem3A_76 = arith.constant 2 : i32
      %rem3A_77 = arith.remsi %rem3A_75, %rem3A_76 : i32
      %dma_start3A_78 = arith.constant 1 : i32
      %dma_start3A_79 = arith.constant 0 : i32
      %dma_start3A_80 = arith.constant 0 : i32
      %dma_start3A_81 = tpu.memref_slice %arg12[%rem3A_77, %dma_start3A_79, %dma_start3A_80] : memref<2x16x128xi32, #tpu.memory_space<vmem>> -> memref<1x16x128xi32, #tpu.memory_space<vmem>>
      %dma_start3A_82 = tpu.memref_squeeze %dma_start3A_81 : memref<1x16x128xi32, #tpu.memory_space<vmem>> -> memref<16x128xi32, #tpu.memory_space<vmem>>
      %dma_start3A_83 = arith.constant 0 : i32
      %dma_start3A_84 = tpu.memref_slice %arg11[%dma_start3A_78, %dma_start3A_83] : memref<10x16xi32, #tpu.memory_space<vmem>> -> memref<1x16xi32, #tpu.memory_space<vmem>>
      %dma_start3A_85 = tpu.memref_squeeze %dma_start3A_84 : memref<1x16xi32, #tpu.memory_space<vmem>> -> memref<16xi32, #tpu.memory_space<vmem>>
      %dma_start3A_86 = arith.constant 0 : i32
      %dma_start3A_87 = arith.constant 0 : i32
      %dma_start3A_88 = tpu.memref_slice %arg6[%dma_start3A_86, %dma_start3A_87] : memref<2560x128xi32, #tpu.memory_space<hbm>> -> memref<2560x128xi32, #tpu.memory_space<hbm>>
      tpu.enqueue_indirect_dma source(%dma_start3A_88 : memref<2560x128xi32, #tpu.memory_space<hbm>>) target(%dma_start3A_82 : memref<16x128xi32, #tpu.memory_space<vmem>>) offsets(%dma_start3A_85 : memref<16xi32, #tpu.memory_space<vmem>>) semaphore(%arg16 : memref<!tpu.dma_semaphore, #tpu.memory_space<semaphore_mem>>)
      %dma_start3A_89 = arith.constant 1 : i32
      %dma_start3A_90 = arith.constant 0 : i32
      %dma_start3A_91 = arith.constant 0 : i32
      %dma_start3A_92 = tpu.memref_slice %arg13[%rem3A_77, %dma_start3A_90, %dma_start3A_91] : memref<2x16x128xi32, #tpu.memory_space<vmem>> -> memref<1x16x128xi32, #tpu.memory_space<vmem>>
      %dma_start3A_93 = tpu.memref_squeeze %dma_start3A_92 : memref<1x16x128xi32, #tpu.memory_space<vmem>> -> memref<16x128xi32, #tpu.memory_space<vmem>>
      %dma_start3A_94 = arith.constant 0 : i32
      %dma_start3A_95 = tpu.memref_slice %arg11[%dma_start3A_89, %dma_start3A_94] : memref<10x16xi32, #tpu.memory_space<vmem>> -> memref<1x16xi32, #tpu.memory_space<vmem>>
      %dma_start3A_96 = tpu.memref_squeeze %dma_start3A_95 : memref<1x16xi32, #tpu.memory_space<vmem>> -> memref<16xi32, #tpu.memory_space<vmem>>
      %dma_start3A_97 = arith.constant 0 : i32
      %dma_start3A_98 = arith.constant 0 : i32
      %dma_start3A_99 = tpu.memref_slice %arg7[%dma_start3A_97, %dma_start3A_98] : memref<2560x128xi32, #tpu.memory_space<hbm>> -> memref<2560x128xi32, #tpu.memory_space<hbm>>
      tpu.enqueue_indirect_dma source(%dma_start3A_99 : memref<2560x128xi32, #tpu.memory_space<hbm>>) target(%dma_start3A_93 : memref<16x128xi32, #tpu.memory_space<vmem>>) offsets(%dma_start3A_96 : memref<16xi32, #tpu.memory_space<vmem>>) semaphore(%arg16 : memref<!tpu.dma_semaphore, #tpu.memory_space<semaphore_mem>>)
      %dma_start3A_100 = arith.constant 0 : i32
      %dma_start3A_101 = arith.constant 0 : i32
      %dma_start3A_102 = arith.constant 0 : i32
      %dma_start3A_103 = arith.constant 0 : i32
      %dma_start3A_104 = arith.constant 0 : i32
      %dma_start3A_105 = tpu.memref_slice %arg14[%dma_start3A_102, %dma_start3A_103, %dma_start3A_104] : memref<2x128x128xf32, #tpu.memory_space<vmem>> -> memref<1x128x128xf32, #tpu.memory_space<vmem>>
      %dma_start3A_106 = tpu.memref_squeeze %dma_start3A_105 : memref<1x128x128xf32, #tpu.memory_space<vmem>> -> memref<128x128xf32, #tpu.memory_space<vmem>>
      %dma_start3A_107 = arith.constant 0 : i32
      %dma_start3A_108 = arith.constant 0 : i32
      %dma_start3A_109 = tpu.memref_slice %arg12[%dma_start3A_100, %dma_start3A_107, %dma_start3A_108] : memref<2x16x128xi32, #tpu.memory_space<vmem>> -> memref<1x16x128xi32, #tpu.memory_space<vmem>>
      %dma_start3A_110 = tpu.memref_squeeze %dma_start3A_109 : memref<1x16x128xi32, #tpu.memory_space<vmem>> -> memref<16x128xi32, #tpu.memory_space<vmem>>
      %dma_start3A_111 = arith.constant 0 : i32
      %dma_start3A_112 = tpu.memref_slice %dma_start3A_110[%dma_start3A_101, %dma_start3A_111] : memref<16x128xi32, #tpu.memory_space<vmem>> -> memref<1x128xi32, #tpu.memory_space<vmem>>
      %dma_start3A_113 = tpu.memref_squeeze %dma_start3A_112 : memref<1x128xi32, #tpu.memory_space<vmem>> -> memref<128xi32, #tpu.memory_space<vmem>>
      %dma_start3A_114 = arith.constant 0 : i32
      %dma_start3A_115 = arith.constant 0 : i32
      %dma_start3A_116 = tpu.memref_slice %arg3[%dma_start3A_114, %dma_start3A_115] : memref<10000x128xf32, #tpu.memory_space<hbm>> -> memref<10000x128xf32, #tpu.memory_space<hbm>>
      tpu.enqueue_indirect_dma source(%dma_start3A_116 : memref<10000x128xf32, #tpu.memory_space<hbm>>) target(%dma_start3A_106 : memref<128x128xf32, #tpu.memory_space<vmem>>) offsets(%dma_start3A_113 : memref<128xi32, #tpu.memory_space<vmem>>) semaphore(%arg17 : memref<!tpu.dma_semaphore, #tpu.memory_space<semaphore_mem>>)
      %dma_start3A_117 = arith.constant 0 : i32
      %dma_start3A_118 = arith.constant 1 : i32
      %dma_start3A_119 = arith.constant 1 : i32
      %dma_start3A_120 = arith.constant 0 : i32
      %dma_start3A_121 = arith.constant 0 : i32
      %dma_start3A_122 = tpu.memref_slice %arg14[%dma_start3A_119, %dma_start3A_120, %dma_start3A_121] : memref<2x128x128xf32, #tpu.memory_space<vmem>> -> memref<1x128x128xf32, #tpu.memory_space<vmem>>
      %dma_start3A_123 = tpu.memref_squeeze %dma_start3A_122 : memref<1x128x128xf32, #tpu.memory_space<vmem>> -> memref<128x128xf32, #tpu.memory_space<vmem>>
      %dma_start3A_124 = arith.constant 0 : i32
      %dma_start3A_125 = arith.constant 0 : i32
      %dma_start3A_126 = tpu.memref_slice %arg12[%dma_start3A_117, %dma_start3A_124, %dma_start3A_125] : memref<2x16x128xi32, #tpu.memory_space<vmem>> -> memref<1x16x128xi32, #tpu.memory_space<vmem>>
      %dma_start3A_127 = tpu.memref_squeeze %dma_start3A_126 : memref<1x16x128xi32, #tpu.memory_space<vmem>> -> memref<16x128xi32, #tpu.memory_space<vmem>>
      %dma_start3A_128 = arith.constant 0 : i32
      %dma_start3A_129 = tpu.memref_slice %dma_start3A_127[%dma_start3A_118, %dma_start3A_128] : memref<16x128xi32, #tpu.memory_space<vmem>> -> memref<1x128xi32, #tpu.memory_space<vmem>>
      %dma_start3A_130 = tpu.memref_squeeze %dma_start3A_129 : memref<1x128xi32, #tpu.memory_space<vmem>> -> memref<128xi32, #tpu.memory_space<vmem>>
      %dma_start3A_131 = arith.constant 0 : i32
      %dma_start3A_132 = arith.constant 0 : i32
      %dma_start3A_133 = tpu.memref_slice %arg3[%dma_start3A_131, %dma_start3A_132] : memref<10000x128xf32, #tpu.memory_space<hbm>> -> memref<10000x128xf32, #tpu.memory_space<hbm>>
      tpu.enqueue_indirect_dma source(%dma_start3A_133 : memref<10000x128xf32, #tpu.memory_space<hbm>>) target(%dma_start3A_123 : memref<128x128xf32, #tpu.memory_space<vmem>>) offsets(%dma_start3A_130 : memref<128xi32, #tpu.memory_space<vmem>>) semaphore(%arg17 : memref<!tpu.dma_semaphore, #tpu.memory_space<semaphore_mem>>)
      %scan3A_134 = arith.constant 0 : i32
      %scan3A_135 = arith.constant 0 : i32
      %scan3A_136 = arith.constant 160 : i32
      %scan3A_137 = arith.addi %scan3A_135, %scan3A_136 : i32
      %scan3A_138 = arith.constant 1 : i32
      scf.for %scan3A_140 = %scan3A_135 to %scan3A_137 step %scan3A_138  : i32 {
        %div3A = arith.constant 16 : i32
        %div3A_141 = arith.divsi %scan3A_140, %div3A : i32
        %rem3A_142 = arith.constant 16 : i32
        %rem3A_143 = arith.remsi %scan3A_140, %rem3A_142 : i32
        %rem3A_144 = arith.constant 2 : i32
        %rem3A_145 = arith.remsi %div3A_141, %rem3A_144 : i32
        %rem3A_146 = arith.constant 2 : i32
        %rem3A_147 = arith.remsi %scan3A_140, %rem3A_146 : i32
        %dma_wait3A_148 = arith.constant 0 : i32
        %dma_wait3A_149 = arith.constant 0 : i32
        %dma_wait3A_150 = arith.constant 0 : i32
        %dma_wait3A_151 = tpu.memref_slice %arg14[%dma_wait3A_148, %dma_wait3A_149, %dma_wait3A_150] : memref<2x128x128xf32, #tpu.memory_space<vmem>> -> memref<1x128x128xf32, #tpu.memory_space<vmem>>
        %dma_wait3A_152 = tpu.memref_squeeze %dma_wait3A_151 : memref<1x128x128xf32, #tpu.memory_space<vmem>> -> memref<128x128xf32, #tpu.memory_space<vmem>>
        %dma_wait3A_153 = arith.constant 0 : i32
        %dma_wait3A_154 = arith.constant 0 : i32
        %dma_wait3A_155 = tpu.memref_slice %arg3[%dma_wait3A_153, %dma_wait3A_154] : memref<10000x128xf32, #tpu.memory_space<hbm>> -> memref<128x128xf32, #tpu.memory_space<hbm>>
        %dma_wait3A_156 = arith.constant 0 : i32
        %dma_wait3A_157 = arith.constant 0 : i32
        %dma_wait3A_158 = tpu.memref_slice %arg14[%dma_wait3A_148, %dma_wait3A_156, %dma_wait3A_157] : memref<2x128x128xf32, #tpu.memory_space<vmem>> -> memref<1x128x128xf32, #tpu.memory_space<vmem>>
        %dma_wait3A_159 = tpu.memref_squeeze %dma_wait3A_158 : memref<1x128x128xf32, #tpu.memory_space<vmem>> -> memref<128x128xf32, #tpu.memory_space<vmem>>
        %dma_wait3A_160 = arith.constant 0 : i32
        %dma_wait3A_161 = arith.constant 0 : i32
        %dma_wait3A_162 = tpu.memref_slice %arg3[%dma_wait3A_160, %dma_wait3A_161] : memref<10000x128xf32, #tpu.memory_space<hbm>> -> memref<128x128xf32, #tpu.memory_space<hbm>>
        tpu.wait_dma2 semaphore(%arg17 : memref<!tpu.dma_semaphore, #tpu.memory_space<semaphore_mem>>) src(%dma_wait3A_162 : memref<128x128xf32, #tpu.memory_space<hbm>>) dst(%dma_wait3A_159 : memref<128x128xf32, #tpu.memory_space<vmem>>)
        "tpu.region"() ({
          %run_scoped3A = tpu.sem_alloc : memref<!tpu.dma_semaphore, #tpu.memory_space<semaphore_mem>>
          %dma_start3A_187 = arith.constant 0 : i32
          %dma_start3A_188 = arith.constant 0 : i32
          %dma_start3A_189 = tpu.memref_slice %arg14[%rem3A_147, %dma_start3A_187, %dma_start3A_188] : memref<2x128x128xf32, #tpu.memory_space<vmem>> -> memref<1x128x128xf32, #tpu.memory_space<vmem>>
          %dma_start3A_190 = tpu.memref_squeeze %dma_start3A_189 : memref<1x128x128xf32, #tpu.memory_space<vmem>> -> memref<128x128xf32, #tpu.memory_space<vmem>>
          %dma_start3A_191 = arith.constant 0 : i32
          %dma_start3A_192 = arith.constant 0 : i32
          %dma_start3A_193 = tpu.memref_slice %arg13[%rem3A_145, %dma_start3A_191, %dma_start3A_192] : memref<2x16x128xi32, #tpu.memory_space<vmem>> -> memref<1x16x128xi32, #tpu.memory_space<vmem>>
          %dma_start3A_194 = tpu.memref_squeeze %dma_start3A_193 : memref<1x16x128xi32, #tpu.memory_space<vmem>> -> memref<16x128xi32, #tpu.memory_space<vmem>>
          %dma_start3A_195 = arith.constant 0 : i32
          %dma_start3A_196 = tpu.memref_slice %dma_start3A_194[%rem3A_143, %dma_start3A_195] : memref<16x128xi32, #tpu.memory_space<vmem>> -> memref<1x128xi32, #tpu.memory_space<vmem>>
          %dma_start3A_197 = tpu.memref_squeeze %dma_start3A_196 : memref<1x128xi32, #tpu.memory_space<vmem>> -> memref<128xi32, #tpu.memory_space<vmem>>
          %dma_start3A_198 = arith.constant 0 : i32
          %dma_start3A_199 = arith.constant 0 : i32
          %dma_start3A_200 = tpu.memref_slice %arg15[%dma_start3A_198, %dma_start3A_199] : memref<10016x128xf32, #tpu.memory_space<vmem_shared>> -> memref<10016x128xf32, #tpu.memory_space<vmem_shared>>
          tpu.enqueue_indirect_dma source(%dma_start3A_190 : memref<128x128xf32, #tpu.memory_space<vmem>>) target(%dma_start3A_200 : memref<10016x128xf32, #tpu.memory_space<vmem_shared>>) offsets(%dma_start3A_197 : memref<128xi32, #tpu.memory_space<vmem>>) semaphore(%run_scoped3A : memref<!tpu.dma_semaphore, #tpu.memory_space<semaphore_mem>>) {add = true}
          %dma_wait3A_201 = arith.constant 0 : i32
          %dma_wait3A_202 = arith.constant 0 : i32
          %dma_wait3A_203 = tpu.memref_slice %arg14[%rem3A_147, %dma_wait3A_201, %dma_wait3A_202] : memref<2x128x128xf32, #tpu.memory_space<vmem>> -> memref<1x128x128xf32, #tpu.memory_space<vmem>>
          %dma_wait3A_204 = tpu.memref_squeeze %dma_wait3A_203 : memref<1x128x128xf32, #tpu.memory_space<vmem>> -> memref<128x128xf32, #tpu.memory_space<vmem>>
          %dma_wait3A_205 = arith.constant 0 : i32
          %dma_wait3A_206 = arith.constant 0 : i32
          %dma_wait3A_207 = tpu.memref_slice %arg13[%rem3A_145, %dma_wait3A_205, %dma_wait3A_206] : memref<2x16x128xi32, #tpu.memory_space<vmem>> -> memref<1x16x128xi32, #tpu.memory_space<vmem>>
          %dma_wait3A_208 = tpu.memref_squeeze %dma_wait3A_207 : memref<1x16x128xi32, #tpu.memory_space<vmem>> -> memref<16x128xi32, #tpu.memory_space<vmem>>
          %dma_wait3A_209 = arith.constant 0 : i32
          %dma_wait3A_210 = tpu.memref_slice %dma_wait3A_208[%rem3A_143, %dma_wait3A_209] : memref<16x128xi32, #tpu.memory_space<vmem>> -> memref<1x128xi32, #tpu.memory_space<vmem>>
          %dma_wait3A_211 = tpu.memref_squeeze %dma_wait3A_210 : memref<1x128xi32, #tpu.memory_space<vmem>> -> memref<128xi32, #tpu.memory_space<vmem>>
          %dma_wait3A_212 = arith.constant 0 : i32
          %dma_wait3A_213 = arith.constant 0 : i32
          %dma_wait3A_214 = tpu.memref_slice %arg15[%dma_wait3A_212, %dma_wait3A_213] : memref<10016x128xf32, #tpu.memory_space<vmem_shared>> -> memref<10016x128xf32, #tpu.memory_space<vmem_shared>>
          tpu.wait_indirect_dma semaphore(%run_scoped3A : memref<!tpu.dma_semaphore, #tpu.memory_space<semaphore_mem>>) src(%dma_wait3A_204 : memref<128x128xf32, #tpu.memory_space<vmem>>) dst(%dma_wait3A_214 : memref<10016x128xf32, #tpu.memory_space<vmem_shared>>)
          tpu.yield
        }) : () -> ()
        %eq3A_163 = arith.constant 14 : i32
        %eq3A_164 = arith.cmpi eq, %rem3A_143, %eq3A_163 : i32
        %add3A = arith.constant 1 : i32
        %add3A_165 = arith.addi %div3A_141, %add3A : i32
        %lt3A = arith.constant 10 : i32
        %lt3A_166 = arith.cmpi slt, %add3A_165, %lt3A : i32
        %and3A = arith.andi %eq3A_164, %lt3A_166 : i1
        %convert_element_type3A_167 = arith.extui %and3A : i1 to i32
        %cond3A_168 = arith.constant 0 : i32
        %cond3A_169 = arith.cmpi ne, %convert_element_type3A_167, %cond3A_168 : i32
        scf.if %cond3A_169 {
          %dma_wait3A_187 = arith.constant 0 : i32
          %dma_wait3A_188 = arith.constant 0 : i32
          %dma_wait3A_189 = arith.constant 0 : i32
          %dma_wait3A_190 = arith.constant 0 : i32
          %dma_wait3A_191 = tpu.memref_slice %arg12[%dma_wait3A_188, %dma_wait3A_189, %dma_wait3A_190] : memref<2x16x128xi32, #tpu.memory_space<vmem>> -> memref<1x16x128xi32, #tpu.memory_space<vmem>>
          %dma_wait3A_192 = tpu.memref_squeeze %dma_wait3A_191 : memref<1x16x128xi32, #tpu.memory_space<vmem>> -> memref<16x128xi32, #tpu.memory_space<vmem>>
          %dma_wait3A_193 = arith.constant 0 : i32
          %dma_wait3A_194 = tpu.memref_slice %arg11[%dma_wait3A_187, %dma_wait3A_193] : memref<10x16xi32, #tpu.memory_space<vmem>> -> memref<1x16xi32, #tpu.memory_space<vmem>>
          %dma_wait3A_195 = tpu.memref_squeeze %dma_wait3A_194 : memref<1x16xi32, #tpu.memory_space<vmem>> -> memref<16xi32, #tpu.memory_space<vmem>>
          %dma_wait3A_196 = arith.constant 0 : i32
          %dma_wait3A_197 = arith.constant 0 : i32
          %dma_wait3A_198 = tpu.memref_slice %arg6[%dma_wait3A_196, %dma_wait3A_197] : memref<2560x128xi32, #tpu.memory_space<hbm>> -> memref<2560x128xi32, #tpu.memory_space<hbm>>
          tpu.wait_indirect_dma semaphore(%arg16 : memref<!tpu.dma_semaphore, #tpu.memory_space<semaphore_mem>>) src(%dma_wait3A_198 : memref<2560x128xi32, #tpu.memory_space<hbm>>) dst(%dma_wait3A_192 : memref<16x128xi32, #tpu.memory_space<vmem>>)
          %dma_wait3A_199 = arith.constant 0 : i32
          %dma_wait3A_200 = arith.constant 0 : i32
          %dma_wait3A_201 = arith.constant 0 : i32
          %dma_wait3A_202 = arith.constant 0 : i32
          %dma_wait3A_203 = tpu.memref_slice %arg13[%dma_wait3A_200, %dma_wait3A_201, %dma_wait3A_202] : memref<2x16x128xi32, #tpu.memory_space<vmem>> -> memref<1x16x128xi32, #tpu.memory_space<vmem>>
          %dma_wait3A_204 = tpu.memref_squeeze %dma_wait3A_203 : memref<1x16x128xi32, #tpu.memory_space<vmem>> -> memref<16x128xi32, #tpu.memory_space<vmem>>
          %dma_wait3A_205 = arith.constant 0 : i32
          %dma_wait3A_206 = tpu.memref_slice %arg11[%dma_wait3A_199, %dma_wait3A_205] : memref<10x16xi32, #tpu.memory_space<vmem>> -> memref<1x16xi32, #tpu.memory_space<vmem>>
          %dma_wait3A_207 = tpu.memref_squeeze %dma_wait3A_206 : memref<1x16xi32, #tpu.memory_space<vmem>> -> memref<16xi32, #tpu.memory_space<vmem>>
          %dma_wait3A_208 = arith.constant 0 : i32
          %dma_wait3A_209 = arith.constant 0 : i32
          %dma_wait3A_210 = tpu.memref_slice %arg7[%dma_wait3A_208, %dma_wait3A_209] : memref<2560x128xi32, #tpu.memory_space<hbm>> -> memref<2560x128xi32, #tpu.memory_space<hbm>>
          tpu.wait_indirect_dma semaphore(%arg16 : memref<!tpu.dma_semaphore, #tpu.memory_space<semaphore_mem>>) src(%dma_wait3A_210 : memref<2560x128xi32, #tpu.memory_space<hbm>>) dst(%dma_wait3A_204 : memref<16x128xi32, #tpu.memory_space<vmem>>)
        } else {
        }
        %add3A_170 = arith.constant 2 : i32
        %add3A_171 = arith.addi %scan3A_140, %add3A_170 : i32
        %lt3A_172 = arith.constant 160 : i32
        %lt3A_173 = arith.cmpi slt, %add3A_171, %lt3A_172 : i32
        %convert_element_type3A_174 = arith.extui %lt3A_173 : i1 to i32
        %cond3A_175 = arith.constant 0 : i32
        %cond3A_176 = arith.cmpi ne, %convert_element_type3A_174, %cond3A_175 : i32
        scf.if %cond3A_176 {
          %div3A_187 = arith.constant 16 : i32
          %div3A_188 = arith.divsi %add3A_171, %div3A_187 : i32
          %rem3A_189 = arith.constant 2 : i32
          %rem3A_190 = arith.remsi %div3A_188, %rem3A_189 : i32
          %rem3A_191 = arith.constant 16 : i32
          %rem3A_192 = arith.remsi %add3A_171, %rem3A_191 : i32
          %dma_start3A_193 = arith.constant 0 : i32
          %dma_start3A_194 = arith.constant 0 : i32
          %dma_start3A_195 = tpu.memref_slice %arg14[%rem3A_147, %dma_start3A_193, %dma_start3A_194] : memref<2x128x128xf32, #tpu.memory_space<vmem>> -> memref<1x128x128xf32, #tpu.memory_space<vmem>>
          %dma_start3A_196 = tpu.memref_squeeze %dma_start3A_195 : memref<1x128x128xf32, #tpu.memory_space<vmem>> -> memref<128x128xf32, #tpu.memory_space<vmem>>
          %dma_start3A_197 = arith.constant 0 : i32
          %dma_start3A_198 = arith.constant 0 : i32
          %dma_start3A_199 = tpu.memref_slice %arg12[%rem3A_190, %dma_start3A_197, %dma_start3A_198] : memref<2x16x128xi32, #tpu.memory_space<vmem>> -> memref<1x16x128xi32, #tpu.memory_space<vmem>>
          %dma_start3A_200 = tpu.memref_squeeze %dma_start3A_199 : memref<1x16x128xi32, #tpu.memory_space<vmem>> -> memref<16x128xi32, #tpu.memory_space<vmem>>
          %dma_start3A_201 = arith.constant 0 : i32
          %dma_start3A_202 = tpu.memref_slice %dma_start3A_200[%rem3A_192, %dma_start3A_201] : memref<16x128xi32, #tpu.memory_space<vmem>> -> memref<1x128xi32, #tpu.memory_space<vmem>>
          %dma_start3A_203 = tpu.memref_squeeze %dma_start3A_202 : memref<1x128xi32, #tpu.memory_space<vmem>> -> memref<128xi32, #tpu.memory_space<vmem>>
          %dma_start3A_204 = arith.constant 0 : i32
          %dma_start3A_205 = arith.constant 0 : i32
          %dma_start3A_206 = tpu.memref_slice %arg3[%dma_start3A_204, %dma_start3A_205] : memref<10000x128xf32, #tpu.memory_space<hbm>> -> memref<10000x128xf32, #tpu.memory_space<hbm>>
          tpu.enqueue_indirect_dma source(%dma_start3A_206 : memref<10000x128xf32, #tpu.memory_space<hbm>>) target(%dma_start3A_196 : memref<128x128xf32, #tpu.memory_space<vmem>>) offsets(%dma_start3A_203 : memref<128xi32, #tpu.memory_space<vmem>>) semaphore(%arg17 : memref<!tpu.dma_semaphore, #tpu.memory_space<semaphore_mem>>)
        } else {
        }
        %eq3A_177 = arith.constant 15 : i32
        %eq3A_178 = arith.cmpi eq, %rem3A_143, %eq3A_177 : i32
        %add3A_179 = arith.constant 2 : i32
        %add3A_180 = arith.addi %div3A_141, %add3A_179 : i32
        %lt3A_181 = arith.constant 10 : i32
        %lt3A_182 = arith.cmpi slt, %add3A_180, %lt3A_181 : i32
        %and3A_183 = arith.andi %eq3A_178, %lt3A_182 : i1
        %convert_element_type3A_184 = arith.extui %and3A_183 : i1 to i32
        %cond3A_185 = arith.constant 0 : i32
        %cond3A_186 = arith.cmpi ne, %convert_element_type3A_184, %cond3A_185 : i32
        scf.if %cond3A_186 {
          %add3A_187 = arith.constant 2 : i32
          %add3A_188 = arith.addi %div3A_141, %add3A_187 : i32
          %rem3A_189 = arith.constant 2 : i32
          %rem3A_190 = arith.remsi %add3A_188, %rem3A_189 : i32
          %dma_start3A_191 = arith.constant 0 : i32
          %dma_start3A_192 = arith.constant 0 : i32
          %dma_start3A_193 = tpu.memref_slice %arg12[%rem3A_190, %dma_start3A_191, %dma_start3A_192] : memref<2x16x128xi32, #tpu.memory_space<vmem>> -> memref<1x16x128xi32, #tpu.memory_space<vmem>>
          %dma_start3A_194 = tpu.memref_squeeze %dma_start3A_193 : memref<1x16x128xi32, #tpu.memory_space<vmem>> -> memref<16x128xi32, #tpu.memory_space<vmem>>
          %dma_start3A_195 = arith.constant 0 : i32
          %dma_start3A_196 = tpu.memref_slice %arg11[%add3A_188, %dma_start3A_195] : memref<10x16xi32, #tpu.memory_space<vmem>> -> memref<1x16xi32, #tpu.memory_space<vmem>>
          %dma_start3A_197 = tpu.memref_squeeze %dma_start3A_196 : memref<1x16xi32, #tpu.memory_space<vmem>> -> memref<16xi32, #tpu.memory_space<vmem>>
          %dma_start3A_198 = arith.constant 0 : i32
          %dma_start3A_199 = arith.constant 0 : i32
          %dma_start3A_200 = tpu.memref_slice %arg6[%dma_start3A_198, %dma_start3A_199] : memref<2560x128xi32, #tpu.memory_space<hbm>> -> memref<2560x128xi32, #tpu.memory_space<hbm>>
          tpu.enqueue_indirect_dma source(%dma_start3A_200 : memref<2560x128xi32, #tpu.memory_space<hbm>>) target(%dma_start3A_194 : memref<16x128xi32, #tpu.memory_space<vmem>>) offsets(%dma_start3A_197 : memref<16xi32, #tpu.memory_space<vmem>>) semaphore(%arg16 : memref<!tpu.dma_semaphore, #tpu.memory_space<semaphore_mem>>)
          %dma_start3A_201 = arith.constant 0 : i32
          %dma_start3A_202 = arith.constant 0 : i32
          %dma_start3A_203 = tpu.memref_slice %arg13[%rem3A_190, %dma_start3A_201, %dma_start3A_202] : memref<2x16x128xi32, #tpu.memory_space<vmem>> -> memref<1x16x128xi32, #tpu.memory_space<vmem>>
          %dma_start3A_204 = tpu.memref_squeeze %dma_start3A_203 : memref<1x16x128xi32, #tpu.memory_space<vmem>> -> memref<16x128xi32, #tpu.memory_space<vmem>>
          %dma_start3A_205 = arith.constant 0 : i32
          %dma_start3A_206 = tpu.memref_slice %arg11[%add3A_188, %dma_start3A_205] : memref<10x16xi32, #tpu.memory_space<vmem>> -> memref<1x16xi32, #tpu.memory_space<vmem>>
          %dma_start3A_207 = tpu.memref_squeeze %dma_start3A_206 : memref<1x16xi32, #tpu.memory_space<vmem>> -> memref<16xi32, #tpu.memory_space<vmem>>
          %dma_start3A_208 = arith.constant 0 : i32
          %dma_start3A_209 = arith.constant 0 : i32
          %dma_start3A_210 = tpu.memref_slice %arg7[%dma_start3A_208, %dma_start3A_209] : memref<2560x128xi32, #tpu.memory_space<hbm>> -> memref<2560x128xi32, #tpu.memory_space<hbm>>
          tpu.enqueue_indirect_dma source(%dma_start3A_210 : memref<2560x128xi32, #tpu.memory_space<hbm>>) target(%dma_start3A_204 : memref<16x128xi32, #tpu.memory_space<vmem>>) offsets(%dma_start3A_207 : memref<16xi32, #tpu.memory_space<vmem>>) semaphore(%arg16 : memref<!tpu.dma_semaphore, #tpu.memory_space<semaphore_mem>>)
        } else {
        }
      }
      %scan3A_139 = arith.constant 160 : i32
    } else {
    }
    %barrier3A_13 = arith.constant 0 : index
    tpu.barrier barrier_id(%barrier3A_13)
    %eq3A_14 = arith.constant 0 : i32
    %eq3A_15 = arith.cmpi eq, %arg0, %eq3A_14 : i32
    %convert_element_type3A_16 = arith.extui %eq3A_15 : i1 to i32
    %cond3A_17 = arith.constant 0 : i32
    %cond3A_18 = arith.cmpi ne, %convert_element_type3A_16, %cond3A_17 : i32
    scf.if %cond3A_18 {
      "tpu.region"() ({
        %run_scoped3A = tpu.sem_alloc : memref<!tpu.dma_semaphore, #tpu.memory_space<semaphore_mem>>
        %dma_start3A = arith.constant 0 : i32
        %dma_start3A_29 = tpu.memref_slice %arg9[%mul3A_0, %dma_start3A] : memref<10000x128xf32, #tpu.memory_space<hbm>> -> memref<624x128xf32, #tpu.memory_space<hbm>>
        %dma_start3A_30 = arith.constant 0 : i32
        %dma_start3A_31 = tpu.memref_slice %arg15[%mul3A_0, %dma_start3A_30] : memref<10016x128xf32, #tpu.memory_space<vmem_shared>> -> memref<624x128xf32, #tpu.memory_space<vmem_shared>>
        tpu.enqueue_dma source(%dma_start3A_31 : memref<624x128xf32, #tpu.memory_space<vmem_shared>>) target(%dma_start3A_29 : memref<624x128xf32, #tpu.memory_space<hbm>>) target_semaphore(%run_scoped3A : memref<!tpu.dma_semaphore, #tpu.memory_space<semaphore_mem>>)
        %dma_wait3A = arith.constant 0 : i32
        %dma_wait3A_32 = tpu.memref_slice %arg9[%mul3A_0, %dma_wait3A] : memref<10000x128xf32, #tpu.memory_space<hbm>> -> memref<624x128xf32, #tpu.memory_space<hbm>>
        %dma_wait3A_33 = arith.constant 0 : i32
        %dma_wait3A_34 = tpu.memref_slice %arg15[%mul3A_0, %dma_wait3A_33] : memref<10016x128xf32, #tpu.memory_space<vmem_shared>> -> memref<624x128xf32, #tpu.memory_space<vmem_shared>>
        tpu.wait_dma2 semaphore(%run_scoped3A : memref<!tpu.dma_semaphore, #tpu.memory_space<semaphore_mem>>) src(%dma_wait3A_34 : memref<624x128xf32, #tpu.memory_space<vmem_shared>>) dst(%dma_wait3A_32 : memref<624x128xf32, #tpu.memory_space<hbm>>)
        tpu.yield
      }) : () -> ()
      %eq3A_24 = arith.constant 15 : i32
      %eq3A_25 = arith.cmpi eq, %arg1, %eq3A_24 : i32
      %convert_element_type3A_26 = arith.extui %eq3A_25 : i1 to i32
      %cond3A_27 = arith.constant 0 : i32
      %cond3A_28 = arith.cmpi ne, %convert_element_type3A_26, %cond3A_27 : i32
      scf.if %cond3A_28 {
        "tpu.region"() ({
          %run_scoped3A = tpu.sem_alloc : memref<!tpu.dma_semaphore, #tpu.memory_space<semaphore_mem>>
          %dma_start3A = arith.constant 9984 : i32
          %dma_start3A_29 = arith.constant 0 : i32
          %dma_start3A_30 = tpu.memref_slice %arg9[%dma_start3A, %dma_start3A_29] : memref<10000x128xf32, #tpu.memory_space<hbm>> -> memref<16x128xf32, #tpu.memory_space<hbm>>
          %dma_start3A_31 = arith.constant 9984 : i32
          %dma_start3A_32 = arith.constant 0 : i32
          %dma_start3A_33 = tpu.memref_slice %arg15[%dma_start3A_31, %dma_start3A_32] : memref<10016x128xf32, #tpu.memory_space<vmem_shared>> -> memref<16x128xf32, #tpu.memory_space<vmem_shared>>
          tpu.enqueue_dma source(%dma_start3A_33 : memref<16x128xf32, #tpu.memory_space<vmem_shared>>) target(%dma_start3A_30 : memref<16x128xf32, #tpu.memory_space<hbm>>) target_semaphore(%run_scoped3A : memref<!tpu.dma_semaphore, #tpu.memory_space<semaphore_mem>>)
          %dma_wait3A = arith.constant 9984 : i32
          %dma_wait3A_34 = arith.constant 0 : i32
          %dma_wait3A_35 = tpu.memref_slice %arg9[%dma_wait3A, %dma_wait3A_34] : memref<10000x128xf32, #tpu.memory_space<hbm>> -> memref<16x128xf32, #tpu.memory_space<hbm>>
          %dma_wait3A_36 = arith.constant 9984 : i32
          %dma_wait3A_37 = arith.constant 0 : i32
          %dma_wait3A_38 = tpu.memref_slice %arg15[%dma_wait3A_36, %dma_wait3A_37] : memref<10016x128xf32, #tpu.memory_space<vmem_shared>> -> memref<16x128xf32, #tpu.memory_space<vmem_shared>>
          tpu.wait_dma2 semaphore(%run_scoped3A : memref<!tpu.dma_semaphore, #tpu.memory_space<semaphore_mem>>) src(%dma_wait3A_38 : memref<16x128xf32, #tpu.memory_space<vmem_shared>>) dst(%dma_wait3A_35 : memref<16x128xf32, #tpu.memory_space<hbm>>)
          tpu.yield
        }) : () -> ()
      } else {
      }
    } else {
    }
    %eq3A_19 = arith.constant 1 : i32
    %eq3A_20 = arith.cmpi eq, %arg0, %eq3A_19 : i32
    %convert_element_type3A_21 = arith.extui %eq3A_20 : i1 to i32
    %cond3A_22 = arith.constant 0 : i32
    %cond3A_23 = arith.cmpi ne, %convert_element_type3A_21, %cond3A_22 : i32
    scf.if %cond3A_23 {
      "tpu.region"() ({
        %run_scoped3A = tpu.sem_alloc : memref<!tpu.dma_semaphore, #tpu.memory_space<semaphore_mem>>
        %dma_start3A = arith.constant 0 : i32
        %dma_start3A_29 = tpu.memref_slice %arg10[%mul3A_0, %dma_start3A] : memref<10000x128xf32, #tpu.memory_space<hbm>> -> memref<624x128xf32, #tpu.memory_space<hbm>>
        %dma_start3A_30 = arith.constant 0 : i32
        %dma_start3A_31 = tpu.memref_slice %arg15[%mul3A_0, %dma_start3A_30] : memref<10016x128xf32, #tpu.memory_space<vmem_shared>> -> memref<624x128xf32, #tpu.memory_space<vmem_shared>>
        tpu.enqueue_dma source(%dma_start3A_31 : memref<624x128xf32, #tpu.memory_space<vmem_shared>>) target(%dma_start3A_29 : memref<624x128xf32, #tpu.memory_space<hbm>>) target_semaphore(%run_scoped3A : memref<!tpu.dma_semaphore, #tpu.memory_space<semaphore_mem>>)
        %dma_wait3A = arith.constant 0 : i32
        %dma_wait3A_32 = tpu.memref_slice %arg10[%mul3A_0, %dma_wait3A] : memref<10000x128xf32, #tpu.memory_space<hbm>> -> memref<624x128xf32, #tpu.memory_space<hbm>>
        %dma_wait3A_33 = arith.constant 0 : i32
        %dma_wait3A_34 = tpu.memref_slice %arg15[%mul3A_0, %dma_wait3A_33] : memref<10016x128xf32, #tpu.memory_space<vmem_shared>> -> memref<624x128xf32, #tpu.memory_space<vmem_shared>>
        tpu.wait_dma2 semaphore(%run_scoped3A : memref<!tpu.dma_semaphore, #tpu.memory_space<semaphore_mem>>) src(%dma_wait3A_34 : memref<624x128xf32, #tpu.memory_space<vmem_shared>>) dst(%dma_wait3A_32 : memref<624x128xf32, #tpu.memory_space<hbm>>)
        tpu.yield
      }) : () -> ()
      %eq3A_24 = arith.constant 15 : i32
      %eq3A_25 = arith.cmpi eq, %arg1, %eq3A_24 : i32
      %convert_element_type3A_26 = arith.extui %eq3A_25 : i1 to i32
      %cond3A_27 = arith.constant 0 : i32
      %cond3A_28 = arith.cmpi ne, %convert_element_type3A_26, %cond3A_27 : i32
      scf.if %cond3A_28 {
        "tpu.region"() ({
          %run_scoped3A = tpu.sem_alloc : memref<!tpu.dma_semaphore, #tpu.memory_space<semaphore_mem>>
          %dma_start3A = arith.constant 9984 : i32
          %dma_start3A_29 = arith.constant 0 : i32
          %dma_start3A_30 = tpu.memref_slice %arg10[%dma_start3A, %dma_start3A_29] : memref<10000x128xf32, #tpu.memory_space<hbm>> -> memref<16x128xf32, #tpu.memory_space<hbm>>
          %dma_start3A_31 = arith.constant 9984 : i32
          %dma_start3A_32 = arith.constant 0 : i32
          %dma_start3A_33 = tpu.memref_slice %arg15[%dma_start3A_31, %dma_start3A_32] : memref<10016x128xf32, #tpu.memory_space<vmem_shared>> -> memref<16x128xf32, #tpu.memory_space<vmem_shared>>
          tpu.enqueue_dma source(%dma_start3A_33 : memref<16x128xf32, #tpu.memory_space<vmem_shared>>) target(%dma_start3A_30 : memref<16x128xf32, #tpu.memory_space<hbm>>) target_semaphore(%run_scoped3A : memref<!tpu.dma_semaphore, #tpu.memory_space<semaphore_mem>>)
          %dma_wait3A = arith.constant 9984 : i32
          %dma_wait3A_34 = arith.constant 0 : i32
          %dma_wait3A_35 = tpu.memref_slice %arg10[%dma_wait3A, %dma_wait3A_34] : memref<10000x128xf32, #tpu.memory_space<hbm>> -> memref<16x128xf32, #tpu.memory_space<hbm>>
          %dma_wait3A_36 = arith.constant 9984 : i32
          %dma_wait3A_37 = arith.constant 0 : i32
          %dma_wait3A_38 = tpu.memref_slice %arg15[%dma_wait3A_36, %dma_wait3A_37] : memref<10016x128xf32, #tpu.memory_space<vmem_shared>> -> memref<16x128xf32, #tpu.memory_space<vmem_shared>>
          tpu.wait_dma2 semaphore(%run_scoped3A : memref<!tpu.dma_semaphore, #tpu.memory_space<semaphore_mem>>) src(%dma_wait3A_38 : memref<16x128xf32, #tpu.memory_space<vmem_shared>>) dst(%dma_wait3A_35 : memref<16x128xf32, #tpu.memory_space<hbm>>)
          tpu.yield
        }) : () -> ()
      } else {
      }
    } else {
    }
    return
  }
}

module attributes {stable_mosaic.version = 14 : i64} {
  func.func @_mm0_body(%arg0: i32, %arg1: memref<2000x128xf32, #tpu.memory_space<vmem>>, %arg2: memref<128x128xf32, #tpu.memory_space<vmem>>, %arg3: memref<128x128xf32, #tpu.memory_space<vmem>>, %arg4: memref<2000x1xf32, #tpu.memory_space<vmem>>, %arg5: memref<2000x1xf32, #tpu.memory_space<vmem>>, %arg6: memref<2000x128xf32, #tpu.memory_space<vmem>>, %arg7: memref<2000x128xf32, #tpu.memory_space<vmem>>) attributes {dimension_semantics = [#tpu.dimension_semantics<arbitrary>], iteration_bounds = array<i64: 5>, scalar_prefetch = 0 : i64, scratch_operands = 0 : i64, tpu.core_type = #tpu.core_type<tc>, window_params = [{transform_indices = @transform_0, window_bounds = array<i64: 2000, 128>}, {pipeline_mode = #tpu.pipeline_mode<synchronous>, transform_indices = @transform_1, window_bounds = array<i64: 128, 128>}, {pipeline_mode = #tpu.pipeline_mode<synchronous>, transform_indices = @transform_2, window_bounds = array<i64: 128, 128>}, {transform_indices = @transform_3, window_bounds = array<i64: 2000, 1>}, {transform_indices = @transform_4, window_bounds = array<i64: 2000, 1>}, {transform_indices = @transform_5, window_bounds = array<i64: 2000, 128>}, {transform_indices = @transform_6, window_bounds = array<i64: 2000, 128>}]} {
    %get3A = arith.constant 0 : index
    %get3A_0 = arith.constant 0 : index
    %get3A_1 = vector.load %arg1[%get3A, %get3A_0] : memref<2000x128xf32, #tpu.memory_space<vmem>>, vector<2000x128xf32>
    %get3A_2 = arith.constant 0 : index
    %get3A_3 = arith.constant 0 : index
    %get3A_4 = vector.load %arg2[%get3A_2, %get3A_3] : memref<128x128xf32, #tpu.memory_space<vmem>>, vector<128x128xf32>
    %dot_general3A = arith.constant dense<0.000000e+00> : vector<2000x128xf32>
    %dot_general3A_5 = tpu.matmul %get3A_1, %get3A_4, %dot_general3A {dimension_numbers = #tpu.dot_dimension_numbers<[1], [0], [0], [1], [0, 0, 1, 1], [], []>, precision = #tpu.contract_precision<fp32>, transpose_lhs_hint = false} : vector<2000x128xf32>, vector<128x128xf32>, vector<2000x128xf32> -> vector<2000x128xf32>
    %get3A_6 = arith.constant 0 : index
    %get3A_7 = arith.constant 0 : index
    %get3A_8 = vector.load %arg4[%get3A_6, %get3A_7] : memref<2000x1xf32, #tpu.memory_space<vmem>>, vector<2000x1xf32>
    %mul3A = vector.broadcast %get3A_8 : vector<2000x1xf32> to vector<2000x128xf32>
    %mul3A_9 = arith.mulf %dot_general3A_5, %mul3A : vector<2000x128xf32>
    %swap3A = arith.constant 0 : index
    %swap3A_10 = arith.constant 0 : index
    %swap3A_11 = vector.load %arg6[%swap3A, %swap3A_10] : memref<2000x128xf32, #tpu.memory_space<vmem>>, vector<2000x128xf32>
    tpu.vector_store %arg6[%swap3A, %swap3A_10], %mul3A_9 {strides = array<i32>} : memref<2000x128xf32, #tpu.memory_space<vmem>>, vector<2000x128xf32>,
    %get3A_12 = arith.constant 0 : index
    %get3A_13 = arith.constant 0 : index
    %get3A_14 = vector.load %arg3[%get3A_12, %get3A_13] : memref<128x128xf32, #tpu.memory_space<vmem>>, vector<128x128xf32>
    %dot_general3A_15 = arith.constant dense<0.000000e+00> : vector<2000x128xf32>
    %dot_general3A_16 = tpu.matmul %get3A_1, %get3A_14, %dot_general3A_15 {dimension_numbers = #tpu.dot_dimension_numbers<[1], [0], [0], [1], [0, 0, 1, 1], [], []>, precision = #tpu.contract_precision<fp32>, transpose_lhs_hint = false} : vector<2000x128xf32>, vector<128x128xf32>, vector<2000x128xf32> -> vector<2000x128xf32>
    %get3A_17 = arith.constant 0 : index
    %get3A_18 = arith.constant 0 : index
    %get3A_19 = vector.load %arg5[%get3A_17, %get3A_18] : memref<2000x1xf32, #tpu.memory_space<vmem>>, vector<2000x1xf32>
    %mul3A_20 = vector.broadcast %get3A_19 : vector<2000x1xf32> to vector<2000x128xf32>
    %mul3A_21 = arith.mulf %dot_general3A_16, %mul3A_20 : vector<2000x128xf32>
    %swap3A_22 = arith.constant 0 : index
    %swap3A_23 = arith.constant 0 : index
    %swap3A_24 = vector.load %arg7[%swap3A_22, %swap3A_23] : memref<2000x128xf32, #tpu.memory_space<vmem>>, vector<2000x128xf32>
    tpu.vector_store %arg7[%swap3A_22, %swap3A_23], %mul3A_21 {strides = array<i32>} : memref<2000x128xf32, #tpu.memory_space<vmem>>, vector<2000x128xf32>,
    return
  }
  func.func @transform_0(%arg0: i32) -> (i32, i32) {
    %c0_i32 = arith.constant 0 : i32
    %c0_i32_0 = arith.constant 0 : i32
    return %arg0, %c0_i32 : i32, i32
  }
  func.func @transform_1(%arg0: i32) -> (i32, i32) {
    %c0_i32 = arith.constant 0 : i32
    %c0_i32_0 = arith.constant 0 : i32
    %c0_i32_1 = arith.constant 0 : i32
    return %c0_i32, %c0_i32_0 : i32, i32
  }
  func.func @transform_2(%arg0: i32) -> (i32, i32) {
    %c0_i32 = arith.constant 0 : i32
    %c0_i32_0 = arith.constant 0 : i32
    %c0_i32_1 = arith.constant 0 : i32
    return %c0_i32, %c0_i32_0 : i32, i32
  }
  func.func @transform_3(%arg0: i32) -> (i32, i32) {
    %c0_i32 = arith.constant 0 : i32
    %c0_i32_0 = arith.constant 0 : i32
    return %arg0, %c0_i32 : i32, i32
  }
  func.func @transform_4(%arg0: i32) -> (i32, i32) {
    %c0_i32 = arith.constant 0 : i32
    %c0_i32_0 = arith.constant 0 : i32
    return %arg0, %c0_i32 : i32, i32
  }
  func.func @transform_5(%arg0: i32) -> (i32, i32) {
    %c0_i32 = arith.constant 0 : i32
    %c0_i32_0 = arith.constant 0 : i32
    return %arg0, %c0_i32 : i32, i32
  }
  func.func @transform_6(%arg0: i32) -> (i32, i32) {
    %c0_i32 = arith.constant 0 : i32
    %c0_i32_0 = arith.constant 0 : i32
    return %arg0, %c0_i32 : i32, i32
  }
}

module attributes {stable_mosaic.version = 14 : i64} {
  func.func @_mml_body(%arg0: i32, %arg1: memref<2000x128xf32, #tpu.memory_space<vmem>>, %arg2: memref<2000x128xf32, #tpu.memory_space<vmem>>, %arg3: memref<2000x1xf32, #tpu.memory_space<vmem>>, %arg4: memref<2000x1xf32, #tpu.memory_space<vmem>>, %arg5: memref<128x128xf32, #tpu.memory_space<vmem>>, %arg6: memref<128x128xf32, #tpu.memory_space<vmem>>, %arg7: memref<2000x1xf32, #tpu.memory_space<vmem>>, %arg8: memref<2000x1xf32, #tpu.memory_space<vmem>>, %arg9: memref<2000x128xf32, #tpu.memory_space<vmem>>, %arg10: memref<2000x128xf32, #tpu.memory_space<vmem>>) attributes {dimension_semantics = [#tpu.dimension_semantics<arbitrary>], iteration_bounds = array<i64: 5>, scalar_prefetch = 0 : i64, scratch_operands = 0 : i64, tpu.core_type = #tpu.core_type<tc>, window_params = [{transform_indices = @transform_0, window_bounds = array<i64: 2000, 128>}, {transform_indices = @transform_1, window_bounds = array<i64: 2000, 128>}, {transform_indices = @transform_2, window_bounds = array<i64: 2000, 1>}, {transform_indices = @transform_3, window_bounds = array<i64: 2000, 1>}, {pipeline_mode = #tpu.pipeline_mode<synchronous>, transform_indices = @transform_4, window_bounds = array<i64: 128, 128>}, {pipeline_mode = #tpu.pipeline_mode<synchronous>, transform_indices = @transform_5, window_bounds = array<i64: 128, 128>}, {transform_indices = @transform_6, window_bounds = array<i64: 2000, 1>}, {transform_indices = @transform_7, window_bounds = array<i64: 2000, 1>}, {transform_indices = @transform_8, window_bounds = array<i64: 2000, 128>}, {transform_indices = @transform_9, window_bounds = array<i64: 2000, 128>}]} {
    %get3A = arith.constant 0 : index
    %get3A_0 = arith.constant 0 : index
    %get3A_1 = vector.load %arg1[%get3A, %get3A_0] : memref<2000x128xf32, #tpu.memory_space<vmem>>, vector<2000x128xf32>
    %get3A_2 = arith.constant 0 : index
    %get3A_3 = arith.constant 0 : index
    %get3A_4 = vector.load %arg3[%get3A_2, %get3A_3] : memref<2000x1xf32, #tpu.memory_space<vmem>>, vector<2000x1xf32>
    %mul3A = vector.broadcast %get3A_4 : vector<2000x1xf32> to vector<2000x128xf32>
    %mul3A_5 = arith.mulf %get3A_1, %mul3A : vector<2000x128xf32>
    %get3A_6 = arith.constant 0 : index
    %get3A_7 = arith.constant 0 : index
    %get3A_8 = vector.load %arg2[%get3A_6, %get3A_7] : memref<2000x128xf32, #tpu.memory_space<vmem>>, vector<2000x128xf32>
    %get3A_9 = arith.constant 0 : index
    %get3A_10 = arith.constant 0 : index
    %get3A_11 = vector.load %arg4[%get3A_9, %get3A_10] : memref<2000x1xf32, #tpu.memory_space<vmem>>, vector<2000x1xf32>
    %mul3A_12 = vector.broadcast %get3A_11 : vector<2000x1xf32> to vector<2000x128xf32>
    %mul3A_13 = arith.mulf %get3A_8, %mul3A_12 : vector<2000x128xf32>
    %get3A_14 = arith.constant 0 : index
    %get3A_15 = arith.constant 0 : index
    %get3A_16 = vector.load %arg5[%get3A_14, %get3A_15] : memref<128x128xf32, #tpu.memory_space<vmem>>, vector<128x128xf32>
    %dot_general3A = arith.constant dense<0.000000e+00> : vector<2000x128xf32>
    %dot_general3A_17 = tpu.matmul %mul3A_5, %get3A_16, %dot_general3A {dimension_numbers = #tpu.dot_dimension_numbers<[1], [0], [0], [1], [0, 0, 1, 1], [], []>, precision = #tpu.contract_precision<fp32>, transpose_lhs_hint = false} : vector<2000x128xf32>, vector<128x128xf32>, vector<2000x128xf32> -> vector<2000x128xf32>
    %get3A_18 = arith.constant 0 : index
    %get3A_19 = arith.constant 0 : index
    %get3A_20 = vector.load %arg7[%get3A_18, %get3A_19] : memref<2000x1xf32, #tpu.memory_space<vmem>>, vector<2000x1xf32>
    %mul3A_21 = vector.broadcast %get3A_20 : vector<2000x1xf32> to vector<2000x128xf32>
    %mul3A_22 = arith.mulf %dot_general3A_17, %mul3A_21 : vector<2000x128xf32>
    %swap3A = arith.constant 0 : index
    %swap3A_23 = arith.constant 0 : index
    %swap3A_24 = vector.load %arg9[%swap3A, %swap3A_23] : memref<2000x128xf32, #tpu.memory_space<vmem>>, vector<2000x128xf32>
    tpu.vector_store %arg9[%swap3A, %swap3A_23], %mul3A_22 {strides = array<i32>} : memref<2000x128xf32, #tpu.memory_space<vmem>>, vector<2000x128xf32>,
    %get3A_25 = arith.constant 0 : index
    %get3A_26 = arith.constant 0 : index
    %get3A_27 = vector.load %arg6[%get3A_25, %get3A_26] : memref<128x128xf32, #tpu.memory_space<vmem>>, vector<128x128xf32>
    %dot_general3A_28 = arith.constant dense<0.000000e+00> : vector<2000x128xf32>
    %dot_general3A_29 = tpu.matmul %mul3A_13, %get3A_27, %dot_general3A_28 {dimension_numbers = #tpu.dot_dimension_numbers<[1], [0], [0], [1], [0, 0, 1, 1], [], []>, precision = #tpu.contract_precision<fp32>, transpose_lhs_hint = false} : vector<2000x128xf32>, vector<128x128xf32>, vector<2000x128xf32> -> vector<2000x128xf32>
    %get3A_30 = arith.constant 0 : index
    %get3A_31 = arith.constant 0 : index
    %get3A_32 = vector.load %arg8[%get3A_30, %get3A_31] : memref<2000x1xf32, #tpu.memory_space<vmem>>, vector<2000x1xf32>
    %mul3A_33 = vector.broadcast %get3A_32 : vector<2000x1xf32> to vector<2000x128xf32>
    %mul3A_34 = arith.mulf %dot_general3A_29, %mul3A_33 : vector<2000x128xf32>
    %swap3A_35 = arith.constant 0 : index
    %swap3A_36 = arith.constant 0 : index
    %swap3A_37 = vector.load %arg10[%swap3A_35, %swap3A_36] : memref<2000x128xf32, #tpu.memory_space<vmem>>, vector<2000x128xf32>
    tpu.vector_store %arg10[%swap3A_35, %swap3A_36], %mul3A_34 {strides = array<i32>} : memref<2000x128xf32, #tpu.memory_space<vmem>>, vector<2000x128xf32>,
    return
  }
  func.func @transform_0(%arg0: i32) -> (i32, i32) {
    %c0_i32 = arith.constant 0 : i32
    %c0_i32_0 = arith.constant 0 : i32
    return %arg0, %c0_i32 : i32, i32
  }
  func.func @transform_1(%arg0: i32) -> (i32, i32) {
    %c0_i32 = arith.constant 0 : i32
    %c0_i32_0 = arith.constant 0 : i32
    return %arg0, %c0_i32 : i32, i32
  }
  func.func @transform_2(%arg0: i32) -> (i32, i32) {
    %c0_i32 = arith.constant 0 : i32
    %c0_i32_0 = arith.constant 0 : i32
    return %arg0, %c0_i32 : i32, i32
  }
  func.func @transform_3(%arg0: i32) -> (i32, i32) {
    %c0_i32 = arith.constant 0 : i32
    %c0_i32_0 = arith.constant 0 : i32
    return %arg0, %c0_i32 : i32, i32
  }
  func.func @transform_4(%arg0: i32) -> (i32, i32) {
    %c0_i32 = arith.constant 0 : i32
    %c0_i32_0 = arith.constant 0 : i32
    %c0_i32_1 = arith.constant 0 : i32
    return %c0_i32, %c0_i32_0 : i32, i32
  }
  func.func @transform_5(%arg0: i32) -> (i32, i32) {
    %c0_i32 = arith.constant 0 : i32
    %c0_i32_0 = arith.constant 0 : i32
    %c0_i32_1 = arith.constant 0 : i32
    return %c0_i32, %c0_i32_0 : i32, i32
  }
  func.func @transform_6(%arg0: i32) -> (i32, i32) {
    %c0_i32 = arith.constant 0 : i32
    %c0_i32_0 = arith.constant 0 : i32
    return %arg0, %c0_i32 : i32, i32
  }
  func.func @transform_7(%arg0: i32) -> (i32, i32) {
    %c0_i32 = arith.constant 0 : i32
    %c0_i32_0 = arith.constant 0 : i32
    return %arg0, %c0_i32 : i32, i32
  }
  func.func @transform_8(%arg0: i32) -> (i32, i32) {
    %c0_i32 = arith.constant 0 : i32
    %c0_i32_0 = arith.constant 0 : i32
    return %arg0, %c0_i32 : i32, i32
  }
  func.func @transform_9(%arg0: i32) -> (i32, i32) {
    %c0_i32 = arith.constant 0 : i32
    %c0_i32_0 = arith.constant 0 : i32
    return %arg0, %c0_i32 : i32, i32
  }
}

module attributes {stable_mosaic.version = 14 : i64} {
  func.func @_comb_body(%arg0: i32, %arg1: memref<2000x128xf32, #tpu.memory_space<vmem>>, %arg2: memref<2000x128xf32, #tpu.memory_space<vmem>>, %arg3: memref<2000x1xf32, #tpu.memory_space<vmem>>, %arg4: memref<2000x1xf32, #tpu.memory_space<vmem>>, %arg5: memref<800x1xf32, #tpu.memory_space<vmem>>, %arg6: memref<2000x128xf32, #tpu.memory_space<vmem>>, %arg7: memref<800x128xf32, #tpu.memory_space<vmem>>) attributes {dimension_semantics = [#tpu.dimension_semantics<arbitrary>], iteration_bounds = array<i64: 5>, scalar_prefetch = 0 : i64, scratch_operands = 0 : i64, tpu.core_type = #tpu.core_type<tc>, window_params = [{transform_indices = @transform_0, window_bounds = array<i64: 2000, 128>}, {transform_indices = @transform_1, window_bounds = array<i64: 2000, 128>}, {transform_indices = @transform_2, window_bounds = array<i64: 2000, 1>}, {transform_indices = @transform_3, window_bounds = array<i64: 2000, 1>}, {transform_indices = @transform_4, window_bounds = array<i64: 800, 1>}, {transform_indices = @transform_5, window_bounds = array<i64: 2000, 128>}, {transform_indices = @transform_6, window_bounds = array<i64: 800, 128>}]} {
    %get3A = arith.constant 0 : index
    %get3A_0 = arith.constant 0 : index
    %get3A_1 = vector.load %arg1[%get3A, %get3A_0] : memref<2000x128xf32, #tpu.memory_space<vmem>>, vector<2000x128xf32>
    %get3A_2 = arith.constant 0 : index
    %get3A_3 = arith.constant 0 : index
    %get3A_4 = vector.load %arg3[%get3A_2, %get3A_3] : memref<2000x1xf32, #tpu.memory_space<vmem>>, vector<2000x1xf32>
    %mul3A = vector.broadcast %get3A_4 : vector<2000x1xf32> to vector<2000x128xf32>
    %mul3A_5 = arith.mulf %get3A_1, %mul3A : vector<2000x128xf32>
    %get3A_6 = arith.constant 0 : index
    %get3A_7 = arith.constant 0 : index
    %get3A_8 = vector.load %arg2[%get3A_6, %get3A_7] : memref<2000x128xf32, #tpu.memory_space<vmem>>, vector<2000x128xf32>
    %get3A_9 = arith.constant 0 : index
    %get3A_10 = arith.constant 0 : index
    %get3A_11 = vector.load %arg4[%get3A_9, %get3A_10] : memref<2000x1xf32, #tpu.memory_space<vmem>>, vector<2000x1xf32>
    %mul3A_12 = vector.broadcast %get3A_11 : vector<2000x1xf32> to vector<2000x128xf32>
    %mul3A_13 = arith.mulf %get3A_8, %mul3A_12 : vector<2000x128xf32>
    %add3A = arith.addf %mul3A_5, %mul3A_13 : vector<2000x128xf32>
    %swap3A = arith.constant 0 : index
    %swap3A_14 = arith.constant 0 : index
    %swap3A_15 = vector.load %arg6[%swap3A, %swap3A_14] : memref<2000x128xf32, #tpu.memory_space<vmem>>, vector<2000x128xf32>
    tpu.vector_store %arg6[%swap3A, %swap3A_14], %add3A {strides = array<i32>} : memref<2000x128xf32, #tpu.memory_space<vmem>>, vector<2000x128xf32>,
    %get3A_16 = arith.constant 0 : index
    %get3A_17 = arith.constant 0 : index
    %get3A_18 = vector.load %arg5[%get3A_16, %get3A_17] : memref<800x1xf32, #tpu.memory_space<vmem>>, vector<800x1xf32>
    %broadcast_in_dim3A = vector.shape_cast %get3A_18 : vector<800x1xf32> to vector<800x1xf32>
    %broadcast_in_dim3A_19 = vector.broadcast %broadcast_in_dim3A : vector<800x1xf32> to vector<800x128xf32>
    %swap3A_20 = arith.constant 0 : index
    %swap3A_21 = arith.constant 0 : index
    %swap3A_22 = vector.load %arg7[%swap3A_20, %swap3A_21] : memref<800x128xf32, #tpu.memory_space<vmem>>, vector<800x128xf32>
    tpu.vector_store %arg7[%swap3A_20, %swap3A_21], %broadcast_in_dim3A_19 {strides = array<i32>} : memref<800x128xf32, #tpu.memory_space<vmem>>, vector<800x128xf32>,
    return
  }
  func.func @transform_0(%arg0: i32) -> (i32, i32) {
    %c0_i32 = arith.constant 0 : i32
    %c0_i32_0 = arith.constant 0 : i32
    return %arg0, %c0_i32 : i32, i32
  }
  func.func @transform_1(%arg0: i32) -> (i32, i32) {
    %c0_i32 = arith.constant 0 : i32
    %c0_i32_0 = arith.constant 0 : i32
    return %arg0, %c0_i32 : i32, i32
  }
  func.func @transform_2(%arg0: i32) -> (i32, i32) {
    %c0_i32 = arith.constant 0 : i32
    %c0_i32_0 = arith.constant 0 : i32
    return %arg0, %c0_i32 : i32, i32
  }
  func.func @transform_3(%arg0: i32) -> (i32, i32) {
    %c0_i32 = arith.constant 0 : i32
    %c0_i32_0 = arith.constant 0 : i32
    return %arg0, %c0_i32 : i32, i32
  }
  func.func @transform_4(%arg0: i32) -> (i32, i32) {
    %c0_i32 = arith.constant 0 : i32
    %c0_i32_0 = arith.constant 0 : i32
    return %arg0, %c0_i32 : i32, i32
  }
  func.func @transform_5(%arg0: i32) -> (i32, i32) {
    %c0_i32 = arith.constant 0 : i32
    %c0_i32_0 = arith.constant 0 : i32
    return %arg0, %c0_i32 : i32, i32
  }
  func.func @transform_6(%arg0: i32) -> (i32, i32) {
    %c0_i32 = arith.constant 0 : i32
    %c0_i32_0 = arith.constant 0 : i32
    return %arg0, %c0_i32 : i32, i32
  }
}

</mosaic_0001>

<sc_bundles>
// kernel: kernel.10.cloned.1.call-start
scs
__scs_entry_jumppad:
0x0: {  	(pc) =	sbr.rel $0x88, $3  }
0x1: {  	(tag) =	ssettag $0x0;
	lr =	simm.s32 $0x1  }
0x2: {  	[smem:$0x3F91] =	sst lr;
	_ =	strace $0xD0000000  }
0x3: {  	_ = 	snop  }
0x4: {  	_ = 	snop  }
0x5: {  	_ = 	snop  }
0x6: {  	_ = 	snop  }
0x7: {  	_ = 	snop  }
__scs_overlays_trampoline_lowered:
0x8: {  	[smem:$0x3FA0] =	sst s0  }
0x9: {  	[smem:$0x3FA1] =	sst s1  }
0xa: {  	[smem:$0x3FA2] =	sst s2  }
0xb: {  	[smem:$0x3FA3] =	sst s3  }
0xc: {  	[smem:$0x3FA4] =	sst s4  }
0xd: {  	[smem:$0x3FA5] =	sst s5  }
0xe: {  	[smem:$0x3FA6] =	sst s6  }
0xf: {  	[smem:$0x3FA7] =	sst s7  }
0x10: {  	[smem:$0x3FA8] =	sst s8  }
0x11: {  	[smem:$0x3FA9] =	sst s9;
	s0 =	simm.s32 @!p0 $0x0  }
0x12: {  	s1 =	sld [smem:$0x3F8F];
	s0 =	simm.s32 @p0 $0x1  }
0x13: {  	[smem:$0x3FAA] =	sst s0;
	s0 =	simm.s32 @!p1 $0x0  }
0x14: {  	s2 =	sld [smem:$0x3F8E];
	s0 =	simm.s32 @p1 $0x1  }
0x15: {  	[smem:$0x3FAB] =	sst s0;
	s0 =	simm.s32 @!p2 $0x0  }
0x16: {  	s3 =	sld [smem:$0x3FDB];
	s0 =	simm.s32 @p2 $0x1  }
0x17: {  	s4 =	simm.s32 $0x1BF5;
	[smem:$0x3FAD] =	sst s0  }
0x18: {  	s0 =	sld [smem:$0x3F90];
	_ =	swait.ge [sflag:s4], $0x0  }
0x19: {  	s7 =	sld [smem:$0x3F91]  }
0x1a: {  	s8 =	sadd.s32 $0xFFFFE003, lr  }
0x1b: {  	s9 =	sadd.s32 $0xFFFFFEF7, lr;
	s5 =	simm.s32 $0xFFFFFFFF;
	p2 =	slt.u32 s8, $0xFFFFF086  }
0x1c: {  	p1 =	slt.u32 s9, $0xF7A;
	s5 =	simm.s32 @!p2 $0x0  }
0x1d: {  	s5 =	simm.s32 @p1 $0x1;
	p0 =	seq.s32 s7, s2  }
0x1e: {  	s7 =	smul.u32 @!p0 $0xF7A, s2;
	p2 =	seq.s32 @!p0 s5, $0x0  }
0x1f: {  	s9 =	smul.u32 $0xF7A, s1;
	s8 =	simm.s32 @!p0 $0x1BF5;
	p2 =	por !p2, p0  }
0x20: {  	[sflag:s8] =	ssyncset.s32 @!p0 $0xFFFFF086;
	s6 =	sadd.s32 @!p0 s3, s7;
	s7 =	simm.s32 @!p0 $0x108  }
0x21: {  	s3 =	sadd.s32 s3, s9;
	s6 =	sadd.s32 @!p0 $0x88, s6;
	s7 =	simm.s32 @p2 $0x1082  }
0x22: {  	[simem:s7], [sflag:s8] =	dma.local @!p0 [hbm:s6], $0xF7A  }
0x23: {  	s9 =	sor.u32 $0xD0000000, s2;
	s6 =	simm.s32 $0x108;
	_ =	swait.ge @!p0 [sflag:s8], $0x0  }
0x24: {  	s3 =	sadd.s32 $0x88, s3;
	s6 =	simm.s32 @!p1 $0x1082;
	[sflag:s4] =	ssyncset.s32 $0xFFFFF086  }
0x25: {  	[simem:s6], [sflag:s4] =	dma.local [hbm:s3], $0xF7A  }
0x26: {  	[smem:$0x3F91] =	sst s1;
	(tag) =	ssettag s2;
	_ =	strace s9  }
0x27: {  	s1 =	sld [smem:$0x3FA1]  }
0x28: {  	s2 =	sld [smem:$0x3FA2]  }
0x29: {  	s4 =	sld [smem:$0x3FA4]  }
0x2a: {  	p0 =	seq.s32 s5, $0x0;
	s5 =	sld [smem:$0x3FA5]  }
0x2b: {  	s6 =	sld [smem:$0x3FA6]  }
0x2c: {  	s7 =	sld [smem:$0x3FA7]  }
0x2d: {  	s3 =	simm.s32 $0x108;
	s8 =	sld [smem:$0x3FA8]  }
0x2e: {  	s3 =	simm.s32 @!p0 $0x1082;
	s9 =	sld [smem:$0x3FA9]  }
0x2f: {  	lr =	sadd.s32 s0, s3;
	s0 =	sld [smem:$0x3FA0]  }
0x30: {  	s3 =	sld [smem:$0x3FA3]  }
0x31: {  	[smem:$0x3FAC] =	sst s10  }
0x32: {  	s10 =	sld [smem:$0x3FAA];
	_ =	sdelay $0x3  }
0x33: {  	p0 =	seq.s32 s10, $0x1;
	s10 =	sld [smem:$0x3FAC];
	_ =	sdelay $0x3  }
0x34: {  	[smem:$0x3FAC] =	sst s10  }
0x35: {  	s10 =	sld [smem:$0x3FAB];
	_ =	sdelay $0x3  }
0x36: {  	p1 =	seq.s32 s10, $0x1;
	s10 =	sld [smem:$0x3FAC];
	_ =	sdelay $0x3  }
0x37: {  	[smem:$0x3FAC] =	sst s10  }
0x38: {  	s10 =	sld [smem:$0x3FAD]  }
0x39: {  	_ = 	snop;
	(pc) =	sbr.ind lr, $3  }
0x3a: {  	_ = 	snop  }
0x3b: {  	_ = 	snop  }
0x3c: {  	p2 =	seq.s32 s10, $0x1;
	s10 =	sld [smem:$0x3FAC]  }
0x3d: {  	_ =	shalt  }
0x3e: {  	_ =	shalt  }
0x3f: {  	_ =	shalt  }
0x40: {  	_ =	shalt  }
0x41: {  	_ =	shalt  }
0x42: {  	_ =	shalt  }
0x43: {  	_ =	shalt  }
0x44: {  	_ =	shalt  }
0x45: {  	_ =	shalt  }
0x46: {  	_ =	shalt  }
0x47: {  	_ =	shalt  }
0x48: {  	_ =	shalt  }
0x49: {  	_ =	shalt  }
0x4a: {  	_ =	shalt  }
0x4b: {  	_ =	shalt  }
0x4c: {  	_ =	shalt  }
0x4d: {  	_ =	shalt  }
0x4e: {  	_ =	shalt  }
0x4f: {  	_ =	shalt  }
0x50: {  	_ =	shalt  }
0x51: {  	_ =	shalt  }
0x52: {  	_ =	shalt  }
0x53: {  	_ =	shalt  }
0x54: {  	_ =	shalt  }
0x55: {  	_ =	shalt  }
0x56: {  	_ =	shalt  }
0x57: {  	_ =	shalt  }
0x58: {  	_ =	shalt  }
0x59: {  	_ =	shalt  }
0x5a: {  	_ =	shalt  }
0x5b: {  	_ =	shalt  }
0x5c: {  	_ =	shalt  }
0x5d: {  	_ =	shalt  }
0x5e: {  	_ =	shalt  }
0x5f: {  	_ =	shalt  }
0x60: {  	_ =	shalt  }
0x61: {  	_ =	shalt  }
0x62: {  	_ =	shalt  }
0x63: {  	_ =	shalt  }
0x64: {  	_ =	shalt  }
0x65: {  	_ =	shalt  }
0x66: {  	_ =	shalt  }
0x67: {  	_ =	shalt  }
0x68: {  	_ =	shalt  }
0x69: {  	_ =	shalt  }
0x6a: {  	_ =	shalt  }
0x6b: {  	_ =	shalt  }
0x6c: {  	_ =	shalt  }
0x6d: {  	_ =	shalt  }
0x6e: {  	_ =	shalt  }
0x6f: {  	_ =	shalt  }
0x70: {  	_ =	shalt  }
0x71: {  	_ =	shalt  }
0x72: {  	_ =	shalt  }
0x73: {  	_ =	shalt  }
0x74: {  	_ =	shalt  }
0x75: {  	_ =	shalt  }
0x76: {  	_ =	shalt  }
0x77: {  	_ =	shalt  }
0x78: {  	_ =	shalt  }
0x79: {  	_ =	shalt  }
0x7a: {  	_ =	shalt  }
0x7b: {  	_ =	shalt  }
0x7c: {  	_ =	shalt  }
0x7d: {  	_ =	shalt  }
0x7e: {  	_ =	shalt  }
0x7f: {  	_ =	shalt  }
0x80: {  	_ =	shalt  }
0x81: {  	_ =	shalt  }
0x82: {  	_ =	shalt  }
0x83: {  	_ =	shalt  }
0x84: {  	_ =	shalt  }
0x85: {  	_ =	shalt  }
0x86: {  	_ =	shalt  }
0x87: {  	_ =	shalt  }
.Lfunc_end0:
.L_simem_size_0:
called_computation_lowered:
.L_overlay_start_0:
0x88: {  	s2 =	sld [smem:$0x3FD9]  }
0x89: {  	s3 =	sld [smem:$0x3FFE];
	_ =	sdelay $0x1  }
0x8a: {  	s1 =	srdreg.scid  }
0x8b: {  	s0 =	sand.u32 $0x1, s1  }
0x8c: {  	s14 =	sshll.u32 s0, $0xA;
	s2 =	sadd.s32 s3, s2  }
0x8d: {  	s2 =	sadd.s32 s2, s14  }
0x8e: {  	[smem:$0x3FB8] =	sst s2  }
0x8f: {  	_ = 	snop  }
0x90: {  	s2 =	sld [smem:$0x3FD0];
	_ =	sdelay $0x2  }
0x91: {  	s15 =	simm.s32 $0xA;
	s4 =	simm.s32 $0x10  }
0x92: {  	[smem:s4], [sflag:s15] =	dma.local [hbm:s2], $0x1  }
0x93: {  	_ =	swait.eq [sflag:s15], $0x1  }
0x94: {  	[sflag:s15] =	ssyncset.done $0x0  }
0x95: {  	s16 =	sld [smem:$0x10];
	[sflag:s15] =	ssyncadd.s32 $0xFFFFFFFF  }
0x96: {  	s17 =	sld [smem:$0x11];
	(tm) =	ssettm $0x1  }
0x97: {  	s18 =	sld [smem:$0x3FFB];
	_ =	sdelay $0x3  }
0x98: {  	_ =	strace s18  }
0x99: {  	s4 =	sld [smem:$0x3FFC];
	_ =	sdelay $0x3  }
0x9a: {  	_ =	strace s4  }
0x9b: {  	s4 =	sld [smem:$0x3FFD];
	_ =	sdelay $0x3  }
0x9c: {  	_ =	strace s4  }
0x9d: {  	_ =	strace $0x8FFFFFFF  }
0x9e: {  	s19 =	sld [smem:$0x3FDB];
	_ =	sdelay $0x1  }
0x9f: {  	s5 =	simm.s32 $_scs_section_size  }
0xa0: {  	s6 =	simm.s32 $_size__tile_overlayer_lowered;
	s7 =	simm.s32 $_tile_overlayer_lowered  }
0xa1: {  	s22 =	simm.s32 $0x1BFF;
	s21 =	sshll.u32 s7, $0x1;
	s4 =	sadd.s32 s5, s19  }
0xa2: {  	s8 =	simm.s32 $0x0;
	s20 =	sshll.u32 s6, $0x1;
	s6 =	sadd.s32 s21, s4  }
0xa3: {  	[timem:s8], [sflag:s22] =	dma.local [hbm:s6], s20  }
0xa4: {  	_ =	swait.ge [sflag:s22], s20  }
0xa5: {  	s5 =	ssub.s32 $0x0, s20;
	[sflag:s22] =	ssyncset.done $0x0  }
0xa6: {  	[sflag:s22] =	ssyncadd.s32 s5;
	_ =	sdelay $0x1  }
0xa7: {  	s23 =	simm.s32 $0x1B8B  }
0xa8: {  	_ =	swait.ge [sflag:s23], $0x1  }
0xa9: {  	[sflag:s23] =	ssyncset.done $0x0  }
0xaa: {  	s25 =	simm.s32 $0x1B8E;
	s24 =	sld [smem:$0x3FFE];
	[sflag:s23] =	ssyncadd.s32 $0xFFFFFFFF  }
0xab: {  	s26 =	simm.s32 $execute0_lowered;
	[smem:$0x3FD2] =	sst s25  }
0xac: {  	s6 =	sshll.u32 s26, $0x1;
	_ =	strace $0x80000046;
	[dreg:$0x1] =	wrdreg $0xFFFFFFFF  }
0xad: {  	s28 =	simm.s32 $_size_execute0_lowered;
	s4 =	sadd.s32 s4, s6;
	[dreg:$0x0] =	wrdreg $0x0  }
0xae: {  	s6 =	sshll.u32 s28, $0x1;
	[dreg:$0x2] =	wrdreg s4  }
0xaf: {  	[dreg:$0x3] =	wrdreg s6  }
0xb0: {  	[dreg:$0x4] =	wrdreg $0xC0  }
0xb1: {  	_ =	task [dreg:s8], $0x5FFFF  }
0xb2: {  	[dreg:$0x1] =	wrdreg $0xFFFFFFFF  }
0xb3: {  	[dreg:$0x0] =	wrdreg $0x60  }
0xb4: {  	[dreg:$0x2] =	wrdreg s24  }
0xb5: {  	[dreg:$0x3] =	wrdreg s17  }
0xb6: {  	[dreg:$0x4] =	wrdreg s16  }
0xb7: {  	[dreg:$0x5] =	wrdreg $0xA8000  }
0xb8: {  	[dreg:$0x6] =	wrdreg $0x9  }
0xb9: {  	_ =	task.clear_ibuf [dreg:s8], $0x7FFFF;
	_ =	strace $0x90000046  }
0xba: {  	s29 =	simm.s32 $0x9;
	_ =	strace $0x80000048  }
0xbb: {  	_ =	swait.ge [sflag:s29], $0x1  }
0xbc: {  	[sflag:s29] =	ssyncadd.s32 $0xFFFFFFFF  }
0xbd: {  	_ =	strace $0x90000048  }
0xbe: {  	_ =	sfence  }
0xbf: {  	s30 =	sld [smem:$0x0];
	_ =	sdelay $0x2  }
0xc0: {  	s31 =	sshll.u32 s1, $0xD;
	s1 =	sshrl.u32 s1, $0x2  }
0xc1: {  	s3 =	sand.u32 $0x4000, s31;
	s1 =	sadd.s32 s1, s30  }
0xc2: {  	s0 =	sor.u32 s3, s0;
	s1 =	sshll.u32 s1, $0x11  }
0xc3: {  	s0 =	sor.u32 s1, s0  }
0xc4: {  	s0 =	sadd.s32 $0x8F2B, s0  }
0xc5: {  	[sflag:s0] =	ssyncadd.remote.s32 $0x1  }
0xc6: {  	_ =	sfence.sel $0xFFFF  }
0xc7: {  	[dreg:$0x0] =	wrdreg $0xFFFFFFFF;
	(pc) =	sbr.abs _section_cstart, $3  }
0xc8: {  	[dreg:$0x1] =	wrdreg $0xFFFFFFFF  }
0xc9: {  	_ =	task.clear_ibuf [dreg:s8], $0x2FFFF;
	_ =	strace $0x9FFFFFFF  }
0xca: {  	(tm) =	ssettm $0x7FFFFFFF  }
0xcb: {  	_ =	shalt  }
tec
execute0_lowered:
.L_overlay_start_1:
0x0: {  	(tag) =	ssettag $0x1  }
0x1: {  	s0 =	rddreg [dreg:$0x0]  }
0x2: {  	s1 =	rddreg [dreg:$0x1]  }
0x3: {  	s2 =	rddreg [dreg:$0x2]  }
0x4: {  	s3 =	rddreg [dreg:$0x3];
	s4 =	simm.s32 $0x0;
	s6 =	srdreg.scid  }
0x5: {  	s11 =	stileid.u32;
	s20 =	simm.s32 $0x3;
	s22 =	simm.s32 $0x10  }
0x6: {  	s23 =	simm.s32 $0x800;
	s25 =	simm.s32 $0x1;
	s26 =	simm.s32 $0x80  }
0x7: {  	s31 =	simm.s32 $0x880;
	[smem:$0x7FF] =	sst s4;
	s5 =	sadd.s32 $0x68600, s0  }
0x8: {  	s7 =	sadd.s32 $0x8F800, s0;
	s8 =	sadd.s32 $0x54600, s0;
	s6 =	sand.u32 $0x1, s6  }
0x9: {  	s9 =	sadd.s32 $0x5E600, s0;
	s10 =	sadd.s32 $0xB6A00, s0;
	s15 =	smul.u32 $0x4E000, s11  }
0xa: {  	s18 =	sadd.s32 $0xB9200, s0;
	s12 =	sadd.s32 $0xE0400, s0;
	s30 =	sshll.u32 s11, $0x6  }
0xb: {  	s16 =	smul.u32 $0x2700, s11;
	p0 =	sne.s32 s11, $0xF;
	p2 =	seq.s32 s11, $0xF  }
0xc: {  	s0 =	simm.s32 $0x6800;
	_ =	strace $0x80000047;
	s13 =	ssub.s32 $0x2, s6  }
0xd: {  	[dreg:$0x5] =	wrdreg s18;
	p1 =	sne.s32 s6, $0x0;
	s6 =	simm.s32 $0x2  }
.Ltmp0:
0xe: {  	s14 =	sshrl.u32 s13, $0x1;
	s29 =	sshrl.u32 s15, $0x2;
	(pc) =	sbr.rel .LBB2_1-.Ltmp0, $4  }
0xf: {  	s15 =	smul.u32 $0xA0, s11;
	s19 =	sadd.s32 s12, s16;
	s16 =	sadd.s32 s18, s16  }
0x10: {  	s28 =	ssub.s32 s13, s14;
	s17 =	sadd.s32 s29, s3;
	[dreg:$0x6] =	wrdreg s19  }
0x11: {  	s13 =	sor.u32 $0x1C03, s30;
	s14 =	sadd.s32 $0x138000, s3;
	[dreg:$0x7] =	wrdreg s16  }
0x12: {  	v0 =	vlaneseq.u32;
	s18 =	smax.u32 s28, $0x1;
	s19 =	sshrl.u32 s17, $0x3;
	s21 =	sshrl.u32 @!p0 s14, $0x3  }
.LBB2_18:
0x13: {  	s11 =	sadd.s32 $0x27000, s16;
	s30 =	sshrl.u32 s14, $0x3  }
0x14: {  	[hbm:s11], [sflag:s13] =	dma.local [spmem:s30], $0x100  }
0x15: {  	_ =	swait.ge [sflag:s20], $0x100  }
0x16: {  	[sflag:s20] =	ssyncset.done $0x0  }
0x17: {  	[sflag:s20] =	ssyncadd.s32 $0xFFFFFF00  }
.LBB2_19:
0x18: {  	s4 =	sadd.s32 $0x1, s4  }
0x19: {  	p3 =	sne.s32 s4, s18  }
.Ltmp1:
0x1a: {  	_ = 	snop;
	(pc) =	sbr.rel @!p3 .LBB2_20-.Ltmp1, $1  }
0x1b: {  	_ =	sdelay $0x3  }
.LBB2_1:
0x1c: {  	[spmem:s19], [sflag:s13] =	dma.local [hbm:s10], $0x2700  }
0x1d: {  	_ =	swait.ge [sflag:s20], $0x2700  }
0x1e: {  	[sflag:s20] =	ssyncset.done $0x0  }
0x1f: {  	s16 =	simm.s32 @!p0 $0x3;
	[sflag:s20] =	ssyncadd.s32 $0xFFFFD900  }
0x20: {  	[spmem:s21], [sflag:s13] =	dma.local @!p0 [hbm:s10], $0x200  }
.Ltmp2:
0x21: {  	_ =	swait.ge @!p0 [sflag:s16], $0x200;
	(pc) =	sbr.rel @p1 .LBB2_10-.Ltmp2, $4  }
0x22: {  	[sflag:s16] =	ssyncset.done @!p0 $0x0  }
0x23: {  	[sflag:s16] =	ssyncadd.s32 @!p0 $0xFFFFFE00  }
0x24: {  	[bflag:$0x0] =	sbarrier.arrive $0xFFFF  }
0x25: {  	v1 =	vor.u32 s15, v0;
	s24 =	simm.s32 $0x0;
	s17 =	smov.u32 s15;
	s16 =	simm.s32 $0x200  }
.LBB2_2:
0x26: {  	p3 =	sne.s32 s16, $0x1200  }
0x27: {  	[tilespmem:s24+$0x0] =	vst v1;
	s17 =	sadd.s32 $0x10, s17;
	s24 =	smov.u32 s16;
	s16 =	sadd.s32 $0x200, s16  }
.Ltmp3:
0x28: {  	(pc) =	sbr.rel @p3 .LBB2_2-.Ltmp3, $2  }
0x29: {  	_ =	sdelay $0x2  }
0x2a: {  	v1 =	vor.u32 s17, v0;
	s24 =	sshra.s32 s24, $0x2  }
0x2b: {  	[tilespmem:s24+$0x0] =	vst v1;
	s16 =	simm.s32 $0x0  }
0x2c: {  	[tilespmem:s23], [sflag:$0x1] =	stream.indirect.gather [hbm4b:s1+s22], $0x80, s16, s22, $0xb8;
	[tilespmem:$0x1E100] =	vst v63  }
0x2d: {  	s11 =	simm.s32 $0x1800  }
0x2e: {  	[tilespmem:s11], [sflag:$0x1] =	stream.indirect.gather [hbm4b:s2+s22], $0x80, s16, s22, $0xb8;
	[tilespmem:$0x1E100] =	vst v63  }
0x2f: {  	_ =	swait.ge [sflag:s25], $0x800  }
0x30: {  	[sflag:s25] =	ssyncset.done $0x0  }
0x31: {  	[sflag:s25] =	ssyncadd.s32 $0xFFFFF800  }
0x32: {  	_ =	swait.ge [sflag:s25], $0x800  }
0x33: {  	[sflag:s25] =	ssyncset.done $0x0  }
0x34: {  	s28 =	simm.s32 $0x1000;
	[sflag:s25] =	ssyncadd.s32 $0xFFFFF800  }
0x35: {  	[tilespmem:s28], [sflag:$0x1] =	stream.indirect.gather [hbm4b:s1+s22], $0x80, s26, s22, $0xb8;
	[tilespmem:$0x1E100] =	vst v63  }
0x36: {  	s29 =	simm.s32 $0x2000  }
0x37: {  	[tilespmem:s29], [sflag:$0x1] =	stream.indirect.gather [hbm4b:s2+s22], $0x80, s26, s22, $0xb8;
	[tilespmem:$0x1E100] =	vst v63  }
.Ltmp4:
0x38: {  	_ = 	snop;
	(pc) =	sbr.rel .LBB2_4-.Ltmp4, $4  }
0x39: {  	s30 =	simm.s32 $0x2800  }
0x3a: {  	[tilespmem:s30], [sflag:$0x2] =	stream.indirect.gather [hbm4b:s5+s26], $0x80, s23, s26, $0xb8;
	[tilespmem:$0x1E100] =	vst v63  }
0x3b: {  	s17 =	simm.s32 $0x400;
	s24 =	simm.s32 $0x0  }
0x3c: {  	[tilespmem:s0], [sflag:$0x2] =	stream.indirect.gather [hbm4b:s5+s26], $0x80, s31, s26, $0xb8;
	[tilespmem:$0x1E100] =	vst v63  }
.LBB2_10:
0x3d: {  	p3 =	sne.s32 s16, $0x1200  }
0x3e: {  	[tilespmem:s24+$0x0] =	vst v1;
	s17 =	sadd.s32 $0x10, s17;
	s11 =	smov.u32 s16;
	s16 =	sadd.s32 $0x200, s16  }
.Ltmp5:
0x3f: {  	(pc) =	sbr.rel @p3 .LBB2_10-.Ltmp5, $2  }
0x40: {  	_ =	sdelay $0x2  }
0x41: {  	v1 =	vor.u32 s17, v0;
	s24 =	sshra.s32 s11, $0x2  }
0x42: {  	[tilespmem:s24+$0x0] =	vst v1;
	s16 =	simm.s32 $0x0  }
0x43: {  	[tilespmem:s23], [sflag:$0x1] =	stream.indirect.gather [hbm4b:s8+s22], $0x80, s16, s22, $0xb8;
	[tilespmem:$0x1E100] =	vst v63  }
0x44: {  	s11 =	simm.s32 $0x1800  }
0x45: {  	[tilespmem:s11], [sflag:$0x1] =	stream.indirect.gather [hbm4b:s9+s22], $0x80, s16, s22, $0xb8;
	[tilespmem:$0x1E100] =	vst v63  }
0x46: {  	_ =	swait.ge [sflag:s25], $0x800  }
0x47: {  	[sflag:s25] =	ssyncset.done $0x0  }
0x48: {  	[sflag:s25] =	ssyncadd.s32 $0xFFFFF800  }
0x49: {  	_ =	swait.ge [sflag:s25], $0x800  }
0x4a: {  	[sflag:s25] =	ssyncset.done $0x0  }
0x4b: {  	s28 =	simm.s32 $0x1000;
	[sflag:s25] =	ssyncadd.s32 $0xFFFFF800  }
0x4c: {  	[tilespmem:s28], [sflag:$0x1] =	stream.indirect.gather [hbm4b:s8+s22], $0x80, s26, s22, $0xb8;
	[tilespmem:$0x1E100] =	vst v63  }
0x4d: {  	s29 =	simm.s32 $0x2000  }
0x4e: {  	[tilespmem:s29], [sflag:$0x1] =	stream.indirect.gather [hbm4b:s9+s22], $0x80, s26, s22, $0xb8;
	[tilespmem:$0x1E100] =	vst v63  }
.Ltmp6:
0x4f: {  	_ = 	snop;
	(pc) =	sbr.rel .LBB2_12-.Ltmp6, $4  }
0x50: {  	s30 =	simm.s32 $0x2800  }
0x51: {  	[tilespmem:s30], [sflag:$0x2] =	stream.indirect.gather [hbm4b:s7+s26], $0x80, s23, s26, $0xb8;
	[tilespmem:$0x1E100] =	vst v63  }
0x52: {  	s17 =	simm.s32 $0x400;
	s24 =	simm.s32 $0x0  }
0x53: {  	[tilespmem:s0], [sflag:$0x2] =	stream.indirect.gather [hbm4b:s7+s26], $0x80, s31, s26, $0xb8;
	[tilespmem:$0x1E100] =	vst v63  }
.LBB2_5:
0x54: {  	_ =	swait.ge [sflag:s25], $0x800  }
0x55: {  	[sflag:s25] =	ssyncset.done $0x0  }
0x56: {  	[sflag:s25] =	ssyncadd.s32 $0xFFFFF800  }
0x57: {  	_ =	swait.ge [sflag:s25], $0x800  }
0x58: {  	[sflag:s25] =	ssyncset.done $0x0  }
0x59: {  	[sflag:s25] =	ssyncadd.s32 $0xFFFFF800  }
.LBB2_7:
0x5a: {  	s11 =	sand.u32 $0x3E00, s17  }
0x5b: {  	s11 =	sshrl.u32 s11, $0x2  }
0x5c: {  	s11 =	sadd.s32 $0x800, s11  }
0x5d: {  	[tilespmem:s28], [sflag:$0x2] =	stream.indirect.gather [hbm4b:s5+s26], $0x80, s11, s26, $0xb8;
	[tilespmem:$0x1E100] =	vst v63  }
.LBB2_8:
0x5e: {  	s11 =	sand.u32 $0x8F, s24  }
0x5f: {  	s28 =	sshrl.u32 s24, $0x4;
	p3 =	sne.s32 s11, $0xF  }
0x60: {  	s11 =	sshll.u32 @!p3 s28, $0xB;
	s28 =	sshll.u32 @!p3 s28, $0x7  }
0x61: {  	s11 =	sand.u32 @!p3 $0x800, s11;
	s28 =	sand.u32 @!p3 $0x3FFFFF80, s28  }
0x62: {  	s30 =	simm.s32 @!p3 $0x10;
	s29 =	sadd.s32 @!p3 $0x800, s11;
	s28 =	sadd.s32 @!p3 $0x100, s28  }
0x63: {  	[tilespmem:s29], [sflag:$0x1] =	stream.indirect.gather @!p3 [hbm4b:s1+s30], $0x80, s28, s30, $0xb8;
	[tilespmem:$0x1E100] =	vst v63  }
0x64: {  	s17 =	sadd.s32 $0x200, s17;
	s11 =	sadd.s32 @!p3 $0x1800, s11  }
0x65: {  	[tilespmem:s11], [sflag:$0x1] =	stream.indirect.gather @!p3 [hbm4b:s2+s30], $0x80, s28, s30, $0xb8;
	[tilespmem:$0x1E100] =	vst v63  }
0x66: {  	p3 =	sne.s32 s17, $0x14400  }
.Ltmp7:
0x67: {  	_ = 	snop;
	(pc) =	sbr.rel @!p3 .LBB2_9-.Ltmp7, $2  }
0x68: {  	_ =	sdelay $0x2  }
0x69: {  	s24 =	sadd.s32 $0x1, s24;
	s16 =	sadd.s32 $0x10000, s16  }
.LBB2_4:
0x6a: {  	s29 =	sand.u32 $0xF, s24  }
0x6b: {  	_ =	swait.ge [sflag:s6], $0x4000;
	s28 =	sshll.u32 s24, $0x7;
	s30 =	sand.u32 $0x10000, s16  }
0x6c: {  	p3 =	sgt.u32 s24, $0x8F;
	s28 =	sand.u32 $0x800, s28;
	s11 =	sshll.u32 s29, $0x7  }
0x6d: {  	[sflag:s6] =	ssyncset.done $0x0;
	s30 =	sshrl.u32 s30, $0x2;
	p4 =	sne.s32 @!p3 s29, $0xE  }
0x6e: {  	s11 =	sor.u32 s11, s28;
	[sflag:s6] =	ssyncadd.s32 $0xFFFFC000;
	p3 =	por p3, p4  }
.Ltmp8:
0x6f: {  	s28 =	sor.u32 $0x2800, s30;
	s11 =	sadd.s32 $0x1800, s11;
	(pc) =	sbr.rel @!p3 .LBB2_5-.Ltmp8, $4  }
0x70: {  	[spmem:s3] =	stream.indirect.scatter.add.f32 [tilespmem:s28], [sflag:$0x3], $0x80, s11, s26, $0xb8;
	[tilespmem:$0x1E100] =	vst v63  }
0x71: {  	_ =	swait.ge [sflag:s20], $0x4000  }
0x72: {  	[sflag:s20] =	ssyncset.done $0x0  }
0x73: {  	[sflag:s20] =	ssyncadd.s32 $0xFFFFC000  }
0x74: {  	p3 =	sgt.u32 s24, $0x9D  }
.Ltmp9:
0x75: {  	_ = 	snop;
	(pc) =	sbr.rel @p3 .LBB2_8-.Ltmp9, $4  }
.Ltmp10:
0x76: {  	_ = 	snop;
	(pc) =	sbr.rel @!p3 .LBB2_7-.Ltmp10, $4  }
0x77: {  	_ = 	snop  }
0x78: {  	_ = 	snop  }
0x79: {  	_ = 	snop  }
0x7a: {  	_ = 	snop  }
.LBB2_13:
0x7b: {  	_ =	swait.ge [sflag:s25], $0x800  }
0x7c: {  	[sflag:s25] =	ssyncset.done $0x0  }
0x7d: {  	[sflag:s25] =	ssyncadd.s32 $0xFFFFF800  }
0x7e: {  	_ =	swait.ge [sflag:s25], $0x800  }
0x7f: {  	[sflag:s25] =	ssyncset.done $0x0  }
0x80: {  	[sflag:s25] =	ssyncadd.s32 $0xFFFFF800  }
.LBB2_15:
0x81: {  	s11 =	sand.u32 $0x3E00, s17  }
0x82: {  	s11 =	sshrl.u32 s11, $0x2  }
0x83: {  	s11 =	sadd.s32 $0x800, s11  }
0x84: {  	[tilespmem:s28], [sflag:$0x2] =	stream.indirect.gather [hbm4b:s7+s26], $0x80, s11, s26, $0xb8;
	[tilespmem:$0x1E100] =	vst v63  }
.LBB2_16:
0x85: {  	s11 =	sand.u32 $0x8F, s24  }
0x86: {  	s28 =	sshrl.u32 s24, $0x4;
	p3 =	sne.s32 s11, $0xF  }
0x87: {  	s11 =	sshll.u32 @!p3 s28, $0xB;
	s28 =	sshll.u32 @!p3 s28, $0x7  }
0x88: {  	s11 =	sand.u32 @!p3 $0x800, s11;
	s28 =	sand.u32 @!p3 $0x3FFFFF80, s28  }
0x89: {  	s30 =	simm.s32 @!p3 $0x10;
	s29 =	sadd.s32 @!p3 $0x800, s11;
	s28 =	sadd.s32 @!p3 $0x100, s28  }
0x8a: {  	[tilespmem:s29], [sflag:$0x1] =	stream.indirect.gather @!p3 [hbm4b:s8+s30], $0x80, s28, s30, $0xb8;
	[tilespmem:$0x1E100] =	vst v63  }
0x8b: {  	s17 =	sadd.s32 $0x200, s17;
	s11 =	sadd.s32 @!p3 $0x1800, s11  }
0x8c: {  	[tilespmem:s11], [sflag:$0x1] =	stream.indirect.gather @!p3 [hbm4b:s9+s30], $0x80, s28, s30, $0xb8;
	[tilespmem:$0x1E100] =	vst v63  }
0x8d: {  	p3 =	sne.s32 s17, $0x14400  }
.Ltmp11:
0x8e: {  	_ = 	snop;
	(pc) =	sbr.rel @!p3 .LBB2_17-.Ltmp11, $2  }
0x8f: {  	_ =	sdelay $0x2  }
0x90: {  	s24 =	sadd.s32 $0x1, s24;
	s16 =	sadd.s32 $0x10000, s16  }
.LBB2_12:
0x91: {  	s11 =	sand.u32 $0xF, s24  }
0x92: {  	_ =	swait.ge [sflag:s6], $0x4000;
	s28 =	sshll.u32 s24, $0x7;
	s29 =	sand.u32 $0x10000, s16  }
0x93: {  	p3 =	sgt.u32 s24, $0x8F;
	s28 =	sand.u32 $0x800, s28;
	s30 =	sshll.u32 s11, $0x7  }
0x94: {  	[sflag:s6] =	ssyncset.done $0x0;
	s29 =	sshrl.u32 s29, $0x2;
	p4 =	sne.s32 @!p3 s11, $0xE  }
0x95: {  	s30 =	sor.u32 s30, s28;
	[sflag:s6] =	ssyncadd.s32 $0xFFFFC000;
	p3 =	por p3, p4  }
.Ltmp12:
0x96: {  	s28 =	sor.u32 $0x2800, s29;
	s30 =	sadd.s32 $0x1800, s30;
	(pc) =	sbr.rel @!p3 .LBB2_13-.Ltmp12, $4  }
0x97: {  	[spmem:s3] =	stream.indirect.scatter.add.f32 [tilespmem:s28], [sflag:$0x3], $0x80, s30, s26, $0xb8;
	[tilespmem:$0x1E100] =	vst v63  }
0x98: {  	_ =	swait.ge [sflag:s20], $0x4000  }
0x99: {  	[sflag:s20] =	ssyncset.done $0x0  }
0x9a: {  	[sflag:s20] =	ssyncadd.s32 $0xFFFFC000  }
0x9b: {  	p3 =	sgt.u32 s24, $0x9D  }
.Ltmp13:
0x9c: {  	_ = 	snop;
	(pc) =	sbr.rel @p3 .LBB2_16-.Ltmp13, $4  }
.Ltmp14:
0x9d: {  	_ = 	snop;
	(pc) =	sbr.rel @!p3 .LBB2_15-.Ltmp14, $4  }
0x9e: {  	_ = 	snop  }
0x9f: {  	_ = 	snop  }
0xa0: {  	_ = 	snop  }
0xa1: {  	_ = 	snop  }
.LBB2_9:
0xa2: {  	[bflag:$0x0] =	sbarrier.arrive $0xFFFF  }
0xa3: {  	s11 =	rddreg [dreg:$0x7]  }
0xa4: {  	[hbm:s11], [sflag:s13] =	dma.local [spmem:s19], $0x2700  }
.Ltmp15:
0xa5: {  	_ = 	snop;
	(pc) =	sbr.rel @p2 .LBB2_18-.Ltmp15, $4  }
.Ltmp16:
0xa6: {  	_ = 	snop;
	(pc) =	sbr.rel @!p2 .LBB2_19-.Ltmp16, $4  }
0xa7: {  	_ =	swait.ge [sflag:s20], $0x2700  }
0xa8: {  	[sflag:s20] =	ssyncset.done $0x0  }
0xa9: {  	s16 =	rddreg [dreg:$0x5];
	[sflag:s20] =	ssyncadd.s32 $0xFFFFD900  }
0xaa: {  	_ = 	snop  }
.LBB2_17:
0xab: {  	[bflag:$0x0] =	sbarrier.arrive $0xFFFF  }
0xac: {  	s11 =	rddreg [dreg:$0x6]  }
0xad: {  	[hbm:s11], [sflag:s13] =	dma.local [spmem:s19], $0x2700  }
.Ltmp17:
0xae: {  	_ = 	snop;
	(pc) =	sbr.rel @p0 .LBB2_19-.Ltmp17, $4  }
.Ltmp18:
0xaf: {  	_ = 	snop;
	(pc) =	sbr.rel @!p0 .LBB2_18-.Ltmp18, $4  }
0xb0: {  	_ =	swait.ge [sflag:s20], $0x2700  }
0xb1: {  	[sflag:s20] =	ssyncset.done $0x0  }
0xb2: {  	s16 =	smov.u32 s12;
	[sflag:s20] =	ssyncadd.s32 $0xFFFFD900  }
0xb3: {  	_ = 	snop  }
.LBB2_20:
0xb4: {  	_ =	sfence.sel $0x180000  }
0xb5: {  	[bflag:$0x0] =	sbarrier.arrive $0xFFFF  }
0xb6: {  	_ =	strace $0x90000047  }
0xb7: {  	s0 =	stileid.u32;
	[bflag:$0x2] =	sbarrier.arrive $0xFFFF  }
0xb8: {  	p0 =	sne.s32 s0, $0x0;
	s0 =	rddreg [dreg:$0x4]  }
0xb9: {  	s0 =	sadd.s32 @!p0 $0x100000, s0  }
0xba: {  	[sflag:s0] =	ssyncadd.tile.s32 @!p0 $0x1;
	_ =	shalt  }
.Lfunc_end2:
_tile_overlayer_lowered:
.L_overlay_start_2:
0xbb: {  	(tag) =	ssettag $0x2  }
0xbc: {  	s0 =	rddreg [dreg:$0x0];
	s2 =	stileid.u32  }
0xbd: {  	s1 =	rddreg [dreg:$0x1];
	p0 =	sne.s32 s2, $0x0  }
0xbe: {  	s3 =	rddreg [dreg:$0x2];
	[bflag:$0x3] =	sbarrier.arrive $0xFFFF;
	s2 =	simm.s32 @!p0 $0x1C03  }
0xbf: {  	[timem:s3], [sflag:s2] =	dma.local @!p0 [hbm:s0], s1  }
0xc0: {  	s0 =	simm.s32 @!p0 $0x3  }
0xc1: {  	_ =	swait.ge @!p0 [sflag:s0], s1  }
0xc2: {  	s1 =	ssub.s32 @!p0 $0x0, s1;
	[sflag:s0] =	ssyncset.done @!p0 $0x0  }
0xc3: {  	[sflag:s0] =	ssyncadd.s32 @!p0 s1  }
0xc4: {  	[bflag:$0x3] =	sbarrier.arrive $0xFFFF  }
0xc5: {  	_ =	shalt  }

// kernel: kernel.13.cloned.1.call-start
scs
__scs_entry_jumppad:
0x0: {  	(pc) =	sbr.rel $0x88, $3  }
0x1: {  	(tag) =	ssettag $0x0;
	lr =	simm.s32 $0x1  }
0x2: {  	[smem:$0x3F91] =	sst lr;
	_ =	strace $0xD0000000  }
0x3: {  	_ = 	snop  }
0x4: {  	_ = 	snop  }
0x5: {  	_ = 	snop  }
0x6: {  	_ = 	snop  }
0x7: {  	_ = 	snop  }
__scs_overlays_trampoline_lowered:
0x8: {  	[smem:$0x3FA0] =	sst s0  }
0x9: {  	[smem:$0x3FA1] =	sst s1  }
0xa: {  	[smem:$0x3FA2] =	sst s2  }
0xb: {  	[smem:$0x3FA3] =	sst s3  }
0xc: {  	[smem:$0x3FA4] =	sst s4  }
0xd: {  	[smem:$0x3FA5] =	sst s5  }
0xe: {  	[smem:$0x3FA6] =	sst s6  }
0xf: {  	[smem:$0x3FA7] =	sst s7  }
0x10: {  	[smem:$0x3FA8] =	sst s8  }
0x11: {  	[smem:$0x3FA9] =	sst s9;
	s0 =	simm.s32 @!p0 $0x0  }
0x12: {  	s1 =	sld [smem:$0x3F8F];
	s0 =	simm.s32 @p0 $0x1  }
0x13: {  	[smem:$0x3FAA] =	sst s0;
	s0 =	simm.s32 @!p1 $0x0  }
0x14: {  	s2 =	sld [smem:$0x3F8E];
	s0 =	simm.s32 @p1 $0x1  }
0x15: {  	[smem:$0x3FAB] =	sst s0;
	s0 =	simm.s32 @!p2 $0x0  }
0x16: {  	s3 =	sld [smem:$0x3FDB];
	s0 =	simm.s32 @p2 $0x1  }
0x17: {  	s4 =	simm.s32 $0x1BF5;
	[smem:$0x3FAD] =	sst s0  }
0x18: {  	s0 =	sld [smem:$0x3F90];
	_ =	swait.ge [sflag:s4], $0x0  }
0x19: {  	s7 =	sld [smem:$0x3F91]  }
0x1a: {  	s8 =	sadd.s32 $0xFFFFE003, lr  }
0x1b: {  	s9 =	sadd.s32 $0xFFFFFEF7, lr;
	s5 =	simm.s32 $0xFFFFFFFF;
	p2 =	slt.u32 s8, $0xFFFFF086  }
0x1c: {  	p1 =	slt.u32 s9, $0xF7A;
	s5 =	simm.s32 @!p2 $0x0  }
0x1d: {  	s5 =	simm.s32 @p1 $0x1;
	p0 =	seq.s32 s7, s2  }
0x1e: {  	s7 =	smul.u32 @!p0 $0xF7A, s2;
	p2 =	seq.s32 @!p0 s5, $0x0  }
0x1f: {  	s9 =	smul.u32 $0xF7A, s1;
	s8 =	simm.s32 @!p0 $0x1BF5;
	p2 =	por !p2, p0  }
0x20: {  	[sflag:s8] =	ssyncset.s32 @!p0 $0xFFFFF086;
	s6 =	sadd.s32 @!p0 s3, s7;
	s7 =	simm.s32 @!p0 $0x108  }
0x21: {  	s3 =	sadd.s32 s3, s9;
	s6 =	sadd.s32 @!p0 $0x88, s6;
	s7 =	simm.s32 @p2 $0x1082  }
0x22: {  	[simem:s7], [sflag:s8] =	dma.local @!p0 [hbm:s6], $0xF7A  }
0x23: {  	s9 =	sor.u32 $0xD0000000, s2;
	s6 =	simm.s32 $0x108;
	_ =	swait.ge @!p0 [sflag:s8], $0x0  }
0x24: {  	s3 =	sadd.s32 $0x88, s3;
	s6 =	simm.s32 @!p1 $0x1082;
	[sflag:s4] =	ssyncset.s32 $0xFFFFF086  }
0x25: {  	[simem:s6], [sflag:s4] =	dma.local [hbm:s3], $0xF7A  }
0x26: {  	[smem:$0x3F91] =	sst s1;
	(tag) =	ssettag s2;
	_ =	strace s9  }
0x27: {  	s1 =	sld [smem:$0x3FA1]  }
0x28: {  	s2 =	sld [smem:$0x3FA2]  }
0x29: {  	s4 =	sld [smem:$0x3FA4]  }
0x2a: {  	p0 =	seq.s32 s5, $0x0;
	s5 =	sld [smem:$0x3FA5]  }
0x2b: {  	s6 =	sld [smem:$0x3FA6]  }
0x2c: {  	s7 =	sld [smem:$0x3FA7]  }
0x2d: {  	s3 =	simm.s32 $0x108;
	s8 =	sld [smem:$0x3FA8]  }
0x2e: {  	s3 =	simm.s32 @!p0 $0x1082;
	s9 =	sld [smem:$0x3FA9]  }
0x2f: {  	lr =	sadd.s32 s0, s3;
	s0 =	sld [smem:$0x3FA0]  }
0x30: {  	s3 =	sld [smem:$0x3FA3]  }
0x31: {  	[smem:$0x3FAC] =	sst s10  }
0x32: {  	s10 =	sld [smem:$0x3FAA];
	_ =	sdelay $0x3  }
0x33: {  	p0 =	seq.s32 s10, $0x1;
	s10 =	sld [smem:$0x3FAC];
	_ =	sdelay $0x3  }
0x34: {  	[smem:$0x3FAC] =	sst s10  }
0x35: {  	s10 =	sld [smem:$0x3FAB];
	_ =	sdelay $0x3  }
0x36: {  	p1 =	seq.s32 s10, $0x1;
	s10 =	sld [smem:$0x3FAC];
	_ =	sdelay $0x3  }
0x37: {  	[smem:$0x3FAC] =	sst s10  }
0x38: {  	s10 =	sld [smem:$0x3FAD]  }
0x39: {  	_ = 	snop;
	(pc) =	sbr.ind lr, $3  }
0x3a: {  	_ = 	snop  }
0x3b: {  	_ = 	snop  }
0x3c: {  	p2 =	seq.s32 s10, $0x1;
	s10 =	sld [smem:$0x3FAC]  }
0x3d: {  	_ =	shalt  }
0x3e: {  	_ =	shalt  }
0x3f: {  	_ =	shalt  }
0x40: {  	_ =	shalt  }
0x41: {  	_ =	shalt  }
0x42: {  	_ =	shalt  }
0x43: {  	_ =	shalt  }
0x44: {  	_ =	shalt  }
0x45: {  	_ =	shalt  }
0x46: {  	_ =	shalt  }
0x47: {  	_ =	shalt  }
0x48: {  	_ =	shalt  }
0x49: {  	_ =	shalt  }
0x4a: {  	_ =	shalt  }
0x4b: {  	_ =	shalt  }
0x4c: {  	_ =	shalt  }
0x4d: {  	_ =	shalt  }
0x4e: {  	_ =	shalt  }
0x4f: {  	_ =	shalt  }
0x50: {  	_ =	shalt  }
0x51: {  	_ =	shalt  }
0x52: {  	_ =	shalt  }
0x53: {  	_ =	shalt  }
0x54: {  	_ =	shalt  }
0x55: {  	_ =	shalt  }
0x56: {  	_ =	shalt  }
0x57: {  	_ =	shalt  }
0x58: {  	_ =	shalt  }
0x59: {  	_ =	shalt  }
0x5a: {  	_ =	shalt  }
0x5b: {  	_ =	shalt  }
0x5c: {  	_ =	shalt  }
0x5d: {  	_ =	shalt  }
0x5e: {  	_ =	shalt  }
0x5f: {  	_ =	shalt  }
0x60: {  	_ =	shalt  }
0x61: {  	_ =	shalt  }
0x62: {  	_ =	shalt  }
0x63: {  	_ =	shalt  }
0x64: {  	_ =	shalt  }
0x65: {  	_ =	shalt  }
0x66: {  	_ =	shalt  }
0x67: {  	_ =	shalt  }
0x68: {  	_ =	shalt  }
0x69: {  	_ =	shalt  }
0x6a: {  	_ =	shalt  }
0x6b: {  	_ =	shalt  }
0x6c: {  	_ =	shalt  }
0x6d: {  	_ =	shalt  }
0x6e: {  	_ =	shalt  }
0x6f: {  	_ =	shalt  }
0x70: {  	_ =	shalt  }
0x71: {  	_ =	shalt  }
0x72: {  	_ =	shalt  }
0x73: {  	_ =	shalt  }
0x74: {  	_ =	shalt  }
0x75: {  	_ =	shalt  }
0x76: {  	_ =	shalt  }
0x77: {  	_ =	shalt  }
0x78: {  	_ =	shalt  }
0x79: {  	_ =	shalt  }
0x7a: {  	_ =	shalt  }
0x7b: {  	_ =	shalt  }
0x7c: {  	_ =	shalt  }
0x7d: {  	_ =	shalt  }
0x7e: {  	_ =	shalt  }
0x7f: {  	_ =	shalt  }
0x80: {  	_ =	shalt  }
0x81: {  	_ =	shalt  }
0x82: {  	_ =	shalt  }
0x83: {  	_ =	shalt  }
0x84: {  	_ =	shalt  }
0x85: {  	_ =	shalt  }
0x86: {  	_ =	shalt  }
0x87: {  	_ =	shalt  }
.Lfunc_end0:
.L_simem_size_0:
called_computation.1_lowered:
.L_overlay_start_0:
0x88: {  	s2 =	sld [smem:$0x3FD9]  }
0x89: {  	s3 =	sld [smem:$0x3FFE];
	_ =	sdelay $0x1  }
0x8a: {  	s1 =	srdreg.scid  }
0x8b: {  	s0 =	sand.u32 $0x1, s1  }
0x8c: {  	s14 =	sshll.u32 s0, $0xA;
	s2 =	sadd.s32 s3, s2  }
0x8d: {  	s2 =	sadd.s32 s2, s14  }
0x8e: {  	[smem:$0x3FB8] =	sst s2  }
0x8f: {  	_ = 	snop  }
0x90: {  	s2 =	sld [smem:$0x3FD0];
	_ =	sdelay $0x2  }
0x91: {  	s15 =	simm.s32 $0xA;
	s4 =	simm.s32 $0x10  }
0x92: {  	[smem:s4], [sflag:s15] =	dma.local [hbm:s2], $0x1  }
0x93: {  	_ =	swait.eq [sflag:s15], $0x1  }
0x94: {  	[sflag:s15] =	ssyncset.done $0x0  }
0x95: {  	s16 =	sld [smem:$0x10];
	[sflag:s15] =	ssyncadd.s32 $0xFFFFFFFF  }
0x96: {  	s17 =	sld [smem:$0x11];
	(tm) =	ssettm $0x1  }
0x97: {  	s18 =	sld [smem:$0x3FFB];
	_ =	sdelay $0x3  }
0x98: {  	_ =	strace s18  }
0x99: {  	s4 =	sld [smem:$0x3FFC];
	_ =	sdelay $0x3  }
0x9a: {  	_ =	strace s4  }
0x9b: {  	s4 =	sld [smem:$0x3FFD];
	_ =	sdelay $0x3  }
0x9c: {  	_ =	strace s4  }
0x9d: {  	_ =	strace $0x8FFFFFFF  }
0x9e: {  	s19 =	sld [smem:$0x3FDB];
	_ =	sdelay $0x1  }
0x9f: {  	s5 =	simm.s32 $_scs_section_size  }
0xa0: {  	s6 =	simm.s32 $_size__tile_overlayer_lowered;
	s7 =	simm.s32 $_tile_overlayer_lowered  }
0xa1: {  	s22 =	simm.s32 $0x1BFF;
	s21 =	sshll.u32 s7, $0x1;
	s4 =	sadd.s32 s5, s19  }
0xa2: {  	s8 =	simm.s32 $0x0;
	s20 =	sshll.u32 s6, $0x1;
	s6 =	sadd.s32 s21, s4  }
0xa3: {  	[timem:s8], [sflag:s22] =	dma.local [hbm:s6], s20  }
0xa4: {  	_ =	swait.ge [sflag:s22], s20  }
0xa5: {  	s5 =	ssub.s32 $0x0, s20;
	[sflag:s22] =	ssyncset.done $0x0  }
0xa6: {  	[sflag:s22] =	ssyncadd.s32 s5;
	_ =	sdelay $0x1  }
0xa7: {  	s23 =	simm.s32 $0x1B8B  }
0xa8: {  	_ =	swait.ge [sflag:s23], $0x1  }
0xa9: {  	[sflag:s23] =	ssyncset.done $0x0  }
0xaa: {  	s25 =	simm.s32 $0x1B8E;
	s24 =	sld [smem:$0x3FFE];
	[sflag:s23] =	ssyncadd.s32 $0xFFFFFFFF  }
0xab: {  	s26 =	simm.s32 $execute0_lowered;
	[smem:$0x3FD2] =	sst s25  }
0xac: {  	s6 =	sshll.u32 s26, $0x1;
	_ =	strace $0x80000049;
	[dreg:$0x1] =	wrdreg $0xFFFFFFFF  }
0xad: {  	s28 =	simm.s32 $_size_execute0_lowered;
	s4 =	sadd.s32 s4, s6;
	[dreg:$0x0] =	wrdreg $0x0  }
0xae: {  	s6 =	sshll.u32 s28, $0x1;
	[dreg:$0x2] =	wrdreg s4  }
0xaf: {  	[dreg:$0x3] =	wrdreg s6  }
0xb0: {  	[dreg:$0x4] =	wrdreg $0xC0  }
0xb1: {  	_ =	task [dreg:s8], $0x5FFFF  }
0xb2: {  	[dreg:$0x1] =	wrdreg $0xFFFFFFFF  }
0xb3: {  	[dreg:$0x0] =	wrdreg $0x60  }
0xb4: {  	[dreg:$0x2] =	wrdreg s24  }
0xb5: {  	[dreg:$0x3] =	wrdreg s17  }
0xb6: {  	[dreg:$0x4] =	wrdreg s16  }
0xb7: {  	[dreg:$0x5] =	wrdreg $0xA8000  }
0xb8: {  	[dreg:$0x6] =	wrdreg $0x9  }
0xb9: {  	_ =	task.clear_ibuf [dreg:s8], $0x7FFFF;
	_ =	strace $0x90000049  }
0xba: {  	s29 =	simm.s32 $0x9;
	_ =	strace $0x8000004B  }
0xbb: {  	_ =	swait.ge [sflag:s29], $0x1  }
0xbc: {  	[sflag:s29] =	ssyncadd.s32 $0xFFFFFFFF  }
0xbd: {  	_ =	strace $0x9000004B  }
0xbe: {  	_ =	sfence  }
0xbf: {  	s30 =	sld [smem:$0x0];
	_ =	sdelay $0x2  }
0xc0: {  	s31 =	sshll.u32 s1, $0xD;
	s1 =	sshrl.u32 s1, $0x2  }
0xc1: {  	s3 =	sand.u32 $0x4000, s31;
	s1 =	sadd.s32 s1, s30  }
0xc2: {  	s0 =	sor.u32 s3, s0;
	s1 =	sshll.u32 s1, $0x11  }
0xc3: {  	s0 =	sor.u32 s1, s0  }
0xc4: {  	s0 =	sadd.s32 $0x8F2B, s0  }
0xc5: {  	[sflag:s0] =	ssyncadd.remote.s32 $0x1  }
0xc6: {  	_ =	sfence.sel $0xFFFF  }
0xc7: {  	[dreg:$0x0] =	wrdreg $0xFFFFFFFF;
	(pc) =	sbr.abs _section_cstart, $3  }
0xc8: {  	[dreg:$0x1] =	wrdreg $0xFFFFFFFF  }
0xc9: {  	_ =	task.clear_ibuf [dreg:s8], $0x2FFFF;
	_ =	strace $0x9FFFFFFF  }
0xca: {  	(tm) =	ssettm $0x7FFFFFFF  }
0xcb: {  	_ =	shalt  }
tec
execute0_lowered:
.L_overlay_start_1:
0x0: {  	(tag) =	ssettag $0x1  }
0x1: {  	s0 =	rddreg [dreg:$0x0]  }
0x2: {  	s1 =	rddreg [dreg:$0x1]  }
0x3: {  	s2 =	rddreg [dreg:$0x2]  }
0x4: {  	s3 =	rddreg [dreg:$0x3];
	s4 =	simm.s32 $0x0;
	s6 =	srdreg.scid  }
0x5: {  	s11 =	stileid.u32;
	s20 =	simm.s32 $0x3;
	s22 =	simm.s32 $0x10  }
0x6: {  	s23 =	simm.s32 $0x800;
	s25 =	simm.s32 $0x1;
	s26 =	simm.s32 $0x80  }
0x7: {  	s31 =	simm.s32 $0x880;
	[smem:$0x7FF] =	sst s4;
	s5 =	sadd.s32 $0x68600, s0  }
0x8: {  	s7 =	sadd.s32 $0x8F800, s0;
	s8 =	sadd.s32 $0x54600, s0;
	s6 =	sand.u32 $0x1, s6  }
0x9: {  	s9 =	sadd.s32 $0x5E600, s0;
	s10 =	sadd.s32 $0xB6A00, s0;
	s15 =	smul.u32 $0x4E000, s11  }
0xa: {  	s18 =	sadd.s32 $0xB9200, s0;
	s12 =	sadd.s32 $0xE0400, s0;
	s30 =	sshll.u32 s11, $0x6  }
0xb: {  	s16 =	smul.u32 $0x2700, s11;
	p0 =	sne.s32 s11, $0xF;
	p2 =	seq.s32 s11, $0xF  }
0xc: {  	s0 =	simm.s32 $0x6800;
	_ =	strace $0x8000004A;
	s13 =	ssub.s32 $0x2, s6  }
0xd: {  	[dreg:$0x5] =	wrdreg s18;
	p1 =	sne.s32 s6, $0x0;
	s6 =	simm.s32 $0x2  }
.Ltmp0:
0xe: {  	s14 =	sshrl.u32 s13, $0x1;
	s29 =	sshrl.u32 s15, $0x2;
	(pc) =	sbr.rel .LBB2_1-.Ltmp0, $4  }
0xf: {  	s15 =	smul.u32 $0xA0, s11;
	s19 =	sadd.s32 s12, s16;
	s16 =	sadd.s32 s18, s16  }
0x10: {  	s28 =	ssub.s32 s13, s14;
	s17 =	sadd.s32 s29, s3;
	[dreg:$0x6] =	wrdreg s19  }
0x11: {  	s13 =	sor.u32 $0x1C03, s30;
	s14 =	sadd.s32 $0x138000, s3;
	[dreg:$0x7] =	wrdreg s16  }
0x12: {  	v0 =	vlaneseq.u32;
	s18 =	smax.u32 s28, $0x1;
	s19 =	sshrl.u32 s17, $0x3;
	s21 =	sshrl.u32 @!p0 s14, $0x3  }
.LBB2_18:
0x13: {  	s11 =	sadd.s32 $0x27000, s16;
	s30 =	sshrl.u32 s14, $0x3  }
0x14: {  	[hbm:s11], [sflag:s13] =	dma.local [spmem:s30], $0x100  }
0x15: {  	_ =	swait.ge [sflag:s20], $0x100  }
0x16: {  	[sflag:s20] =	ssyncset.done $0x0  }
0x17: {  	[sflag:s20] =	ssyncadd.s32 $0xFFFFFF00  }
.LBB2_19:
0x18: {  	s4 =	sadd.s32 $0x1, s4  }
0x19: {  	p3 =	sne.s32 s4, s18  }
.Ltmp1:
0x1a: {  	_ = 	snop;
	(pc) =	sbr.rel @!p3 .LBB2_20-.Ltmp1, $1  }
0x1b: {  	_ =	sdelay $0x3  }
.LBB2_1:
0x1c: {  	[spmem:s19], [sflag:s13] =	dma.local [hbm:s10], $0x2700  }
0x1d: {  	_ =	swait.ge [sflag:s20], $0x2700  }
0x1e: {  	[sflag:s20] =	ssyncset.done $0x0  }
0x1f: {  	s16 =	simm.s32 @!p0 $0x3;
	[sflag:s20] =	ssyncadd.s32 $0xFFFFD900  }
0x20: {  	[spmem:s21], [sflag:s13] =	dma.local @!p0 [hbm:s10], $0x200  }
.Ltmp2:
0x21: {  	_ =	swait.ge @!p0 [sflag:s16], $0x200;
	(pc) =	sbr.rel @p1 .LBB2_10-.Ltmp2, $4  }
0x22: {  	[sflag:s16] =	ssyncset.done @!p0 $0x0  }
0x23: {  	[sflag:s16] =	ssyncadd.s32 @!p0 $0xFFFFFE00  }
0x24: {  	[bflag:$0x0] =	sbarrier.arrive $0xFFFF  }
0x25: {  	v1 =	vor.u32 s15, v0;
	s24 =	simm.s32 $0x0;
	s17 =	smov.u32 s15;
	s16 =	simm.s32 $0x200  }
.LBB2_2:
0x26: {  	p3 =	sne.s32 s16, $0x1200  }
0x27: {  	[tilespmem:s24+$0x0] =	vst v1;
	s17 =	sadd.s32 $0x10, s17;
	s24 =	smov.u32 s16;
	s16 =	sadd.s32 $0x200, s16  }
.Ltmp3:
0x28: {  	(pc) =	sbr.rel @p3 .LBB2_2-.Ltmp3, $2  }
0x29: {  	_ =	sdelay $0x2  }
0x2a: {  	v1 =	vor.u32 s17, v0;
	s24 =	sshra.s32 s24, $0x2  }
0x2b: {  	[tilespmem:s24+$0x0] =	vst v1;
	s16 =	simm.s32 $0x0  }
0x2c: {  	[tilespmem:s23], [sflag:$0x1] =	stream.indirect.gather [hbm4b:s1+s22], $0x80, s16, s22, $0xb8;
	[tilespmem:$0x1E100] =	vst v63  }
0x2d: {  	s11 =	simm.s32 $0x1800  }
0x2e: {  	[tilespmem:s11], [sflag:$0x1] =	stream.indirect.gather [hbm4b:s2+s22], $0x80, s16, s22, $0xb8;
	[tilespmem:$0x1E100] =	vst v63  }
0x2f: {  	_ =	swait.ge [sflag:s25], $0x800  }
0x30: {  	[sflag:s25] =	ssyncset.done $0x0  }
0x31: {  	[sflag:s25] =	ssyncadd.s32 $0xFFFFF800  }
0x32: {  	_ =	swait.ge [sflag:s25], $0x800  }
0x33: {  	[sflag:s25] =	ssyncset.done $0x0  }
0x34: {  	s28 =	simm.s32 $0x1000;
	[sflag:s25] =	ssyncadd.s32 $0xFFFFF800  }
0x35: {  	[tilespmem:s28], [sflag:$0x1] =	stream.indirect.gather [hbm4b:s1+s22], $0x80, s26, s22, $0xb8;
	[tilespmem:$0x1E100] =	vst v63  }
0x36: {  	s29 =	simm.s32 $0x2000  }
0x37: {  	[tilespmem:s29], [sflag:$0x1] =	stream.indirect.gather [hbm4b:s2+s22], $0x80, s26, s22, $0xb8;
	[tilespmem:$0x1E100] =	vst v63  }
.Ltmp4:
0x38: {  	_ = 	snop;
	(pc) =	sbr.rel .LBB2_4-.Ltmp4, $4  }
0x39: {  	s30 =	simm.s32 $0x2800  }
0x3a: {  	[tilespmem:s30], [sflag:$0x2] =	stream.indirect.gather [hbm4b:s5+s26], $0x80, s23, s26, $0xb8;
	[tilespmem:$0x1E100] =	vst v63  }
0x3b: {  	s17 =	simm.s32 $0x400;
	s24 =	simm.s32 $0x0  }
0x3c: {  	[tilespmem:s0], [sflag:$0x2] =	stream.indirect.gather [hbm4b:s5+s26], $0x80, s31, s26, $0xb8;
	[tilespmem:$0x1E100] =	vst v63  }
.LBB2_10:
0x3d: {  	p3 =	sne.s32 s16, $0x1200  }
0x3e: {  	[tilespmem:s24+$0x0] =	vst v1;
	s17 =	sadd.s32 $0x10, s17;
	s11 =	smov.u32 s16;
	s16 =	sadd.s32 $0x200, s16  }
.Ltmp5:
0x3f: {  	(pc) =	sbr.rel @p3 .LBB2_10-.Ltmp5, $2  }
0x40: {  	_ =	sdelay $0x2  }
0x41: {  	v1 =	vor.u32 s17, v0;
	s24 =	sshra.s32 s11, $0x2  }
0x42: {  	[tilespmem:s24+$0x0] =	vst v1;
	s16 =	simm.s32 $0x0  }
0x43: {  	[tilespmem:s23], [sflag:$0x1] =	stream.indirect.gather [hbm4b:s8+s22], $0x80, s16, s22, $0xb8;
	[tilespmem:$0x1E100] =	vst v63  }
0x44: {  	s11 =	simm.s32 $0x1800  }
0x45: {  	[tilespmem:s11], [sflag:$0x1] =	stream.indirect.gather [hbm4b:s9+s22], $0x80, s16, s22, $0xb8;
	[tilespmem:$0x1E100] =	vst v63  }
0x46: {  	_ =	swait.ge [sflag:s25], $0x800  }
0x47: {  	[sflag:s25] =	ssyncset.done $0x0  }
0x48: {  	[sflag:s25] =	ssyncadd.s32 $0xFFFFF800  }
0x49: {  	_ =	swait.ge [sflag:s25], $0x800  }
0x4a: {  	[sflag:s25] =	ssyncset.done $0x0  }
0x4b: {  	s28 =	simm.s32 $0x1000;
	[sflag:s25] =	ssyncadd.s32 $0xFFFFF800  }
0x4c: {  	[tilespmem:s28], [sflag:$0x1] =	stream.indirect.gather [hbm4b:s8+s22], $0x80, s26, s22, $0xb8;
	[tilespmem:$0x1E100] =	vst v63  }
0x4d: {  	s29 =	simm.s32 $0x2000  }
0x4e: {  	[tilespmem:s29], [sflag:$0x1] =	stream.indirect.gather [hbm4b:s9+s22], $0x80, s26, s22, $0xb8;
	[tilespmem:$0x1E100] =	vst v63  }
.Ltmp6:
0x4f: {  	_ = 	snop;
	(pc) =	sbr.rel .LBB2_12-.Ltmp6, $4  }
0x50: {  	s30 =	simm.s32 $0x2800  }
0x51: {  	[tilespmem:s30], [sflag:$0x2] =	stream.indirect.gather [hbm4b:s7+s26], $0x80, s23, s26, $0xb8;
	[tilespmem:$0x1E100] =	vst v63  }
0x52: {  	s17 =	simm.s32 $0x400;
	s24 =	simm.s32 $0x0  }
0x53: {  	[tilespmem:s0], [sflag:$0x2] =	stream.indirect.gather [hbm4b:s7+s26], $0x80, s31, s26, $0xb8;
	[tilespmem:$0x1E100] =	vst v63  }
.LBB2_5:
0x54: {  	_ =	swait.ge [sflag:s25], $0x800  }
0x55: {  	[sflag:s25] =	ssyncset.done $0x0  }
0x56: {  	[sflag:s25] =	ssyncadd.s32 $0xFFFFF800  }
0x57: {  	_ =	swait.ge [sflag:s25], $0x800  }
0x58: {  	[sflag:s25] =	ssyncset.done $0x0  }
0x59: {  	[sflag:s25] =	ssyncadd.s32 $0xFFFFF800  }
.LBB2_7:
0x5a: {  	s11 =	sand.u32 $0x3E00, s17  }
0x5b: {  	s11 =	sshrl.u32 s11, $0x2  }
0x5c: {  	s11 =	sadd.s32 $0x800, s11  }
0x5d: {  	[tilespmem:s28], [sflag:$0x2] =	stream.indirect.gather [hbm4b:s5+s26], $0x80, s11, s26, $0xb8;
	[tilespmem:$0x1E100] =	vst v63  }
.LBB2_8:
0x5e: {  	s11 =	sand.u32 $0x8F, s24  }
0x5f: {  	s28 =	sshrl.u32 s24, $0x4;
	p3 =	sne.s32 s11, $0xF  }
0x60: {  	s11 =	sshll.u32 @!p3 s28, $0xB;
	s28 =	sshll.u32 @!p3 s28, $0x7  }
0x61: {  	s11 =	sand.u32 @!p3 $0x800, s11;
	s28 =	sand.u32 @!p3 $0x3FFFFF80, s28  }
0x62: {  	s30 =	simm.s32 @!p3 $0x10;
	s29 =	sadd.s32 @!p3 $0x800, s11;
	s28 =	sadd.s32 @!p3 $0x100, s28  }
0x63: {  	[tilespmem:s29], [sflag:$0x1] =	stream.indirect.gather @!p3 [hbm4b:s1+s30], $0x80, s28, s30, $0xb8;
	[tilespmem:$0x1E100] =	vst v63  }
0x64: {  	s17 =	sadd.s32 $0x200, s17;
	s11 =	sadd.s32 @!p3 $0x1800, s11  }
0x65: {  	[tilespmem:s11], [sflag:$0x1] =	stream.indirect.gather @!p3 [hbm4b:s2+s30], $0x80, s28, s30, $0xb8;
	[tilespmem:$0x1E100] =	vst v63  }
0x66: {  	p3 =	sne.s32 s17, $0x14400  }
.Ltmp7:
0x67: {  	_ = 	snop;
	(pc) =	sbr.rel @!p3 .LBB2_9-.Ltmp7, $2  }
0x68: {  	_ =	sdelay $0x2  }
0x69: {  	s24 =	sadd.s32 $0x1, s24;
	s16 =	sadd.s32 $0x10000, s16  }
.LBB2_4:
0x6a: {  	s29 =	sand.u32 $0xF, s24  }
0x6b: {  	_ =	swait.ge [sflag:s6], $0x4000;
	s28 =	sshll.u32 s24, $0x7;
	s30 =	sand.u32 $0x10000, s16  }
0x6c: {  	p3 =	sgt.u32 s24, $0x8F;
	s28 =	sand.u32 $0x800, s28;
	s11 =	sshll.u32 s29, $0x7  }
0x6d: {  	[sflag:s6] =	ssyncset.done $0x0;
	s30 =	sshrl.u32 s30, $0x2;
	p4 =	sne.s32 @!p3 s29, $0xE  }
0x6e: {  	s11 =	sor.u32 s11, s28;
	[sflag:s6] =	ssyncadd.s32 $0xFFFFC000;
	p3 =	por p3, p4  }
.Ltmp8:
0x6f: {  	s28 =	sor.u32 $0x2800, s30;
	s11 =	sadd.s32 $0x1800, s11;
	(pc) =	sbr.rel @!p3 .LBB2_5-.Ltmp8, $4  }
0x70: {  	[spmem:s3] =	stream.indirect.scatter.add.f32 [tilespmem:s28], [sflag:$0x3], $0x80, s11, s26, $0xb8;
	[tilespmem:$0x1E100] =	vst v63  }
0x71: {  	_ =	swait.ge [sflag:s20], $0x4000  }
0x72: {  	[sflag:s20] =	ssyncset.done $0x0  }
0x73: {  	[sflag:s20] =	ssyncadd.s32 $0xFFFFC000  }
0x74: {  	p3 =	sgt.u32 s24, $0x9D  }
.Ltmp9:
0x75: {  	_ = 	snop;
	(pc) =	sbr.rel @p3 .LBB2_8-.Ltmp9, $4  }
.Ltmp10:
0x76: {  	_ = 	snop;
	(pc) =	sbr.rel @!p3 .LBB2_7-.Ltmp10, $4  }
0x77: {  	_ = 	snop  }
0x78: {  	_ = 	snop  }
0x79: {  	_ = 	snop  }
0x7a: {  	_ = 	snop  }
.LBB2_13:
0x7b: {  	_ =	swait.ge [sflag:s25], $0x800  }
0x7c: {  	[sflag:s25] =	ssyncset.done $0x0  }
0x7d: {  	[sflag:s25] =	ssyncadd.s32 $0xFFFFF800  }
0x7e: {  	_ =	swait.ge [sflag:s25], $0x800  }
0x7f: {  	[sflag:s25] =	ssyncset.done $0x0  }
0x80: {  	[sflag:s25] =	ssyncadd.s32 $0xFFFFF800  }
.LBB2_15:
0x81: {  	s11 =	sand.u32 $0x3E00, s17  }
0x82: {  	s11 =	sshrl.u32 s11, $0x2  }
0x83: {  	s11 =	sadd.s32 $0x800, s11  }
0x84: {  	[tilespmem:s28], [sflag:$0x2] =	stream.indirect.gather [hbm4b:s7+s26], $0x80, s11, s26, $0xb8;
	[tilespmem:$0x1E100] =	vst v63  }
.LBB2_16:
0x85: {  	s11 =	sand.u32 $0x8F, s24  }
0x86: {  	s28 =	sshrl.u32 s24, $0x4;
	p3 =	sne.s32 s11, $0xF  }
0x87: {  	s11 =	sshll.u32 @!p3 s28, $0xB;
	s28 =	sshll.u32 @!p3 s28, $0x7  }
0x88: {  	s11 =	sand.u32 @!p3 $0x800, s11;
	s28 =	sand.u32 @!p3 $0x3FFFFF80, s28  }
0x89: {  	s30 =	simm.s32 @!p3 $0x10;
	s29 =	sadd.s32 @!p3 $0x800, s11;
	s28 =	sadd.s32 @!p3 $0x100, s28  }
0x8a: {  	[tilespmem:s29], [sflag:$0x1] =	stream.indirect.gather @!p3 [hbm4b:s8+s30], $0x80, s28, s30, $0xb8;
	[tilespmem:$0x1E100] =	vst v63  }
0x8b: {  	s17 =	sadd.s32 $0x200, s17;
	s11 =	sadd.s32 @!p3 $0x1800, s11  }
0x8c: {  	[tilespmem:s11], [sflag:$0x1] =	stream.indirect.gather @!p3 [hbm4b:s9+s30], $0x80, s28, s30, $0xb8;
	[tilespmem:$0x1E100] =	vst v63  }
0x8d: {  	p3 =	sne.s32 s17, $0x14400  }
.Ltmp11:
0x8e: {  	_ = 	snop;
	(pc) =	sbr.rel @!p3 .LBB2_17-.Ltmp11, $2  }
0x8f: {  	_ =	sdelay $0x2  }
0x90: {  	s24 =	sadd.s32 $0x1, s24;
	s16 =	sadd.s32 $0x10000, s16  }
.LBB2_12:
0x91: {  	s11 =	sand.u32 $0xF, s24  }
0x92: {  	_ =	swait.ge [sflag:s6], $0x4000;
	s28 =	sshll.u32 s24, $0x7;
	s29 =	sand.u32 $0x10000, s16  }
0x93: {  	p3 =	sgt.u32 s24, $0x8F;
	s28 =	sand.u32 $0x800, s28;
	s30 =	sshll.u32 s11, $0x7  }
0x94: {  	[sflag:s6] =	ssyncset.done $0x0;
	s29 =	sshrl.u32 s29, $0x2;
	p4 =	sne.s32 @!p3 s11, $0xE  }
0x95: {  	s30 =	sor.u32 s30, s28;
	[sflag:s6] =	ssyncadd.s32 $0xFFFFC000;
	p3 =	por p3, p4  }
.Ltmp12:
0x96: {  	s28 =	sor.u32 $0x2800, s29;
	s30 =	sadd.s32 $0x1800, s30;
	(pc) =	sbr.rel @!p3 .LBB2_13-.Ltmp12, $4  }
0x97: {  	[spmem:s3] =	stream.indirect.scatter.add.f32 [tilespmem:s28], [sflag:$0x3], $0x80, s30, s26, $0xb8;
	[tilespmem:$0x1E100] =	vst v63  }
0x98: {  	_ =	swait.ge [sflag:s20], $0x4000  }
0x99: {  	[sflag:s20] =	ssyncset.done $0x0  }
0x9a: {  	[sflag:s20] =	ssyncadd.s32 $0xFFFFC000  }
0x9b: {  	p3 =	sgt.u32 s24, $0x9D  }
.Ltmp13:
0x9c: {  	_ = 	snop;
	(pc) =	sbr.rel @p3 .LBB2_16-.Ltmp13, $4  }
.Ltmp14:
0x9d: {  	_ = 	snop;
	(pc) =	sbr.rel @!p3 .LBB2_15-.Ltmp14, $4  }
0x9e: {  	_ = 	snop  }
0x9f: {  	_ = 	snop  }
0xa0: {  	_ = 	snop  }
0xa1: {  	_ = 	snop  }
.LBB2_9:
0xa2: {  	[bflag:$0x0] =	sbarrier.arrive $0xFFFF  }
0xa3: {  	s11 =	rddreg [dreg:$0x7]  }
0xa4: {  	[hbm:s11], [sflag:s13] =	dma.local [spmem:s19], $0x2700  }
.Ltmp15:
0xa5: {  	_ = 	snop;
	(pc) =	sbr.rel @p2 .LBB2_18-.Ltmp15, $4  }
.Ltmp16:
0xa6: {  	_ = 	snop;
	(pc) =	sbr.rel @!p2 .LBB2_19-.Ltmp16, $4  }
0xa7: {  	_ =	swait.ge [sflag:s20], $0x2700  }
0xa8: {  	[sflag:s20] =	ssyncset.done $0x0  }
0xa9: {  	s16 =	rddreg [dreg:$0x5];
	[sflag:s20] =	ssyncadd.s32 $0xFFFFD900  }
0xaa: {  	_ = 	snop  }
.LBB2_17:
0xab: {  	[bflag:$0x0] =	sbarrier.arrive $0xFFFF  }
0xac: {  	s11 =	rddreg [dreg:$0x6]  }
0xad: {  	[hbm:s11], [sflag:s13] =	dma.local [spmem:s19], $0x2700  }
.Ltmp17:
0xae: {  	_ = 	snop;
	(pc) =	sbr.rel @p0 .LBB2_19-.Ltmp17, $4  }
.Ltmp18:
0xaf: {  	_ = 	snop;
	(pc) =	sbr.rel @!p0 .LBB2_18-.Ltmp18, $4  }
0xb0: {  	_ =	swait.ge [sflag:s20], $0x2700  }
0xb1: {  	[sflag:s20] =	ssyncset.done $0x0  }
0xb2: {  	s16 =	smov.u32 s12;
	[sflag:s20] =	ssyncadd.s32 $0xFFFFD900  }
0xb3: {  	_ = 	snop  }
.LBB2_20:
0xb4: {  	_ =	sfence.sel $0x180000  }
0xb5: {  	[bflag:$0x0] =	sbarrier.arrive $0xFFFF  }
0xb6: {  	_ =	strace $0x9000004A  }
0xb7: {  	s0 =	stileid.u32;
	[bflag:$0x2] =	sbarrier.arrive $0xFFFF  }
0xb8: {  	p0 =	sne.s32 s0, $0x0;
	s0 =	rddreg [dreg:$0x4]  }
0xb9: {  	s0 =	sadd.s32 @!p0 $0x100000, s0  }
0xba: {  	[sflag:s0] =	ssyncadd.tile.s32 @!p0 $0x1;
	_ =	shalt  }
.Lfunc_end2:
_tile_overlayer_lowered:
.L_overlay_start_2:
0xbb: {  	(tag) =	ssettag $0x2  }
0xbc: {  	s0 =	rddreg [dreg:$0x0];
	s2 =	stileid.u32  }
0xbd: {  	s1 =	rddreg [dreg:$0x1];
	p0 =	sne.s32 s2, $0x0  }
0xbe: {  	s3 =	rddreg [dreg:$0x2];
	[bflag:$0x3] =	sbarrier.arrive $0xFFFF;
	s2 =	simm.s32 @!p0 $0x1C03  }
0xbf: {  	[timem:s3], [sflag:s2] =	dma.local @!p0 [hbm:s0], s1  }
0xc0: {  	s0 =	simm.s32 @!p0 $0x3  }
0xc1: {  	_ =	swait.ge @!p0 [sflag:s0], s1  }
0xc2: {  	s1 =	ssub.s32 @!p0 $0x0, s1;
	[sflag:s0] =	ssyncset.done @!p0 $0x0  }
0xc3: {  	[sflag:s0] =	ssyncadd.s32 @!p0 s1  }
0xc4: {  	[bflag:$0x3] =	sbarrier.arrive $0xFFFF  }
0xc5: {  	_ =	shalt  }

// kernel: kernel.16.cloned.1.call-start
scs
__scs_entry_jumppad:
0x0: {  	(pc) =	sbr.rel $0x88, $3  }
0x1: {  	(tag) =	ssettag $0x0;
	lr =	simm.s32 $0x1  }
0x2: {  	[smem:$0x3F91] =	sst lr;
	_ =	strace $0xD0000000  }
0x3: {  	_ = 	snop  }
0x4: {  	_ = 	snop  }
0x5: {  	_ = 	snop  }
0x6: {  	_ = 	snop  }
0x7: {  	_ = 	snop  }
__scs_overlays_trampoline_lowered:
0x8: {  	[smem:$0x3FA0] =	sst s0  }
0x9: {  	[smem:$0x3FA1] =	sst s1  }
0xa: {  	[smem:$0x3FA2] =	sst s2  }
0xb: {  	[smem:$0x3FA3] =	sst s3  }
0xc: {  	[smem:$0x3FA4] =	sst s4  }
0xd: {  	[smem:$0x3FA5] =	sst s5  }
0xe: {  	[smem:$0x3FA6] =	sst s6  }
0xf: {  	[smem:$0x3FA7] =	sst s7  }
0x10: {  	[smem:$0x3FA8] =	sst s8  }
0x11: {  	[smem:$0x3FA9] =	sst s9;
	s0 =	simm.s32 @!p0 $0x0  }
0x12: {  	s1 =	sld [smem:$0x3F8F];
	s0 =	simm.s32 @p0 $0x1  }
0x13: {  	[smem:$0x3FAA] =	sst s0;
	s0 =	simm.s32 @!p1 $0x0  }
0x14: {  	s2 =	sld [smem:$0x3F8E];
	s0 =	simm.s32 @p1 $0x1  }
0x15: {  	[smem:$0x3FAB] =	sst s0;
	s0 =	simm.s32 @!p2 $0x0  }
0x16: {  	s3 =	sld [smem:$0x3FDB];
	s0 =	simm.s32 @p2 $0x1  }
0x17: {  	s4 =	simm.s32 $0x1BF5;
	[smem:$0x3FAD] =	sst s0  }
0x18: {  	s0 =	sld [smem:$0x3F90];
	_ =	swait.ge [sflag:s4], $0x0  }
0x19: {  	s7 =	sld [smem:$0x3F91]  }
0x1a: {  	s8 =	sadd.s32 $0xFFFFE003, lr  }
0x1b: {  	s9 =	sadd.s32 $0xFFFFFEF7, lr;
	s5 =	simm.s32 $0xFFFFFFFF;
	p2 =	slt.u32 s8, $0xFFFFF086  }
0x1c: {  	p1 =	slt.u32 s9, $0xF7A;
	s5 =	simm.s32 @!p2 $0x0  }
0x1d: {  	s5 =	simm.s32 @p1 $0x1;
	p0 =	seq.s32 s7, s2  }
0x1e: {  	s7 =	smul.u32 @!p0 $0xF7A, s2;
	p2 =	seq.s32 @!p0 s5, $0x0  }
0x1f: {  	s9 =	smul.u32 $0xF7A, s1;
	s8 =	simm.s32 @!p0 $0x1BF5;
	p2 =	por !p2, p0  }
0x20: {  	[sflag:s8] =	ssyncset.s32 @!p0 $0xFFFFF086;
	s6 =	sadd.s32 @!p0 s3, s7;
	s7 =	simm.s32 @!p0 $0x108  }
0x21: {  	s3 =	sadd.s32 s3, s9;
	s6 =	sadd.s32 @!p0 $0x88, s6;
	s7 =	simm.s32 @p2 $0x1082  }
0x22: {  	[simem:s7], [sflag:s8] =	dma.local @!p0 [hbm:s6], $0xF7A  }
0x23: {  	s9 =	sor.u32 $0xD0000000, s2;
	s6 =	simm.s32 $0x108;
	_ =	swait.ge @!p0 [sflag:s8], $0x0  }
0x24: {  	s3 =	sadd.s32 $0x88, s3;
	s6 =	simm.s32 @!p1 $0x1082;
	[sflag:s4] =	ssyncset.s32 $0xFFFFF086  }
0x25: {  	[simem:s6], [sflag:s4] =	dma.local [hbm:s3], $0xF7A  }
0x26: {  	[smem:$0x3F91] =	sst s1;
	(tag) =	ssettag s2;
	_ =	strace s9  }
0x27: {  	s1 =	sld [smem:$0x3FA1]  }
0x28: {  	s2 =	sld [smem:$0x3FA2]  }
0x29: {  	s4 =	sld [smem:$0x3FA4]  }
0x2a: {  	p0 =	seq.s32 s5, $0x0;
	s5 =	sld [smem:$0x3FA5]  }
0x2b: {  	s6 =	sld [smem:$0x3FA6]  }
0x2c: {  	s7 =	sld [smem:$0x3FA7]  }
0x2d: {  	s3 =	simm.s32 $0x108;
	s8 =	sld [smem:$0x3FA8]  }
0x2e: {  	s3 =	simm.s32 @!p0 $0x1082;
	s9 =	sld [smem:$0x3FA9]  }
0x2f: {  	lr =	sadd.s32 s0, s3;
	s0 =	sld [smem:$0x3FA0]  }
0x30: {  	s3 =	sld [smem:$0x3FA3]  }
0x31: {  	[smem:$0x3FAC] =	sst s10  }
0x32: {  	s10 =	sld [smem:$0x3FAA];
	_ =	sdelay $0x3  }
0x33: {  	p0 =	seq.s32 s10, $0x1;
	s10 =	sld [smem:$0x3FAC];
	_ =	sdelay $0x3  }
0x34: {  	[smem:$0x3FAC] =	sst s10  }
0x35: {  	s10 =	sld [smem:$0x3FAB];
	_ =	sdelay $0x3  }
0x36: {  	p1 =	seq.s32 s10, $0x1;
	s10 =	sld [smem:$0x3FAC];
	_ =	sdelay $0x3  }
0x37: {  	[smem:$0x3FAC] =	sst s10  }
0x38: {  	s10 =	sld [smem:$0x3FAD]  }
0x39: {  	_ = 	snop;
	(pc) =	sbr.ind lr, $3  }
0x3a: {  	_ = 	snop  }
0x3b: {  	_ = 	snop  }
0x3c: {  	p2 =	seq.s32 s10, $0x1;
	s10 =	sld [smem:$0x3FAC]  }
0x3d: {  	_ =	shalt  }
0x3e: {  	_ =	shalt  }
0x3f: {  	_ =	shalt  }
0x40: {  	_ =	shalt  }
0x41: {  	_ =	shalt  }
0x42: {  	_ =	shalt  }
0x43: {  	_ =	shalt  }
0x44: {  	_ =	shalt  }
0x45: {  	_ =	shalt  }
0x46: {  	_ =	shalt  }
0x47: {  	_ =	shalt  }
0x48: {  	_ =	shalt  }
0x49: {  	_ =	shalt  }
0x4a: {  	_ =	shalt  }
0x4b: {  	_ =	shalt  }
0x4c: {  	_ =	shalt  }
0x4d: {  	_ =	shalt  }
0x4e: {  	_ =	shalt  }
0x4f: {  	_ =	shalt  }
0x50: {  	_ =	shalt  }
0x51: {  	_ =	shalt  }
0x52: {  	_ =	shalt  }
0x53: {  	_ =	shalt  }
0x54: {  	_ =	shalt  }
0x55: {  	_ =	shalt  }
0x56: {  	_ =	shalt  }
0x57: {  	_ =	shalt  }
0x58: {  	_ =	shalt  }
0x59: {  	_ =	shalt  }
0x5a: {  	_ =	shalt  }
0x5b: {  	_ =	shalt  }
0x5c: {  	_ =	shalt  }
0x5d: {  	_ =	shalt  }
0x5e: {  	_ =	shalt  }
0x5f: {  	_ =	shalt  }
0x60: {  	_ =	shalt  }
0x61: {  	_ =	shalt  }
0x62: {  	_ =	shalt  }
0x63: {  	_ =	shalt  }
0x64: {  	_ =	shalt  }
0x65: {  	_ =	shalt  }
0x66: {  	_ =	shalt  }
0x67: {  	_ =	shalt  }
0x68: {  	_ =	shalt  }
0x69: {  	_ =	shalt  }
0x6a: {  	_ =	shalt  }
0x6b: {  	_ =	shalt  }
0x6c: {  	_ =	shalt  }
0x6d: {  	_ =	shalt  }
0x6e: {  	_ =	shalt  }
0x6f: {  	_ =	shalt  }
0x70: {  	_ =	shalt  }
0x71: {  	_ =	shalt  }
0x72: {  	_ =	shalt  }
0x73: {  	_ =	shalt  }
0x74: {  	_ =	shalt  }
0x75: {  	_ =	shalt  }
0x76: {  	_ =	shalt  }
0x77: {  	_ =	shalt  }
0x78: {  	_ =	shalt  }
0x79: {  	_ =	shalt  }
0x7a: {  	_ =	shalt  }
0x7b: {  	_ =	shalt  }
0x7c: {  	_ =	shalt  }
0x7d: {  	_ =	shalt  }
0x7e: {  	_ =	shalt  }
0x7f: {  	_ =	shalt  }
0x80: {  	_ =	shalt  }
0x81: {  	_ =	shalt  }
0x82: {  	_ =	shalt  }
0x83: {  	_ =	shalt  }
0x84: {  	_ =	shalt  }
0x85: {  	_ =	shalt  }
0x86: {  	_ =	shalt  }
0x87: {  	_ =	shalt  }
.Lfunc_end0:
.L_simem_size_0:
called_computation.2_lowered:
.L_overlay_start_0:
0x88: {  	s2 =	sld [smem:$0x3FD9]  }
0x89: {  	s3 =	sld [smem:$0x3FFE];
	_ =	sdelay $0x1  }
0x8a: {  	s1 =	srdreg.scid  }
0x8b: {  	s0 =	sand.u32 $0x1, s1  }
0x8c: {  	s14 =	sshll.u32 s0, $0xA;
	s2 =	sadd.s32 s3, s2  }
0x8d: {  	s2 =	sadd.s32 s2, s14  }
0x8e: {  	[smem:$0x3FB8] =	sst s2  }
0x8f: {  	_ = 	snop  }
0x90: {  	s2 =	sld [smem:$0x3FD0];
	_ =	sdelay $0x2  }
0x91: {  	s15 =	simm.s32 $0xA;
	s4 =	simm.s32 $0x10  }
0x92: {  	[smem:s4], [sflag:s15] =	dma.local [hbm:s2], $0x1  }
0x93: {  	_ =	swait.eq [sflag:s15], $0x1  }
0x94: {  	[sflag:s15] =	ssyncset.done $0x0  }
0x95: {  	s16 =	sld [smem:$0x10];
	[sflag:s15] =	ssyncadd.s32 $0xFFFFFFFF  }
0x96: {  	s17 =	sld [smem:$0x11];
	(tm) =	ssettm $0x1  }
0x97: {  	s18 =	sld [smem:$0x3FFB];
	_ =	sdelay $0x3  }
0x98: {  	_ =	strace s18  }
0x99: {  	s4 =	sld [smem:$0x3FFC];
	_ =	sdelay $0x3  }
0x9a: {  	_ =	strace s4  }
0x9b: {  	s4 =	sld [smem:$0x3FFD];
	_ =	sdelay $0x3  }
0x9c: {  	_ =	strace s4  }
0x9d: {  	_ =	strace $0x8FFFFFFF  }
0x9e: {  	s19 =	sld [smem:$0x3FDB];
	_ =	sdelay $0x1  }
0x9f: {  	s5 =	simm.s32 $_scs_section_size  }
0xa0: {  	s6 =	simm.s32 $_size__tile_overlayer_lowered;
	s7 =	simm.s32 $_tile_overlayer_lowered  }
0xa1: {  	s22 =	simm.s32 $0x1BFF;
	s21 =	sshll.u32 s7, $0x1;
	s4 =	sadd.s32 s5, s19  }
0xa2: {  	s8 =	simm.s32 $0x0;
	s20 =	sshll.u32 s6, $0x1;
	s6 =	sadd.s32 s21, s4  }
0xa3: {  	[timem:s8], [sflag:s22] =	dma.local [hbm:s6], s20  }
0xa4: {  	_ =	swait.ge [sflag:s22], s20  }
0xa5: {  	s5 =	ssub.s32 $0x0, s20;
	[sflag:s22] =	ssyncset.done $0x0  }
0xa6: {  	[sflag:s22] =	ssyncadd.s32 s5;
	_ =	sdelay $0x1  }
0xa7: {  	s23 =	simm.s32 $0x1B8B  }
0xa8: {  	_ =	swait.ge [sflag:s23], $0x1  }
0xa9: {  	[sflag:s23] =	ssyncset.done $0x0  }
0xaa: {  	s25 =	simm.s32 $0x1B8E;
	s24 =	sld [smem:$0x3FFE];
	[sflag:s23] =	ssyncadd.s32 $0xFFFFFFFF  }
0xab: {  	s26 =	simm.s32 $execute0_lowered;
	[smem:$0x3FD2] =	sst s25  }
0xac: {  	s6 =	sshll.u32 s26, $0x1;
	_ =	strace $0x8000004C;
	[dreg:$0x1] =	wrdreg $0xFFFFFFFF  }
0xad: {  	s28 =	simm.s32 $_size_execute0_lowered;
	s4 =	sadd.s32 s4, s6;
	[dreg:$0x0] =	wrdreg $0x0  }
0xae: {  	s6 =	sshll.u32 s28, $0x1;
	[dreg:$0x2] =	wrdreg s4  }
0xaf: {  	[dreg:$0x3] =	wrdreg s6  }
0xb0: {  	[dreg:$0x4] =	wrdreg $0xC0  }
0xb1: {  	_ =	task [dreg:s8], $0x5FFFF  }
0xb2: {  	[dreg:$0x1] =	wrdreg $0xFFFFFFFF  }
0xb3: {  	[dreg:$0x0] =	wrdreg $0x60  }
0xb4: {  	[dreg:$0x2] =	wrdreg s24  }
0xb5: {  	[dreg:$0x3] =	wrdreg s17  }
0xb6: {  	[dreg:$0x4] =	wrdreg s16  }
0xb7: {  	[dreg:$0x5] =	wrdreg $0xA8000  }
0xb8: {  	[dreg:$0x6] =	wrdreg $0x9  }
0xb9: {  	_ =	task.clear_ibuf [dreg:s8], $0x7FFFF;
	_ =	strace $0x9000004C  }
0xba: {  	s29 =	simm.s32 $0x9;
	_ =	strace $0x8000004E  }
0xbb: {  	_ =	swait.ge [sflag:s29], $0x1  }
0xbc: {  	[sflag:s29] =	ssyncadd.s32 $0xFFFFFFFF  }
0xbd: {  	_ =	strace $0x9000004E  }
0xbe: {  	_ =	sfence  }
0xbf: {  	s30 =	sld [smem:$0x0];
	_ =	sdelay $0x2  }
0xc0: {  	s31 =	sshll.u32 s1, $0xD;
	s1 =	sshrl.u32 s1, $0x2  }
0xc1: {  	s3 =	sand.u32 $0x4000, s31;
	s1 =	sadd.s32 s1, s30  }
0xc2: {  	s0 =	sor.u32 s3, s0;
	s1 =	sshll.u32 s1, $0x11  }
0xc3: {  	s0 =	sor.u32 s1, s0  }
0xc4: {  	s0 =	sadd.s32 $0x8F2B, s0  }
0xc5: {  	[sflag:s0] =	ssyncadd.remote.s32 $0x1  }
0xc6: {  	_ =	sfence.sel $0xFFFF  }
0xc7: {  	[dreg:$0x0] =	wrdreg $0xFFFFFFFF;
	(pc) =	sbr.abs _section_cstart, $3  }
0xc8: {  	[dreg:$0x1] =	wrdreg $0xFFFFFFFF  }
0xc9: {  	_ =	task.clear_ibuf [dreg:s8], $0x2FFFF;
	_ =	strace $0x9FFFFFFF  }
0xca: {  	(tm) =	ssettm $0x7FFFFFFF  }
0xcb: {  	_ =	shalt  }
tec
execute0_lowered:
.L_overlay_start_1:
0x0: {  	(tag) =	ssettag $0x1  }
0x1: {  	s0 =	rddreg [dreg:$0x0]  }
0x2: {  	s1 =	rddreg [dreg:$0x1]  }
0x3: {  	s2 =	rddreg [dreg:$0x2]  }
0x4: {  	s3 =	rddreg [dreg:$0x3];
	s4 =	simm.s32 $0x0;
	s6 =	srdreg.scid  }
0x5: {  	s11 =	stileid.u32;
	s20 =	simm.s32 $0x3;
	s22 =	simm.s32 $0x10  }
0x6: {  	s23 =	simm.s32 $0x800;
	s25 =	simm.s32 $0x1;
	s26 =	simm.s32 $0x80  }
0x7: {  	s31 =	simm.s32 $0x880;
	[smem:$0x7FF] =	sst s4;
	s5 =	sadd.s32 $0x6200, s0  }
0x8: {  	s7 =	sadd.s32 $0x2D400, s0;
	s8 =	sadd.s32 $0x54600, s0;
	s6 =	sand.u32 $0x1, s6  }
0x9: {  	s9 =	sadd.s32 $0x5E600, s0;
	s10 =	sadd.s32 $0xB6A00, s0;
	s15 =	smul.u32 $0x4E000, s11  }
0xa: {  	s18 =	sadd.s32 $0x68600, s0;
	s12 =	sadd.s32 $0x8F800, s0;
	s30 =	sshll.u32 s11, $0x6  }
0xb: {  	s16 =	smul.u32 $0x2700, s11;
	p0 =	sne.s32 s11, $0xF;
	p2 =	seq.s32 s11, $0xF  }
0xc: {  	s0 =	simm.s32 $0x6800;
	_ =	strace $0x8000004D;
	s13 =	ssub.s32 $0x2, s6  }
0xd: {  	[dreg:$0x5] =	wrdreg s18;
	p1 =	sne.s32 s6, $0x0;
	s6 =	simm.s32 $0x2  }
.Ltmp0:
0xe: {  	s14 =	sshrl.u32 s13, $0x1;
	s29 =	sshrl.u32 s15, $0x2;
	(pc) =	sbr.rel .LBB2_1-.Ltmp0, $4  }
0xf: {  	s15 =	smul.u32 $0xA0, s11;
	s19 =	sadd.s32 s12, s16;
	s16 =	sadd.s32 s18, s16  }
0x10: {  	s28 =	ssub.s32 s13, s14;
	s17 =	sadd.s32 s29, s3;
	[dreg:$0x6] =	wrdreg s19  }
0x11: {  	s13 =	sor.u32 $0x1C03, s30;
	s14 =	sadd.s32 $0x138000, s3;
	[dreg:$0x7] =	wrdreg s16  }
0x12: {  	v0 =	vlaneseq.u32;
	s18 =	smax.u32 s28, $0x1;
	s19 =	sshrl.u32 s17, $0x3;
	s21 =	sshrl.u32 @!p0 s14, $0x3  }
.LBB2_18:
0x13: {  	s11 =	sadd.s32 $0x27000, s16;
	s30 =	sshrl.u32 s14, $0x3  }
0x14: {  	[hbm:s11], [sflag:s13] =	dma.local [spmem:s30], $0x100  }
0x15: {  	_ =	swait.ge [sflag:s20], $0x100  }
0x16: {  	[sflag:s20] =	ssyncset.done $0x0  }
0x17: {  	[sflag:s20] =	ssyncadd.s32 $0xFFFFFF00  }
.LBB2_19:
0x18: {  	s4 =	sadd.s32 $0x1, s4  }
0x19: {  	p3 =	sne.s32 s4, s18  }
.Ltmp1:
0x1a: {  	_ = 	snop;
	(pc) =	sbr.rel @!p3 .LBB2_20-.Ltmp1, $1  }
0x1b: {  	_ =	sdelay $0x3  }
.LBB2_1:
0x1c: {  	[spmem:s19], [sflag:s13] =	dma.local [hbm:s10], $0x2700  }
0x1d: {  	_ =	swait.ge [sflag:s20], $0x2700  }
0x1e: {  	[sflag:s20] =	ssyncset.done $0x0  }
0x1f: {  	s16 =	simm.s32 @!p0 $0x3;
	[sflag:s20] =	ssyncadd.s32 $0xFFFFD900  }
0x20: {  	[spmem:s21], [sflag:s13] =	dma.local @!p0 [hbm:s10], $0x200  }
.Ltmp2:
0x21: {  	_ =	swait.ge @!p0 [sflag:s16], $0x200;
	(pc) =	sbr.rel @p1 .LBB2_10-.Ltmp2, $4  }
0x22: {  	[sflag:s16] =	ssyncset.done @!p0 $0x0  }
0x23: {  	[sflag:s16] =	ssyncadd.s32 @!p0 $0xFFFFFE00  }
0x24: {  	[bflag:$0x0] =	sbarrier.arrive $0xFFFF  }
0x25: {  	v1 =	vor.u32 s15, v0;
	s24 =	simm.s32 $0x0;
	s17 =	smov.u32 s15;
	s16 =	simm.s32 $0x200  }
.LBB2_2:
0x26: {  	p3 =	sne.s32 s16, $0x1200  }
0x27: {  	[tilespmem:s24+$0x0] =	vst v1;
	s17 =	sadd.s32 $0x10, s17;
	s24 =	smov.u32 s16;
	s16 =	sadd.s32 $0x200, s16  }
.Ltmp3:
0x28: {  	(pc) =	sbr.rel @p3 .LBB2_2-.Ltmp3, $2  }
0x29: {  	_ =	sdelay $0x2  }
0x2a: {  	v1 =	vor.u32 s17, v0;
	s24 =	sshra.s32 s24, $0x2  }
0x2b: {  	[tilespmem:s24+$0x0] =	vst v1;
	s16 =	simm.s32 $0x0  }
0x2c: {  	[tilespmem:s23], [sflag:$0x1] =	stream.indirect.gather [hbm4b:s1+s22], $0x80, s16, s22, $0xb8;
	[tilespmem:$0x1E100] =	vst v63  }
0x2d: {  	s11 =	simm.s32 $0x1800  }
0x2e: {  	[tilespmem:s11], [sflag:$0x1] =	stream.indirect.gather [hbm4b:s2+s22], $0x80, s16, s22, $0xb8;
	[tilespmem:$0x1E100] =	vst v63  }
0x2f: {  	_ =	swait.ge [sflag:s25], $0x800  }
0x30: {  	[sflag:s25] =	ssyncset.done $0x0  }
0x31: {  	[sflag:s25] =	ssyncadd.s32 $0xFFFFF800  }
0x32: {  	_ =	swait.ge [sflag:s25], $0x800  }
0x33: {  	[sflag:s25] =	ssyncset.done $0x0  }
0x34: {  	s28 =	simm.s32 $0x1000;
	[sflag:s25] =	ssyncadd.s32 $0xFFFFF800  }
0x35: {  	[tilespmem:s28], [sflag:$0x1] =	stream.indirect.gather [hbm4b:s1+s22], $0x80, s26, s22, $0xb8;
	[tilespmem:$0x1E100] =	vst v63  }
0x36: {  	s29 =	simm.s32 $0x2000  }
0x37: {  	[tilespmem:s29], [sflag:$0x1] =	stream.indirect.gather [hbm4b:s2+s22], $0x80, s26, s22, $0xb8;
	[tilespmem:$0x1E100] =	vst v63  }
.Ltmp4:
0x38: {  	_ = 	snop;
	(pc) =	sbr.rel .LBB2_4-.Ltmp4, $4  }
0x39: {  	s30 =	simm.s32 $0x2800  }
0x3a: {  	[tilespmem:s30], [sflag:$0x2] =	stream.indirect.gather [hbm4b:s5+s26], $0x80, s23, s26, $0xb8;
	[tilespmem:$0x1E100] =	vst v63  }
0x3b: {  	s17 =	simm.s32 $0x400;
	s24 =	simm.s32 $0x0  }
0x3c: {  	[tilespmem:s0], [sflag:$0x2] =	stream.indirect.gather [hbm4b:s5+s26], $0x80, s31, s26, $0xb8;
	[tilespmem:$0x1E100] =	vst v63  }
.LBB2_10:
0x3d: {  	p3 =	sne.s32 s16, $0x1200  }
0x3e: {  	[tilespmem:s24+$0x0] =	vst v1;
	s17 =	sadd.s32 $0x10, s17;
	s11 =	smov.u32 s16;
	s16 =	sadd.s32 $0x200, s16  }
.Ltmp5:
0x3f: {  	(pc) =	sbr.rel @p3 .LBB2_10-.Ltmp5, $2  }
0x40: {  	_ =	sdelay $0x2  }
0x41: {  	v1 =	vor.u32 s17, v0;
	s24 =	sshra.s32 s11, $0x2  }
0x42: {  	[tilespmem:s24+$0x0] =	vst v1;
	s16 =	simm.s32 $0x0  }
0x43: {  	[tilespmem:s23], [sflag:$0x1] =	stream.indirect.gather [hbm4b:s8+s22], $0x80, s16, s22, $0xb8;
	[tilespmem:$0x1E100] =	vst v63  }
0x44: {  	s11 =	simm.s32 $0x1800  }
0x45: {  	[tilespmem:s11], [sflag:$0x1] =	stream.indirect.gather [hbm4b:s9+s22], $0x80, s16, s22, $0xb8;
	[tilespmem:$0x1E100] =	vst v63  }
0x46: {  	_ =	swait.ge [sflag:s25], $0x800  }
0x47: {  	[sflag:s25] =	ssyncset.done $0x0  }
0x48: {  	[sflag:s25] =	ssyncadd.s32 $0xFFFFF800  }
0x49: {  	_ =	swait.ge [sflag:s25], $0x800  }
0x4a: {  	[sflag:s25] =	ssyncset.done $0x0  }
0x4b: {  	s28 =	simm.s32 $0x1000;
	[sflag:s25] =	ssyncadd.s32 $0xFFFFF800  }
0x4c: {  	[tilespmem:s28], [sflag:$0x1] =	stream.indirect.gather [hbm4b:s8+s22], $0x80, s26, s22, $0xb8;
	[tilespmem:$0x1E100] =	vst v63  }
0x4d: {  	s29 =	simm.s32 $0x2000  }
0x4e: {  	[tilespmem:s29], [sflag:$0x1] =	stream.indirect.gather [hbm4b:s9+s22], $0x80, s26, s22, $0xb8;
	[tilespmem:$0x1E100] =	vst v63  }
.Ltmp6:
0x4f: {  	_ = 	snop;
	(pc) =	sbr.rel .LBB2_12-.Ltmp6, $4  }
0x50: {  	s30 =	simm.s32 $0x2800  }
0x51: {  	[tilespmem:s30], [sflag:$0x2] =	stream.indirect.gather [hbm4b:s7+s26], $0x80, s23, s26, $0xb8;
	[tilespmem:$0x1E100] =	vst v63  }
0x52: {  	s17 =	simm.s32 $0x400;
	s24 =	simm.s32 $0x0  }
0x53: {  	[tilespmem:s0], [sflag:$0x2] =	stream.indirect.gather [hbm4b:s7+s26], $0x80, s31, s26, $0xb8;
	[tilespmem:$0x1E100] =	vst v63  }
.LBB2_5:
0x54: {  	_ =	swait.ge [sflag:s25], $0x800  }
0x55: {  	[sflag:s25] =	ssyncset.done $0x0  }
0x56: {  	[sflag:s25] =	ssyncadd.s32 $0xFFFFF800  }
0x57: {  	_ =	swait.ge [sflag:s25], $0x800  }
0x58: {  	[sflag:s25] =	ssyncset.done $0x0  }
0x59: {  	[sflag:s25] =	ssyncadd.s32 $0xFFFFF800  }
.LBB2_7:
0x5a: {  	s11 =	sand.u32 $0x3E00, s17  }
0x5b: {  	s11 =	sshrl.u32 s11, $0x2  }
0x5c: {  	s11 =	sadd.s32 $0x800, s11  }
0x5d: {  	[tilespmem:s28], [sflag:$0x2] =	stream.indirect.gather [hbm4b:s5+s26], $0x80, s11, s26, $0xb8;
	[tilespmem:$0x1E100] =	vst v63  }
.LBB2_8:
0x5e: {  	s11 =	sand.u32 $0x8F, s24  }
0x5f: {  	s28 =	sshrl.u32 s24, $0x4;
	p3 =	sne.s32 s11, $0xF  }
0x60: {  	s11 =	sshll.u32 @!p3 s28, $0xB;
	s28 =	sshll.u32 @!p3 s28, $0x7  }
0x61: {  	s11 =	sand.u32 @!p3 $0x800, s11;
	s28 =	sand.u32 @!p3 $0x3FFFFF80, s28  }
0x62: {  	s30 =	simm.s32 @!p3 $0x10;
	s29 =	sadd.s32 @!p3 $0x800, s11;
	s28 =	sadd.s32 @!p3 $0x100, s28  }
0x63: {  	[tilespmem:s29], [sflag:$0x1] =	stream.indirect.gather @!p3 [hbm4b:s1+s30], $0x80, s28, s30, $0xb8;
	[tilespmem:$0x1E100] =	vst v63  }
0x64: {  	s17 =	sadd.s32 $0x200, s17;
	s11 =	sadd.s32 @!p3 $0x1800, s11  }
0x65: {  	[tilespmem:s11], [sflag:$0x1] =	stream.indirect.gather @!p3 [hbm4b:s2+s30], $0x80, s28, s30, $0xb8;
	[tilespmem:$0x1E100] =	vst v63  }
0x66: {  	p3 =	sne.s32 s17, $0x14400  }
.Ltmp7:
0x67: {  	_ = 	snop;
	(pc) =	sbr.rel @!p3 .LBB2_9-.Ltmp7, $2  }
0x68: {  	_ =	sdelay $0x2  }
0x69: {  	s24 =	sadd.s32 $0x1, s24;
	s16 =	sadd.s32 $0x10000, s16  }
.LBB2_4:
0x6a: {  	s29 =	sand.u32 $0xF, s24  }
0x6b: {  	_ =	swait.ge [sflag:s6], $0x4000;
	s28 =	sshll.u32 s24, $0x7;
	s30 =	sand.u32 $0x10000, s16  }
0x6c: {  	p3 =	sgt.u32 s24, $0x8F;
	s28 =	sand.u32 $0x800, s28;
	s11 =	sshll.u32 s29, $0x7  }
0x6d: {  	[sflag:s6] =	ssyncset.done $0x0;
	s30 =	sshrl.u32 s30, $0x2;
	p4 =	sne.s32 @!p3 s29, $0xE  }
0x6e: {  	s11 =	sor.u32 s11, s28;
	[sflag:s6] =	ssyncadd.s32 $0xFFFFC000;
	p3 =	por p3, p4  }
.Ltmp8:
0x6f: {  	s28 =	sor.u32 $0x2800, s30;
	s11 =	sadd.s32 $0x1800, s11;
	(pc) =	sbr.rel @!p3 .LBB2_5-.Ltmp8, $4  }
0x70: {  	[spmem:s3] =	stream.indirect.scatter.add.f32 [tilespmem:s28], [sflag:$0x3], $0x80, s11, s26, $0xb8;
	[tilespmem:$0x1E100] =	vst v63  }
0x71: {  	_ =	swait.ge [sflag:s20], $0x4000  }
0x72: {  	[sflag:s20] =	ssyncset.done $0x0  }
0x73: {  	[sflag:s20] =	ssyncadd.s32 $0xFFFFC000  }
0x74: {  	p3 =	sgt.u32 s24, $0x9D  }
.Ltmp9:
0x75: {  	_ = 	snop;
	(pc) =	sbr.rel @p3 .LBB2_8-.Ltmp9, $4  }
.Ltmp10:
0x76: {  	_ = 	snop;
	(pc) =	sbr.rel @!p3 .LBB2_7-.Ltmp10, $4  }
0x77: {  	_ = 	snop  }
0x78: {  	_ = 	snop  }
0x79: {  	_ = 	snop  }
0x7a: {  	_ = 	snop  }
.LBB2_13:
0x7b: {  	_ =	swait.ge [sflag:s25], $0x800  }
0x7c: {  	[sflag:s25] =	ssyncset.done $0x0  }
0x7d: {  	[sflag:s25] =	ssyncadd.s32 $0xFFFFF800  }
0x7e: {  	_ =	swait.ge [sflag:s25], $0x800  }
0x7f: {  	[sflag:s25] =	ssyncset.done $0x0  }
0x80: {  	[sflag:s25] =	ssyncadd.s32 $0xFFFFF800  }
.LBB2_15:
0x81: {  	s11 =	sand.u32 $0x3E00, s17  }
0x82: {  	s11 =	sshrl.u32 s11, $0x2  }
0x83: {  	s11 =	sadd.s32 $0x800, s11  }
0x84: {  	[tilespmem:s28], [sflag:$0x2] =	stream.indirect.gather [hbm4b:s7+s26], $0x80, s11, s26, $0xb8;
	[tilespmem:$0x1E100] =	vst v63  }
.LBB2_16:
0x85: {  	s11 =	sand.u32 $0x8F, s24  }
0x86: {  	s28 =	sshrl.u32 s24, $0x4;
	p3 =	sne.s32 s11, $0xF  }
0x87: {  	s11 =	sshll.u32 @!p3 s28, $0xB;
	s28 =	sshll.u32 @!p3 s28, $0x7  }
0x88: {  	s11 =	sand.u32 @!p3 $0x800, s11;
	s28 =	sand.u32 @!p3 $0x3FFFFF80, s28  }
0x89: {  	s30 =	simm.s32 @!p3 $0x10;
	s29 =	sadd.s32 @!p3 $0x800, s11;
	s28 =	sadd.s32 @!p3 $0x100, s28  }
0x8a: {  	[tilespmem:s29], [sflag:$0x1] =	stream.indirect.gather @!p3 [hbm4b:s8+s30], $0x80, s28, s30, $0xb8;
	[tilespmem:$0x1E100] =	vst v63  }
0x8b: {  	s17 =	sadd.s32 $0x200, s17;
	s11 =	sadd.s32 @!p3 $0x1800, s11  }
0x8c: {  	[tilespmem:s11], [sflag:$0x1] =	stream.indirect.gather @!p3 [hbm4b:s9+s30], $0x80, s28, s30, $0xb8;
	[tilespmem:$0x1E100] =	vst v63  }
0x8d: {  	p3 =	sne.s32 s17, $0x14400  }
.Ltmp11:
0x8e: {  	_ = 	snop;
	(pc) =	sbr.rel @!p3 .LBB2_17-.Ltmp11, $2  }
0x8f: {  	_ =	sdelay $0x2  }
0x90: {  	s24 =	sadd.s32 $0x1, s24;
	s16 =	sadd.s32 $0x10000, s16  }
.LBB2_12:
0x91: {  	s11 =	sand.u32 $0xF, s24  }
0x92: {  	_ =	swait.ge [sflag:s6], $0x4000;
	s28 =	sshll.u32 s24, $0x7;
	s29 =	sand.u32 $0x10000, s16  }
0x93: {  	p3 =	sgt.u32 s24, $0x8F;
	s28 =	sand.u32 $0x800, s28;
	s30 =	sshll.u32 s11, $0x7  }
0x94: {  	[sflag:s6] =	ssyncset.done $0x0;
	s29 =	sshrl.u32 s29, $0x2;
	p4 =	sne.s32 @!p3 s11, $0xE  }
0x95: {  	s30 =	sor.u32 s30, s28;
	[sflag:s6] =	ssyncadd.s32 $0xFFFFC000;
	p3 =	por p3, p4  }
.Ltmp12:
0x96: {  	s28 =	sor.u32 $0x2800, s29;
	s30 =	sadd.s32 $0x1800, s30;
	(pc) =	sbr.rel @!p3 .LBB2_13-.Ltmp12, $4  }
0x97: {  	[spmem:s3] =	stream.indirect.scatter.add.f32 [tilespmem:s28], [sflag:$0x3], $0x80, s30, s26, $0xb8;
	[tilespmem:$0x1E100] =	vst v63  }
0x98: {  	_ =	swait.ge [sflag:s20], $0x4000  }
0x99: {  	[sflag:s20] =	ssyncset.done $0x0  }
0x9a: {  	[sflag:s20] =	ssyncadd.s32 $0xFFFFC000  }
0x9b: {  	p3 =	sgt.u32 s24, $0x9D  }
.Ltmp13:
0x9c: {  	_ = 	snop;
	(pc) =	sbr.rel @p3 .LBB2_16-.Ltmp13, $4  }
.Ltmp14:
0x9d: {  	_ = 	snop;
	(pc) =	sbr.rel @!p3 .LBB2_15-.Ltmp14, $4  }
0x9e: {  	_ = 	snop  }
0x9f: {  	_ = 	snop  }
0xa0: {  	_ = 	snop  }
0xa1: {  	_ = 	snop  }
.LBB2_9:
0xa2: {  	[bflag:$0x0] =	sbarrier.arrive $0xFFFF  }
0xa3: {  	s11 =	rddreg [dreg:$0x7]  }
0xa4: {  	[hbm:s11], [sflag:s13] =	dma.local [spmem:s19], $0x2700  }
.Ltmp15:
0xa5: {  	_ = 	snop;
	(pc) =	sbr.rel @p2 .LBB2_18-.Ltmp15, $4  }
.Ltmp16:
0xa6: {  	_ = 	snop;
	(pc) =	sbr.rel @!p2 .LBB2_19-.Ltmp16, $4  }
0xa7: {  	_ =	swait.ge [sflag:s20], $0x2700  }
0xa8: {  	[sflag:s20] =	ssyncset.done $0x0  }
0xa9: {  	s16 =	rddreg [dreg:$0x5];
	[sflag:s20] =	ssyncadd.s32 $0xFFFFD900  }
0xaa: {  	_ = 	snop  }
.LBB2_17:
0xab: {  	[bflag:$0x0] =	sbarrier.arrive $0xFFFF  }
0xac: {  	s11 =	rddreg [dreg:$0x6]  }
0xad: {  	[hbm:s11], [sflag:s13] =	dma.local [spmem:s19], $0x2700  }
.Ltmp17:
0xae: {  	_ = 	snop;
	(pc) =	sbr.rel @p0 .LBB2_19-.Ltmp17, $4  }
.Ltmp18:
0xaf: {  	_ = 	snop;
	(pc) =	sbr.rel @!p0 .LBB2_18-.Ltmp18, $4  }
0xb0: {  	_ =	swait.ge [sflag:s20], $0x2700  }
0xb1: {  	[sflag:s20] =	ssyncset.done $0x0  }
0xb2: {  	s16 =	smov.u32 s12;
	[sflag:s20] =	ssyncadd.s32 $0xFFFFD900  }
0xb3: {  	_ = 	snop  }
.LBB2_20:
0xb4: {  	_ =	sfence.sel $0x180000  }
0xb5: {  	[bflag:$0x0] =	sbarrier.arrive $0xFFFF  }
0xb6: {  	_ =	strace $0x9000004D  }
0xb7: {  	s0 =	stileid.u32;
	[bflag:$0x2] =	sbarrier.arrive $0xFFFF  }
0xb8: {  	p0 =	sne.s32 s0, $0x0;
	s0 =	rddreg [dreg:$0x4]  }
0xb9: {  	s0 =	sadd.s32 @!p0 $0x100000, s0  }
0xba: {  	[sflag:s0] =	ssyncadd.tile.s32 @!p0 $0x1;
	_ =	shalt  }
.Lfunc_end2:
_tile_overlayer_lowered:
.L_overlay_start_2:
0xbb: {  	(tag) =	ssettag $0x2  }
0xbc: {  	s0 =	rddreg [dreg:$0x0];
	s2 =	stileid.u32  }
0xbd: {  	s1 =	rddreg [dreg:$0x1];
	p0 =	sne.s32 s2, $0x0  }
0xbe: {  	s3 =	rddreg [dreg:$0x2];
	[bflag:$0x3] =	sbarrier.arrive $0xFFFF;
	s2 =	simm.s32 @!p0 $0x1C03  }
0xbf: {  	[timem:s3], [sflag:s2] =	dma.local @!p0 [hbm:s0], s1  }
0xc0: {  	s0 =	simm.s32 @!p0 $0x3  }
0xc1: {  	_ =	swait.ge @!p0 [sflag:s0], s1  }
0xc2: {  	s1 =	ssub.s32 @!p0 $0x0, s1;
	[sflag:s0] =	ssyncset.done @!p0 $0x0  }
0xc3: {  	[sflag:s0] =	ssyncadd.s32 @!p0 s1  }
0xc4: {  	[bflag:$0x3] =	sbarrier.arrive $0xFFFF  }
0xc5: {  	_ =	shalt  }

// kernel: kernel.19.cloned.1.call-start
scs
__scs_entry_jumppad:
0x0: {  	(pc) =	sbr.rel $0x88, $3  }
0x1: {  	(tag) =	ssettag $0x0;
	lr =	simm.s32 $0x1  }
0x2: {  	[smem:$0x3F91] =	sst lr;
	_ =	strace $0xD0000000  }
0x3: {  	_ = 	snop  }
0x4: {  	_ = 	snop  }
0x5: {  	_ = 	snop  }
0x6: {  	_ = 	snop  }
0x7: {  	_ = 	snop  }
__scs_overlays_trampoline_lowered:
0x8: {  	[smem:$0x3FA0] =	sst s0  }
0x9: {  	[smem:$0x3FA1] =	sst s1  }
0xa: {  	[smem:$0x3FA2] =	sst s2  }
0xb: {  	[smem:$0x3FA3] =	sst s3  }
0xc: {  	[smem:$0x3FA4] =	sst s4  }
0xd: {  	[smem:$0x3FA5] =	sst s5  }
0xe: {  	[smem:$0x3FA6] =	sst s6  }
0xf: {  	[smem:$0x3FA7] =	sst s7  }
0x10: {  	[smem:$0x3FA8] =	sst s8  }
0x11: {  	[smem:$0x3FA9] =	sst s9;
	s0 =	simm.s32 @!p0 $0x0  }
0x12: {  	s1 =	sld [smem:$0x3F8F];
	s0 =	simm.s32 @p0 $0x1  }
0x13: {  	[smem:$0x3FAA] =	sst s0;
	s0 =	simm.s32 @!p1 $0x0  }
0x14: {  	s2 =	sld [smem:$0x3F8E];
	s0 =	simm.s32 @p1 $0x1  }
0x15: {  	[smem:$0x3FAB] =	sst s0;
	s0 =	simm.s32 @!p2 $0x0  }
0x16: {  	s3 =	sld [smem:$0x3FDB];
	s0 =	simm.s32 @p2 $0x1  }
0x17: {  	s4 =	simm.s32 $0x1BF5;
	[smem:$0x3FAD] =	sst s0  }
0x18: {  	s0 =	sld [smem:$0x3F90];
	_ =	swait.ge [sflag:s4], $0x0  }
0x19: {  	s7 =	sld [smem:$0x3F91]  }
0x1a: {  	s8 =	sadd.s32 $0xFFFFE003, lr  }
0x1b: {  	s9 =	sadd.s32 $0xFFFFFEF7, lr;
	s5 =	simm.s32 $0xFFFFFFFF;
	p2 =	slt.u32 s8, $0xFFFFF086  }
0x1c: {  	p1 =	slt.u32 s9, $0xF7A;
	s5 =	simm.s32 @!p2 $0x0  }
0x1d: {  	s5 =	simm.s32 @p1 $0x1;
	p0 =	seq.s32 s7, s2  }
0x1e: {  	s7 =	smul.u32 @!p0 $0xF7A, s2;
	p2 =	seq.s32 @!p0 s5, $0x0  }
0x1f: {  	s9 =	smul.u32 $0xF7A, s1;
	s8 =	simm.s32 @!p0 $0x1BF5;
	p2 =	por !p2, p0  }
0x20: {  	[sflag:s8] =	ssyncset.s32 @!p0 $0xFFFFF086;
	s6 =	sadd.s32 @!p0 s3, s7;
	s7 =	simm.s32 @!p0 $0x108  }
0x21: {  	s3 =	sadd.s32 s3, s9;
	s6 =	sadd.s32 @!p0 $0x88, s6;
	s7 =	simm.s32 @p2 $0x1082  }
0x22: {  	[simem:s7], [sflag:s8] =	dma.local @!p0 [hbm:s6], $0xF7A  }
0x23: {  	s9 =	sor.u32 $0xD0000000, s2;
	s6 =	simm.s32 $0x108;
	_ =	swait.ge @!p0 [sflag:s8], $0x0  }
0x24: {  	s3 =	sadd.s32 $0x88, s3;
	s6 =	simm.s32 @!p1 $0x1082;
	[sflag:s4] =	ssyncset.s32 $0xFFFFF086  }
0x25: {  	[simem:s6], [sflag:s4] =	dma.local [hbm:s3], $0xF7A  }
0x26: {  	[smem:$0x3F91] =	sst s1;
	(tag) =	ssettag s2;
	_ =	strace s9  }
0x27: {  	s1 =	sld [smem:$0x3FA1]  }
0x28: {  	s2 =	sld [smem:$0x3FA2]  }
0x29: {  	s4 =	sld [smem:$0x3FA4]  }
0x2a: {  	p0 =	seq.s32 s5, $0x0;
	s5 =	sld [smem:$0x3FA5]  }
0x2b: {  	s6 =	sld [smem:$0x3FA6]  }
0x2c: {  	s7 =	sld [smem:$0x3FA7]  }
0x2d: {  	s3 =	simm.s32 $0x108;
	s8 =	sld [smem:$0x3FA8]  }
0x2e: {  	s3 =	simm.s32 @!p0 $0x1082;
	s9 =	sld [smem:$0x3FA9]  }
0x2f: {  	lr =	sadd.s32 s0, s3;
	s0 =	sld [smem:$0x3FA0]  }
0x30: {  	s3 =	sld [smem:$0x3FA3]  }
0x31: {  	[smem:$0x3FAC] =	sst s10  }
0x32: {  	s10 =	sld [smem:$0x3FAA];
	_ =	sdelay $0x3  }
0x33: {  	p0 =	seq.s32 s10, $0x1;
	s10 =	sld [smem:$0x3FAC];
	_ =	sdelay $0x3  }
0x34: {  	[smem:$0x3FAC] =	sst s10  }
0x35: {  	s10 =	sld [smem:$0x3FAB];
	_ =	sdelay $0x3  }
0x36: {  	p1 =	seq.s32 s10, $0x1;
	s10 =	sld [smem:$0x3FAC];
	_ =	sdelay $0x3  }
0x37: {  	[smem:$0x3FAC] =	sst s10  }
0x38: {  	s10 =	sld [smem:$0x3FAD]  }
0x39: {  	_ = 	snop;
	(pc) =	sbr.ind lr, $3  }
0x3a: {  	_ = 	snop  }
0x3b: {  	_ = 	snop  }
0x3c: {  	p2 =	seq.s32 s10, $0x1;
	s10 =	sld [smem:$0x3FAC]  }
0x3d: {  	_ =	shalt  }
0x3e: {  	_ =	shalt  }
0x3f: {  	_ =	shalt  }
0x40: {  	_ =	shalt  }
0x41: {  	_ =	shalt  }
0x42: {  	_ =	shalt  }
0x43: {  	_ =	shalt  }
0x44: {  	_ =	shalt  }
0x45: {  	_ =	shalt  }
0x46: {  	_ =	shalt  }
0x47: {  	_ =	shalt  }
0x48: {  	_ =	shalt  }
0x49: {  	_ =	shalt  }
0x4a: {  	_ =	shalt  }
0x4b: {  	_ =	shalt  }
0x4c: {  	_ =	shalt  }
0x4d: {  	_ =	shalt  }
0x4e: {  	_ =	shalt  }
0x4f: {  	_ =	shalt  }
0x50: {  	_ =	shalt  }
0x51: {  	_ =	shalt  }
0x52: {  	_ =	shalt  }
0x53: {  	_ =	shalt  }
0x54: {  	_ =	shalt  }
0x55: {  	_ =	shalt  }
0x56: {  	_ =	shalt  }
0x57: {  	_ =	shalt  }
0x58: {  	_ =	shalt  }
0x59: {  	_ =	shalt  }
0x5a: {  	_ =	shalt  }
0x5b: {  	_ =	shalt  }
0x5c: {  	_ =	shalt  }
0x5d: {  	_ =	shalt  }
0x5e: {  	_ =	shalt  }
0x5f: {  	_ =	shalt  }
0x60: {  	_ =	shalt  }
0x61: {  	_ =	shalt  }
0x62: {  	_ =	shalt  }
0x63: {  	_ =	shalt  }
0x64: {  	_ =	shalt  }
0x65: {  	_ =	shalt  }
0x66: {  	_ =	shalt  }
0x67: {  	_ =	shalt  }
0x68: {  	_ =	shalt  }
0x69: {  	_ =	shalt  }
0x6a: {  	_ =	shalt  }
0x6b: {  	_ =	shalt  }
0x6c: {  	_ =	shalt  }
0x6d: {  	_ =	shalt  }
0x6e: {  	_ =	shalt  }
0x6f: {  	_ =	shalt  }
0x70: {  	_ =	shalt  }
0x71: {  	_ =	shalt  }
0x72: {  	_ =	shalt  }
0x73: {  	_ =	shalt  }
0x74: {  	_ =	shalt  }
0x75: {  	_ =	shalt  }
0x76: {  	_ =	shalt  }
0x77: {  	_ =	shalt  }
0x78: {  	_ =	shalt  }
0x79: {  	_ =	shalt  }
0x7a: {  	_ =	shalt  }
0x7b: {  	_ =	shalt  }
0x7c: {  	_ =	shalt  }
0x7d: {  	_ =	shalt  }
0x7e: {  	_ =	shalt  }
0x7f: {  	_ =	shalt  }
0x80: {  	_ =	shalt  }
0x81: {  	_ =	shalt  }
0x82: {  	_ =	shalt  }
0x83: {  	_ =	shalt  }
0x84: {  	_ =	shalt  }
0x85: {  	_ =	shalt  }
0x86: {  	_ =	shalt  }
0x87: {  	_ =	shalt  }
.Lfunc_end0:
.L_simem_size_0:
called_computation.3_lowered:
.L_overlay_start_0:
0x88: {  	s2 =	sld [smem:$0x3FD9]  }
0x89: {  	s3 =	sld [smem:$0x3FFE];
	_ =	sdelay $0x1  }
0x8a: {  	s1 =	srdreg.scid  }
0x8b: {  	s0 =	sand.u32 $0x1, s1  }
0x8c: {  	s14 =	sshll.u32 s0, $0xA;
	s2 =	sadd.s32 s3, s2  }
0x8d: {  	s2 =	sadd.s32 s2, s14  }
0x8e: {  	[smem:$0x3FB8] =	sst s2  }
0x8f: {  	_ = 	snop  }
0x90: {  	s2 =	sld [smem:$0x3FD0];
	_ =	sdelay $0x1  }
0x91: {  	s15 =	sld [smem:$0x3FBB]  }
0x92: {  	s5 =	simm.s32 $0xA;
	s6 =	simm.s32 $0x10;
	s4 =	sld [smem:$0x3FBA]  }
0x93: {  	[smem:s6], [sflag:s5] =	dma.local [hbm:s2], $0x1  }
0x94: {  	_ =	swait.eq [sflag:s5], $0x1  }
0x95: {  	[sflag:s5] =	ssyncset.done $0x0  }
0x96: {  	s16 =	sld [smem:$0x10];
	[sflag:s5] =	ssyncadd.s32 $0xFFFFFFFF  }
0x97: {  	s17 =	sld [smem:$0x11];
	(tm) =	ssettm $0x1  }
0x98: {  	s18 =	sld [smem:$0x3FFB];
	_ =	sdelay $0x3  }
0x99: {  	_ =	strace s18  }
0x9a: {  	s6 =	sld [smem:$0x3FFC];
	_ =	sdelay $0x3  }
0x9b: {  	_ =	strace s6  }
0x9c: {  	s6 =	sld [smem:$0x3FFD];
	_ =	sdelay $0x3  }
0x9d: {  	_ =	strace s6  }
0x9e: {  	_ =	strace $0x8FFFFFFF  }
0x9f: {  	s19 =	sld [smem:$0x3FDB];
	_ =	sdelay $0x1  }
0xa0: {  	s7 =	simm.s32 $_scs_section_size  }
0xa1: {  	s8 =	simm.s32 $_size__tile_overlayer_lowered;
	s9 =	simm.s32 $_tile_overlayer_lowered  }
0xa2: {  	s22 =	simm.s32 $0x1BFF;
	s21 =	sshll.u32 s9, $0x1;
	s6 =	sadd.s32 s7, s19  }
0xa3: {  	s10 =	simm.s32 $0x0;
	s20 =	sshll.u32 s8, $0x1;
	s8 =	sadd.s32 s21, s6  }
0xa4: {  	[timem:s10], [sflag:s22] =	dma.local [hbm:s8], s20  }
0xa5: {  	_ =	swait.ge [sflag:s22], s20  }
0xa6: {  	s7 =	ssub.s32 $0x0, s20;
	[sflag:s22] =	ssyncset.done $0x0  }
0xa7: {  	[sflag:s22] =	ssyncadd.s32 s7;
	_ =	sdelay $0x1  }
0xa8: {  	s23 =	simm.s32 $0x1B8B  }
0xa9: {  	_ =	swait.ge [sflag:s23], $0x1  }
0xaa: {  	[sflag:s23] =	ssyncset.done $0x0  }
0xab: {  	s25 =	simm.s32 $0x1B8E;
	s24 =	sld [smem:$0x3FFE];
	[sflag:s23] =	ssyncadd.s32 $0xFFFFFFFF  }
0xac: {  	s26 =	simm.s32 $execute0_lowered;
	[smem:$0x3FD2] =	sst s25  }
0xad: {  	s8 =	sshll.u32 s26, $0x1;
	_ =	strace $0x8000004F;
	[dreg:$0x1] =	wrdreg $0xFFFFFFFF  }
0xae: {  	s28 =	simm.s32 $_size_execute0_lowered;
	s6 =	sadd.s32 s6, s8;
	[dreg:$0x0] =	wrdreg $0x0  }
0xaf: {  	s8 =	sshll.u32 s28, $0x1;
	[dreg:$0x2] =	wrdreg s6  }
0xb0: {  	[dreg:$0x3] =	wrdreg s8  }
0xb1: {  	[dreg:$0x4] =	wrdreg $0xC0  }
0xb2: {  	_ =	task [dreg:s10], $0x5FFFF  }
0xb3: {  	[dreg:$0x1] =	wrdreg $0xFFFFFFFF  }
0xb4: {  	[dreg:$0x0] =	wrdreg $0x60  }
0xb5: {  	[dreg:$0x2] =	wrdreg s24  }
0xb6: {  	[dreg:$0x3] =	wrdreg s15  }
0xb7: {  	[dreg:$0x4] =	wrdreg s4  }
0xb8: {  	[dreg:$0x5] =	wrdreg s16  }
0xb9: {  	[dreg:$0x6] =	wrdreg s17  }
0xba: {  	[dreg:$0x7] =	wrdreg $0x9  }
0xbb: {  	_ =	task.clear_ibuf [dreg:s10], $0x8FFFF;
	_ =	strace $0x9000004F  }
0xbc: {  	s29 =	simm.s32 $0x9;
	_ =	strace $0x80000051  }
0xbd: {  	_ =	swait.ge [sflag:s29], $0x1  }
0xbe: {  	[sflag:s29] =	ssyncadd.s32 $0xFFFFFFFF  }
0xbf: {  	_ =	strace $0x90000051  }
0xc0: {  	_ =	sfence  }
0xc1: {  	s30 =	sld [smem:$0x0];
	_ =	sdelay $0x2  }
0xc2: {  	s31 =	sshll.u32 s1, $0xD;
	s1 =	sshrl.u32 s1, $0x2  }
0xc3: {  	s3 =	sand.u32 $0x4000, s31;
	s1 =	sadd.s32 s1, s30  }
0xc4: {  	s0 =	sor.u32 s3, s0;
	s1 =	sshll.u32 s1, $0x11  }
0xc5: {  	s0 =	sor.u32 s1, s0  }
0xc6: {  	s0 =	sadd.s32 $0x8F2B, s0  }
0xc7: {  	[sflag:s0] =	ssyncadd.remote.s32 $0x1  }
0xc8: {  	_ =	sfence.sel $0xFFFF  }
0xc9: {  	[dreg:$0x0] =	wrdreg $0xFFFFFFFF;
	(pc) =	sbr.abs _section_cstart, $3  }
0xca: {  	[dreg:$0x1] =	wrdreg $0xFFFFFFFF  }
0xcb: {  	_ =	task.clear_ibuf [dreg:s10], $0x2FFFF;
	_ =	strace $0x9FFFFFFF  }
0xcc: {  	(tm) =	ssettm $0x7FFFFFFF  }
0xcd: {  	_ =	shalt  }
tec
execute0_lowered:
.L_overlay_start_1:
0x0: {  	(tag) =	ssettag $0x1  }
0x1: {  	s12 =	rddreg [dreg:$0x0]  }
0x2: {  	s3 =	rddreg [dreg:$0x1]  }
0x3: {  	s10 =	rddreg [dreg:$0x2];
	s1 =	srdreg.scid  }
0x4: {  	s9 =	rddreg [dreg:$0x3];
	s0 =	stileid.u32;
	s14 =	sand.u32 $0x1, s1  }
0x5: {  	s13 =	rddreg [dreg:$0x4];
	s4 =	sshll.u32 s0, $0x8;
	s5 =	sshll.u32 s14, $0x7  }
0x6: {  	s2 =	simm.s32 $0x0;
	s1 =	rddreg [dreg:$0x5];
	s11 =	sor.u32 s5, s4  }
0x7: {  	[smem:$0x7FF] =	sst s2;
	s15 =	sshrl.u32 s11, $0x3  }
0x8: {  	_ =	strace $0x80000050;
	s4 =	sadd.s32 s3, s15;
	s3 =	simm.s32 $0x2  }
0x9: {  	[tilespmem:s2], [sflag:$0x2] =	stream.linear.gather [hbm4b:s4+s2], $0x80, $0x38;
	[tilespmem:$0x4100] =	vst v63  }
0xa: {  	_ =	swait.ge [sflag:s3], $0x80  }
0xb: {  	s7 =	simm.s32 $0x80;
	s8 =	simm.s32 $0x1;
	[sflag:s3] =	ssyncset.done $0x0  }
0xc: {  	s6 =	sadd.s32 $0x6200, s12;
	s5 =	simm.s32 $0x100;
	[sflag:s3] =	ssyncadd.s32 $0xFFFFFF80  }
0xd: {  	[tilespmem:s5], [sflag:$0x1] =	stream.indirect.gather [hbm4b:s6+s7], $0x80, s2, s7, $0xb8;
	[tilespmem:$0x4100] =	vst v63  }
0xe: {  	_ =	swait.ge [sflag:s8], $0x4000  }
0xf: {  	s16 =	sshll.u32 s11, $0x4;
	[sflag:s8] =	ssyncset.done $0x0  }
0x10: {  	s9 =	sadd.s32 s9, s16;
	[sflag:s8] =	ssyncadd.s32 $0xFFFFC000  }
0x11: {  	[hbm4b:s9+s2] =	stream.linear.scatter [tilespmem:s5], [sflag:$0x2], $0x4000, $0x38;
	[tilespmem:$0x4100] =	vst v63  }
0x12: {  	_ =	swait.ge [sflag:s3], $0x4000  }
0x13: {  	[sflag:s3] =	ssyncset.done $0x0  }
0x14: {  	s10 =	sadd.s32 s10, s15;
	[sflag:s3] =	ssyncadd.s32 $0xFFFFC000  }
0x15: {  	[tilespmem:s7], [sflag:$0x2] =	stream.linear.gather [hbm4b:s10+s2], $0x80, $0x38;
	[tilespmem:$0x4100] =	vst v63  }
0x16: {  	_ =	swait.ge [sflag:s3], $0x80  }
0x17: {  	[sflag:s3] =	ssyncset.done $0x0  }
0x18: {  	s11 =	sadd.s32 $0x2D400, s12;
	[sflag:s3] =	ssyncadd.s32 $0xFFFFFF80  }
0x19: {  	[tilespmem:s5], [sflag:$0x1] =	stream.indirect.gather [hbm4b:s11+s7], $0x80, s7, s7, $0xb8;
	[tilespmem:$0x4100] =	vst v63  }
0x1a: {  	_ =	swait.ge [sflag:s8], $0x4000  }
0x1b: {  	s12 =	sadd.s32 s16, s12;
	[sflag:s8] =	ssyncset.done $0x0  }
0x1c: {  	s12 =	sadd.s32 $0x3CE00, s12;
	[sflag:s8] =	ssyncadd.s32 $0xFFFFC000  }
0x1d: {  	[hbm4b:s12+s2] =	stream.linear.scatter [tilespmem:s5], [sflag:$0x2], $0x4000, $0x38;
	[tilespmem:$0x4100] =	vst v63  }
0x1e: {  	_ =	swait.ge [sflag:s3], $0x4000  }
0x1f: {  	[sflag:s3] =	ssyncset.done $0x0  }
0x20: {  	[sflag:s3] =	ssyncadd.s32 $0xFFFFC000  }
0x21: {  	v0 =	vld [tilespmem:$0xF0]  }
0x22: {  	v1 =	vld [tilespmem:$0xB0]  }
0x23: {  	v2 =	vld [tilespmem:$0xD0]  }
0x24: {  	v3 =	vld [tilespmem:$0xC0]  }
0x25: {  	s14 =	ssub.s32 $0x2, s14;
	v4 =	vld [tilespmem:$0xE0]  }
0x26: {  	s31 =	sshrl.u32 s14, $0x1;
	v5 =	vld [tilespmem:$0xA0];
	v0 =	vadd.s32 $0x1770, v0  }
0x27: {  	s14 =	ssub.s32 s14, s31;
	v6 =	vld [tilespmem:$0x90];
	v1 =	vadd.s32 $0x1770, v1;
	[tilespmem:$0xF0] =	vst v0  }
0x28: {  	s14 =	smax.u32 s14, $0x1;
	v58 =	vld [tilespmem:$0x80];
	v59 =	vadd.s32 $0x1770, v2;
	[tilespmem:$0xB0] =	vst v1  }
0x29: {  	p0 =	sne.s32 s14, $0x1;
	v60 =	vadd.s32 $0x1770, v3;
	[tilespmem:$0xD0] =	vst v59  }
.Ltmp0:
0x2a: {  	v61 =	vadd.s32 $0x1770, v4;
	[tilespmem:$0xC0] =	vst v60;
	(pc) =	sbr.rel @!p0 .LBB2_2-.Ltmp0, $4  }
0x2b: {  	v62 =	vadd.s32 $0x1770, v5;
	[tilespmem:$0xE0] =	vst v61  }
0x2c: {  	v63 =	vadd.s32 $0x1770, v6;
	[tilespmem:$0xA0] =	vst v62  }
0x2d: {  	v0 =	vadd.s32 $0x1770, v58;
	[tilespmem:$0x90] =	vst v63  }
0x2e: {  	s13 =	sadd.s32 s13, s16;
	s14 =	sadd.s32 $0xFFFFFFFF, s14;
	[tilespmem:$0x80] =	vst v0  }
.LBB2_1:
0x2f: {  	[tilespmem:s5], [sflag:$0x1] =	stream.indirect.gather [hbm4b:s6+s7], $0x80, s7, s7, $0xb8;
	[tilespmem:$0x4100] =	vst v63  }
0x30: {  	p0 =	sne.s32 s14, $0x1;
	s14 =	sadd.s32 $0xFFFFFFFF, s14;
	_ =	swait.ge [sflag:s8], $0x4000  }
0x31: {  	[sflag:s8] =	ssyncset.done $0x0  }
0x32: {  	[sflag:s8] =	ssyncadd.s32 $0xFFFFC000  }
0x33: {  	[hbm4b:s13+s2] =	stream.linear.scatter [tilespmem:s5], [sflag:$0x2], $0x4000, $0x38;
	[tilespmem:$0x4100] =	vst v63  }
0x34: {  	_ =	swait.ge [sflag:s3], $0x4000  }
0x35: {  	[sflag:s3] =	ssyncset.done $0x0  }
0x36: {  	[sflag:s3] =	ssyncadd.s32 $0xFFFFC000  }
0x37: {  	[tilespmem:s2], [sflag:$0x2] =	stream.linear.gather [hbm4b:s4+s2], $0x80, $0x38;
	[tilespmem:$0x4100] =	vst v63  }
0x38: {  	_ =	swait.ge [sflag:s3], $0x80  }
0x39: {  	[sflag:s3] =	ssyncset.done $0x0  }
0x3a: {  	[sflag:s3] =	ssyncadd.s32 $0xFFFFFF80  }
0x3b: {  	[tilespmem:s5], [sflag:$0x1] =	stream.indirect.gather [hbm4b:s6+s7], $0x80, s2, s7, $0xb8;
	[tilespmem:$0x4100] =	vst v63  }
0x3c: {  	_ =	swait.ge [sflag:s8], $0x4000  }
0x3d: {  	[sflag:s8] =	ssyncset.done $0x0  }
0x3e: {  	[sflag:s8] =	ssyncadd.s32 $0xFFFFC000  }
0x3f: {  	[hbm4b:s9+s2] =	stream.linear.scatter [tilespmem:s5], [sflag:$0x2], $0x4000, $0x38;
	[tilespmem:$0x4100] =	vst v63  }
0x40: {  	_ =	swait.ge [sflag:s3], $0x4000  }
0x41: {  	[sflag:s3] =	ssyncset.done $0x0  }
0x42: {  	[sflag:s3] =	ssyncadd.s32 $0xFFFFC000  }
0x43: {  	[tilespmem:s7], [sflag:$0x2] =	stream.linear.gather [hbm4b:s10+s2], $0x80, $0x38;
	[tilespmem:$0x4100] =	vst v63  }
0x44: {  	_ =	swait.ge [sflag:s3], $0x80  }
0x45: {  	[sflag:s3] =	ssyncset.done $0x0  }
0x46: {  	[sflag:s3] =	ssyncadd.s32 $0xFFFFFF80  }
0x47: {  	[tilespmem:s5], [sflag:$0x1] =	stream.indirect.gather [hbm4b:s11+s7], $0x80, s7, s7, $0xb8;
	[tilespmem:$0x4100] =	vst v63  }
0x48: {  	_ =	swait.ge [sflag:s8], $0x4000  }
0x49: {  	[sflag:s8] =	ssyncset.done $0x0  }
0x4a: {  	[sflag:s8] =	ssyncadd.s32 $0xFFFFC000  }
0x4b: {  	[hbm4b:s12+s2] =	stream.linear.scatter [tilespmem:s5], [sflag:$0x2], $0x4000, $0x38;
	[tilespmem:$0x4100] =	vst v63  }
0x4c: {  	_ =	swait.ge [sflag:s3], $0x4000  }
0x4d: {  	[sflag:s3] =	ssyncset.done $0x0  }
0x4e: {  	[sflag:s3] =	ssyncadd.s32 $0xFFFFC000  }
0x4f: {  	v0 =	vld [tilespmem:$0xF0]  }
0x50: {  	v1 =	vld [tilespmem:$0xB0]  }
0x51: {  	v2 =	vld [tilespmem:$0xD0]  }
0x52: {  	v3 =	vld [tilespmem:$0xC0]  }
0x53: {  	v4 =	vld [tilespmem:$0xE0]  }
0x54: {  	v5 =	vld [tilespmem:$0xA0];
	v0 =	vadd.s32 $0x1770, v0  }
0x55: {  	v6 =	vld [tilespmem:$0x90];
	v1 =	vadd.s32 $0x1770, v1;
	[tilespmem:$0xF0] =	vst v0  }
0x56: {  	v0 =	vld [tilespmem:$0x80];
	[tilespmem:$0xB0] =	vst v1;
	v1 =	vadd.s32 $0x1770, v2  }
0x57: {  	v2 =	vadd.s32 $0x1770, v3;
	[tilespmem:$0xD0] =	vst v1  }
.Ltmp1:
0x58: {  	[tilespmem:$0xC0] =	vst v2;
	v1 =	vadd.s32 $0x1770, v4;
	(pc) =	sbr.rel @p0 .LBB2_1-.Ltmp1, $4  }
0x59: {  	v2 =	vadd.s32 $0x1770, v5;
	[tilespmem:$0xE0] =	vst v1  }
0x5a: {  	v1 =	vadd.s32 $0x1770, v6;
	[tilespmem:$0xA0] =	vst v2  }
0x5b: {  	v0 =	vadd.s32 $0x1770, v0;
	[tilespmem:$0x90] =	vst v1  }
0x5c: {  	[tilespmem:$0x80] =	vst v0  }
.LBB2_2:
0x5d: {  	[tilespmem:s5], [sflag:$0x1] =	stream.indirect.gather [hbm4b:s6+s7], $0x80, s7, s7, $0xb8;
	[tilespmem:$0x4100] =	vst v63  }
0x5e: {  	_ =	swait.ge [sflag:s8], $0x4000  }
0x5f: {  	[sflag:s8] =	ssyncset.done $0x0  }
0x60: {  	[sflag:s8] =	ssyncadd.s32 $0xFFFFC000  }
0x61: {  	[hbm4b:s13+s2] =	stream.linear.scatter [tilespmem:s5], [sflag:$0x2], $0x4000, $0x38;
	[tilespmem:$0x4100] =	vst v63  }
0x62: {  	_ =	swait.ge [sflag:s3], $0x4000  }
0x63: {  	[sflag:s3] =	ssyncset.done $0x0  }
0x64: {  	[sflag:s3] =	ssyncadd.s32 $0xFFFFC000  }
0x65: {  	_ =	sfence.sel $0x180000  }
0x66: {  	[bflag:$0x0] =	sbarrier.arrive $0xFFFF  }
0x67: {  	p0 =	sne.s32 s0, $0x0;
	_ =	strace $0x90000050  }
0x68: {  	s0 =	sadd.s32 @!p0 $0x100000, s1;
	[bflag:$0x2] =	sbarrier.arrive $0xFFFF  }
0x69: {  	[sflag:s0] =	ssyncadd.tile.s32 @!p0 $0x1;
	_ =	shalt  }
.Lfunc_end2:
_tile_overlayer_lowered:
.L_overlay_start_2:
0x6a: {  	(tag) =	ssettag $0x2  }
0x6b: {  	s0 =	rddreg [dreg:$0x0];
	s2 =	stileid.u32  }
0x6c: {  	s1 =	rddreg [dreg:$0x1];
	p0 =	sne.s32 s2, $0x0  }
0x6d: {  	s3 =	rddreg [dreg:$0x2];
	[bflag:$0x3] =	sbarrier.arrive $0xFFFF;
	s2 =	simm.s32 @!p0 $0x1C02  }
0x6e: {  	[timem:s3], [sflag:s2] =	dma.local @!p0 [hbm:s0], s1  }
0x6f: {  	s0 =	simm.s32 @!p0 $0x2  }
0x70: {  	_ =	swait.ge @!p0 [sflag:s0], s1  }
0x71: {  	s1 =	ssub.s32 @!p0 $0x0, s1;
	[sflag:s0] =	ssyncset.done @!p0 $0x0  }
0x72: {  	[sflag:s0] =	ssyncadd.s32 @!p0 s1  }
0x73: {  	[bflag:$0x3] =	sbarrier.arrive $0xFFFF  }
0x74: {  	_ =	shalt  }

</sc_bundles>
